<compile_context>
chip_gen: v7x
topology: tpu7x:2x2x1
jax: 0.10.2.dev20260603
libtpu: 0.0.44.dev20260713+nightly
codegen_flags: <defaults>
</compile_context>

<pallas_src>
import functools

import jax
import jax.numpy as jnp
from jax import lax
from jax.experimental import pallas as pl
from jax.experimental.pallas import tpu as pltpu
from jax.experimental.pallas import tpu_sc as plsc

_N = 10000
_E = 320000
_NF = 128
_NH = 128
_NCLS = 64

_NC, _NS, _L = 2, 16, 16
_NW = _NC * _NS
_EPT = _E // _NW
_EB = 125
_NB = _EPT // _EB
_RPS = 624
_REM = _N - _RPS * _NS

_MESH = dict(core_axis_name="c", subcore_axis_name="s",
             num_cores=_NC, num_subcores=_NS)


def _stripe_copy(s, src, dst):
    pltpu.sync_copy(src.at[pl.ds(s * _RPS, _RPS)], dst.at[pl.ds(s * _RPS, _RPS)])

    @pl.when(s == _NS - 1)
    def _():
        pltpu.sync_copy(src.at[pl.ds(_RPS * _NS, _REM)],
                        dst.at[pl.ds(_RPS * _NS, _REM)])



@functools.partial(
    pl.kernel,
    out_type=jax.ShapeDtypeStruct((_NC, _N, _L), jnp.float32),
    mesh=plsc.VectorSubcoreMesh(**_MESH),
    scratch_types=[
        pltpu.VMEM((_NB, _EB), jnp.int32),
        pltpu.VMEM((_EB, _L), jnp.float32),
        pltpu.VMEM((_EB, _L), jnp.float32),
        pltpu.VMEM_SHARED((_N, _L), jnp.float32),
        pltpu.SemaphoreType.DMA,
        pltpu.SemaphoreType.DMA,
        pltpu.SemaphoreType.DMA,
        pltpu.SemaphoreType.DMA,
    ],
    compiler_params=pltpu.CompilerParams(use_tc_tiling_on_sc=False),
)
def _deg_call(col_hbm, ewb_hbm, z_hbm, out_hbm, colv, ew0, ew1, acc,
              se0, se1, ss0, ss1):
    c = lax.axis_index("c")
    s = lax.axis_index("s")
    wid = s * _NC + c
    pltpu.sync_copy(col_hbm.at[wid], colv)
    _stripe_copy(s, z_hbm, acc)
    plsc.subcore_barrier()

    ews, ses, sss = (ew0, ew1), (se0, se1), (ss0, ss1)

    def issue(j, b):
        pltpu.async_copy(ewb_hbm.at[wid, j], ews[b], ses[b])

    def wait(j, b):
        pltpu.make_async_copy(ewb_hbm.at[wid, j], ews[b], ses[b]).wait()

    def wait_sc(b):
        pltpu.make_async_copy(ews[b], acc.at[pl.ds(0, _EB)], sss[b]).wait()

    issue(0, 0)

    def pair(jj, carry):
        j0 = jj * 2
        wait(j0, 0)

        @pl.when(jj > 0)
        def _():
            wait_sc(1)
        issue(j0 + 1, 1)
        pltpu.async_copy(ew0, acc.at[colv.at[j0]], ss0, add=True)
        j1 = j0 + 1
        wait(j1, 1)
        wait_sc(0)

        @pl.when(j1 + 1 < _NB)
        def _():
            issue(j1 + 1, 0)
        pltpu.async_copy(ew1, acc.at[colv.at[j1]], ss1, add=True)
        return carry
    lax.fori_loop(0, _NB // 2, pair, 0)
    wait_sc(1)

    plsc.subcore_barrier()
    _stripe_copy(s, acc, out_hbm.at[c])



def _make_mp(d):
    @functools.partial(
        pl.kernel,
        out_type=jax.ShapeDtypeStruct((_NC, _N, d), jnp.float32),
        mesh=plsc.VectorSubcoreMesh(**_MESH),
        scratch_types=[
            pltpu.VMEM((_NB, _EB), jnp.int32),
            pltpu.VMEM((_NB, _EB), jnp.int32),
            pltpu.VMEM((_EB, _L), jnp.float32),
            pltpu.VMEM((_EB, _L), jnp.float32),
            pltpu.VMEM((_EB, d), jnp.float32),
            pltpu.VMEM((_EB, d), jnp.float32),
            pltpu.VMEM_SHARED((_N, d), jnp.float32),
            pltpu.SemaphoreType.DMA,
            pltpu.SemaphoreType.DMA,
            pltpu.SemaphoreType.DMA,
            pltpu.SemaphoreType.DMA,
            pltpu.SemaphoreType.DMA,
            pltpu.SemaphoreType.DMA,
        ],
        compiler_params=pltpu.CompilerParams(use_tc_tiling_on_sc=False),
    )
    def mp(g_hbm, row_hbm, col_hbm, ewb_hbm, z_hbm, out_hbm,
           rowv, colv, ew0, ew1, buf0, buf1, acc,
           sg0, sg1, se0, se1, ss0, ss1):
        c = lax.axis_index("c")
        s = lax.axis_index("s")
        wid = s * _NC + c
        pltpu.sync_copy(row_hbm.at[wid], rowv)
        pltpu.sync_copy(col_hbm.at[wid], colv)
        _stripe_copy(s, z_hbm, acc)
        plsc.subcore_barrier()

        nf = d // _L
        bufs, ews = (buf0, buf1), (ew0, ew1)
        sgs, ses, sss = (sg0, sg1), (se0, se1), (ss0, ss1)

        def issue(j, b):
            pltpu.async_copy(g_hbm.at[rowv.at[j]], bufs[b], sgs[b])
            pltpu.async_copy(ewb_hbm.at[wid, j], ews[b], ses[b])

        def wait(j, b):
            pltpu.make_async_copy(g_hbm.at[rowv.at[j]], bufs[b], sgs[b]).wait()
            pltpu.make_async_copy(ewb_hbm.at[wid, j], ews[b], ses[b]).wait()

        def wait_sc(b):
            pltpu.make_async_copy(
                bufs[b], acc.at[pl.ds(0, _EB)], sss[b]).wait()

        def scale_scatter(j, b):
            buf, ewb_ = bufs[b], ews[b]

            def edge(e, carry2):
                w16 = ewb_[e]
                for f in range(nf):
                    buf[e, pl.ds(f * _L, _L)] = buf[e, pl.ds(f * _L, _L)] * w16
                return carry2
            lax.fori_loop(0, _EB, edge, 0, unroll=5)
            pltpu.async_copy(buf, acc.at[colv.at[j]], sss[b], add=True)

        issue(0, 0)

        def pair(jj, carry):
            j0 = jj * 2
            wait(j0, 0)

            @pl.when(jj > 0)
            def _():
                wait_sc(1)
            issue(j0 + 1, 1)
            scale_scatter(j0, 0)
            j1 = j0 + 1
            wait(j1, 1)
            wait_sc(0)

            @pl.when(j1 + 1 < _NB)
            def _():
                issue(j1 + 1, 0)
            scale_scatter(j1, 1)
            return carry
        lax.fori_loop(0, _NB // 2, pair, 0)
        wait_sc(1)

        plsc.subcore_barrier()
        _stripe_copy(s, acc, out_hbm.at[c])
    return mp


_HW = 64
_mp64 = _make_mp(_HW)



_BR = 1000
_GR = _N // _BR


def _tc1_body(parts_ref, x_ref, w1_ref, dinv_ref, g_ref):
    deg = parts_ref[0, :, 0:1] + parts_ref[1, :, 0:1] + 1.0
    dinv = jnp.where(deg > 0, lax.rsqrt(deg), 0.0)
    dinv_ref[...] = dinv
    z = jnp.dot(x_ref[...], w1_ref[...], preferred_element_type=jnp.float32)
    g_ref[...] = z * dinv


def _tc1(parts, x, W1):
    return pl.pallas_call(
        _tc1_body,
        grid=(_GR,),
        in_specs=[
            pl.BlockSpec((_NC, _BR, _L), lambda i: (0, i, 0)),
            pl.BlockSpec((_BR, _NF), lambda i: (i, 0)),
            pl.BlockSpec((_NF, _NH), lambda i: (0, 0)),
        ],
        out_specs=[
            pl.BlockSpec((_BR, 1), lambda i: (i, 0)),
            pl.BlockSpec((_BR, _NH), lambda i: (i, 0)),
        ],
        out_shape=[
            jax.ShapeDtypeStruct((_N, 1), jnp.float32),
            jax.ShapeDtypeStruct((_N, _NH), jnp.float32),
        ],
    )(parts, x, W1)


def _tc2_body(s1a_ref, s1b_ref, g_ref, dinv_ref, b1_ref, w2_ref, g2_ref):
    dinv = dinv_ref[...]
    g = g_ref[...]
    b1 = b1_ref[...]
    s1 = jnp.concatenate(
        [s1a_ref[0] + s1a_ref[1], s1b_ref[0] + s1b_ref[1]], axis=1)
    h = jnp.maximum((s1 + g) * dinv + b1, 0.0)
    g2_ref[...] = jnp.dot(
        h, w2_ref[...], preferred_element_type=jnp.float32) * dinv


def _tc2(s1a, s1b, g, dinv, b1r, W2):
    return pl.pallas_call(
        _tc2_body,
        grid=(_GR,),
        in_specs=[
            pl.BlockSpec((_NC, _BR, _HW), lambda i: (0, i, 0)),
            pl.BlockSpec((_NC, _BR, _HW), lambda i: (0, i, 0)),
            pl.BlockSpec((_BR, _NH), lambda i: (i, 0)),
            pl.BlockSpec((_BR, 1), lambda i: (i, 0)),
            pl.BlockSpec((1, _NH), lambda i: (0, 0)),
            pl.BlockSpec((_NH, _NCLS), lambda i: (0, 0)),
        ],
        out_specs=pl.BlockSpec((_BR, _NCLS), lambda i: (i, 0)),
        out_shape=jax.ShapeDtypeStruct((_N, _NCLS), jnp.float32),
    )(s1a, s1b, g, dinv, b1r, W2)


def _tc3_body(s2_ref, g2_ref, dinv_ref, b2_ref, out_ref):
    out_ref[...] = ((s2_ref[0] + s2_ref[1] + g2_ref[...]) * dinv_ref[...]
                    + b2_ref[...])


def _tc3(s2, g2, dinv, b2r):
    return pl.pallas_call(
        _tc3_body,
        grid=(_GR,),
        in_specs=[
            pl.BlockSpec((_NC, _BR, _NCLS), lambda i: (0, i, 0)),
            pl.BlockSpec((_BR, _NCLS), lambda i: (i, 0)),
            pl.BlockSpec((_BR, 1), lambda i: (i, 0)),
            pl.BlockSpec((1, _NCLS), lambda i: (0, 0)),
        ],
        out_specs=pl.BlockSpec((_BR, _NCLS), lambda i: (i, 0)),
        out_shape=jax.ShapeDtypeStruct((_N, _NCLS), jnp.float32),
    )(s2, g2, dinv, b2r)



def kernel(x, edge_index, edge_weight, W1, b1, W2, b2):
    ei = edge_index.astype(jnp.int32)
    row3 = ei[0].reshape(_NW, _NB, _EB)
    col3 = ei[1].reshape(_NW, _NB, _EB)
    ewb = jnp.broadcast_to(
        edge_weight.reshape(_NW, _NB, _EB, 1), (_NW, _NB, _EB, _L))
    ewb = jnp.asarray(ewb)
    zeros_d = jnp.zeros((_N, _L), jnp.float32)
    zeros_h = jnp.zeros((_N, _HW), jnp.float32)

    parts = _deg_call(col3, ewb, zeros_d)
    dinv, g = _tc1(parts, x, W1)
    ga = jnp.asarray(g[:, :_HW])
    gb = jnp.asarray(g[:, _HW:])
    s1a = _mp64(ga, row3, col3, ewb, zeros_h)
    s1b = _mp64(gb, row3, col3, ewb, zeros_h)
    g2 = _tc2(s1a, s1b, g, dinv, b1.reshape(1, _NH), W2)
    s2 = _mp64(g2, row3, col3, ewb, zeros_h)
    out = _tc3(s2, g2, dinv, b2.reshape(1, _NCLS))
    return out

# --- scband reference (transcript-rebuilt; emitter-appended) ---
"""Pipeline reference for scband-gcnestimator-69836168233269 (READ-ONLY COPY).

The authoritative reference and input builder live on the scoring server;
editing this copy changes nothing except your own understanding.
"""

import jax, jax.numpy as jnp
import numpy as np

N_NODES = 10000
N_EDGES = 320000
NFEAT = 128
NHID = 128
NCLASS = 64


def setup_inputs(seed: int = 0) -> dict:
    key = jax.random.key(seed)
    k1, k2, k3, k4, k5, k6, k7 = jax.random.split(key, 7)
    x = jax.random.normal(k1, (N_NODES, NFEAT), dtype=jnp.float32)
    edge_index = jax.random.randint(k2, (2, N_EDGES), 0, N_NODES, dtype=jnp.int64)
    edge_weight = jax.random.uniform(k3, (N_EDGES,), dtype=jnp.float32)
    # Glorot-init weights, zero bias (PyG GCNConv defaults)
    s1 = float(np.sqrt(6.0 / (NFEAT + NHID)))
    s2 = float(np.sqrt(6.0 / (NHID + NCLASS)))
    W1 = jax.random.uniform(k4, (NFEAT, NHID), dtype=jnp.float32, minval=-s1, maxval=s1)
    b1 = jnp.zeros((NHID,), dtype=jnp.float32)
    W2 = jax.random.uniform(k5, (NHID, NCLASS), dtype=jnp.float32, minval=-s2, maxval=s2)
    b2 = jnp.zeros((NCLASS,), dtype=jnp.float32)
    return {"x": x, "edge_index": edge_index, "edge_weight": edge_weight,
            "W1": W1, "b1": b1, "W2": W2, "b2": b2}


def _gcn_conv(x, edge_index, edge_weight, W, b):
    # GCNConv with add_self_loops=True, bias=True, symmetric gcn_norm
    n = x.shape[0]
    loop = jnp.arange(n, dtype=edge_index.dtype)
    row = jnp.concatenate([edge_index[0], loop])
    col = jnp.concatenate([edge_index[1], loop])
    ew = jnp.concatenate([edge_weight, jnp.ones((n,), dtype=edge_weight.dtype)])
    deg = jnp.zeros((n,), dtype=ew.dtype).at[col].add(ew)
    deg_inv_sqrt = jnp.where(deg > 0, 1.0 / jnp.sqrt(jnp.where(deg > 0, deg, 1.0)), 0.0)
    norm = deg_inv_sqrt[row] * ew * deg_inv_sqrt[col]
    h = x @ W                      # linear transform first (nfeat -> nhid)
    msg = jnp.take(h, row, axis=0) * norm[:, None]   # gather + scale
    out = jnp.zeros((n, W.shape[1]), dtype=h.dtype).at[col].add(msg)  # scatter-add
    return out + b


def reference(x, edge_index, edge_weight, W1, b1, W2, b2):
    h = jax.nn.relu(_gcn_conv(x, edge_index, edge_weight, W1, b1))
    # dropout is identity in eval mode (training=False)
    out = _gcn_conv(h, edge_index, edge_weight, W2, b2)
    return out

if __name__ == "__main__":
    import jax
    _d = setup_inputs()
    print(jax.jit(kernel)(*tuple(_d.values())))

</pallas_src>

<mosaic_0001>
#map = affine_map<(d0, d1) -> (0, 0)>
#map1 = affine_map<(d0, d1) -> (0, 0, 0)>
#map2 = affine_map<(d0, d1) -> (0, 0, 0, 0)>
module attributes {stable_mosaic.version = 14 : i64} {
  func.func @mp(%arg0: i32, %arg1: i32, %arg2: memref<10000x64xf32, #tpu.memory_space<hbm>>, %arg3: memref<32x80x125xi32, #tpu.memory_space<hbm>>, %arg4: memref<32x80x125xi32, #tpu.memory_space<hbm>>, %arg5: memref<32x80x125x16xf32, #tpu.memory_space<hbm>>, %arg6: memref<10000x64xf32, #tpu.memory_space<hbm>>, %arg7: memref<2x10000x64xf32, #tpu.memory_space<hbm>>, %arg8: memref<80x125xi32, #tpu.memory_space<vmem>>, %arg9: memref<80x125xi32, #tpu.memory_space<vmem>>, %arg10: memref<125x16xf32, #tpu.memory_space<vmem>>, %arg11: memref<125x16xf32, #tpu.memory_space<vmem>>, %arg12: memref<125x64xf32, #tpu.memory_space<vmem>>, %arg13: memref<125x64xf32, #tpu.memory_space<vmem>>, %arg14: memref<10000x64xf32, #tpu.memory_space<vmem_shared>>, %arg15: memref<!tpu.dma_semaphore, #tpu.memory_space<semaphore_mem>>, %arg16: memref<!tpu.dma_semaphore, #tpu.memory_space<semaphore_mem>>, %arg17: memref<!tpu.dma_semaphore, #tpu.memory_space<semaphore_mem>>, %arg18: memref<!tpu.dma_semaphore, #tpu.memory_space<semaphore_mem>>, %arg19: memref<!tpu.dma_semaphore, #tpu.memory_space<semaphore_mem>>, %arg20: memref<!tpu.dma_semaphore, #tpu.memory_space<semaphore_mem>>) attributes {dimension_semantics = [#tpu.dimension_semantics<core_parallel>, #tpu.dimension_semantics<subcore_parallel>], iteration_bounds = array<i64: 2, 16>, scalar_prefetch = 0 : i64, scratch_operands = 13 : i64, tpu.core_type = #tpu.core_type<sc_vector_subcore>, window_params = [{transform_indices = #map}, {transform_indices = #map1}, {transform_indices = #map1}, {transform_indices = #map2}, {transform_indices = #map}, {transform_indices = #map1}]} {
    %mul3A = arith.constant 2 : i32
    %mul3A_0 = arith.muli %arg1, %mul3A : i32
    %add3A = arith.addi %mul3A_0, %arg0 : i32
    "tpu.region"() ({
      %run_scoped3A = tpu.sem_alloc : memref<!tpu.dma_semaphore, #tpu.memory_space<semaphore_mem>>
      %dma_start3A_42 = arith.constant 0 : i32
      %dma_start3A_43 = arith.constant 0 : i32
      %dma_start3A_44 = tpu.memref_slice %arg3[%add3A, %dma_start3A_42, %dma_start3A_43] : memref<32x80x125xi32, #tpu.memory_space<hbm>> -> memref<1x80x125xi32, #tpu.memory_space<hbm>>
      %dma_start3A_45 = tpu.memref_squeeze %dma_start3A_44 : memref<1x80x125xi32, #tpu.memory_space<hbm>> -> memref<80x125xi32, #tpu.memory_space<hbm>>
      %dma_start3A_46 = arith.constant 0 : i32
      %dma_start3A_47 = arith.constant 0 : i32
      %dma_start3A_48 = tpu.memref_slice %arg3[%add3A, %dma_start3A_46, %dma_start3A_47] : memref<32x80x125xi32, #tpu.memory_space<hbm>> -> memref<1x80x125xi32, #tpu.memory_space<hbm>>
      %dma_start3A_49 = tpu.memref_squeeze %dma_start3A_48 : memref<1x80x125xi32, #tpu.memory_space<hbm>> -> memref<80x125xi32, #tpu.memory_space<hbm>>
      tpu.enqueue_dma source(%dma_start3A_49 : memref<80x125xi32, #tpu.memory_space<hbm>>) target(%arg8 : memref<80x125xi32, #tpu.memory_space<vmem>>) target_semaphore(%run_scoped3A : memref<!tpu.dma_semaphore, #tpu.memory_space<semaphore_mem>>)
      %dma_wait3A_50 = arith.constant 0 : i32
      %dma_wait3A_51 = arith.constant 0 : i32
      %dma_wait3A_52 = tpu.memref_slice %arg3[%add3A, %dma_wait3A_50, %dma_wait3A_51] : memref<32x80x125xi32, #tpu.memory_space<hbm>> -> memref<1x80x125xi32, #tpu.memory_space<hbm>>
      %dma_wait3A_53 = tpu.memref_squeeze %dma_wait3A_52 : memref<1x80x125xi32, #tpu.memory_space<hbm>> -> memref<80x125xi32, #tpu.memory_space<hbm>>
      %dma_wait3A_54 = arith.constant 0 : i32
      %dma_wait3A_55 = arith.constant 0 : i32
      %dma_wait3A_56 = tpu.memref_slice %arg3[%add3A, %dma_wait3A_54, %dma_wait3A_55] : memref<32x80x125xi32, #tpu.memory_space<hbm>> -> memref<1x80x125xi32, #tpu.memory_space<hbm>>
      %dma_wait3A_57 = tpu.memref_squeeze %dma_wait3A_56 : memref<1x80x125xi32, #tpu.memory_space<hbm>> -> memref<80x125xi32, #tpu.memory_space<hbm>>
      tpu.wait_dma2 semaphore(%run_scoped3A : memref<!tpu.dma_semaphore, #tpu.memory_space<semaphore_mem>>) src(%dma_wait3A_57 : memref<80x125xi32, #tpu.memory_space<hbm>>) dst(%arg8 : memref<80x125xi32, #tpu.memory_space<vmem>>)
      tpu.yield
    }) : () -> ()
    "tpu.region"() ({
      %run_scoped3A = tpu.sem_alloc : memref<!tpu.dma_semaphore, #tpu.memory_space<semaphore_mem>>
      %dma_start3A_42 = arith.constant 0 : i32
      %dma_start3A_43 = arith.constant 0 : i32
      %dma_start3A_44 = tpu.memref_slice %arg4[%add3A, %dma_start3A_42, %dma_start3A_43] : memref<32x80x125xi32, #tpu.memory_space<hbm>> -> memref<1x80x125xi32, #tpu.memory_space<hbm>>
      %dma_start3A_45 = tpu.memref_squeeze %dma_start3A_44 : memref<1x80x125xi32, #tpu.memory_space<hbm>> -> memref<80x125xi32, #tpu.memory_space<hbm>>
      %dma_start3A_46 = arith.constant 0 : i32
      %dma_start3A_47 = arith.constant 0 : i32
      %dma_start3A_48 = tpu.memref_slice %arg4[%add3A, %dma_start3A_46, %dma_start3A_47] : memref<32x80x125xi32, #tpu.memory_space<hbm>> -> memref<1x80x125xi32, #tpu.memory_space<hbm>>
      %dma_start3A_49 = tpu.memref_squeeze %dma_start3A_48 : memref<1x80x125xi32, #tpu.memory_space<hbm>> -> memref<80x125xi32, #tpu.memory_space<hbm>>
      tpu.enqueue_dma source(%dma_start3A_49 : memref<80x125xi32, #tpu.memory_space<hbm>>) target(%arg9 : memref<80x125xi32, #tpu.memory_space<vmem>>) target_semaphore(%run_scoped3A : memref<!tpu.dma_semaphore, #tpu.memory_space<semaphore_mem>>)
      %dma_wait3A_50 = arith.constant 0 : i32
      %dma_wait3A_51 = arith.constant 0 : i32
      %dma_wait3A_52 = tpu.memref_slice %arg4[%add3A, %dma_wait3A_50, %dma_wait3A_51] : memref<32x80x125xi32, #tpu.memory_space<hbm>> -> memref<1x80x125xi32, #tpu.memory_space<hbm>>
      %dma_wait3A_53 = tpu.memref_squeeze %dma_wait3A_52 : memref<1x80x125xi32, #tpu.memory_space<hbm>> -> memref<80x125xi32, #tpu.memory_space<hbm>>
      %dma_wait3A_54 = arith.constant 0 : i32
      %dma_wait3A_55 = arith.constant 0 : i32
      %dma_wait3A_56 = tpu.memref_slice %arg4[%add3A, %dma_wait3A_54, %dma_wait3A_55] : memref<32x80x125xi32, #tpu.memory_space<hbm>> -> memref<1x80x125xi32, #tpu.memory_space<hbm>>
      %dma_wait3A_57 = tpu.memref_squeeze %dma_wait3A_56 : memref<1x80x125xi32, #tpu.memory_space<hbm>> -> memref<80x125xi32, #tpu.memory_space<hbm>>
      tpu.wait_dma2 semaphore(%run_scoped3A : memref<!tpu.dma_semaphore, #tpu.memory_space<semaphore_mem>>) src(%dma_wait3A_57 : memref<80x125xi32, #tpu.memory_space<hbm>>) dst(%arg9 : memref<80x125xi32, #tpu.memory_space<vmem>>)
      tpu.yield
    }) : () -> ()
    %mul3A_1 = arith.constant 624 : i32
    %mul3A_2 = arith.muli %arg1, %mul3A_1 : i32
    %mul3A_3 = arith.constant 624 : i32
    %mul3A_4 = arith.muli %arg1, %mul3A_3 : i32
    "tpu.region"() ({
      %run_scoped3A = tpu.sem_alloc : memref<!tpu.dma_semaphore, #tpu.memory_space<semaphore_mem>>
      %dma_start3A_42 = arith.constant 0 : i32
      %dma_start3A_43 = tpu.memref_slice %arg14[%mul3A_4, %dma_start3A_42] : memref<10000x64xf32, #tpu.memory_space<vmem_shared>> -> memref<624x64xf32, #tpu.memory_space<vmem_shared>>
      %dma_start3A_44 = arith.constant 0 : i32
      %dma_start3A_45 = tpu.memref_slice %arg6[%mul3A_2, %dma_start3A_44] : memref<10000x64xf32, #tpu.memory_space<hbm>> -> memref<624x64xf32, #tpu.memory_space<hbm>>
      tpu.enqueue_dma source(%dma_start3A_45 : memref<624x64xf32, #tpu.memory_space<hbm>>) target(%dma_start3A_43 : memref<624x64xf32, #tpu.memory_space<vmem_shared>>) target_semaphore(%run_scoped3A : memref<!tpu.dma_semaphore, #tpu.memory_space<semaphore_mem>>)
      %dma_wait3A_46 = arith.constant 0 : i32
      %dma_wait3A_47 = tpu.memref_slice %arg14[%mul3A_4, %dma_wait3A_46] : memref<10000x64xf32, #tpu.memory_space<vmem_shared>> -> memref<624x64xf32, #tpu.memory_space<vmem_shared>>
      %dma_wait3A_48 = arith.constant 0 : i32
      %dma_wait3A_49 = tpu.memref_slice %arg6[%mul3A_2, %dma_wait3A_48] : memref<10000x64xf32, #tpu.memory_space<hbm>> -> memref<624x64xf32, #tpu.memory_space<hbm>>
      tpu.wait_dma2 semaphore(%run_scoped3A : memref<!tpu.dma_semaphore, #tpu.memory_space<semaphore_mem>>) src(%dma_wait3A_49 : memref<624x64xf32, #tpu.memory_space<hbm>>) dst(%dma_wait3A_47 : memref<624x64xf32, #tpu.memory_space<vmem_shared>>)
      tpu.yield
    }) : () -> ()
    %eq3A = arith.constant 15 : i32
    %eq3A_5 = arith.cmpi eq, %arg1, %eq3A : i32
    %convert_element_type3A = arith.extui %eq3A_5 : i1 to i32
    %cond3A = arith.constant 0 : i32
    %cond3A_6 = arith.cmpi ne, %convert_element_type3A, %cond3A : i32
    scf.if %cond3A_6 {
      "tpu.region"() ({
        %run_scoped3A = tpu.sem_alloc : memref<!tpu.dma_semaphore, #tpu.memory_space<semaphore_mem>>
        %dma_start3A_42 = arith.constant 9984 : i32
        %dma_start3A_43 = arith.constant 0 : i32
        %dma_start3A_44 = tpu.memref_slice %arg14[%dma_start3A_42, %dma_start3A_43] : memref<10000x64xf32, #tpu.memory_space<vmem_shared>> -> memref<16x64xf32, #tpu.memory_space<vmem_shared>>
        %dma_start3A_45 = arith.constant 9984 : i32
        %dma_start3A_46 = arith.constant 0 : i32
        %dma_start3A_47 = tpu.memref_slice %arg6[%dma_start3A_45, %dma_start3A_46] : memref<10000x64xf32, #tpu.memory_space<hbm>> -> memref<16x64xf32, #tpu.memory_space<hbm>>
        tpu.enqueue_dma source(%dma_start3A_47 : memref<16x64xf32, #tpu.memory_space<hbm>>) target(%dma_start3A_44 : memref<16x64xf32, #tpu.memory_space<vmem_shared>>) target_semaphore(%run_scoped3A : memref<!tpu.dma_semaphore, #tpu.memory_space<semaphore_mem>>)
        %dma_wait3A_48 = arith.constant 9984 : i32
        %dma_wait3A_49 = arith.constant 0 : i32
        %dma_wait3A_50 = tpu.memref_slice %arg14[%dma_wait3A_48, %dma_wait3A_49] : memref<10000x64xf32, #tpu.memory_space<vmem_shared>> -> memref<16x64xf32, #tpu.memory_space<vmem_shared>>
        %dma_wait3A_51 = arith.constant 9984 : i32
        %dma_wait3A_52 = arith.constant 0 : i32
        %dma_wait3A_53 = tpu.memref_slice %arg6[%dma_wait3A_51, %dma_wait3A_52] : memref<10000x64xf32, #tpu.memory_space<hbm>> -> memref<16x64xf32, #tpu.memory_space<hbm>>
        tpu.wait_dma2 semaphore(%run_scoped3A : memref<!tpu.dma_semaphore, #tpu.memory_space<semaphore_mem>>) src(%dma_wait3A_53 : memref<16x64xf32, #tpu.memory_space<hbm>>) dst(%dma_wait3A_50 : memref<16x64xf32, #tpu.memory_space<vmem_shared>>)
        tpu.yield
      }) : () -> ()
    } else {
    }
    %barrier3A = arith.constant 0 : index
    tpu.barrier barrier_id(%barrier3A)
    %dma_start3A = arith.constant 0 : i32
    %dma_start3A_7 = arith.constant 0 : i32
    %dma_start3A_8 = tpu.memref_slice %arg8[%dma_start3A, %dma_start3A_7] : memref<80x125xi32, #tpu.memory_space<vmem>> -> memref<1x125xi32, #tpu.memory_space<vmem>>
    %dma_start3A_9 = tpu.memref_squeeze %dma_start3A_8 : memref<1x125xi32, #tpu.memory_space<vmem>> -> memref<125xi32, #tpu.memory_space<vmem>>
    %dma_start3A_10 = arith.constant 0 : i32
    %dma_start3A_11 = arith.constant 0 : i32
    %dma_start3A_12 = tpu.memref_slice %arg2[%dma_start3A_10, %dma_start3A_11] : memref<10000x64xf32, #tpu.memory_space<hbm>> -> memref<10000x64xf32, #tpu.memory_space<hbm>>
    tpu.enqueue_indirect_dma source(%dma_start3A_12 : memref<10000x64xf32, #tpu.memory_space<hbm>>) target(%arg12 : memref<125x64xf32, #tpu.memory_space<vmem>>) offsets(%dma_start3A_9 : memref<125xi32, #tpu.memory_space<vmem>>) semaphore(%arg15 : memref<!tpu.dma_semaphore, #tpu.memory_space<semaphore_mem>>)
    %dma_start3A_13 = arith.constant 0 : i32
    %dma_start3A_14 = arith.constant 0 : i32
    %dma_start3A_15 = arith.constant 0 : i32
    %dma_start3A_16 = tpu.memref_slice %arg5[%add3A, %dma_start3A_13, %dma_start3A_14, %dma_start3A_15] : memref<32x80x125x16xf32, #tpu.memory_space<hbm>> -> memref<1x1x125x16xf32, #tpu.memory_space<hbm>>
    %dma_start3A_17 = tpu.memref_squeeze %dma_start3A_16 : memref<1x1x125x16xf32, #tpu.memory_space<hbm>> -> memref<125x16xf32, #tpu.memory_space<hbm>>
    %dma_start3A_18 = arith.constant 0 : i32
    %dma_start3A_19 = arith.constant 0 : i32
    %dma_start3A_20 = tpu.memref_slice %arg5[%add3A, %dma_start3A_13, %dma_start3A_18, %dma_start3A_19] : memref<32x80x125x16xf32, #tpu.memory_space<hbm>> -> memref<1x1x125x16xf32, #tpu.memory_space<hbm>>
    %dma_start3A_21 = tpu.memref_squeeze %dma_start3A_20 : memref<1x1x125x16xf32, #tpu.memory_space<hbm>> -> memref<125x16xf32, #tpu.memory_space<hbm>>
    tpu.enqueue_dma source(%dma_start3A_21 : memref<125x16xf32, #tpu.memory_space<hbm>>) target(%arg10 : memref<125x16xf32, #tpu.memory_space<vmem>>) target_semaphore(%arg17 : memref<!tpu.dma_semaphore, #tpu.memory_space<semaphore_mem>>)
    %scan3A = arith.constant 0 : i32
    %scan3A_22 = arith.constant 0 : i32
    %scan3A_23 = arith.constant 40 : i32
    %scan3A_24 = arith.addi %scan3A_22, %scan3A_23 : i32
    %scan3A_25 = arith.constant 1 : i32
    scf.for %scan3A_42 = %scan3A_22 to %scan3A_24 step %scan3A_25  : i32 {
      %mul3A_43 = arith.constant 2 : i32
      %mul3A_44 = arith.muli %scan3A_42, %mul3A_43 : i32
      %dma_wait3A_45 = arith.constant 0 : i32
      %dma_wait3A_46 = tpu.memref_slice %arg8[%mul3A_44, %dma_wait3A_45] : memref<80x125xi32, #tpu.memory_space<vmem>> -> memref<1x125xi32, #tpu.memory_space<vmem>>
      %dma_wait3A_47 = tpu.memref_squeeze %dma_wait3A_46 : memref<1x125xi32, #tpu.memory_space<vmem>> -> memref<125xi32, #tpu.memory_space<vmem>>
      %dma_wait3A_48 = arith.constant 0 : i32
      %dma_wait3A_49 = arith.constant 0 : i32
      %dma_wait3A_50 = tpu.memref_slice %arg2[%dma_wait3A_48, %dma_wait3A_49] : memref<10000x64xf32, #tpu.memory_space<hbm>> -> memref<10000x64xf32, #tpu.memory_space<hbm>>
      tpu.wait_indirect_dma semaphore(%arg15 : memref<!tpu.dma_semaphore, #tpu.memory_space<semaphore_mem>>) src(%dma_wait3A_50 : memref<10000x64xf32, #tpu.memory_space<hbm>>) dst(%arg12 : memref<125x64xf32, #tpu.memory_space<vmem>>)
      %dma_wait3A_51 = arith.constant 0 : i32
      %dma_wait3A_52 = arith.constant 0 : i32
      %dma_wait3A_53 = tpu.memref_slice %arg5[%add3A, %mul3A_44, %dma_wait3A_51, %dma_wait3A_52] : memref<32x80x125x16xf32, #tpu.memory_space<hbm>> -> memref<1x1x125x16xf32, #tpu.memory_space<hbm>>
      %dma_wait3A_54 = tpu.memref_squeeze %dma_wait3A_53 : memref<1x1x125x16xf32, #tpu.memory_space<hbm>> -> memref<125x16xf32, #tpu.memory_space<hbm>>
      %dma_wait3A_55 = arith.constant 0 : i32
      %dma_wait3A_56 = arith.constant 0 : i32
      %dma_wait3A_57 = tpu.memref_slice %arg5[%add3A, %mul3A_44, %dma_wait3A_55, %dma_wait3A_56] : memref<32x80x125x16xf32, #tpu.memory_space<hbm>> -> memref<1x1x125x16xf32, #tpu.memory_space<hbm>>
      %dma_wait3A_58 = tpu.memref_squeeze %dma_wait3A_57 : memref<1x1x125x16xf32, #tpu.memory_space<hbm>> -> memref<125x16xf32, #tpu.memory_space<hbm>>
      tpu.wait_dma2 semaphore(%arg17 : memref<!tpu.dma_semaphore, #tpu.memory_space<semaphore_mem>>) src(%dma_wait3A_58 : memref<125x16xf32, #tpu.memory_space<hbm>>) dst(%arg10 : memref<125x16xf32, #tpu.memory_space<vmem>>)
      %gt3A = arith.constant 0 : i32
      %gt3A_59 = arith.cmpi sgt, %scan3A_42, %gt3A : i32
      %convert_element_type3A_60 = arith.extui %gt3A_59 : i1 to i32
      %cond3A_61 = arith.constant 0 : i32
      %cond3A_62 = arith.cmpi ne, %convert_element_type3A_60, %cond3A_61 : i32
      scf.if %cond3A_62 {
        %dma_wait3A_131 = arith.constant 0 : i32
        %dma_wait3A_132 = arith.constant 0 : i32
        %dma_wait3A_133 = tpu.memref_slice %arg14[%dma_wait3A_131, %dma_wait3A_132] : memref<10000x64xf32, #tpu.memory_space<vmem_shared>> -> memref<125x64xf32, #tpu.memory_space<vmem_shared>>
        %dma_wait3A_134 = arith.constant 0 : i32
        %dma_wait3A_135 = arith.constant 0 : i32
        %dma_wait3A_136 = tpu.memref_slice %arg14[%dma_wait3A_134, %dma_wait3A_135] : memref<10000x64xf32, #tpu.memory_space<vmem_shared>> -> memref<125x64xf32, #tpu.memory_space<vmem_shared>>
        tpu.wait_dma2 semaphore(%arg20 : memref<!tpu.dma_semaphore, #tpu.memory_space<semaphore_mem>>) src(%arg13 : memref<125x64xf32, #tpu.memory_space<vmem>>) dst(%dma_wait3A_136 : memref<125x64xf32, #tpu.memory_space<vmem_shared>>)
      } else {
      }
      %add3A_63 = arith.constant 1 : i32
      %add3A_64 = arith.addi %mul3A_44, %add3A_63 : i32
      %dma_start3A_65 = arith.constant 0 : i32
      %dma_start3A_66 = tpu.memref_slice %arg8[%add3A_64, %dma_start3A_65] : memref<80x125xi32, #tpu.memory_space<vmem>> -> memref<1x125xi32, #tpu.memory_space<vmem>>
      %dma_start3A_67 = tpu.memref_squeeze %dma_start3A_66 : memref<1x125xi32, #tpu.memory_space<vmem>> -> memref<125xi32, #tpu.memory_space<vmem>>
      %dma_start3A_68 = arith.constant 0 : i32
      %dma_start3A_69 = arith.constant 0 : i32
      %dma_start3A_70 = tpu.memref_slice %arg2[%dma_start3A_68, %dma_start3A_69] : memref<10000x64xf32, #tpu.memory_space<hbm>> -> memref<10000x64xf32, #tpu.memory_space<hbm>>
      tpu.enqueue_indirect_dma source(%dma_start3A_70 : memref<10000x64xf32, #tpu.memory_space<hbm>>) target(%arg13 : memref<125x64xf32, #tpu.memory_space<vmem>>) offsets(%dma_start3A_67 : memref<125xi32, #tpu.memory_space<vmem>>) semaphore(%arg16 : memref<!tpu.dma_semaphore, #tpu.memory_space<semaphore_mem>>)
      %dma_start3A_71 = arith.constant 0 : i32
      %dma_start3A_72 = arith.constant 0 : i32
      %dma_start3A_73 = tpu.memref_slice %arg5[%add3A, %add3A_64, %dma_start3A_71, %dma_start3A_72] : memref<32x80x125x16xf32, #tpu.memory_space<hbm>> -> memref<1x1x125x16xf32, #tpu.memory_space<hbm>>
      %dma_start3A_74 = tpu.memref_squeeze %dma_start3A_73 : memref<1x1x125x16xf32, #tpu.memory_space<hbm>> -> memref<125x16xf32, #tpu.memory_space<hbm>>
      %dma_start3A_75 = arith.constant 0 : i32
      %dma_start3A_76 = arith.constant 0 : i32
      %dma_start3A_77 = tpu.memref_slice %arg5[%add3A, %add3A_64, %dma_start3A_75, %dma_start3A_76] : memref<32x80x125x16xf32, #tpu.memory_space<hbm>> -> memref<1x1x125x16xf32, #tpu.memory_space<hbm>>
      %dma_start3A_78 = tpu.memref_squeeze %dma_start3A_77 : memref<1x1x125x16xf32, #tpu.memory_space<hbm>> -> memref<125x16xf32, #tpu.memory_space<hbm>>
      tpu.enqueue_dma source(%dma_start3A_78 : memref<125x16xf32, #tpu.memory_space<hbm>>) target(%arg11 : memref<125x16xf32, #tpu.memory_space<vmem>>) target_semaphore(%arg18 : memref<!tpu.dma_semaphore, #tpu.memory_space<semaphore_mem>>)
      %scan3A_79 = arith.constant 0 : i32
      %scan3A_80 = arith.constant 0 : i32
      %scan3A_81 = arith.constant 125 : i32
      %scan3A_82 = arith.addi %scan3A_80, %scan3A_81 : i32
      %scan3A_83 = arith.constant 5 : i32
      scf.for %scan3A_131 = %scan3A_80 to %scan3A_82 step %scan3A_83  : i32 {
        %get3A = arith.index_cast %scan3A_131 : i32 to index
        %get3A_132 = arith.constant 0 : index
        %get3A_133 = tpu.vector_load %arg10[%get3A, %get3A_132] {strides = array<i32>} : memref<125x16xf32, #tpu.memory_space<vmem>>, vector<1x16xf32>,
        %get3A_134 = vector.shape_cast %get3A_133 : vector<1x16xf32> to vector<16xf32>
        %get3A_135 = arith.index_cast %scan3A_131 : i32 to index
        %get3A_136 = arith.constant 0 : index
        %get3A_137 = tpu.vector_load %arg12[%get3A_135, %get3A_136] {strides = array<i32>} : memref<125x64xf32, #tpu.memory_space<vmem>>, vector<1x16xf32>,
        %get3A_138 = vector.shape_cast %get3A_137 : vector<1x16xf32> to vector<16xf32>
        %mul3A_139 = arith.mulf %get3A_138, %get3A_134 : vector<16xf32>
        %swap3A = arith.index_cast %scan3A_131 : i32 to index
        %swap3A_140 = arith.constant 0 : index
        %swap3A_141 = tpu.vector_load %arg12[%swap3A, %swap3A_140] {strides = array<i32>} : memref<125x64xf32, #tpu.memory_space<vmem>>, vector<1x16xf32>,
        %swap3A_142 = vector.shape_cast %swap3A_141 : vector<1x16xf32> to vector<16xf32>
        %swap3A_143 = vector.shape_cast %mul3A_139 : vector<16xf32> to vector<1x16xf32>
        tpu.vector_store %arg12[%swap3A, %swap3A_140], %swap3A_143 {strides = array<i32>} : memref<125x64xf32, #tpu.memory_space<vmem>>, vector<1x16xf32>,
        %get3A_144 = arith.index_cast %scan3A_131 : i32 to index
        %get3A_145 = arith.constant 16 : index
        %get3A_146 = tpu.vector_load %arg12[%get3A_144, %get3A_145] {strides = array<i32>} : memref<125x64xf32, #tpu.memory_space<vmem>>, vector<1x16xf32>,
        %get3A_147 = vector.shape_cast %get3A_146 : vector<1x16xf32> to vector<16xf32>
        %mul3A_148 = arith.mulf %get3A_147, %get3A_134 : vector<16xf32>
        %swap3A_149 = arith.index_cast %scan3A_131 : i32 to index
        %swap3A_150 = arith.constant 16 : index
        %swap3A_151 = tpu.vector_load %arg12[%swap3A_149, %swap3A_150] {strides = array<i32>} : memref<125x64xf32, #tpu.memory_space<vmem>>, vector<1x16xf32>,
        %swap3A_152 = vector.shape_cast %swap3A_151 : vector<1x16xf32> to vector<16xf32>
        %swap3A_153 = vector.shape_cast %mul3A_148 : vector<16xf32> to vector<1x16xf32>
        tpu.vector_store %arg12[%swap3A_149, %swap3A_150], %swap3A_153 {strides = array<i32>} : memref<125x64xf32, #tpu.memory_space<vmem>>, vector<1x16xf32>,
        %get3A_154 = arith.index_cast %scan3A_131 : i32 to index
        %get3A_155 = arith.constant 32 : index
        %get3A_156 = tpu.vector_load %arg12[%get3A_154, %get3A_155] {strides = array<i32>} : memref<125x64xf32, #tpu.memory_space<vmem>>, vector<1x16xf32>,
        %get3A_157 = vector.shape_cast %get3A_156 : vector<1x16xf32> to vector<16xf32>
        %mul3A_158 = arith.mulf %get3A_157, %get3A_134 : vector<16xf32>
        %swap3A_159 = arith.index_cast %scan3A_131 : i32 to index
        %swap3A_160 = arith.constant 32 : index
        %swap3A_161 = tpu.vector_load %arg12[%swap3A_159, %swap3A_160] {strides = array<i32>} : memref<125x64xf32, #tpu.memory_space<vmem>>, vector<1x16xf32>,
        %swap3A_162 = vector.shape_cast %swap3A_161 : vector<1x16xf32> to vector<16xf32>
        %swap3A_163 = vector.shape_cast %mul3A_158 : vector<16xf32> to vector<1x16xf32>
        tpu.vector_store %arg12[%swap3A_159, %swap3A_160], %swap3A_163 {strides = array<i32>} : memref<125x64xf32, #tpu.memory_space<vmem>>, vector<1x16xf32>,
        %get3A_164 = arith.index_cast %scan3A_131 : i32 to index
        %get3A_165 = arith.constant 48 : index
        %get3A_166 = tpu.vector_load %arg12[%get3A_164, %get3A_165] {strides = array<i32>} : memref<125x64xf32, #tpu.memory_space<vmem>>, vector<1x16xf32>,
        %get3A_167 = vector.shape_cast %get3A_166 : vector<1x16xf32> to vector<16xf32>
        %mul3A_168 = arith.mulf %get3A_167, %get3A_134 : vector<16xf32>
        %swap3A_169 = arith.index_cast %scan3A_131 : i32 to index
        %swap3A_170 = arith.constant 48 : index
        %swap3A_171 = tpu.vector_load %arg12[%swap3A_169, %swap3A_170] {strides = array<i32>} : memref<125x64xf32, #tpu.memory_space<vmem>>, vector<1x16xf32>,
        %swap3A_172 = vector.shape_cast %swap3A_171 : vector<1x16xf32> to vector<16xf32>
        %swap3A_173 = vector.shape_cast %mul3A_168 : vector<16xf32> to vector<1x16xf32>
        tpu.vector_store %arg12[%swap3A_169, %swap3A_170], %swap3A_173 {strides = array<i32>} : memref<125x64xf32, #tpu.memory_space<vmem>>, vector<1x16xf32>,
        %scan3A_174 = arith.constant 1 : i32
        %scan3A_175 = arith.addi %scan3A_131, %scan3A_174 : i32
        %get3A_176 = arith.index_cast %scan3A_175 : i32 to index
        %get3A_177 = arith.constant 0 : index
        %get3A_178 = tpu.vector_load %arg10[%get3A_176, %get3A_177] {strides = array<i32>} : memref<125x16xf32, #tpu.memory_space<vmem>>, vector<1x16xf32>,
        %get3A_179 = vector.shape_cast %get3A_178 : vector<1x16xf32> to vector<16xf32>
        %get3A_180 = arith.index_cast %scan3A_175 : i32 to index
        %get3A_181 = arith.constant 0 : index
        %get3A_182 = tpu.vector_load %arg12[%get3A_180, %get3A_181] {strides = array<i32>} : memref<125x64xf32, #tpu.memory_space<vmem>>, vector<1x16xf32>,
        %get3A_183 = vector.shape_cast %get3A_182 : vector<1x16xf32> to vector<16xf32>
        %mul3A_184 = arith.mulf %get3A_183, %get3A_179 : vector<16xf32>
        %swap3A_185 = arith.index_cast %scan3A_175 : i32 to index
        %swap3A_186 = arith.constant 0 : index
        %swap3A_187 = tpu.vector_load %arg12[%swap3A_185, %swap3A_186] {strides = array<i32>} : memref<125x64xf32, #tpu.memory_space<vmem>>, vector<1x16xf32>,
        %swap3A_188 = vector.shape_cast %swap3A_187 : vector<1x16xf32> to vector<16xf32>
        %swap3A_189 = vector.shape_cast %mul3A_184 : vector<16xf32> to vector<1x16xf32>
        tpu.vector_store %arg12[%swap3A_185, %swap3A_186], %swap3A_189 {strides = array<i32>} : memref<125x64xf32, #tpu.memory_space<vmem>>, vector<1x16xf32>,
        %get3A_190 = arith.index_cast %scan3A_175 : i32 to index
        %get3A_191 = arith.constant 16 : index
        %get3A_192 = tpu.vector_load %arg12[%get3A_190, %get3A_191] {strides = array<i32>} : memref<125x64xf32, #tpu.memory_space<vmem>>, vector<1x16xf32>,
        %get3A_193 = vector.shape_cast %get3A_192 : vector<1x16xf32> to vector<16xf32>
        %mul3A_194 = arith.mulf %get3A_193, %get3A_179 : vector<16xf32>
        %swap3A_195 = arith.index_cast %scan3A_175 : i32 to index
        %swap3A_196 = arith.constant 16 : index
        %swap3A_197 = tpu.vector_load %arg12[%swap3A_195, %swap3A_196] {strides = array<i32>} : memref<125x64xf32, #tpu.memory_space<vmem>>, vector<1x16xf32>,
        %swap3A_198 = vector.shape_cast %swap3A_197 : vector<1x16xf32> to vector<16xf32>
        %swap3A_199 = vector.shape_cast %mul3A_194 : vector<16xf32> to vector<1x16xf32>
        tpu.vector_store %arg12[%swap3A_195, %swap3A_196], %swap3A_199 {strides = array<i32>} : memref<125x64xf32, #tpu.memory_space<vmem>>, vector<1x16xf32>,
        %get3A_200 = arith.index_cast %scan3A_175 : i32 to index
        %get3A_201 = arith.constant 32 : index
        %get3A_202 = tpu.vector_load %arg12[%get3A_200, %get3A_201] {strides = array<i32>} : memref<125x64xf32, #tpu.memory_space<vmem>>, vector<1x16xf32>,
        %get3A_203 = vector.shape_cast %get3A_202 : vector<1x16xf32> to vector<16xf32>
        %mul3A_204 = arith.mulf %get3A_203, %get3A_179 : vector<16xf32>
        %swap3A_205 = arith.index_cast %scan3A_175 : i32 to index
        %swap3A_206 = arith.constant 32 : index
        %swap3A_207 = tpu.vector_load %arg12[%swap3A_205, %swap3A_206] {strides = array<i32>} : memref<125x64xf32, #tpu.memory_space<vmem>>, vector<1x16xf32>,
        %swap3A_208 = vector.shape_cast %swap3A_207 : vector<1x16xf32> to vector<16xf32>
        %swap3A_209 = vector.shape_cast %mul3A_204 : vector<16xf32> to vector<1x16xf32>
        tpu.vector_store %arg12[%swap3A_205, %swap3A_206], %swap3A_209 {strides = array<i32>} : memref<125x64xf32, #tpu.memory_space<vmem>>, vector<1x16xf32>,
        %get3A_210 = arith.index_cast %scan3A_175 : i32 to index
        %get3A_211 = arith.constant 48 : index
        %get3A_212 = tpu.vector_load %arg12[%get3A_210, %get3A_211] {strides = array<i32>} : memref<125x64xf32, #tpu.memory_space<vmem>>, vector<1x16xf32>,
        %get3A_213 = vector.shape_cast %get3A_212 : vector<1x16xf32> to vector<16xf32>
        %mul3A_214 = arith.mulf %get3A_213, %get3A_179 : vector<16xf32>
        %swap3A_215 = arith.index_cast %scan3A_175 : i32 to index
        %swap3A_216 = arith.constant 48 : index
        %swap3A_217 = tpu.vector_load %arg12[%swap3A_215, %swap3A_216] {strides = array<i32>} : memref<125x64xf32, #tpu.memory_space<vmem>>, vector<1x16xf32>,
        %swap3A_218 = vector.shape_cast %swap3A_217 : vector<1x16xf32> to vector<16xf32>
        %swap3A_219 = vector.shape_cast %mul3A_214 : vector<16xf32> to vector<1x16xf32>
        tpu.vector_store %arg12[%swap3A_215, %swap3A_216], %swap3A_219 {strides = array<i32>} : memref<125x64xf32, #tpu.memory_space<vmem>>, vector<1x16xf32>,
        %scan3A_220 = arith.constant 2 : i32
        %scan3A_221 = arith.addi %scan3A_131, %scan3A_220 : i32
        %get3A_222 = arith.index_cast %scan3A_221 : i32 to index
        %get3A_223 = arith.constant 0 : index
        %get3A_224 = tpu.vector_load %arg10[%get3A_222, %get3A_223] {strides = array<i32>} : memref<125x16xf32, #tpu.memory_space<vmem>>, vector<1x16xf32>,
        %get3A_225 = vector.shape_cast %get3A_224 : vector<1x16xf32> to vector<16xf32>
        %get3A_226 = arith.index_cast %scan3A_221 : i32 to index
        %get3A_227 = arith.constant 0 : index
        %get3A_228 = tpu.vector_load %arg12[%get3A_226, %get3A_227] {strides = array<i32>} : memref<125x64xf32, #tpu.memory_space<vmem>>, vector<1x16xf32>,
        %get3A_229 = vector.shape_cast %get3A_228 : vector<1x16xf32> to vector<16xf32>
        %mul3A_230 = arith.mulf %get3A_229, %get3A_225 : vector<16xf32>
        %swap3A_231 = arith.index_cast %scan3A_221 : i32 to index
        %swap3A_232 = arith.constant 0 : index
        %swap3A_233 = tpu.vector_load %arg12[%swap3A_231, %swap3A_232] {strides = array<i32>} : memref<125x64xf32, #tpu.memory_space<vmem>>, vector<1x16xf32>,
        %swap3A_234 = vector.shape_cast %swap3A_233 : vector<1x16xf32> to vector<16xf32>
        %swap3A_235 = vector.shape_cast %mul3A_230 : vector<16xf32> to vector<1x16xf32>
        tpu.vector_store %arg12[%swap3A_231, %swap3A_232], %swap3A_235 {strides = array<i32>} : memref<125x64xf32, #tpu.memory_space<vmem>>, vector<1x16xf32>,
        %get3A_236 = arith.index_cast %scan3A_221 : i32 to index
        %get3A_237 = arith.constant 16 : index
        %get3A_238 = tpu.vector_load %arg12[%get3A_236, %get3A_237] {strides = array<i32>} : memref<125x64xf32, #tpu.memory_space<vmem>>, vector<1x16xf32>,
        %get3A_239 = vector.shape_cast %get3A_238 : vector<1x16xf32> to vector<16xf32>
        %mul3A_240 = arith.mulf %get3A_239, %get3A_225 : vector<16xf32>
        %swap3A_241 = arith.index_cast %scan3A_221 : i32 to index
        %swap3A_242 = arith.constant 16 : index
        %swap3A_243 = tpu.vector_load %arg12[%swap3A_241, %swap3A_242] {strides = array<i32>} : memref<125x64xf32, #tpu.memory_space<vmem>>, vector<1x16xf32>,
        %swap3A_244 = vector.shape_cast %swap3A_243 : vector<1x16xf32> to vector<16xf32>
        %swap3A_245 = vector.shape_cast %mul3A_240 : vector<16xf32> to vector<1x16xf32>
        tpu.vector_store %arg12[%swap3A_241, %swap3A_242], %swap3A_245 {strides = array<i32>} : memref<125x64xf32, #tpu.memory_space<vmem>>, vector<1x16xf32>,
        %get3A_246 = arith.index_cast %scan3A_221 : i32 to index
        %get3A_247 = arith.constant 32 : index
        %get3A_248 = tpu.vector_load %arg12[%get3A_246, %get3A_247] {strides = array<i32>} : memref<125x64xf32, #tpu.memory_space<vmem>>, vector<1x16xf32>,
        %get3A_249 = vector.shape_cast %get3A_248 : vector<1x16xf32> to vector<16xf32>
        %mul3A_250 = arith.mulf %get3A_249, %get3A_225 : vector<16xf32>
        %swap3A_251 = arith.index_cast %scan3A_221 : i32 to index
        %swap3A_252 = arith.constant 32 : index
        %swap3A_253 = tpu.vector_load %arg12[%swap3A_251, %swap3A_252] {strides = array<i32>} : memref<125x64xf32, #tpu.memory_space<vmem>>, vector<1x16xf32>,
        %swap3A_254 = vector.shape_cast %swap3A_253 : vector<1x16xf32> to vector<16xf32>
        %swap3A_255 = vector.shape_cast %mul3A_250 : vector<16xf32> to vector<1x16xf32>
        tpu.vector_store %arg12[%swap3A_251, %swap3A_252], %swap3A_255 {strides = array<i32>} : memref<125x64xf32, #tpu.memory_space<vmem>>, vector<1x16xf32>,
        %get3A_256 = arith.index_cast %scan3A_221 : i32 to index
        %get3A_257 = arith.constant 48 : index
        %get3A_258 = tpu.vector_load %arg12[%get3A_256, %get3A_257] {strides = array<i32>} : memref<125x64xf32, #tpu.memory_space<vmem>>, vector<1x16xf32>,
        %get3A_259 = vector.shape_cast %get3A_258 : vector<1x16xf32> to vector<16xf32>
        %mul3A_260 = arith.mulf %get3A_259, %get3A_225 : vector<16xf32>
        %swap3A_261 = arith.index_cast %scan3A_221 : i32 to index
        %swap3A_262 = arith.constant 48 : index
        %swap3A_263 = tpu.vector_load %arg12[%swap3A_261, %swap3A_262] {strides = array<i32>} : memref<125x64xf32, #tpu.memory_space<vmem>>, vector<1x16xf32>,
        %swap3A_264 = vector.shape_cast %swap3A_263 : vector<1x16xf32> to vector<16xf32>
        %swap3A_265 = vector.shape_cast %mul3A_260 : vector<16xf32> to vector<1x16xf32>
        tpu.vector_store %arg12[%swap3A_261, %swap3A_262], %swap3A_265 {strides = array<i32>} : memref<125x64xf32, #tpu.memory_space<vmem>>, vector<1x16xf32>,
        %scan3A_266 = arith.constant 3 : i32
        %scan3A_267 = arith.addi %scan3A_131, %scan3A_266 : i32
        %get3A_268 = arith.index_cast %scan3A_267 : i32 to index
        %get3A_269 = arith.constant 0 : index
        %get3A_270 = tpu.vector_load %arg10[%get3A_268, %get3A_269] {strides = array<i32>} : memref<125x16xf32, #tpu.memory_space<vmem>>, vector<1x16xf32>,
        %get3A_271 = vector.shape_cast %get3A_270 : vector<1x16xf32> to vector<16xf32>
        %get3A_272 = arith.index_cast %scan3A_267 : i32 to index
        %get3A_273 = arith.constant 0 : index
        %get3A_274 = tpu.vector_load %arg12[%get3A_272, %get3A_273] {strides = array<i32>} : memref<125x64xf32, #tpu.memory_space<vmem>>, vector<1x16xf32>,
        %get3A_275 = vector.shape_cast %get3A_274 : vector<1x16xf32> to vector<16xf32>
        %mul3A_276 = arith.mulf %get3A_275, %get3A_271 : vector<16xf32>
        %swap3A_277 = arith.index_cast %scan3A_267 : i32 to index
        %swap3A_278 = arith.constant 0 : index
        %swap3A_279 = tpu.vector_load %arg12[%swap3A_277, %swap3A_278] {strides = array<i32>} : memref<125x64xf32, #tpu.memory_space<vmem>>, vector<1x16xf32>,
        %swap3A_280 = vector.shape_cast %swap3A_279 : vector<1x16xf32> to vector<16xf32>
        %swap3A_281 = vector.shape_cast %mul3A_276 : vector<16xf32> to vector<1x16xf32>
        tpu.vector_store %arg12[%swap3A_277, %swap3A_278], %swap3A_281 {strides = array<i32>} : memref<125x64xf32, #tpu.memory_space<vmem>>, vector<1x16xf32>,
        %get3A_282 = arith.index_cast %scan3A_267 : i32 to index
        %get3A_283 = arith.constant 16 : index
        %get3A_284 = tpu.vector_load %arg12[%get3A_282, %get3A_283] {strides = array<i32>} : memref<125x64xf32, #tpu.memory_space<vmem>>, vector<1x16xf32>,
        %get3A_285 = vector.shape_cast %get3A_284 : vector<1x16xf32> to vector<16xf32>
        %mul3A_286 = arith.mulf %get3A_285, %get3A_271 : vector<16xf32>
        %swap3A_287 = arith.index_cast %scan3A_267 : i32 to index
        %swap3A_288 = arith.constant 16 : index
        %swap3A_289 = tpu.vector_load %arg12[%swap3A_287, %swap3A_288] {strides = array<i32>} : memref<125x64xf32, #tpu.memory_space<vmem>>, vector<1x16xf32>,
        %swap3A_290 = vector.shape_cast %swap3A_289 : vector<1x16xf32> to vector<16xf32>
        %swap3A_291 = vector.shape_cast %mul3A_286 : vector<16xf32> to vector<1x16xf32>
        tpu.vector_store %arg12[%swap3A_287, %swap3A_288], %swap3A_291 {strides = array<i32>} : memref<125x64xf32, #tpu.memory_space<vmem>>, vector<1x16xf32>,
        %get3A_292 = arith.index_cast %scan3A_267 : i32 to index
        %get3A_293 = arith.constant 32 : index
        %get3A_294 = tpu.vector_load %arg12[%get3A_292, %get3A_293] {strides = array<i32>} : memref<125x64xf32, #tpu.memory_space<vmem>>, vector<1x16xf32>,
        %get3A_295 = vector.shape_cast %get3A_294 : vector<1x16xf32> to vector<16xf32>
        %mul3A_296 = arith.mulf %get3A_295, %get3A_271 : vector<16xf32>
        %swap3A_297 = arith.index_cast %scan3A_267 : i32 to index
        %swap3A_298 = arith.constant 32 : index
        %swap3A_299 = tpu.vector_load %arg12[%swap3A_297, %swap3A_298] {strides = array<i32>} : memref<125x64xf32, #tpu.memory_space<vmem>>, vector<1x16xf32>,
        %swap3A_300 = vector.shape_cast %swap3A_299 : vector<1x16xf32> to vector<16xf32>
        %swap3A_301 = vector.shape_cast %mul3A_296 : vector<16xf32> to vector<1x16xf32>
        tpu.vector_store %arg12[%swap3A_297, %swap3A_298], %swap3A_301 {strides = array<i32>} : memref<125x64xf32, #tpu.memory_space<vmem>>, vector<1x16xf32>,
        %get3A_302 = arith.index_cast %scan3A_267 : i32 to index
        %get3A_303 = arith.constant 48 : index
        %get3A_304 = tpu.vector_load %arg12[%get3A_302, %get3A_303] {strides = array<i32>} : memref<125x64xf32, #tpu.memory_space<vmem>>, vector<1x16xf32>,
        %get3A_305 = vector.shape_cast %get3A_304 : vector<1x16xf32> to vector<16xf32>
        %mul3A_306 = arith.mulf %get3A_305, %get3A_271 : vector<16xf32>
        %swap3A_307 = arith.index_cast %scan3A_267 : i32 to index
        %swap3A_308 = arith.constant 48 : index
        %swap3A_309 = tpu.vector_load %arg12[%swap3A_307, %swap3A_308] {strides = array<i32>} : memref<125x64xf32, #tpu.memory_space<vmem>>, vector<1x16xf32>,
        %swap3A_310 = vector.shape_cast %swap3A_309 : vector<1x16xf32> to vector<16xf32>
        %swap3A_311 = vector.shape_cast %mul3A_306 : vector<16xf32> to vector<1x16xf32>
        tpu.vector_store %arg12[%swap3A_307, %swap3A_308], %swap3A_311 {strides = array<i32>} : memref<125x64xf32, #tpu.memory_space<vmem>>, vector<1x16xf32>,
        %scan3A_312 = arith.constant 4 : i32
        %scan3A_313 = arith.addi %scan3A_131, %scan3A_312 : i32
        %get3A_314 = arith.index_cast %scan3A_313 : i32 to index
        %get3A_315 = arith.constant 0 : index
        %get3A_316 = tpu.vector_load %arg10[%get3A_314, %get3A_315] {strides = array<i32>} : memref<125x16xf32, #tpu.memory_space<vmem>>, vector<1x16xf32>,
        %get3A_317 = vector.shape_cast %get3A_316 : vector<1x16xf32> to vector<16xf32>
        %get3A_318 = arith.index_cast %scan3A_313 : i32 to index
        %get3A_319 = arith.constant 0 : index
        %get3A_320 = tpu.vector_load %arg12[%get3A_318, %get3A_319] {strides = array<i32>} : memref<125x64xf32, #tpu.memory_space<vmem>>, vector<1x16xf32>,
        %get3A_321 = vector.shape_cast %get3A_320 : vector<1x16xf32> to vector<16xf32>
        %mul3A_322 = arith.mulf %get3A_321, %get3A_317 : vector<16xf32>
        %swap3A_323 = arith.index_cast %scan3A_313 : i32 to index
        %swap3A_324 = arith.constant 0 : index
        %swap3A_325 = tpu.vector_load %arg12[%swap3A_323, %swap3A_324] {strides = array<i32>} : memref<125x64xf32, #tpu.memory_space<vmem>>, vector<1x16xf32>,
        %swap3A_326 = vector.shape_cast %swap3A_325 : vector<1x16xf32> to vector<16xf32>
        %swap3A_327 = vector.shape_cast %mul3A_322 : vector<16xf32> to vector<1x16xf32>
        tpu.vector_store %arg12[%swap3A_323, %swap3A_324], %swap3A_327 {strides = array<i32>} : memref<125x64xf32, #tpu.memory_space<vmem>>, vector<1x16xf32>,
        %get3A_328 = arith.index_cast %scan3A_313 : i32 to index
        %get3A_329 = arith.constant 16 : index
        %get3A_330 = tpu.vector_load %arg12[%get3A_328, %get3A_329] {strides = array<i32>} : memref<125x64xf32, #tpu.memory_space<vmem>>, vector<1x16xf32>,
        %get3A_331 = vector.shape_cast %get3A_330 : vector<1x16xf32> to vector<16xf32>
        %mul3A_332 = arith.mulf %get3A_331, %get3A_317 : vector<16xf32>
        %swap3A_333 = arith.index_cast %scan3A_313 : i32 to index
        %swap3A_334 = arith.constant 16 : index
        %swap3A_335 = tpu.vector_load %arg12[%swap3A_333, %swap3A_334] {strides = array<i32>} : memref<125x64xf32, #tpu.memory_space<vmem>>, vector<1x16xf32>,
        %swap3A_336 = vector.shape_cast %swap3A_335 : vector<1x16xf32> to vector<16xf32>
        %swap3A_337 = vector.shape_cast %mul3A_332 : vector<16xf32> to vector<1x16xf32>
        tpu.vector_store %arg12[%swap3A_333, %swap3A_334], %swap3A_337 {strides = array<i32>} : memref<125x64xf32, #tpu.memory_space<vmem>>, vector<1x16xf32>,
        %get3A_338 = arith.index_cast %scan3A_313 : i32 to index
        %get3A_339 = arith.constant 32 : index
        %get3A_340 = tpu.vector_load %arg12[%get3A_338, %get3A_339] {strides = array<i32>} : memref<125x64xf32, #tpu.memory_space<vmem>>, vector<1x16xf32>,
        %get3A_341 = vector.shape_cast %get3A_340 : vector<1x16xf32> to vector<16xf32>
        %mul3A_342 = arith.mulf %get3A_341, %get3A_317 : vector<16xf32>
        %swap3A_343 = arith.index_cast %scan3A_313 : i32 to index
        %swap3A_344 = arith.constant 32 : index
        %swap3A_345 = tpu.vector_load %arg12[%swap3A_343, %swap3A_344] {strides = array<i32>} : memref<125x64xf32, #tpu.memory_space<vmem>>, vector<1x16xf32>,
        %swap3A_346 = vector.shape_cast %swap3A_345 : vector<1x16xf32> to vector<16xf32>
        %swap3A_347 = vector.shape_cast %mul3A_342 : vector<16xf32> to vector<1x16xf32>
        tpu.vector_store %arg12[%swap3A_343, %swap3A_344], %swap3A_347 {strides = array<i32>} : memref<125x64xf32, #tpu.memory_space<vmem>>, vector<1x16xf32>,
        %get3A_348 = arith.index_cast %scan3A_313 : i32 to index
        %get3A_349 = arith.constant 48 : index
        %get3A_350 = tpu.vector_load %arg12[%get3A_348, %get3A_349] {strides = array<i32>} : memref<125x64xf32, #tpu.memory_space<vmem>>, vector<1x16xf32>,
        %get3A_351 = vector.shape_cast %get3A_350 : vector<1x16xf32> to vector<16xf32>
        %mul3A_352 = arith.mulf %get3A_351, %get3A_317 : vector<16xf32>
        %swap3A_353 = arith.index_cast %scan3A_313 : i32 to index
        %swap3A_354 = arith.constant 48 : index
        %swap3A_355 = tpu.vector_load %arg12[%swap3A_353, %swap3A_354] {strides = array<i32>} : memref<125x64xf32, #tpu.memory_space<vmem>>, vector<1x16xf32>,
        %swap3A_356 = vector.shape_cast %swap3A_355 : vector<1x16xf32> to vector<16xf32>
        %swap3A_357 = vector.shape_cast %mul3A_352 : vector<16xf32> to vector<1x16xf32>
        tpu.vector_store %arg12[%swap3A_353, %swap3A_354], %swap3A_357 {strides = array<i32>} : memref<125x64xf32, #tpu.memory_space<vmem>>, vector<1x16xf32>,
      }
      %scan3A_84 = arith.constant 125 : i32
      %dma_start3A_85 = arith.constant 0 : i32
      %dma_start3A_86 = tpu.memref_slice %arg9[%mul3A_44, %dma_start3A_85] : memref<80x125xi32, #tpu.memory_space<vmem>> -> memref<1x125xi32, #tpu.memory_space<vmem>>
      %dma_start3A_87 = tpu.memref_squeeze %dma_start3A_86 : memref<1x125xi32, #tpu.memory_space<vmem>> -> memref<125xi32, #tpu.memory_space<vmem>>
      %dma_start3A_88 = arith.constant 0 : i32
      %dma_start3A_89 = arith.constant 0 : i32
      %dma_start3A_90 = tpu.memref_slice %arg14[%dma_start3A_88, %dma_start3A_89] : memref<10000x64xf32, #tpu.memory_space<vmem_shared>> -> memref<10000x64xf32, #tpu.memory_space<vmem_shared>>
      tpu.enqueue_indirect_dma source(%arg12 : memref<125x64xf32, #tpu.memory_space<vmem>>) target(%dma_start3A_90 : memref<10000x64xf32, #tpu.memory_space<vmem_shared>>) offsets(%dma_start3A_87 : memref<125xi32, #tpu.memory_space<vmem>>) semaphore(%arg19 : memref<!tpu.dma_semaphore, #tpu.memory_space<semaphore_mem>>) {add = true}
      %add3A_91 = arith.constant 1 : i32
      %add3A_92 = arith.addi %mul3A_44, %add3A_91 : i32
      %dma_wait3A_93 = arith.constant 0 : i32
      %dma_wait3A_94 = tpu.memref_slice %arg8[%add3A_92, %dma_wait3A_93] : memref<80x125xi32, #tpu.memory_space<vmem>> -> memref<1x125xi32, #tpu.memory_space<vmem>>
      %dma_wait3A_95 = tpu.memref_squeeze %dma_wait3A_94 : memref<1x125xi32, #tpu.memory_space<vmem>> -> memref<125xi32, #tpu.memory_space<vmem>>
      %dma_wait3A_96 = arith.constant 0 : i32
      %dma_wait3A_97 = arith.constant 0 : i32
      %dma_wait3A_98 = tpu.memref_slice %arg2[%dma_wait3A_96, %dma_wait3A_97] : memref<10000x64xf32, #tpu.memory_space<hbm>> -> memref<10000x64xf32, #tpu.memory_space<hbm>>
      tpu.wait_indirect_dma semaphore(%arg16 : memref<!tpu.dma_semaphore, #tpu.memory_space<semaphore_mem>>) src(%dma_wait3A_98 : memref<10000x64xf32, #tpu.memory_space<hbm>>) dst(%arg13 : memref<125x64xf32, #tpu.memory_space<vmem>>)
      %dma_wait3A_99 = arith.constant 0 : i32
      %dma_wait3A_100 = arith.constant 0 : i32
      %dma_wait3A_101 = tpu.memref_slice %arg5[%add3A, %add3A_92, %dma_wait3A_99, %dma_wait3A_100] : memref<32x80x125x16xf32, #tpu.memory_space<hbm>> -> memref<1x1x125x16xf32, #tpu.memory_space<hbm>>
      %dma_wait3A_102 = tpu.memref_squeeze %dma_wait3A_101 : memref<1x1x125x16xf32, #tpu.memory_space<hbm>> -> memref<125x16xf32, #tpu.memory_space<hbm>>
      %dma_wait3A_103 = arith.constant 0 : i32
      %dma_wait3A_104 = arith.constant 0 : i32
      %dma_wait3A_105 = tpu.memref_slice %arg5[%add3A, %add3A_92, %dma_wait3A_103, %dma_wait3A_104] : memref<32x80x125x16xf32, #tpu.memory_space<hbm>> -> memref<1x1x125x16xf32, #tpu.memory_space<hbm>>
      %dma_wait3A_106 = tpu.memref_squeeze %dma_wait3A_105 : memref<1x1x125x16xf32, #tpu.memory_space<hbm>> -> memref<125x16xf32, #tpu.memory_space<hbm>>
      tpu.wait_dma2 semaphore(%arg18 : memref<!tpu.dma_semaphore, #tpu.memory_space<semaphore_mem>>) src(%dma_wait3A_106 : memref<125x16xf32, #tpu.memory_space<hbm>>) dst(%arg11 : memref<125x16xf32, #tpu.memory_space<vmem>>)
      %dma_wait3A_107 = arith.constant 0 : i32
      %dma_wait3A_108 = arith.constant 0 : i32
      %dma_wait3A_109 = tpu.memref_slice %arg14[%dma_wait3A_107, %dma_wait3A_108] : memref<10000x64xf32, #tpu.memory_space<vmem_shared>> -> memref<125x64xf32, #tpu.memory_space<vmem_shared>>
      %dma_wait3A_110 = arith.constant 0 : i32
      %dma_wait3A_111 = arith.constant 0 : i32
      %dma_wait3A_112 = tpu.memref_slice %arg14[%dma_wait3A_110, %dma_wait3A_111] : memref<10000x64xf32, #tpu.memory_space<vmem_shared>> -> memref<125x64xf32, #tpu.memory_space<vmem_shared>>
      tpu.wait_dma2 semaphore(%arg19 : memref<!tpu.dma_semaphore, #tpu.memory_space<semaphore_mem>>) src(%arg12 : memref<125x64xf32, #tpu.memory_space<vmem>>) dst(%dma_wait3A_112 : memref<125x64xf32, #tpu.memory_space<vmem_shared>>)
      %add3A_113 = arith.constant 1 : i32
      %add3A_114 = arith.addi %add3A_92, %add3A_113 : i32
      %lt3A = arith.constant 80 : i32
      %lt3A_115 = arith.cmpi slt, %add3A_114, %lt3A : i32
      %convert_element_type3A_116 = arith.extui %lt3A_115 : i1 to i32
      %cond3A_117 = arith.constant 0 : i32
      %cond3A_118 = arith.cmpi ne, %convert_element_type3A_116, %cond3A_117 : i32
      scf.if %cond3A_118 {
        %add3A_131 = arith.constant 1 : i32
        %add3A_132 = arith.addi %add3A_92, %add3A_131 : i32
        %dma_start3A_133 = arith.constant 0 : i32
        %dma_start3A_134 = tpu.memref_slice %arg8[%add3A_132, %dma_start3A_133] : memref<80x125xi32, #tpu.memory_space<vmem>> -> memref<1x125xi32, #tpu.memory_space<vmem>>
        %dma_start3A_135 = tpu.memref_squeeze %dma_start3A_134 : memref<1x125xi32, #tpu.memory_space<vmem>> -> memref<125xi32, #tpu.memory_space<vmem>>
        %dma_start3A_136 = arith.constant 0 : i32
        %dma_start3A_137 = arith.constant 0 : i32
        %dma_start3A_138 = tpu.memref_slice %arg2[%dma_start3A_136, %dma_start3A_137] : memref<10000x64xf32, #tpu.memory_space<hbm>> -> memref<10000x64xf32, #tpu.memory_space<hbm>>
        tpu.enqueue_indirect_dma source(%dma_start3A_138 : memref<10000x64xf32, #tpu.memory_space<hbm>>) target(%arg12 : memref<125x64xf32, #tpu.memory_space<vmem>>) offsets(%dma_start3A_135 : memref<125xi32, #tpu.memory_space<vmem>>) semaphore(%arg15 : memref<!tpu.dma_semaphore, #tpu.memory_space<semaphore_mem>>)
        %dma_start3A_139 = arith.constant 0 : i32
        %dma_start3A_140 = arith.constant 0 : i32
        %dma_start3A_141 = tpu.memref_slice %arg5[%add3A, %add3A_132, %dma_start3A_139, %dma_start3A_140] : memref<32x80x125x16xf32, #tpu.memory_space<hbm>> -> memref<1x1x125x16xf32, #tpu.memory_space<hbm>>
        %dma_start3A_142 = tpu.memref_squeeze %dma_start3A_141 : memref<1x1x125x16xf32, #tpu.memory_space<hbm>> -> memref<125x16xf32, #tpu.memory_space<hbm>>
        %dma_start3A_143 = arith.constant 0 : i32
        %dma_start3A_144 = arith.constant 0 : i32
        %dma_start3A_145 = tpu.memref_slice %arg5[%add3A, %add3A_132, %dma_start3A_143, %dma_start3A_144] : memref<32x80x125x16xf32, #tpu.memory_space<hbm>> -> memref<1x1x125x16xf32, #tpu.memory_space<hbm>>
        %dma_start3A_146 = tpu.memref_squeeze %dma_start3A_145 : memref<1x1x125x16xf32, #tpu.memory_space<hbm>> -> memref<125x16xf32, #tpu.memory_space<hbm>>
        tpu.enqueue_dma source(%dma_start3A_146 : memref<125x16xf32, #tpu.memory_space<hbm>>) target(%arg10 : memref<125x16xf32, #tpu.memory_space<vmem>>) target_semaphore(%arg17 : memref<!tpu.dma_semaphore, #tpu.memory_space<semaphore_mem>>)
      } else {
      }
      %scan3A_119 = arith.constant 0 : i32
      %scan3A_120 = arith.constant 0 : i32
      %scan3A_121 = arith.constant 125 : i32
      %scan3A_122 = arith.addi %scan3A_120, %scan3A_121 : i32
      %scan3A_123 = arith.constant 5 : i32
      scf.for %scan3A_131 = %scan3A_120 to %scan3A_122 step %scan3A_123  : i32 {
        %get3A = arith.index_cast %scan3A_131 : i32 to index
        %get3A_132 = arith.constant 0 : index
        %get3A_133 = tpu.vector_load %arg11[%get3A, %get3A_132] {strides = array<i32>} : memref<125x16xf32, #tpu.memory_space<vmem>>, vector<1x16xf32>,
        %get3A_134 = vector.shape_cast %get3A_133 : vector<1x16xf32> to vector<16xf32>
        %get3A_135 = arith.index_cast %scan3A_131 : i32 to index
        %get3A_136 = arith.constant 0 : index
        %get3A_137 = tpu.vector_load %arg13[%get3A_135, %get3A_136] {strides = array<i32>} : memref<125x64xf32, #tpu.memory_space<vmem>>, vector<1x16xf32>,
        %get3A_138 = vector.shape_cast %get3A_137 : vector<1x16xf32> to vector<16xf32>
        %mul3A_139 = arith.mulf %get3A_138, %get3A_134 : vector<16xf32>
        %swap3A = arith.index_cast %scan3A_131 : i32 to index
        %swap3A_140 = arith.constant 0 : index
        %swap3A_141 = tpu.vector_load %arg13[%swap3A, %swap3A_140] {strides = array<i32>} : memref<125x64xf32, #tpu.memory_space<vmem>>, vector<1x16xf32>,
        %swap3A_142 = vector.shape_cast %swap3A_141 : vector<1x16xf32> to vector<16xf32>
        %swap3A_143 = vector.shape_cast %mul3A_139 : vector<16xf32> to vector<1x16xf32>
        tpu.vector_store %arg13[%swap3A, %swap3A_140], %swap3A_143 {strides = array<i32>} : memref<125x64xf32, #tpu.memory_space<vmem>>, vector<1x16xf32>,
        %get3A_144 = arith.index_cast %scan3A_131 : i32 to index
        %get3A_145 = arith.constant 16 : index
        %get3A_146 = tpu.vector_load %arg13[%get3A_144, %get3A_145] {strides = array<i32>} : memref<125x64xf32, #tpu.memory_space<vmem>>, vector<1x16xf32>,
        %get3A_147 = vector.shape_cast %get3A_146 : vector<1x16xf32> to vector<16xf32>
        %mul3A_148 = arith.mulf %get3A_147, %get3A_134 : vector<16xf32>
        %swap3A_149 = arith.index_cast %scan3A_131 : i32 to index
        %swap3A_150 = arith.constant 16 : index
        %swap3A_151 = tpu.vector_load %arg13[%swap3A_149, %swap3A_150] {strides = array<i32>} : memref<125x64xf32, #tpu.memory_space<vmem>>, vector<1x16xf32>,
        %swap3A_152 = vector.shape_cast %swap3A_151 : vector<1x16xf32> to vector<16xf32>
        %swap3A_153 = vector.shape_cast %mul3A_148 : vector<16xf32> to vector<1x16xf32>
        tpu.vector_store %arg13[%swap3A_149, %swap3A_150], %swap3A_153 {strides = array<i32>} : memref<125x64xf32, #tpu.memory_space<vmem>>, vector<1x16xf32>,
        %get3A_154 = arith.index_cast %scan3A_131 : i32 to index
        %get3A_155 = arith.constant 32 : index
        %get3A_156 = tpu.vector_load %arg13[%get3A_154, %get3A_155] {strides = array<i32>} : memref<125x64xf32, #tpu.memory_space<vmem>>, vector<1x16xf32>,
        %get3A_157 = vector.shape_cast %get3A_156 : vector<1x16xf32> to vector<16xf32>
        %mul3A_158 = arith.mulf %get3A_157, %get3A_134 : vector<16xf32>
        %swap3A_159 = arith.index_cast %scan3A_131 : i32 to index
        %swap3A_160 = arith.constant 32 : index
        %swap3A_161 = tpu.vector_load %arg13[%swap3A_159, %swap3A_160] {strides = array<i32>} : memref<125x64xf32, #tpu.memory_space<vmem>>, vector<1x16xf32>,
        %swap3A_162 = vector.shape_cast %swap3A_161 : vector<1x16xf32> to vector<16xf32>
        %swap3A_163 = vector.shape_cast %mul3A_158 : vector<16xf32> to vector<1x16xf32>
        tpu.vector_store %arg13[%swap3A_159, %swap3A_160], %swap3A_163 {strides = array<i32>} : memref<125x64xf32, #tpu.memory_space<vmem>>, vector<1x16xf32>,
        %get3A_164 = arith.index_cast %scan3A_131 : i32 to index
        %get3A_165 = arith.constant 48 : index
        %get3A_166 = tpu.vector_load %arg13[%get3A_164, %get3A_165] {strides = array<i32>} : memref<125x64xf32, #tpu.memory_space<vmem>>, vector<1x16xf32>,
        %get3A_167 = vector.shape_cast %get3A_166 : vector<1x16xf32> to vector<16xf32>
        %mul3A_168 = arith.mulf %get3A_167, %get3A_134 : vector<16xf32>
        %swap3A_169 = arith.index_cast %scan3A_131 : i32 to index
        %swap3A_170 = arith.constant 48 : index
        %swap3A_171 = tpu.vector_load %arg13[%swap3A_169, %swap3A_170] {strides = array<i32>} : memref<125x64xf32, #tpu.memory_space<vmem>>, vector<1x16xf32>,
        %swap3A_172 = vector.shape_cast %swap3A_171 : vector<1x16xf32> to vector<16xf32>
        %swap3A_173 = vector.shape_cast %mul3A_168 : vector<16xf32> to vector<1x16xf32>
        tpu.vector_store %arg13[%swap3A_169, %swap3A_170], %swap3A_173 {strides = array<i32>} : memref<125x64xf32, #tpu.memory_space<vmem>>, vector<1x16xf32>,
        %scan3A_174 = arith.constant 1 : i32
        %scan3A_175 = arith.addi %scan3A_131, %scan3A_174 : i32
        %get3A_176 = arith.index_cast %scan3A_175 : i32 to index
        %get3A_177 = arith.constant 0 : index
        %get3A_178 = tpu.vector_load %arg11[%get3A_176, %get3A_177] {strides = array<i32>} : memref<125x16xf32, #tpu.memory_space<vmem>>, vector<1x16xf32>,
        %get3A_179 = vector.shape_cast %get3A_178 : vector<1x16xf32> to vector<16xf32>
        %get3A_180 = arith.index_cast %scan3A_175 : i32 to index
        %get3A_181 = arith.constant 0 : index
        %get3A_182 = tpu.vector_load %arg13[%get3A_180, %get3A_181] {strides = array<i32>} : memref<125x64xf32, #tpu.memory_space<vmem>>, vector<1x16xf32>,
        %get3A_183 = vector.shape_cast %get3A_182 : vector<1x16xf32> to vector<16xf32>
        %mul3A_184 = arith.mulf %get3A_183, %get3A_179 : vector<16xf32>
        %swap3A_185 = arith.index_cast %scan3A_175 : i32 to index
        %swap3A_186 = arith.constant 0 : index
        %swap3A_187 = tpu.vector_load %arg13[%swap3A_185, %swap3A_186] {strides = array<i32>} : memref<125x64xf32, #tpu.memory_space<vmem>>, vector<1x16xf32>,
        %swap3A_188 = vector.shape_cast %swap3A_187 : vector<1x16xf32> to vector<16xf32>
        %swap3A_189 = vector.shape_cast %mul3A_184 : vector<16xf32> to vector<1x16xf32>
        tpu.vector_store %arg13[%swap3A_185, %swap3A_186], %swap3A_189 {strides = array<i32>} : memref<125x64xf32, #tpu.memory_space<vmem>>, vector<1x16xf32>,
        %get3A_190 = arith.index_cast %scan3A_175 : i32 to index
        %get3A_191 = arith.constant 16 : index
        %get3A_192 = tpu.vector_load %arg13[%get3A_190, %get3A_191] {strides = array<i32>} : memref<125x64xf32, #tpu.memory_space<vmem>>, vector<1x16xf32>,
        %get3A_193 = vector.shape_cast %get3A_192 : vector<1x16xf32> to vector<16xf32>
        %mul3A_194 = arith.mulf %get3A_193, %get3A_179 : vector<16xf32>
        %swap3A_195 = arith.index_cast %scan3A_175 : i32 to index
        %swap3A_196 = arith.constant 16 : index
        %swap3A_197 = tpu.vector_load %arg13[%swap3A_195, %swap3A_196] {strides = array<i32>} : memref<125x64xf32, #tpu.memory_space<vmem>>, vector<1x16xf32>,
        %swap3A_198 = vector.shape_cast %swap3A_197 : vector<1x16xf32> to vector<16xf32>
        %swap3A_199 = vector.shape_cast %mul3A_194 : vector<16xf32> to vector<1x16xf32>
        tpu.vector_store %arg13[%swap3A_195, %swap3A_196], %swap3A_199 {strides = array<i32>} : memref<125x64xf32, #tpu.memory_space<vmem>>, vector<1x16xf32>,
        %get3A_200 = arith.index_cast %scan3A_175 : i32 to index
        %get3A_201 = arith.constant 32 : index
        %get3A_202 = tpu.vector_load %arg13[%get3A_200, %get3A_201] {strides = array<i32>} : memref<125x64xf32, #tpu.memory_space<vmem>>, vector<1x16xf32>,
        %get3A_203 = vector.shape_cast %get3A_202 : vector<1x16xf32> to vector<16xf32>
        %mul3A_204 = arith.mulf %get3A_203, %get3A_179 : vector<16xf32>
        %swap3A_205 = arith.index_cast %scan3A_175 : i32 to index
        %swap3A_206 = arith.constant 32 : index
        %swap3A_207 = tpu.vector_load %arg13[%swap3A_205, %swap3A_206] {strides = array<i32>} : memref<125x64xf32, #tpu.memory_space<vmem>>, vector<1x16xf32>,
        %swap3A_208 = vector.shape_cast %swap3A_207 : vector<1x16xf32> to vector<16xf32>
        %swap3A_209 = vector.shape_cast %mul3A_204 : vector<16xf32> to vector<1x16xf32>
        tpu.vector_store %arg13[%swap3A_205, %swap3A_206], %swap3A_209 {strides = array<i32>} : memref<125x64xf32, #tpu.memory_space<vmem>>, vector<1x16xf32>,
        %get3A_210 = arith.index_cast %scan3A_175 : i32 to index
        %get3A_211 = arith.constant 48 : index
        %get3A_212 = tpu.vector_load %arg13[%get3A_210, %get3A_211] {strides = array<i32>} : memref<125x64xf32, #tpu.memory_space<vmem>>, vector<1x16xf32>,
        %get3A_213 = vector.shape_cast %get3A_212 : vector<1x16xf32> to vector<16xf32>
        %mul3A_214 = arith.mulf %get3A_213, %get3A_179 : vector<16xf32>
        %swap3A_215 = arith.index_cast %scan3A_175 : i32 to index
        %swap3A_216 = arith.constant 48 : index
        %swap3A_217 = tpu.vector_load %arg13[%swap3A_215, %swap3A_216] {strides = array<i32>} : memref<125x64xf32, #tpu.memory_space<vmem>>, vector<1x16xf32>,
        %swap3A_218 = vector.shape_cast %swap3A_217 : vector<1x16xf32> to vector<16xf32>
        %swap3A_219 = vector.shape_cast %mul3A_214 : vector<16xf32> to vector<1x16xf32>
        tpu.vector_store %arg13[%swap3A_215, %swap3A_216], %swap3A_219 {strides = array<i32>} : memref<125x64xf32, #tpu.memory_space<vmem>>, vector<1x16xf32>,
        %scan3A_220 = arith.constant 2 : i32
        %scan3A_221 = arith.addi %scan3A_131, %scan3A_220 : i32
        %get3A_222 = arith.index_cast %scan3A_221 : i32 to index
        %get3A_223 = arith.constant 0 : index
        %get3A_224 = tpu.vector_load %arg11[%get3A_222, %get3A_223] {strides = array<i32>} : memref<125x16xf32, #tpu.memory_space<vmem>>, vector<1x16xf32>,
        %get3A_225 = vector.shape_cast %get3A_224 : vector<1x16xf32> to vector<16xf32>
        %get3A_226 = arith.index_cast %scan3A_221 : i32 to index
        %get3A_227 = arith.constant 0 : index
        %get3A_228 = tpu.vector_load %arg13[%get3A_226, %get3A_227] {strides = array<i32>} : memref<125x64xf32, #tpu.memory_space<vmem>>, vector<1x16xf32>,
        %get3A_229 = vector.shape_cast %get3A_228 : vector<1x16xf32> to vector<16xf32>
        %mul3A_230 = arith.mulf %get3A_229, %get3A_225 : vector<16xf32>
        %swap3A_231 = arith.index_cast %scan3A_221 : i32 to index
        %swap3A_232 = arith.constant 0 : index
        %swap3A_233 = tpu.vector_load %arg13[%swap3A_231, %swap3A_232] {strides = array<i32>} : memref<125x64xf32, #tpu.memory_space<vmem>>, vector<1x16xf32>,
        %swap3A_234 = vector.shape_cast %swap3A_233 : vector<1x16xf32> to vector<16xf32>
        %swap3A_235 = vector.shape_cast %mul3A_230 : vector<16xf32> to vector<1x16xf32>
        tpu.vector_store %arg13[%swap3A_231, %swap3A_232], %swap3A_235 {strides = array<i32>} : memref<125x64xf32, #tpu.memory_space<vmem>>, vector<1x16xf32>,
        %get3A_236 = arith.index_cast %scan3A_221 : i32 to index
        %get3A_237 = arith.constant 16 : index
        %get3A_238 = tpu.vector_load %arg13[%get3A_236, %get3A_237] {strides = array<i32>} : memref<125x64xf32, #tpu.memory_space<vmem>>, vector<1x16xf32>,
        %get3A_239 = vector.shape_cast %get3A_238 : vector<1x16xf32> to vector<16xf32>
        %mul3A_240 = arith.mulf %get3A_239, %get3A_225 : vector<16xf32>
        %swap3A_241 = arith.index_cast %scan3A_221 : i32 to index
        %swap3A_242 = arith.constant 16 : index
        %swap3A_243 = tpu.vector_load %arg13[%swap3A_241, %swap3A_242] {strides = array<i32>} : memref<125x64xf32, #tpu.memory_space<vmem>>, vector<1x16xf32>,
        %swap3A_244 = vector.shape_cast %swap3A_243 : vector<1x16xf32> to vector<16xf32>
        %swap3A_245 = vector.shape_cast %mul3A_240 : vector<16xf32> to vector<1x16xf32>
        tpu.vector_store %arg13[%swap3A_241, %swap3A_242], %swap3A_245 {strides = array<i32>} : memref<125x64xf32, #tpu.memory_space<vmem>>, vector<1x16xf32>,
        %get3A_246 = arith.index_cast %scan3A_221 : i32 to index
        %get3A_247 = arith.constant 32 : index
        %get3A_248 = tpu.vector_load %arg13[%get3A_246, %get3A_247] {strides = array<i32>} : memref<125x64xf32, #tpu.memory_space<vmem>>, vector<1x16xf32>,
        %get3A_249 = vector.shape_cast %get3A_248 : vector<1x16xf32> to vector<16xf32>
        %mul3A_250 = arith.mulf %get3A_249, %get3A_225 : vector<16xf32>
        %swap3A_251 = arith.index_cast %scan3A_221 : i32 to index
        %swap3A_252 = arith.constant 32 : index
        %swap3A_253 = tpu.vector_load %arg13[%swap3A_251, %swap3A_252] {strides = array<i32>} : memref<125x64xf32, #tpu.memory_space<vmem>>, vector<1x16xf32>,
        %swap3A_254 = vector.shape_cast %swap3A_253 : vector<1x16xf32> to vector<16xf32>
        %swap3A_255 = vector.shape_cast %mul3A_250 : vector<16xf32> to vector<1x16xf32>
        tpu.vector_store %arg13[%swap3A_251, %swap3A_252], %swap3A_255 {strides = array<i32>} : memref<125x64xf32, #tpu.memory_space<vmem>>, vector<1x16xf32>,
        %get3A_256 = arith.index_cast %scan3A_221 : i32 to index
        %get3A_257 = arith.constant 48 : index
        %get3A_258 = tpu.vector_load %arg13[%get3A_256, %get3A_257] {strides = array<i32>} : memref<125x64xf32, #tpu.memory_space<vmem>>, vector<1x16xf32>,
        %get3A_259 = vector.shape_cast %get3A_258 : vector<1x16xf32> to vector<16xf32>
        %mul3A_260 = arith.mulf %get3A_259, %get3A_225 : vector<16xf32>
        %swap3A_261 = arith.index_cast %scan3A_221 : i32 to index
        %swap3A_262 = arith.constant 48 : index
        %swap3A_263 = tpu.vector_load %arg13[%swap3A_261, %swap3A_262] {strides = array<i32>} : memref<125x64xf32, #tpu.memory_space<vmem>>, vector<1x16xf32>,
        %swap3A_264 = vector.shape_cast %swap3A_263 : vector<1x16xf32> to vector<16xf32>
        %swap3A_265 = vector.shape_cast %mul3A_260 : vector<16xf32> to vector<1x16xf32>
        tpu.vector_store %arg13[%swap3A_261, %swap3A_262], %swap3A_265 {strides = array<i32>} : memref<125x64xf32, #tpu.memory_space<vmem>>, vector<1x16xf32>,
        %scan3A_266 = arith.constant 3 : i32
        %scan3A_267 = arith.addi %scan3A_131, %scan3A_266 : i32
        %get3A_268 = arith.index_cast %scan3A_267 : i32 to index
        %get3A_269 = arith.constant 0 : index
        %get3A_270 = tpu.vector_load %arg11[%get3A_268, %get3A_269] {strides = array<i32>} : memref<125x16xf32, #tpu.memory_space<vmem>>, vector<1x16xf32>,
        %get3A_271 = vector.shape_cast %get3A_270 : vector<1x16xf32> to vector<16xf32>
        %get3A_272 = arith.index_cast %scan3A_267 : i32 to index
        %get3A_273 = arith.constant 0 : index
        %get3A_274 = tpu.vector_load %arg13[%get3A_272, %get3A_273] {strides = array<i32>} : memref<125x64xf32, #tpu.memory_space<vmem>>, vector<1x16xf32>,
        %get3A_275 = vector.shape_cast %get3A_274 : vector<1x16xf32> to vector<16xf32>
        %mul3A_276 = arith.mulf %get3A_275, %get3A_271 : vector<16xf32>
        %swap3A_277 = arith.index_cast %scan3A_267 : i32 to index
        %swap3A_278 = arith.constant 0 : index
        %swap3A_279 = tpu.vector_load %arg13[%swap3A_277, %swap3A_278] {strides = array<i32>} : memref<125x64xf32, #tpu.memory_space<vmem>>, vector<1x16xf32>,
        %swap3A_280 = vector.shape_cast %swap3A_279 : vector<1x16xf32> to vector<16xf32>
        %swap3A_281 = vector.shape_cast %mul3A_276 : vector<16xf32> to vector<1x16xf32>
        tpu.vector_store %arg13[%swap3A_277, %swap3A_278], %swap3A_281 {strides = array<i32>} : memref<125x64xf32, #tpu.memory_space<vmem>>, vector<1x16xf32>,
        %get3A_282 = arith.index_cast %scan3A_267 : i32 to index
        %get3A_283 = arith.constant 16 : index
        %get3A_284 = tpu.vector_load %arg13[%get3A_282, %get3A_283] {strides = array<i32>} : memref<125x64xf32, #tpu.memory_space<vmem>>, vector<1x16xf32>,
        %get3A_285 = vector.shape_cast %get3A_284 : vector<1x16xf32> to vector<16xf32>
        %mul3A_286 = arith.mulf %get3A_285, %get3A_271 : vector<16xf32>
        %swap3A_287 = arith.index_cast %scan3A_267 : i32 to index
        %swap3A_288 = arith.constant 16 : index
        %swap3A_289 = tpu.vector_load %arg13[%swap3A_287, %swap3A_288] {strides = array<i32>} : memref<125x64xf32, #tpu.memory_space<vmem>>, vector<1x16xf32>,
        %swap3A_290 = vector.shape_cast %swap3A_289 : vector<1x16xf32> to vector<16xf32>
        %swap3A_291 = vector.shape_cast %mul3A_286 : vector<16xf32> to vector<1x16xf32>
        tpu.vector_store %arg13[%swap3A_287, %swap3A_288], %swap3A_291 {strides = array<i32>} : memref<125x64xf32, #tpu.memory_space<vmem>>, vector<1x16xf32>,
        %get3A_292 = arith.index_cast %scan3A_267 : i32 to index
        %get3A_293 = arith.constant 32 : index
        %get3A_294 = tpu.vector_load %arg13[%get3A_292, %get3A_293] {strides = array<i32>} : memref<125x64xf32, #tpu.memory_space<vmem>>, vector<1x16xf32>,
        %get3A_295 = vector.shape_cast %get3A_294 : vector<1x16xf32> to vector<16xf32>
        %mul3A_296 = arith.mulf %get3A_295, %get3A_271 : vector<16xf32>
        %swap3A_297 = arith.index_cast %scan3A_267 : i32 to index
        %swap3A_298 = arith.constant 32 : index
        %swap3A_299 = tpu.vector_load %arg13[%swap3A_297, %swap3A_298] {strides = array<i32>} : memref<125x64xf32, #tpu.memory_space<vmem>>, vector<1x16xf32>,
        %swap3A_300 = vector.shape_cast %swap3A_299 : vector<1x16xf32> to vector<16xf32>
        %swap3A_301 = vector.shape_cast %mul3A_296 : vector<16xf32> to vector<1x16xf32>
        tpu.vector_store %arg13[%swap3A_297, %swap3A_298], %swap3A_301 {strides = array<i32>} : memref<125x64xf32, #tpu.memory_space<vmem>>, vector<1x16xf32>,
        %get3A_302 = arith.index_cast %scan3A_267 : i32 to index
        %get3A_303 = arith.constant 48 : index
        %get3A_304 = tpu.vector_load %arg13[%get3A_302, %get3A_303] {strides = array<i32>} : memref<125x64xf32, #tpu.memory_space<vmem>>, vector<1x16xf32>,
        %get3A_305 = vector.shape_cast %get3A_304 : vector<1x16xf32> to vector<16xf32>
        %mul3A_306 = arith.mulf %get3A_305, %get3A_271 : vector<16xf32>
        %swap3A_307 = arith.index_cast %scan3A_267 : i32 to index
        %swap3A_308 = arith.constant 48 : index
        %swap3A_309 = tpu.vector_load %arg13[%swap3A_307, %swap3A_308] {strides = array<i32>} : memref<125x64xf32, #tpu.memory_space<vmem>>, vector<1x16xf32>,
        %swap3A_310 = vector.shape_cast %swap3A_309 : vector<1x16xf32> to vector<16xf32>
        %swap3A_311 = vector.shape_cast %mul3A_306 : vector<16xf32> to vector<1x16xf32>
        tpu.vector_store %arg13[%swap3A_307, %swap3A_308], %swap3A_311 {strides = array<i32>} : memref<125x64xf32, #tpu.memory_space<vmem>>, vector<1x16xf32>,
        %scan3A_312 = arith.constant 4 : i32
        %scan3A_313 = arith.addi %scan3A_131, %scan3A_312 : i32
        %get3A_314 = arith.index_cast %scan3A_313 : i32 to index
        %get3A_315 = arith.constant 0 : index
        %get3A_316 = tpu.vector_load %arg11[%get3A_314, %get3A_315] {strides = array<i32>} : memref<125x16xf32, #tpu.memory_space<vmem>>, vector<1x16xf32>,
        %get3A_317 = vector.shape_cast %get3A_316 : vector<1x16xf32> to vector<16xf32>
        %get3A_318 = arith.index_cast %scan3A_313 : i32 to index
        %get3A_319 = arith.constant 0 : index
        %get3A_320 = tpu.vector_load %arg13[%get3A_318, %get3A_319] {strides = array<i32>} : memref<125x64xf32, #tpu.memory_space<vmem>>, vector<1x16xf32>,
        %get3A_321 = vector.shape_cast %get3A_320 : vector<1x16xf32> to vector<16xf32>
        %mul3A_322 = arith.mulf %get3A_321, %get3A_317 : vector<16xf32>
        %swap3A_323 = arith.index_cast %scan3A_313 : i32 to index
        %swap3A_324 = arith.constant 0 : index
        %swap3A_325 = tpu.vector_load %arg13[%swap3A_323, %swap3A_324] {strides = array<i32>} : memref<125x64xf32, #tpu.memory_space<vmem>>, vector<1x16xf32>,
        %swap3A_326 = vector.shape_cast %swap3A_325 : vector<1x16xf32> to vector<16xf32>
        %swap3A_327 = vector.shape_cast %mul3A_322 : vector<16xf32> to vector<1x16xf32>
        tpu.vector_store %arg13[%swap3A_323, %swap3A_324], %swap3A_327 {strides = array<i32>} : memref<125x64xf32, #tpu.memory_space<vmem>>, vector<1x16xf32>,
        %get3A_328 = arith.index_cast %scan3A_313 : i32 to index
        %get3A_329 = arith.constant 16 : index
        %get3A_330 = tpu.vector_load %arg13[%get3A_328, %get3A_329] {strides = array<i32>} : memref<125x64xf32, #tpu.memory_space<vmem>>, vector<1x16xf32>,
        %get3A_331 = vector.shape_cast %get3A_330 : vector<1x16xf32> to vector<16xf32>
        %mul3A_332 = arith.mulf %get3A_331, %get3A_317 : vector<16xf32>
        %swap3A_333 = arith.index_cast %scan3A_313 : i32 to index
        %swap3A_334 = arith.constant 16 : index
        %swap3A_335 = tpu.vector_load %arg13[%swap3A_333, %swap3A_334] {strides = array<i32>} : memref<125x64xf32, #tpu.memory_space<vmem>>, vector<1x16xf32>,
        %swap3A_336 = vector.shape_cast %swap3A_335 : vector<1x16xf32> to vector<16xf32>
        %swap3A_337 = vector.shape_cast %mul3A_332 : vector<16xf32> to vector<1x16xf32>
        tpu.vector_store %arg13[%swap3A_333, %swap3A_334], %swap3A_337 {strides = array<i32>} : memref<125x64xf32, #tpu.memory_space<vmem>>, vector<1x16xf32>,
        %get3A_338 = arith.index_cast %scan3A_313 : i32 to index
        %get3A_339 = arith.constant 32 : index
        %get3A_340 = tpu.vector_load %arg13[%get3A_338, %get3A_339] {strides = array<i32>} : memref<125x64xf32, #tpu.memory_space<vmem>>, vector<1x16xf32>,
        %get3A_341 = vector.shape_cast %get3A_340 : vector<1x16xf32> to vector<16xf32>
        %mul3A_342 = arith.mulf %get3A_341, %get3A_317 : vector<16xf32>
        %swap3A_343 = arith.index_cast %scan3A_313 : i32 to index
        %swap3A_344 = arith.constant 32 : index
        %swap3A_345 = tpu.vector_load %arg13[%swap3A_343, %swap3A_344] {strides = array<i32>} : memref<125x64xf32, #tpu.memory_space<vmem>>, vector<1x16xf32>,
        %swap3A_346 = vector.shape_cast %swap3A_345 : vector<1x16xf32> to vector<16xf32>
        %swap3A_347 = vector.shape_cast %mul3A_342 : vector<16xf32> to vector<1x16xf32>
        tpu.vector_store %arg13[%swap3A_343, %swap3A_344], %swap3A_347 {strides = array<i32>} : memref<125x64xf32, #tpu.memory_space<vmem>>, vector<1x16xf32>,
        %get3A_348 = arith.index_cast %scan3A_313 : i32 to index
        %get3A_349 = arith.constant 48 : index
        %get3A_350 = tpu.vector_load %arg13[%get3A_348, %get3A_349] {strides = array<i32>} : memref<125x64xf32, #tpu.memory_space<vmem>>, vector<1x16xf32>,
        %get3A_351 = vector.shape_cast %get3A_350 : vector<1x16xf32> to vector<16xf32>
        %mul3A_352 = arith.mulf %get3A_351, %get3A_317 : vector<16xf32>
        %swap3A_353 = arith.index_cast %scan3A_313 : i32 to index
        %swap3A_354 = arith.constant 48 : index
        %swap3A_355 = tpu.vector_load %arg13[%swap3A_353, %swap3A_354] {strides = array<i32>} : memref<125x64xf32, #tpu.memory_space<vmem>>, vector<1x16xf32>,
        %swap3A_356 = vector.shape_cast %swap3A_355 : vector<1x16xf32> to vector<16xf32>
        %swap3A_357 = vector.shape_cast %mul3A_352 : vector<16xf32> to vector<1x16xf32>
        tpu.vector_store %arg13[%swap3A_353, %swap3A_354], %swap3A_357 {strides = array<i32>} : memref<125x64xf32, #tpu.memory_space<vmem>>, vector<1x16xf32>,
      }
      %scan3A_124 = arith.constant 125 : i32
      %dma_start3A_125 = arith.constant 0 : i32
      %dma_start3A_126 = tpu.memref_slice %arg9[%add3A_92, %dma_start3A_125] : memref<80x125xi32, #tpu.memory_space<vmem>> -> memref<1x125xi32, #tpu.memory_space<vmem>>
      %dma_start3A_127 = tpu.memref_squeeze %dma_start3A_126 : memref<1x125xi32, #tpu.memory_space<vmem>> -> memref<125xi32, #tpu.memory_space<vmem>>
      %dma_start3A_128 = arith.constant 0 : i32
      %dma_start3A_129 = arith.constant 0 : i32
      %dma_start3A_130 = tpu.memref_slice %arg14[%dma_start3A_128, %dma_start3A_129] : memref<10000x64xf32, #tpu.memory_space<vmem_shared>> -> memref<10000x64xf32, #tpu.memory_space<vmem_shared>>
      tpu.enqueue_indirect_dma source(%arg13 : memref<125x64xf32, #tpu.memory_space<vmem>>) target(%dma_start3A_130 : memref<10000x64xf32, #tpu.memory_space<vmem_shared>>) offsets(%dma_start3A_127 : memref<125xi32, #tpu.memory_space<vmem>>) semaphore(%arg20 : memref<!tpu.dma_semaphore, #tpu.memory_space<semaphore_mem>>) {add = true}
    }
    %scan3A_26 = arith.constant 40 : i32
    %dma_wait3A = arith.constant 0 : i32
    %dma_wait3A_27 = arith.constant 0 : i32
    %dma_wait3A_28 = tpu.memref_slice %arg14[%dma_wait3A, %dma_wait3A_27] : memref<10000x64xf32, #tpu.memory_space<vmem_shared>> -> memref<125x64xf32, #tpu.memory_space<vmem_shared>>
    %dma_wait3A_29 = arith.constant 0 : i32
    %dma_wait3A_30 = arith.constant 0 : i32
    %dma_wait3A_31 = tpu.memref_slice %arg14[%dma_wait3A_29, %dma_wait3A_30] : memref<10000x64xf32, #tpu.memory_space<vmem_shared>> -> memref<125x64xf32, #tpu.memory_space<vmem_shared>>
    tpu.wait_dma2 semaphore(%arg20 : memref<!tpu.dma_semaphore, #tpu.memory_space<semaphore_mem>>) src(%arg13 : memref<125x64xf32, #tpu.memory_space<vmem>>) dst(%dma_wait3A_31 : memref<125x64xf32, #tpu.memory_space<vmem_shared>>)
    %barrier3A_32 = arith.constant 0 : index
    tpu.barrier barrier_id(%barrier3A_32)
    %mul3A_33 = arith.constant 624 : i32
    %mul3A_34 = arith.muli %arg1, %mul3A_33 : i32
    %mul3A_35 = arith.constant 624 : i32
    %mul3A_36 = arith.muli %arg1, %mul3A_35 : i32
    "tpu.region"() ({
      %run_scoped3A = tpu.sem_alloc : memref<!tpu.dma_semaphore, #tpu.memory_space<semaphore_mem>>
      %dma_start3A_42 = arith.constant 0 : i32
      %dma_start3A_43 = arith.constant 0 : i32
      %dma_start3A_44 = tpu.memref_slice %arg7[%arg0, %dma_start3A_42, %dma_start3A_43] : memref<2x10000x64xf32, #tpu.memory_space<hbm>> -> memref<1x10000x64xf32, #tpu.memory_space<hbm>>
      %dma_start3A_45 = tpu.memref_squeeze %dma_start3A_44 : memref<1x10000x64xf32, #tpu.memory_space<hbm>> -> memref<10000x64xf32, #tpu.memory_space<hbm>>
      %dma_start3A_46 = arith.constant 0 : i32
      %dma_start3A_47 = tpu.memref_slice %dma_start3A_45[%mul3A_36, %dma_start3A_46] : memref<10000x64xf32, #tpu.memory_space<hbm>> -> memref<624x64xf32, #tpu.memory_space<hbm>>
      %dma_start3A_48 = arith.constant 0 : i32
      %dma_start3A_49 = tpu.memref_slice %arg14[%mul3A_34, %dma_start3A_48] : memref<10000x64xf32, #tpu.memory_space<vmem_shared>> -> memref<624x64xf32, #tpu.memory_space<vmem_shared>>
      tpu.enqueue_dma source(%dma_start3A_49 : memref<624x64xf32, #tpu.memory_space<vmem_shared>>) target(%dma_start3A_47 : memref<624x64xf32, #tpu.memory_space<hbm>>) target_semaphore(%run_scoped3A : memref<!tpu.dma_semaphore, #tpu.memory_space<semaphore_mem>>)
      %dma_wait3A_50 = arith.constant 0 : i32
      %dma_wait3A_51 = arith.constant 0 : i32
      %dma_wait3A_52 = tpu.memref_slice %arg7[%arg0, %dma_wait3A_50, %dma_wait3A_51] : memref<2x10000x64xf32, #tpu.memory_space<hbm>> -> memref<1x10000x64xf32, #tpu.memory_space<hbm>>
      %dma_wait3A_53 = tpu.memref_squeeze %dma_wait3A_52 : memref<1x10000x64xf32, #tpu.memory_space<hbm>> -> memref<10000x64xf32, #tpu.memory_space<hbm>>
      %dma_wait3A_54 = arith.constant 0 : i32
      %dma_wait3A_55 = tpu.memref_slice %dma_wait3A_53[%mul3A_36, %dma_wait3A_54] : memref<10000x64xf32, #tpu.memory_space<hbm>> -> memref<624x64xf32, #tpu.memory_space<hbm>>
      %dma_wait3A_56 = arith.constant 0 : i32
      %dma_wait3A_57 = tpu.memref_slice %arg14[%mul3A_34, %dma_wait3A_56] : memref<10000x64xf32, #tpu.memory_space<vmem_shared>> -> memref<624x64xf32, #tpu.memory_space<vmem_shared>>
      tpu.wait_dma2 semaphore(%run_scoped3A : memref<!tpu.dma_semaphore, #tpu.memory_space<semaphore_mem>>) src(%dma_wait3A_57 : memref<624x64xf32, #tpu.memory_space<vmem_shared>>) dst(%dma_wait3A_55 : memref<624x64xf32, #tpu.memory_space<hbm>>)
      tpu.yield
    }) : () -> ()
    %eq3A_37 = arith.constant 15 : i32
    %eq3A_38 = arith.cmpi eq, %arg1, %eq3A_37 : i32
    %convert_element_type3A_39 = arith.extui %eq3A_38 : i1 to i32
    %cond3A_40 = arith.constant 0 : i32
    %cond3A_41 = arith.cmpi ne, %convert_element_type3A_39, %cond3A_40 : i32
    scf.if %cond3A_41 {
      "tpu.region"() ({
        %run_scoped3A = tpu.sem_alloc : memref<!tpu.dma_semaphore, #tpu.memory_space<semaphore_mem>>
        %dma_start3A_42 = arith.constant 0 : i32
        %dma_start3A_43 = arith.constant 0 : i32
        %dma_start3A_44 = tpu.memref_slice %arg7[%arg0, %dma_start3A_42, %dma_start3A_43] : memref<2x10000x64xf32, #tpu.memory_space<hbm>> -> memref<1x10000x64xf32, #tpu.memory_space<hbm>>
        %dma_start3A_45 = tpu.memref_squeeze %dma_start3A_44 : memref<1x10000x64xf32, #tpu.memory_space<hbm>> -> memref<10000x64xf32, #tpu.memory_space<hbm>>
        %dma_start3A_46 = arith.constant 9984 : i32
        %dma_start3A_47 = arith.constant 0 : i32
        %dma_start3A_48 = tpu.memref_slice %dma_start3A_45[%dma_start3A_46, %dma_start3A_47] : memref<10000x64xf32, #tpu.memory_space<hbm>> -> memref<16x64xf32, #tpu.memory_space<hbm>>
        %dma_start3A_49 = arith.constant 9984 : i32
        %dma_start3A_50 = arith.constant 0 : i32
        %dma_start3A_51 = tpu.memref_slice %arg14[%dma_start3A_49, %dma_start3A_50] : memref<10000x64xf32, #tpu.memory_space<vmem_shared>> -> memref<16x64xf32, #tpu.memory_space<vmem_shared>>
        tpu.enqueue_dma source(%dma_start3A_51 : memref<16x64xf32, #tpu.memory_space<vmem_shared>>) target(%dma_start3A_48 : memref<16x64xf32, #tpu.memory_space<hbm>>) target_semaphore(%run_scoped3A : memref<!tpu.dma_semaphore, #tpu.memory_space<semaphore_mem>>)
        %dma_wait3A_52 = arith.constant 0 : i32
        %dma_wait3A_53 = arith.constant 0 : i32
        %dma_wait3A_54 = tpu.memref_slice %arg7[%arg0, %dma_wait3A_52, %dma_wait3A_53] : memref<2x10000x64xf32, #tpu.memory_space<hbm>> -> memref<1x10000x64xf32, #tpu.memory_space<hbm>>
        %dma_wait3A_55 = tpu.memref_squeeze %dma_wait3A_54 : memref<1x10000x64xf32, #tpu.memory_space<hbm>> -> memref<10000x64xf32, #tpu.memory_space<hbm>>
        %dma_wait3A_56 = arith.constant 9984 : i32
        %dma_wait3A_57 = arith.constant 0 : i32
        %dma_wait3A_58 = tpu.memref_slice %dma_wait3A_55[%dma_wait3A_56, %dma_wait3A_57] : memref<10000x64xf32, #tpu.memory_space<hbm>> -> memref<16x64xf32, #tpu.memory_space<hbm>>
        %dma_wait3A_59 = arith.constant 9984 : i32
        %dma_wait3A_60 = arith.constant 0 : i32
        %dma_wait3A_61 = tpu.memref_slice %arg14[%dma_wait3A_59, %dma_wait3A_60] : memref<10000x64xf32, #tpu.memory_space<vmem_shared>> -> memref<16x64xf32, #tpu.memory_space<vmem_shared>>
        tpu.wait_dma2 semaphore(%run_scoped3A : memref<!tpu.dma_semaphore, #tpu.memory_space<semaphore_mem>>) src(%dma_wait3A_61 : memref<16x64xf32, #tpu.memory_space<vmem_shared>>) dst(%dma_wait3A_58 : memref<16x64xf32, #tpu.memory_space<hbm>>)
        tpu.yield
      }) : () -> ()
    } else {
    }
    return
  }
}

#map = affine_map<(d0, d1) -> (0, 0, 0)>
#map1 = affine_map<(d0, d1) -> (0, 0, 0, 0)>
#map2 = affine_map<(d0, d1) -> (0, 0)>
module attributes {stable_mosaic.version = 14 : i64} {
  func.func @_deg_call(%arg0: i32, %arg1: i32, %arg2: memref<32x80x125xi32, #tpu.memory_space<hbm>>, %arg3: memref<32x80x125x16xf32, #tpu.memory_space<hbm>>, %arg4: memref<10000x16xf32, #tpu.memory_space<hbm>>, %arg5: memref<2x10000x16xf32, #tpu.memory_space<hbm>>, %arg6: memref<80x125xi32, #tpu.memory_space<vmem>>, %arg7: memref<125x16xf32, #tpu.memory_space<vmem>>, %arg8: memref<125x16xf32, #tpu.memory_space<vmem>>, %arg9: memref<10000x16xf32, #tpu.memory_space<vmem_shared>>, %arg10: memref<!tpu.dma_semaphore, #tpu.memory_space<semaphore_mem>>, %arg11: memref<!tpu.dma_semaphore, #tpu.memory_space<semaphore_mem>>, %arg12: memref<!tpu.dma_semaphore, #tpu.memory_space<semaphore_mem>>, %arg13: memref<!tpu.dma_semaphore, #tpu.memory_space<semaphore_mem>>) attributes {dimension_semantics = [#tpu.dimension_semantics<core_parallel>, #tpu.dimension_semantics<subcore_parallel>], iteration_bounds = array<i64: 2, 16>, scalar_prefetch = 0 : i64, scratch_operands = 8 : i64, tpu.core_type = #tpu.core_type<sc_vector_subcore>, window_params = [{transform_indices = #map}, {transform_indices = #map1}, {transform_indices = #map2}, {transform_indices = #map}]} {
    %mul3A = arith.constant 2 : i32
    %mul3A_0 = arith.muli %arg1, %mul3A : i32
    %add3A = arith.addi %mul3A_0, %arg0 : i32
    "tpu.region"() ({
      %run_scoped3A = tpu.sem_alloc : memref<!tpu.dma_semaphore, #tpu.memory_space<semaphore_mem>>
      %dma_start3A_35 = arith.constant 0 : i32
      %dma_start3A_36 = arith.constant 0 : i32
      %dma_start3A_37 = tpu.memref_slice %arg2[%add3A, %dma_start3A_35, %dma_start3A_36] : memref<32x80x125xi32, #tpu.memory_space<hbm>> -> memref<1x80x125xi32, #tpu.memory_space<hbm>>
      %dma_start3A_38 = tpu.memref_squeeze %dma_start3A_37 : memref<1x80x125xi32, #tpu.memory_space<hbm>> -> memref<80x125xi32, #tpu.memory_space<hbm>>
      %dma_start3A_39 = arith.constant 0 : i32
      %dma_start3A_40 = arith.constant 0 : i32
      %dma_start3A_41 = tpu.memref_slice %arg2[%add3A, %dma_start3A_39, %dma_start3A_40] : memref<32x80x125xi32, #tpu.memory_space<hbm>> -> memref<1x80x125xi32, #tpu.memory_space<hbm>>
      %dma_start3A_42 = tpu.memref_squeeze %dma_start3A_41 : memref<1x80x125xi32, #tpu.memory_space<hbm>> -> memref<80x125xi32, #tpu.memory_space<hbm>>
      tpu.enqueue_dma source(%dma_start3A_42 : memref<80x125xi32, #tpu.memory_space<hbm>>) target(%arg6 : memref<80x125xi32, #tpu.memory_space<vmem>>) target_semaphore(%run_scoped3A : memref<!tpu.dma_semaphore, #tpu.memory_space<semaphore_mem>>)
      %dma_wait3A_43 = arith.constant 0 : i32
      %dma_wait3A_44 = arith.constant 0 : i32
      %dma_wait3A_45 = tpu.memref_slice %arg2[%add3A, %dma_wait3A_43, %dma_wait3A_44] : memref<32x80x125xi32, #tpu.memory_space<hbm>> -> memref<1x80x125xi32, #tpu.memory_space<hbm>>
      %dma_wait3A_46 = tpu.memref_squeeze %dma_wait3A_45 : memref<1x80x125xi32, #tpu.memory_space<hbm>> -> memref<80x125xi32, #tpu.memory_space<hbm>>
      %dma_wait3A_47 = arith.constant 0 : i32
      %dma_wait3A_48 = arith.constant 0 : i32
      %dma_wait3A_49 = tpu.memref_slice %arg2[%add3A, %dma_wait3A_47, %dma_wait3A_48] : memref<32x80x125xi32, #tpu.memory_space<hbm>> -> memref<1x80x125xi32, #tpu.memory_space<hbm>>
      %dma_wait3A_50 = tpu.memref_squeeze %dma_wait3A_49 : memref<1x80x125xi32, #tpu.memory_space<hbm>> -> memref<80x125xi32, #tpu.memory_space<hbm>>
      tpu.wait_dma2 semaphore(%run_scoped3A : memref<!tpu.dma_semaphore, #tpu.memory_space<semaphore_mem>>) src(%dma_wait3A_50 : memref<80x125xi32, #tpu.memory_space<hbm>>) dst(%arg6 : memref<80x125xi32, #tpu.memory_space<vmem>>)
      tpu.yield
    }) : () -> ()
    %mul3A_1 = arith.constant 624 : i32
    %mul3A_2 = arith.muli %arg1, %mul3A_1 : i32
    %mul3A_3 = arith.constant 624 : i32
    %mul3A_4 = arith.muli %arg1, %mul3A_3 : i32
    "tpu.region"() ({
      %run_scoped3A = tpu.sem_alloc : memref<!tpu.dma_semaphore, #tpu.memory_space<semaphore_mem>>
      %dma_start3A_35 = arith.constant 0 : i32
      %dma_start3A_36 = tpu.memref_slice %arg9[%mul3A_4, %dma_start3A_35] : memref<10000x16xf32, #tpu.memory_space<vmem_shared>> -> memref<624x16xf32, #tpu.memory_space<vmem_shared>>
      %dma_start3A_37 = arith.constant 0 : i32
      %dma_start3A_38 = tpu.memref_slice %arg4[%mul3A_2, %dma_start3A_37] : memref<10000x16xf32, #tpu.memory_space<hbm>> -> memref<624x16xf32, #tpu.memory_space<hbm>>
      tpu.enqueue_dma source(%dma_start3A_38 : memref<624x16xf32, #tpu.memory_space<hbm>>) target(%dma_start3A_36 : memref<624x16xf32, #tpu.memory_space<vmem_shared>>) target_semaphore(%run_scoped3A : memref<!tpu.dma_semaphore, #tpu.memory_space<semaphore_mem>>)
      %dma_wait3A_39 = arith.constant 0 : i32
      %dma_wait3A_40 = tpu.memref_slice %arg9[%mul3A_4, %dma_wait3A_39] : memref<10000x16xf32, #tpu.memory_space<vmem_shared>> -> memref<624x16xf32, #tpu.memory_space<vmem_shared>>
      %dma_wait3A_41 = arith.constant 0 : i32
      %dma_wait3A_42 = tpu.memref_slice %arg4[%mul3A_2, %dma_wait3A_41] : memref<10000x16xf32, #tpu.memory_space<hbm>> -> memref<624x16xf32, #tpu.memory_space<hbm>>
      tpu.wait_dma2 semaphore(%run_scoped3A : memref<!tpu.dma_semaphore, #tpu.memory_space<semaphore_mem>>) src(%dma_wait3A_42 : memref<624x16xf32, #tpu.memory_space<hbm>>) dst(%dma_wait3A_40 : memref<624x16xf32, #tpu.memory_space<vmem_shared>>)
      tpu.yield
    }) : () -> ()
    %eq3A = arith.constant 15 : i32
    %eq3A_5 = arith.cmpi eq, %arg1, %eq3A : i32
    %convert_element_type3A = arith.extui %eq3A_5 : i1 to i32
    %cond3A = arith.constant 0 : i32
    %cond3A_6 = arith.cmpi ne, %convert_element_type3A, %cond3A : i32
    scf.if %cond3A_6 {
      "tpu.region"() ({
        %run_scoped3A = tpu.sem_alloc : memref<!tpu.dma_semaphore, #tpu.memory_space<semaphore_mem>>
        %dma_start3A_35 = arith.constant 9984 : i32
        %dma_start3A_36 = arith.constant 0 : i32
        %dma_start3A_37 = tpu.memref_slice %arg9[%dma_start3A_35, %dma_start3A_36] : memref<10000x16xf32, #tpu.memory_space<vmem_shared>> -> memref<16x16xf32, #tpu.memory_space<vmem_shared>>
        %dma_start3A_38 = arith.constant 9984 : i32
        %dma_start3A_39 = arith.constant 0 : i32
        %dma_start3A_40 = tpu.memref_slice %arg4[%dma_start3A_38, %dma_start3A_39] : memref<10000x16xf32, #tpu.memory_space<hbm>> -> memref<16x16xf32, #tpu.memory_space<hbm>>
        tpu.enqueue_dma source(%dma_start3A_40 : memref<16x16xf32, #tpu.memory_space<hbm>>) target(%dma_start3A_37 : memref<16x16xf32, #tpu.memory_space<vmem_shared>>) target_semaphore(%run_scoped3A : memref<!tpu.dma_semaphore, #tpu.memory_space<semaphore_mem>>)
        %dma_wait3A_41 = arith.constant 9984 : i32
        %dma_wait3A_42 = arith.constant 0 : i32
        %dma_wait3A_43 = tpu.memref_slice %arg9[%dma_wait3A_41, %dma_wait3A_42] : memref<10000x16xf32, #tpu.memory_space<vmem_shared>> -> memref<16x16xf32, #tpu.memory_space<vmem_shared>>
        %dma_wait3A_44 = arith.constant 9984 : i32
        %dma_wait3A_45 = arith.constant 0 : i32
        %dma_wait3A_46 = tpu.memref_slice %arg4[%dma_wait3A_44, %dma_wait3A_45] : memref<10000x16xf32, #tpu.memory_space<hbm>> -> memref<16x16xf32, #tpu.memory_space<hbm>>
        tpu.wait_dma2 semaphore(%run_scoped3A : memref<!tpu.dma_semaphore, #tpu.memory_space<semaphore_mem>>) src(%dma_wait3A_46 : memref<16x16xf32, #tpu.memory_space<hbm>>) dst(%dma_wait3A_43 : memref<16x16xf32, #tpu.memory_space<vmem_shared>>)
        tpu.yield
      }) : () -> ()
    } else {
    }
    %barrier3A = arith.constant 0 : index
    tpu.barrier barrier_id(%barrier3A)
    %dma_start3A = arith.constant 0 : i32
    %dma_start3A_7 = arith.constant 0 : i32
    %dma_start3A_8 = arith.constant 0 : i32
    %dma_start3A_9 = tpu.memref_slice %arg3[%add3A, %dma_start3A, %dma_start3A_7, %dma_start3A_8] : memref<32x80x125x16xf32, #tpu.memory_space<hbm>> -> memref<1x1x125x16xf32, #tpu.memory_space<hbm>>
    %dma_start3A_10 = tpu.memref_squeeze %dma_start3A_9 : memref<1x1x125x16xf32, #tpu.memory_space<hbm>> -> memref<125x16xf32, #tpu.memory_space<hbm>>
    %dma_start3A_11 = arith.constant 0 : i32
    %dma_start3A_12 = arith.constant 0 : i32
    %dma_start3A_13 = tpu.memref_slice %arg3[%add3A, %dma_start3A, %dma_start3A_11, %dma_start3A_12] : memref<32x80x125x16xf32, #tpu.memory_space<hbm>> -> memref<1x1x125x16xf32, #tpu.memory_space<hbm>>
    %dma_start3A_14 = tpu.memref_squeeze %dma_start3A_13 : memref<1x1x125x16xf32, #tpu.memory_space<hbm>> -> memref<125x16xf32, #tpu.memory_space<hbm>>
    tpu.enqueue_dma source(%dma_start3A_14 : memref<125x16xf32, #tpu.memory_space<hbm>>) target(%arg7 : memref<125x16xf32, #tpu.memory_space<vmem>>) target_semaphore(%arg10 : memref<!tpu.dma_semaphore, #tpu.memory_space<semaphore_mem>>)
    %scan3A = arith.constant 0 : i32
    %scan3A_15 = arith.constant 0 : i32
    %scan3A_16 = arith.constant 40 : i32
    %scan3A_17 = arith.addi %scan3A_15, %scan3A_16 : i32
    %scan3A_18 = arith.constant 1 : i32
    scf.for %scan3A_35 = %scan3A_15 to %scan3A_17 step %scan3A_18  : i32 {
      %mul3A_36 = arith.constant 2 : i32
      %mul3A_37 = arith.muli %scan3A_35, %mul3A_36 : i32
      %dma_wait3A_38 = arith.constant 0 : i32
      %dma_wait3A_39 = arith.constant 0 : i32
      %dma_wait3A_40 = tpu.memref_slice %arg3[%add3A, %mul3A_37, %dma_wait3A_38, %dma_wait3A_39] : memref<32x80x125x16xf32, #tpu.memory_space<hbm>> -> memref<1x1x125x16xf32, #tpu.memory_space<hbm>>
      %dma_wait3A_41 = tpu.memref_squeeze %dma_wait3A_40 : memref<1x1x125x16xf32, #tpu.memory_space<hbm>> -> memref<125x16xf32, #tpu.memory_space<hbm>>
      %dma_wait3A_42 = arith.constant 0 : i32
      %dma_wait3A_43 = arith.constant 0 : i32
      %dma_wait3A_44 = tpu.memref_slice %arg3[%add3A, %mul3A_37, %dma_wait3A_42, %dma_wait3A_43] : memref<32x80x125x16xf32, #tpu.memory_space<hbm>> -> memref<1x1x125x16xf32, #tpu.memory_space<hbm>>
      %dma_wait3A_45 = tpu.memref_squeeze %dma_wait3A_44 : memref<1x1x125x16xf32, #tpu.memory_space<hbm>> -> memref<125x16xf32, #tpu.memory_space<hbm>>
      tpu.wait_dma2 semaphore(%arg10 : memref<!tpu.dma_semaphore, #tpu.memory_space<semaphore_mem>>) src(%dma_wait3A_45 : memref<125x16xf32, #tpu.memory_space<hbm>>) dst(%arg7 : memref<125x16xf32, #tpu.memory_space<vmem>>)
      %gt3A = arith.constant 0 : i32
      %gt3A_46 = arith.cmpi sgt, %scan3A_35, %gt3A : i32
      %convert_element_type3A_47 = arith.extui %gt3A_46 : i1 to i32
      %cond3A_48 = arith.constant 0 : i32
      %cond3A_49 = arith.cmpi ne, %convert_element_type3A_47, %cond3A_48 : i32
      scf.if %cond3A_49 {
        %dma_wait3A_94 = arith.constant 0 : i32
        %dma_wait3A_95 = arith.constant 0 : i32
        %dma_wait3A_96 = tpu.memref_slice %arg9[%dma_wait3A_94, %dma_wait3A_95] : memref<10000x16xf32, #tpu.memory_space<vmem_shared>> -> memref<125x16xf32, #tpu.memory_space<vmem_shared>>
        %dma_wait3A_97 = arith.constant 0 : i32
        %dma_wait3A_98 = arith.constant 0 : i32
        %dma_wait3A_99 = tpu.memref_slice %arg9[%dma_wait3A_97, %dma_wait3A_98] : memref<10000x16xf32, #tpu.memory_space<vmem_shared>> -> memref<125x16xf32, #tpu.memory_space<vmem_shared>>
        tpu.wait_dma2 semaphore(%arg13 : memref<!tpu.dma_semaphore, #tpu.memory_space<semaphore_mem>>) src(%arg8 : memref<125x16xf32, #tpu.memory_space<vmem>>) dst(%dma_wait3A_99 : memref<125x16xf32, #tpu.memory_space<vmem_shared>>)
      } else {
      }
      %add3A_50 = arith.constant 1 : i32
      %add3A_51 = arith.addi %mul3A_37, %add3A_50 : i32
      %dma_start3A_52 = arith.constant 0 : i32
      %dma_start3A_53 = arith.constant 0 : i32
      %dma_start3A_54 = tpu.memref_slice %arg3[%add3A, %add3A_51, %dma_start3A_52, %dma_start3A_53] : memref<32x80x125x16xf32, #tpu.memory_space<hbm>> -> memref<1x1x125x16xf32, #tpu.memory_space<hbm>>
      %dma_start3A_55 = tpu.memref_squeeze %dma_start3A_54 : memref<1x1x125x16xf32, #tpu.memory_space<hbm>> -> memref<125x16xf32, #tpu.memory_space<hbm>>
      %dma_start3A_56 = arith.constant 0 : i32
      %dma_start3A_57 = arith.constant 0 : i32
      %dma_start3A_58 = tpu.memref_slice %arg3[%add3A, %add3A_51, %dma_start3A_56, %dma_start3A_57] : memref<32x80x125x16xf32, #tpu.memory_space<hbm>> -> memref<1x1x125x16xf32, #tpu.memory_space<hbm>>
      %dma_start3A_59 = tpu.memref_squeeze %dma_start3A_58 : memref<1x1x125x16xf32, #tpu.memory_space<hbm>> -> memref<125x16xf32, #tpu.memory_space<hbm>>
      tpu.enqueue_dma source(%dma_start3A_59 : memref<125x16xf32, #tpu.memory_space<hbm>>) target(%arg8 : memref<125x16xf32, #tpu.memory_space<vmem>>) target_semaphore(%arg11 : memref<!tpu.dma_semaphore, #tpu.memory_space<semaphore_mem>>)
      %dma_start3A_60 = arith.constant 0 : i32
      %dma_start3A_61 = tpu.memref_slice %arg6[%mul3A_37, %dma_start3A_60] : memref<80x125xi32, #tpu.memory_space<vmem>> -> memref<1x125xi32, #tpu.memory_space<vmem>>
      %dma_start3A_62 = tpu.memref_squeeze %dma_start3A_61 : memref<1x125xi32, #tpu.memory_space<vmem>> -> memref<125xi32, #tpu.memory_space<vmem>>
      %dma_start3A_63 = arith.constant 0 : i32
      %dma_start3A_64 = arith.constant 0 : i32
      %dma_start3A_65 = tpu.memref_slice %arg9[%dma_start3A_63, %dma_start3A_64] : memref<10000x16xf32, #tpu.memory_space<vmem_shared>> -> memref<10000x16xf32, #tpu.memory_space<vmem_shared>>
      tpu.enqueue_indirect_dma source(%arg7 : memref<125x16xf32, #tpu.memory_space<vmem>>) target(%dma_start3A_65 : memref<10000x16xf32, #tpu.memory_space<vmem_shared>>) offsets(%dma_start3A_62 : memref<125xi32, #tpu.memory_space<vmem>>) semaphore(%arg12 : memref<!tpu.dma_semaphore, #tpu.memory_space<semaphore_mem>>) {add = true}
      %add3A_66 = arith.constant 1 : i32
      %add3A_67 = arith.addi %mul3A_37, %add3A_66 : i32
      %dma_wait3A_68 = arith.constant 0 : i32
      %dma_wait3A_69 = arith.constant 0 : i32
      %dma_wait3A_70 = tpu.memref_slice %arg3[%add3A, %add3A_67, %dma_wait3A_68, %dma_wait3A_69] : memref<32x80x125x16xf32, #tpu.memory_space<hbm>> -> memref<1x1x125x16xf32, #tpu.memory_space<hbm>>
      %dma_wait3A_71 = tpu.memref_squeeze %dma_wait3A_70 : memref<1x1x125x16xf32, #tpu.memory_space<hbm>> -> memref<125x16xf32, #tpu.memory_space<hbm>>
      %dma_wait3A_72 = arith.constant 0 : i32
      %dma_wait3A_73 = arith.constant 0 : i32
      %dma_wait3A_74 = tpu.memref_slice %arg3[%add3A, %add3A_67, %dma_wait3A_72, %dma_wait3A_73] : memref<32x80x125x16xf32, #tpu.memory_space<hbm>> -> memref<1x1x125x16xf32, #tpu.memory_space<hbm>>
      %dma_wait3A_75 = tpu.memref_squeeze %dma_wait3A_74 : memref<1x1x125x16xf32, #tpu.memory_space<hbm>> -> memref<125x16xf32, #tpu.memory_space<hbm>>
      tpu.wait_dma2 semaphore(%arg11 : memref<!tpu.dma_semaphore, #tpu.memory_space<semaphore_mem>>) src(%dma_wait3A_75 : memref<125x16xf32, #tpu.memory_space<hbm>>) dst(%arg8 : memref<125x16xf32, #tpu.memory_space<vmem>>)
      %dma_wait3A_76 = arith.constant 0 : i32
      %dma_wait3A_77 = arith.constant 0 : i32
      %dma_wait3A_78 = tpu.memref_slice %arg9[%dma_wait3A_76, %dma_wait3A_77] : memref<10000x16xf32, #tpu.memory_space<vmem_shared>> -> memref<125x16xf32, #tpu.memory_space<vmem_shared>>
      %dma_wait3A_79 = arith.constant 0 : i32
      %dma_wait3A_80 = arith.constant 0 : i32
      %dma_wait3A_81 = tpu.memref_slice %arg9[%dma_wait3A_79, %dma_wait3A_80] : memref<10000x16xf32, #tpu.memory_space<vmem_shared>> -> memref<125x16xf32, #tpu.memory_space<vmem_shared>>
      tpu.wait_dma2 semaphore(%arg12 : memref<!tpu.dma_semaphore, #tpu.memory_space<semaphore_mem>>) src(%arg7 : memref<125x16xf32, #tpu.memory_space<vmem>>) dst(%dma_wait3A_81 : memref<125x16xf32, #tpu.memory_space<vmem_shared>>)
      %add3A_82 = arith.constant 1 : i32
      %add3A_83 = arith.addi %add3A_67, %add3A_82 : i32
      %lt3A = arith.constant 80 : i32
      %lt3A_84 = arith.cmpi slt, %add3A_83, %lt3A : i32
      %convert_element_type3A_85 = arith.extui %lt3A_84 : i1 to i32
      %cond3A_86 = arith.constant 0 : i32
      %cond3A_87 = arith.cmpi ne, %convert_element_type3A_85, %cond3A_86 : i32
      scf.if %cond3A_87 {
        %add3A_94 = arith.constant 1 : i32
        %add3A_95 = arith.addi %add3A_67, %add3A_94 : i32
        %dma_start3A_96 = arith.constant 0 : i32
        %dma_start3A_97 = arith.constant 0 : i32
        %dma_start3A_98 = tpu.memref_slice %arg3[%add3A, %add3A_95, %dma_start3A_96, %dma_start3A_97] : memref<32x80x125x16xf32, #tpu.memory_space<hbm>> -> memref<1x1x125x16xf32, #tpu.memory_space<hbm>>
        %dma_start3A_99 = tpu.memref_squeeze %dma_start3A_98 : memref<1x1x125x16xf32, #tpu.memory_space<hbm>> -> memref<125x16xf32, #tpu.memory_space<hbm>>
        %dma_start3A_100 = arith.constant 0 : i32
        %dma_start3A_101 = arith.constant 0 : i32
        %dma_start3A_102 = tpu.memref_slice %arg3[%add3A, %add3A_95, %dma_start3A_100, %dma_start3A_101] : memref<32x80x125x16xf32, #tpu.memory_space<hbm>> -> memref<1x1x125x16xf32, #tpu.memory_space<hbm>>
        %dma_start3A_103 = tpu.memref_squeeze %dma_start3A_102 : memref<1x1x125x16xf32, #tpu.memory_space<hbm>> -> memref<125x16xf32, #tpu.memory_space<hbm>>
        tpu.enqueue_dma source(%dma_start3A_103 : memref<125x16xf32, #tpu.memory_space<hbm>>) target(%arg7 : memref<125x16xf32, #tpu.memory_space<vmem>>) target_semaphore(%arg10 : memref<!tpu.dma_semaphore, #tpu.memory_space<semaphore_mem>>)
      } else {
      }
      %dma_start3A_88 = arith.constant 0 : i32
      %dma_start3A_89 = tpu.memref_slice %arg6[%add3A_67, %dma_start3A_88] : memref<80x125xi32, #tpu.memory_space<vmem>> -> memref<1x125xi32, #tpu.memory_space<vmem>>
      %dma_start3A_90 = tpu.memref_squeeze %dma_start3A_89 : memref<1x125xi32, #tpu.memory_space<vmem>> -> memref<125xi32, #tpu.memory_space<vmem>>
      %dma_start3A_91 = arith.constant 0 : i32
      %dma_start3A_92 = arith.constant 0 : i32
      %dma_start3A_93 = tpu.memref_slice %arg9[%dma_start3A_91, %dma_start3A_92] : memref<10000x16xf32, #tpu.memory_space<vmem_shared>> -> memref<10000x16xf32, #tpu.memory_space<vmem_shared>>
      tpu.enqueue_indirect_dma source(%arg8 : memref<125x16xf32, #tpu.memory_space<vmem>>) target(%dma_start3A_93 : memref<10000x16xf32, #tpu.memory_space<vmem_shared>>) offsets(%dma_start3A_90 : memref<125xi32, #tpu.memory_space<vmem>>) semaphore(%arg13 : memref<!tpu.dma_semaphore, #tpu.memory_space<semaphore_mem>>) {add = true}
    }
    %scan3A_19 = arith.constant 40 : i32
    %dma_wait3A = arith.constant 0 : i32
    %dma_wait3A_20 = arith.constant 0 : i32
    %dma_wait3A_21 = tpu.memref_slice %arg9[%dma_wait3A, %dma_wait3A_20] : memref<10000x16xf32, #tpu.memory_space<vmem_shared>> -> memref<125x16xf32, #tpu.memory_space<vmem_shared>>
    %dma_wait3A_22 = arith.constant 0 : i32
    %dma_wait3A_23 = arith.constant 0 : i32
    %dma_wait3A_24 = tpu.memref_slice %arg9[%dma_wait3A_22, %dma_wait3A_23] : memref<10000x16xf32, #tpu.memory_space<vmem_shared>> -> memref<125x16xf32, #tpu.memory_space<vmem_shared>>
    tpu.wait_dma2 semaphore(%arg13 : memref<!tpu.dma_semaphore, #tpu.memory_space<semaphore_mem>>) src(%arg8 : memref<125x16xf32, #tpu.memory_space<vmem>>) dst(%dma_wait3A_24 : memref<125x16xf32, #tpu.memory_space<vmem_shared>>)
    %barrier3A_25 = arith.constant 0 : index
    tpu.barrier barrier_id(%barrier3A_25)
    %mul3A_26 = arith.constant 624 : i32
    %mul3A_27 = arith.muli %arg1, %mul3A_26 : i32
    %mul3A_28 = arith.constant 624 : i32
    %mul3A_29 = arith.muli %arg1, %mul3A_28 : i32
    "tpu.region"() ({
      %run_scoped3A = tpu.sem_alloc : memref<!tpu.dma_semaphore, #tpu.memory_space<semaphore_mem>>
      %dma_start3A_35 = arith.constant 0 : i32
      %dma_start3A_36 = arith.constant 0 : i32
      %dma_start3A_37 = tpu.memref_slice %arg5[%arg0, %dma_start3A_35, %dma_start3A_36] : memref<2x10000x16xf32, #tpu.memory_space<hbm>> -> memref<1x10000x16xf32, #tpu.memory_space<hbm>>
      %dma_start3A_38 = tpu.memref_squeeze %dma_start3A_37 : memref<1x10000x16xf32, #tpu.memory_space<hbm>> -> memref<10000x16xf32, #tpu.memory_space<hbm>>
      %dma_start3A_39 = arith.constant 0 : i32
      %dma_start3A_40 = tpu.memref_slice %dma_start3A_38[%mul3A_29, %dma_start3A_39] : memref<10000x16xf32, #tpu.memory_space<hbm>> -> memref<624x16xf32, #tpu.memory_space<hbm>>
      %dma_start3A_41 = arith.constant 0 : i32
      %dma_start3A_42 = tpu.memref_slice %arg9[%mul3A_27, %dma_start3A_41] : memref<10000x16xf32, #tpu.memory_space<vmem_shared>> -> memref<624x16xf32, #tpu.memory_space<vmem_shared>>
      tpu.enqueue_dma source(%dma_start3A_42 : memref<624x16xf32, #tpu.memory_space<vmem_shared>>) target(%dma_start3A_40 : memref<624x16xf32, #tpu.memory_space<hbm>>) target_semaphore(%run_scoped3A : memref<!tpu.dma_semaphore, #tpu.memory_space<semaphore_mem>>)
      %dma_wait3A_43 = arith.constant 0 : i32
      %dma_wait3A_44 = arith.constant 0 : i32
      %dma_wait3A_45 = tpu.memref_slice %arg5[%arg0, %dma_wait3A_43, %dma_wait3A_44] : memref<2x10000x16xf32, #tpu.memory_space<hbm>> -> memref<1x10000x16xf32, #tpu.memory_space<hbm>>
      %dma_wait3A_46 = tpu.memref_squeeze %dma_wait3A_45 : memref<1x10000x16xf32, #tpu.memory_space<hbm>> -> memref<10000x16xf32, #tpu.memory_space<hbm>>
      %dma_wait3A_47 = arith.constant 0 : i32
      %dma_wait3A_48 = tpu.memref_slice %dma_wait3A_46[%mul3A_29, %dma_wait3A_47] : memref<10000x16xf32, #tpu.memory_space<hbm>> -> memref<624x16xf32, #tpu.memory_space<hbm>>
      %dma_wait3A_49 = arith.constant 0 : i32
      %dma_wait3A_50 = tpu.memref_slice %arg9[%mul3A_27, %dma_wait3A_49] : memref<10000x16xf32, #tpu.memory_space<vmem_shared>> -> memref<624x16xf32, #tpu.memory_space<vmem_shared>>
      tpu.wait_dma2 semaphore(%run_scoped3A : memref<!tpu.dma_semaphore, #tpu.memory_space<semaphore_mem>>) src(%dma_wait3A_50 : memref<624x16xf32, #tpu.memory_space<vmem_shared>>) dst(%dma_wait3A_48 : memref<624x16xf32, #tpu.memory_space<hbm>>)
      tpu.yield
    }) : () -> ()
    %eq3A_30 = arith.constant 15 : i32
    %eq3A_31 = arith.cmpi eq, %arg1, %eq3A_30 : i32
    %convert_element_type3A_32 = arith.extui %eq3A_31 : i1 to i32
    %cond3A_33 = arith.constant 0 : i32
    %cond3A_34 = arith.cmpi ne, %convert_element_type3A_32, %cond3A_33 : i32
    scf.if %cond3A_34 {
      "tpu.region"() ({
        %run_scoped3A = tpu.sem_alloc : memref<!tpu.dma_semaphore, #tpu.memory_space<semaphore_mem>>
        %dma_start3A_35 = arith.constant 0 : i32
        %dma_start3A_36 = arith.constant 0 : i32
        %dma_start3A_37 = tpu.memref_slice %arg5[%arg0, %dma_start3A_35, %dma_start3A_36] : memref<2x10000x16xf32, #tpu.memory_space<hbm>> -> memref<1x10000x16xf32, #tpu.memory_space<hbm>>
        %dma_start3A_38 = tpu.memref_squeeze %dma_start3A_37 : memref<1x10000x16xf32, #tpu.memory_space<hbm>> -> memref<10000x16xf32, #tpu.memory_space<hbm>>
        %dma_start3A_39 = arith.constant 9984 : i32
        %dma_start3A_40 = arith.constant 0 : i32
        %dma_start3A_41 = tpu.memref_slice %dma_start3A_38[%dma_start3A_39, %dma_start3A_40] : memref<10000x16xf32, #tpu.memory_space<hbm>> -> memref<16x16xf32, #tpu.memory_space<hbm>>
        %dma_start3A_42 = arith.constant 9984 : i32
        %dma_start3A_43 = arith.constant 0 : i32
        %dma_start3A_44 = tpu.memref_slice %arg9[%dma_start3A_42, %dma_start3A_43] : memref<10000x16xf32, #tpu.memory_space<vmem_shared>> -> memref<16x16xf32, #tpu.memory_space<vmem_shared>>
        tpu.enqueue_dma source(%dma_start3A_44 : memref<16x16xf32, #tpu.memory_space<vmem_shared>>) target(%dma_start3A_41 : memref<16x16xf32, #tpu.memory_space<hbm>>) target_semaphore(%run_scoped3A : memref<!tpu.dma_semaphore, #tpu.memory_space<semaphore_mem>>)
        %dma_wait3A_45 = arith.constant 0 : i32
        %dma_wait3A_46 = arith.constant 0 : i32
        %dma_wait3A_47 = tpu.memref_slice %arg5[%arg0, %dma_wait3A_45, %dma_wait3A_46] : memref<2x10000x16xf32, #tpu.memory_space<hbm>> -> memref<1x10000x16xf32, #tpu.memory_space<hbm>>
        %dma_wait3A_48 = tpu.memref_squeeze %dma_wait3A_47 : memref<1x10000x16xf32, #tpu.memory_space<hbm>> -> memref<10000x16xf32, #tpu.memory_space<hbm>>
        %dma_wait3A_49 = arith.constant 9984 : i32
        %dma_wait3A_50 = arith.constant 0 : i32
        %dma_wait3A_51 = tpu.memref_slice %dma_wait3A_48[%dma_wait3A_49, %dma_wait3A_50] : memref<10000x16xf32, #tpu.memory_space<hbm>> -> memref<16x16xf32, #tpu.memory_space<hbm>>
        %dma_wait3A_52 = arith.constant 9984 : i32
        %dma_wait3A_53 = arith.constant 0 : i32
        %dma_wait3A_54 = tpu.memref_slice %arg9[%dma_wait3A_52, %dma_wait3A_53] : memref<10000x16xf32, #tpu.memory_space<vmem_shared>> -> memref<16x16xf32, #tpu.memory_space<vmem_shared>>
        tpu.wait_dma2 semaphore(%run_scoped3A : memref<!tpu.dma_semaphore, #tpu.memory_space<semaphore_mem>>) src(%dma_wait3A_54 : memref<16x16xf32, #tpu.memory_space<vmem_shared>>) dst(%dma_wait3A_51 : memref<16x16xf32, #tpu.memory_space<hbm>>)
        tpu.yield
      }) : () -> ()
    } else {
    }
    return
  }
}

#map = affine_map<(d0, d1) -> (0, 0)>
#map1 = affine_map<(d0, d1) -> (0, 0, 0)>
#map2 = affine_map<(d0, d1) -> (0, 0, 0, 0)>
module attributes {stable_mosaic.version = 14 : i64} {
  func.func @mp(%arg0: i32, %arg1: i32, %arg2: memref<10000x64xf32, #tpu.memory_space<hbm>>, %arg3: memref<32x80x125xi32, #tpu.memory_space<hbm>>, %arg4: memref<32x80x125xi32, #tpu.memory_space<hbm>>, %arg5: memref<32x80x125x16xf32, #tpu.memory_space<hbm>>, %arg6: memref<10000x64xf32, #tpu.memory_space<hbm>>, %arg7: memref<2x10000x64xf32, #tpu.memory_space<hbm>>, %arg8: memref<80x125xi32, #tpu.memory_space<vmem>>, %arg9: memref<80x125xi32, #tpu.memory_space<vmem>>, %arg10: memref<125x16xf32, #tpu.memory_space<vmem>>, %arg11: memref<125x16xf32, #tpu.memory_space<vmem>>, %arg12: memref<125x64xf32, #tpu.memory_space<vmem>>, %arg13: memref<125x64xf32, #tpu.memory_space<vmem>>, %arg14: memref<10000x64xf32, #tpu.memory_space<vmem_shared>>, %arg15: memref<!tpu.dma_semaphore, #tpu.memory_space<semaphore_mem>>, %arg16: memref<!tpu.dma_semaphore, #tpu.memory_space<semaphore_mem>>, %arg17: memref<!tpu.dma_semaphore, #tpu.memory_space<semaphore_mem>>, %arg18: memref<!tpu.dma_semaphore, #tpu.memory_space<semaphore_mem>>, %arg19: memref<!tpu.dma_semaphore, #tpu.memory_space<semaphore_mem>>, %arg20: memref<!tpu.dma_semaphore, #tpu.memory_space<semaphore_mem>>) attributes {dimension_semantics = [#tpu.dimension_semantics<core_parallel>, #tpu.dimension_semantics<subcore_parallel>], iteration_bounds = array<i64: 2, 16>, scalar_prefetch = 0 : i64, scratch_operands = 13 : i64, tpu.core_type = #tpu.core_type<sc_vector_subcore>, window_params = [{transform_indices = #map}, {transform_indices = #map1}, {transform_indices = #map1}, {transform_indices = #map2}, {transform_indices = #map}, {transform_indices = #map1}]} {
    %mul3A = arith.constant 2 : i32
    %mul3A_0 = arith.muli %arg1, %mul3A : i32
    %add3A = arith.addi %mul3A_0, %arg0 : i32
    "tpu.region"() ({
      %run_scoped3A = tpu.sem_alloc : memref<!tpu.dma_semaphore, #tpu.memory_space<semaphore_mem>>
      %dma_start3A_42 = arith.constant 0 : i32
      %dma_start3A_43 = arith.constant 0 : i32
      %dma_start3A_44 = tpu.memref_slice %arg3[%add3A, %dma_start3A_42, %dma_start3A_43] : memref<32x80x125xi32, #tpu.memory_space<hbm>> -> memref<1x80x125xi32, #tpu.memory_space<hbm>>
      %dma_start3A_45 = tpu.memref_squeeze %dma_start3A_44 : memref<1x80x125xi32, #tpu.memory_space<hbm>> -> memref<80x125xi32, #tpu.memory_space<hbm>>
      %dma_start3A_46 = arith.constant 0 : i32
      %dma_start3A_47 = arith.constant 0 : i32
      %dma_start3A_48 = tpu.memref_slice %arg3[%add3A, %dma_start3A_46, %dma_start3A_47] : memref<32x80x125xi32, #tpu.memory_space<hbm>> -> memref<1x80x125xi32, #tpu.memory_space<hbm>>
      %dma_start3A_49 = tpu.memref_squeeze %dma_start3A_48 : memref<1x80x125xi32, #tpu.memory_space<hbm>> -> memref<80x125xi32, #tpu.memory_space<hbm>>
      tpu.enqueue_dma source(%dma_start3A_49 : memref<80x125xi32, #tpu.memory_space<hbm>>) target(%arg8 : memref<80x125xi32, #tpu.memory_space<vmem>>) target_semaphore(%run_scoped3A : memref<!tpu.dma_semaphore, #tpu.memory_space<semaphore_mem>>)
      %dma_wait3A_50 = arith.constant 0 : i32
      %dma_wait3A_51 = arith.constant 0 : i32
      %dma_wait3A_52 = tpu.memref_slice %arg3[%add3A, %dma_wait3A_50, %dma_wait3A_51] : memref<32x80x125xi32, #tpu.memory_space<hbm>> -> memref<1x80x125xi32, #tpu.memory_space<hbm>>
      %dma_wait3A_53 = tpu.memref_squeeze %dma_wait3A_52 : memref<1x80x125xi32, #tpu.memory_space<hbm>> -> memref<80x125xi32, #tpu.memory_space<hbm>>
      %dma_wait3A_54 = arith.constant 0 : i32
      %dma_wait3A_55 = arith.constant 0 : i32
      %dma_wait3A_56 = tpu.memref_slice %arg3[%add3A, %dma_wait3A_54, %dma_wait3A_55] : memref<32x80x125xi32, #tpu.memory_space<hbm>> -> memref<1x80x125xi32, #tpu.memory_space<hbm>>
      %dma_wait3A_57 = tpu.memref_squeeze %dma_wait3A_56 : memref<1x80x125xi32, #tpu.memory_space<hbm>> -> memref<80x125xi32, #tpu.memory_space<hbm>>
      tpu.wait_dma2 semaphore(%run_scoped3A : memref<!tpu.dma_semaphore, #tpu.memory_space<semaphore_mem>>) src(%dma_wait3A_57 : memref<80x125xi32, #tpu.memory_space<hbm>>) dst(%arg8 : memref<80x125xi32, #tpu.memory_space<vmem>>)
      tpu.yield
    }) : () -> ()
    "tpu.region"() ({
      %run_scoped3A = tpu.sem_alloc : memref<!tpu.dma_semaphore, #tpu.memory_space<semaphore_mem>>
      %dma_start3A_42 = arith.constant 0 : i32
      %dma_start3A_43 = arith.constant 0 : i32
      %dma_start3A_44 = tpu.memref_slice %arg4[%add3A, %dma_start3A_42, %dma_start3A_43] : memref<32x80x125xi32, #tpu.memory_space<hbm>> -> memref<1x80x125xi32, #tpu.memory_space<hbm>>
      %dma_start3A_45 = tpu.memref_squeeze %dma_start3A_44 : memref<1x80x125xi32, #tpu.memory_space<hbm>> -> memref<80x125xi32, #tpu.memory_space<hbm>>
      %dma_start3A_46 = arith.constant 0 : i32
      %dma_start3A_47 = arith.constant 0 : i32
      %dma_start3A_48 = tpu.memref_slice %arg4[%add3A, %dma_start3A_46, %dma_start3A_47] : memref<32x80x125xi32, #tpu.memory_space<hbm>> -> memref<1x80x125xi32, #tpu.memory_space<hbm>>
      %dma_start3A_49 = tpu.memref_squeeze %dma_start3A_48 : memref<1x80x125xi32, #tpu.memory_space<hbm>> -> memref<80x125xi32, #tpu.memory_space<hbm>>
      tpu.enqueue_dma source(%dma_start3A_49 : memref<80x125xi32, #tpu.memory_space<hbm>>) target(%arg9 : memref<80x125xi32, #tpu.memory_space<vmem>>) target_semaphore(%run_scoped3A : memref<!tpu.dma_semaphore, #tpu.memory_space<semaphore_mem>>)
      %dma_wait3A_50 = arith.constant 0 : i32
      %dma_wait3A_51 = arith.constant 0 : i32
      %dma_wait3A_52 = tpu.memref_slice %arg4[%add3A, %dma_wait3A_50, %dma_wait3A_51] : memref<32x80x125xi32, #tpu.memory_space<hbm>> -> memref<1x80x125xi32, #tpu.memory_space<hbm>>
      %dma_wait3A_53 = tpu.memref_squeeze %dma_wait3A_52 : memref<1x80x125xi32, #tpu.memory_space<hbm>> -> memref<80x125xi32, #tpu.memory_space<hbm>>
      %dma_wait3A_54 = arith.constant 0 : i32
      %dma_wait3A_55 = arith.constant 0 : i32
      %dma_wait3A_56 = tpu.memref_slice %arg4[%add3A, %dma_wait3A_54, %dma_wait3A_55] : memref<32x80x125xi32, #tpu.memory_space<hbm>> -> memref<1x80x125xi32, #tpu.memory_space<hbm>>
      %dma_wait3A_57 = tpu.memref_squeeze %dma_wait3A_56 : memref<1x80x125xi32, #tpu.memory_space<hbm>> -> memref<80x125xi32, #tpu.memory_space<hbm>>
      tpu.wait_dma2 semaphore(%run_scoped3A : memref<!tpu.dma_semaphore, #tpu.memory_space<semaphore_mem>>) src(%dma_wait3A_57 : memref<80x125xi32, #tpu.memory_space<hbm>>) dst(%arg9 : memref<80x125xi32, #tpu.memory_space<vmem>>)
      tpu.yield
    }) : () -> ()
    %mul3A_1 = arith.constant 624 : i32
    %mul3A_2 = arith.muli %arg1, %mul3A_1 : i32
    %mul3A_3 = arith.constant 624 : i32
    %mul3A_4 = arith.muli %arg1, %mul3A_3 : i32
    "tpu.region"() ({
      %run_scoped3A = tpu.sem_alloc : memref<!tpu.dma_semaphore, #tpu.memory_space<semaphore_mem>>
      %dma_start3A_42 = arith.constant 0 : i32
      %dma_start3A_43 = tpu.memref_slice %arg14[%mul3A_4, %dma_start3A_42] : memref<10000x64xf32, #tpu.memory_space<vmem_shared>> -> memref<624x64xf32, #tpu.memory_space<vmem_shared>>
      %dma_start3A_44 = arith.constant 0 : i32
      %dma_start3A_45 = tpu.memref_slice %arg6[%mul3A_2, %dma_start3A_44] : memref<10000x64xf32, #tpu.memory_space<hbm>> -> memref<624x64xf32, #tpu.memory_space<hbm>>
      tpu.enqueue_dma source(%dma_start3A_45 : memref<624x64xf32, #tpu.memory_space<hbm>>) target(%dma_start3A_43 : memref<624x64xf32, #tpu.memory_space<vmem_shared>>) target_semaphore(%run_scoped3A : memref<!tpu.dma_semaphore, #tpu.memory_space<semaphore_mem>>)
      %dma_wait3A_46 = arith.constant 0 : i32
      %dma_wait3A_47 = tpu.memref_slice %arg14[%mul3A_4, %dma_wait3A_46] : memref<10000x64xf32, #tpu.memory_space<vmem_shared>> -> memref<624x64xf32, #tpu.memory_space<vmem_shared>>
      %dma_wait3A_48 = arith.constant 0 : i32
      %dma_wait3A_49 = tpu.memref_slice %arg6[%mul3A_2, %dma_wait3A_48] : memref<10000x64xf32, #tpu.memory_space<hbm>> -> memref<624x64xf32, #tpu.memory_space<hbm>>
      tpu.wait_dma2 semaphore(%run_scoped3A : memref<!tpu.dma_semaphore, #tpu.memory_space<semaphore_mem>>) src(%dma_wait3A_49 : memref<624x64xf32, #tpu.memory_space<hbm>>) dst(%dma_wait3A_47 : memref<624x64xf32, #tpu.memory_space<vmem_shared>>)
      tpu.yield
    }) : () -> ()
    %eq3A = arith.constant 15 : i32
    %eq3A_5 = arith.cmpi eq, %arg1, %eq3A : i32
    %convert_element_type3A = arith.extui %eq3A_5 : i1 to i32
    %cond3A = arith.constant 0 : i32
    %cond3A_6 = arith.cmpi ne, %convert_element_type3A, %cond3A : i32
    scf.if %cond3A_6 {
      "tpu.region"() ({
        %run_scoped3A = tpu.sem_alloc : memref<!tpu.dma_semaphore, #tpu.memory_space<semaphore_mem>>
        %dma_start3A_42 = arith.constant 9984 : i32
        %dma_start3A_43 = arith.constant 0 : i32
        %dma_start3A_44 = tpu.memref_slice %arg14[%dma_start3A_42, %dma_start3A_43] : memref<10000x64xf32, #tpu.memory_space<vmem_shared>> -> memref<16x64xf32, #tpu.memory_space<vmem_shared>>
        %dma_start3A_45 = arith.constant 9984 : i32
        %dma_start3A_46 = arith.constant 0 : i32
        %dma_start3A_47 = tpu.memref_slice %arg6[%dma_start3A_45, %dma_start3A_46] : memref<10000x64xf32, #tpu.memory_space<hbm>> -> memref<16x64xf32, #tpu.memory_space<hbm>>
        tpu.enqueue_dma source(%dma_start3A_47 : memref<16x64xf32, #tpu.memory_space<hbm>>) target(%dma_start3A_44 : memref<16x64xf32, #tpu.memory_space<vmem_shared>>) target_semaphore(%run_scoped3A : memref<!tpu.dma_semaphore, #tpu.memory_space<semaphore_mem>>)
        %dma_wait3A_48 = arith.constant 9984 : i32
        %dma_wait3A_49 = arith.constant 0 : i32
        %dma_wait3A_50 = tpu.memref_slice %arg14[%dma_wait3A_48, %dma_wait3A_49] : memref<10000x64xf32, #tpu.memory_space<vmem_shared>> -> memref<16x64xf32, #tpu.memory_space<vmem_shared>>
        %dma_wait3A_51 = arith.constant 9984 : i32
        %dma_wait3A_52 = arith.constant 0 : i32
        %dma_wait3A_53 = tpu.memref_slice %arg6[%dma_wait3A_51, %dma_wait3A_52] : memref<10000x64xf32, #tpu.memory_space<hbm>> -> memref<16x64xf32, #tpu.memory_space<hbm>>
        tpu.wait_dma2 semaphore(%run_scoped3A : memref<!tpu.dma_semaphore, #tpu.memory_space<semaphore_mem>>) src(%dma_wait3A_53 : memref<16x64xf32, #tpu.memory_space<hbm>>) dst(%dma_wait3A_50 : memref<16x64xf32, #tpu.memory_space<vmem_shared>>)
        tpu.yield
      }) : () -> ()
    } else {
    }
    %barrier3A = arith.constant 0 : index
    tpu.barrier barrier_id(%barrier3A)
    %dma_start3A = arith.constant 0 : i32
    %dma_start3A_7 = arith.constant 0 : i32
    %dma_start3A_8 = tpu.memref_slice %arg8[%dma_start3A, %dma_start3A_7] : memref<80x125xi32, #tpu.memory_space<vmem>> -> memref<1x125xi32, #tpu.memory_space<vmem>>
    %dma_start3A_9 = tpu.memref_squeeze %dma_start3A_8 : memref<1x125xi32, #tpu.memory_space<vmem>> -> memref<125xi32, #tpu.memory_space<vmem>>
    %dma_start3A_10 = arith.constant 0 : i32
    %dma_start3A_11 = arith.constant 0 : i32
    %dma_start3A_12 = tpu.memref_slice %arg2[%dma_start3A_10, %dma_start3A_11] : memref<10000x64xf32, #tpu.memory_space<hbm>> -> memref<10000x64xf32, #tpu.memory_space<hbm>>
    tpu.enqueue_indirect_dma source(%dma_start3A_12 : memref<10000x64xf32, #tpu.memory_space<hbm>>) target(%arg12 : memref<125x64xf32, #tpu.memory_space<vmem>>) offsets(%dma_start3A_9 : memref<125xi32, #tpu.memory_space<vmem>>) semaphore(%arg15 : memref<!tpu.dma_semaphore, #tpu.memory_space<semaphore_mem>>)
    %dma_start3A_13 = arith.constant 0 : i32
    %dma_start3A_14 = arith.constant 0 : i32
    %dma_start3A_15 = arith.constant 0 : i32
    %dma_start3A_16 = tpu.memref_slice %arg5[%add3A, %dma_start3A_13, %dma_start3A_14, %dma_start3A_15] : memref<32x80x125x16xf32, #tpu.memory_space<hbm>> -> memref<1x1x125x16xf32, #tpu.memory_space<hbm>>
    %dma_start3A_17 = tpu.memref_squeeze %dma_start3A_16 : memref<1x1x125x16xf32, #tpu.memory_space<hbm>> -> memref<125x16xf32, #tpu.memory_space<hbm>>
    %dma_start3A_18 = arith.constant 0 : i32
    %dma_start3A_19 = arith.constant 0 : i32
    %dma_start3A_20 = tpu.memref_slice %arg5[%add3A, %dma_start3A_13, %dma_start3A_18, %dma_start3A_19] : memref<32x80x125x16xf32, #tpu.memory_space<hbm>> -> memref<1x1x125x16xf32, #tpu.memory_space<hbm>>
    %dma_start3A_21 = tpu.memref_squeeze %dma_start3A_20 : memref<1x1x125x16xf32, #tpu.memory_space<hbm>> -> memref<125x16xf32, #tpu.memory_space<hbm>>
    tpu.enqueue_dma source(%dma_start3A_21 : memref<125x16xf32, #tpu.memory_space<hbm>>) target(%arg10 : memref<125x16xf32, #tpu.memory_space<vmem>>) target_semaphore(%arg17 : memref<!tpu.dma_semaphore, #tpu.memory_space<semaphore_mem>>)
    %scan3A = arith.constant 0 : i32
    %scan3A_22 = arith.constant 0 : i32
    %scan3A_23 = arith.constant 40 : i32
    %scan3A_24 = arith.addi %scan3A_22, %scan3A_23 : i32
    %scan3A_25 = arith.constant 1 : i32
    scf.for %scan3A_42 = %scan3A_22 to %scan3A_24 step %scan3A_25  : i32 {
      %mul3A_43 = arith.constant 2 : i32
      %mul3A_44 = arith.muli %scan3A_42, %mul3A_43 : i32
      %dma_wait3A_45 = arith.constant 0 : i32
      %dma_wait3A_46 = tpu.memref_slice %arg8[%mul3A_44, %dma_wait3A_45] : memref<80x125xi32, #tpu.memory_space<vmem>> -> memref<1x125xi32, #tpu.memory_space<vmem>>
      %dma_wait3A_47 = tpu.memref_squeeze %dma_wait3A_46 : memref<1x125xi32, #tpu.memory_space<vmem>> -> memref<125xi32, #tpu.memory_space<vmem>>
      %dma_wait3A_48 = arith.constant 0 : i32
      %dma_wait3A_49 = arith.constant 0 : i32
      %dma_wait3A_50 = tpu.memref_slice %arg2[%dma_wait3A_48, %dma_wait3A_49] : memref<10000x64xf32, #tpu.memory_space<hbm>> -> memref<10000x64xf32, #tpu.memory_space<hbm>>
      tpu.wait_indirect_dma semaphore(%arg15 : memref<!tpu.dma_semaphore, #tpu.memory_space<semaphore_mem>>) src(%dma_wait3A_50 : memref<10000x64xf32, #tpu.memory_space<hbm>>) dst(%arg12 : memref<125x64xf32, #tpu.memory_space<vmem>>)
      %dma_wait3A_51 = arith.constant 0 : i32
      %dma_wait3A_52 = arith.constant 0 : i32
      %dma_wait3A_53 = tpu.memref_slice %arg5[%add3A, %mul3A_44, %dma_wait3A_51, %dma_wait3A_52] : memref<32x80x125x16xf32, #tpu.memory_space<hbm>> -> memref<1x1x125x16xf32, #tpu.memory_space<hbm>>
      %dma_wait3A_54 = tpu.memref_squeeze %dma_wait3A_53 : memref<1x1x125x16xf32, #tpu.memory_space<hbm>> -> memref<125x16xf32, #tpu.memory_space<hbm>>
      %dma_wait3A_55 = arith.constant 0 : i32
      %dma_wait3A_56 = arith.constant 0 : i32
      %dma_wait3A_57 = tpu.memref_slice %arg5[%add3A, %mul3A_44, %dma_wait3A_55, %dma_wait3A_56] : memref<32x80x125x16xf32, #tpu.memory_space<hbm>> -> memref<1x1x125x16xf32, #tpu.memory_space<hbm>>
      %dma_wait3A_58 = tpu.memref_squeeze %dma_wait3A_57 : memref<1x1x125x16xf32, #tpu.memory_space<hbm>> -> memref<125x16xf32, #tpu.memory_space<hbm>>
      tpu.wait_dma2 semaphore(%arg17 : memref<!tpu.dma_semaphore, #tpu.memory_space<semaphore_mem>>) src(%dma_wait3A_58 : memref<125x16xf32, #tpu.memory_space<hbm>>) dst(%arg10 : memref<125x16xf32, #tpu.memory_space<vmem>>)
      %gt3A = arith.constant 0 : i32
      %gt3A_59 = arith.cmpi sgt, %scan3A_42, %gt3A : i32
      %convert_element_type3A_60 = arith.extui %gt3A_59 : i1 to i32
      %cond3A_61 = arith.constant 0 : i32
      %cond3A_62 = arith.cmpi ne, %convert_element_type3A_60, %cond3A_61 : i32
      scf.if %cond3A_62 {
        %dma_wait3A_131 = arith.constant 0 : i32
        %dma_wait3A_132 = arith.constant 0 : i32
        %dma_wait3A_133 = tpu.memref_slice %arg14[%dma_wait3A_131, %dma_wait3A_132] : memref<10000x64xf32, #tpu.memory_space<vmem_shared>> -> memref<125x64xf32, #tpu.memory_space<vmem_shared>>
        %dma_wait3A_134 = arith.constant 0 : i32
        %dma_wait3A_135 = arith.constant 0 : i32
        %dma_wait3A_136 = tpu.memref_slice %arg14[%dma_wait3A_134, %dma_wait3A_135] : memref<10000x64xf32, #tpu.memory_space<vmem_shared>> -> memref<125x64xf32, #tpu.memory_space<vmem_shared>>
        tpu.wait_dma2 semaphore(%arg20 : memref<!tpu.dma_semaphore, #tpu.memory_space<semaphore_mem>>) src(%arg13 : memref<125x64xf32, #tpu.memory_space<vmem>>) dst(%dma_wait3A_136 : memref<125x64xf32, #tpu.memory_space<vmem_shared>>)
      } else {
      }
      %add3A_63 = arith.constant 1 : i32
      %add3A_64 = arith.addi %mul3A_44, %add3A_63 : i32
      %dma_start3A_65 = arith.constant 0 : i32
      %dma_start3A_66 = tpu.memref_slice %arg8[%add3A_64, %dma_start3A_65] : memref<80x125xi32, #tpu.memory_space<vmem>> -> memref<1x125xi32, #tpu.memory_space<vmem>>
      %dma_start3A_67 = tpu.memref_squeeze %dma_start3A_66 : memref<1x125xi32, #tpu.memory_space<vmem>> -> memref<125xi32, #tpu.memory_space<vmem>>
      %dma_start3A_68 = arith.constant 0 : i32
      %dma_start3A_69 = arith.constant 0 : i32
      %dma_start3A_70 = tpu.memref_slice %arg2[%dma_start3A_68, %dma_start3A_69] : memref<10000x64xf32, #tpu.memory_space<hbm>> -> memref<10000x64xf32, #tpu.memory_space<hbm>>
      tpu.enqueue_indirect_dma source(%dma_start3A_70 : memref<10000x64xf32, #tpu.memory_space<hbm>>) target(%arg13 : memref<125x64xf32, #tpu.memory_space<vmem>>) offsets(%dma_start3A_67 : memref<125xi32, #tpu.memory_space<vmem>>) semaphore(%arg16 : memref<!tpu.dma_semaphore, #tpu.memory_space<semaphore_mem>>)
      %dma_start3A_71 = arith.constant 0 : i32
      %dma_start3A_72 = arith.constant 0 : i32
      %dma_start3A_73 = tpu.memref_slice %arg5[%add3A, %add3A_64, %dma_start3A_71, %dma_start3A_72] : memref<32x80x125x16xf32, #tpu.memory_space<hbm>> -> memref<1x1x125x16xf32, #tpu.memory_space<hbm>>
      %dma_start3A_74 = tpu.memref_squeeze %dma_start3A_73 : memref<1x1x125x16xf32, #tpu.memory_space<hbm>> -> memref<125x16xf32, #tpu.memory_space<hbm>>
      %dma_start3A_75 = arith.constant 0 : i32
      %dma_start3A_76 = arith.constant 0 : i32
      %dma_start3A_77 = tpu.memref_slice %arg5[%add3A, %add3A_64, %dma_start3A_75, %dma_start3A_76] : memref<32x80x125x16xf32, #tpu.memory_space<hbm>> -> memref<1x1x125x16xf32, #tpu.memory_space<hbm>>
      %dma_start3A_78 = tpu.memref_squeeze %dma_start3A_77 : memref<1x1x125x16xf32, #tpu.memory_space<hbm>> -> memref<125x16xf32, #tpu.memory_space<hbm>>
      tpu.enqueue_dma source(%dma_start3A_78 : memref<125x16xf32, #tpu.memory_space<hbm>>) target(%arg11 : memref<125x16xf32, #tpu.memory_space<vmem>>) target_semaphore(%arg18 : memref<!tpu.dma_semaphore, #tpu.memory_space<semaphore_mem>>)
      %scan3A_79 = arith.constant 0 : i32
      %scan3A_80 = arith.constant 0 : i32
      %scan3A_81 = arith.constant 125 : i32
      %scan3A_82 = arith.addi %scan3A_80, %scan3A_81 : i32
      %scan3A_83 = arith.constant 5 : i32
      scf.for %scan3A_131 = %scan3A_80 to %scan3A_82 step %scan3A_83  : i32 {
        %get3A = arith.index_cast %scan3A_131 : i32 to index
        %get3A_132 = arith.constant 0 : index
        %get3A_133 = tpu.vector_load %arg10[%get3A, %get3A_132] {strides = array<i32>} : memref<125x16xf32, #tpu.memory_space<vmem>>, vector<1x16xf32>,
        %get3A_134 = vector.shape_cast %get3A_133 : vector<1x16xf32> to vector<16xf32>
        %get3A_135 = arith.index_cast %scan3A_131 : i32 to index
        %get3A_136 = arith.constant 0 : index
        %get3A_137 = tpu.vector_load %arg12[%get3A_135, %get3A_136] {strides = array<i32>} : memref<125x64xf32, #tpu.memory_space<vmem>>, vector<1x16xf32>,
        %get3A_138 = vector.shape_cast %get3A_137 : vector<1x16xf32> to vector<16xf32>
        %mul3A_139 = arith.mulf %get3A_138, %get3A_134 : vector<16xf32>
        %swap3A = arith.index_cast %scan3A_131 : i32 to index
        %swap3A_140 = arith.constant 0 : index
        %swap3A_141 = tpu.vector_load %arg12[%swap3A, %swap3A_140] {strides = array<i32>} : memref<125x64xf32, #tpu.memory_space<vmem>>, vector<1x16xf32>,
        %swap3A_142 = vector.shape_cast %swap3A_141 : vector<1x16xf32> to vector<16xf32>
        %swap3A_143 = vector.shape_cast %mul3A_139 : vector<16xf32> to vector<1x16xf32>
        tpu.vector_store %arg12[%swap3A, %swap3A_140], %swap3A_143 {strides = array<i32>} : memref<125x64xf32, #tpu.memory_space<vmem>>, vector<1x16xf32>,
        %get3A_144 = arith.index_cast %scan3A_131 : i32 to index
        %get3A_145 = arith.constant 16 : index
        %get3A_146 = tpu.vector_load %arg12[%get3A_144, %get3A_145] {strides = array<i32>} : memref<125x64xf32, #tpu.memory_space<vmem>>, vector<1x16xf32>,
        %get3A_147 = vector.shape_cast %get3A_146 : vector<1x16xf32> to vector<16xf32>
        %mul3A_148 = arith.mulf %get3A_147, %get3A_134 : vector<16xf32>
        %swap3A_149 = arith.index_cast %scan3A_131 : i32 to index
        %swap3A_150 = arith.constant 16 : index
        %swap3A_151 = tpu.vector_load %arg12[%swap3A_149, %swap3A_150] {strides = array<i32>} : memref<125x64xf32, #tpu.memory_space<vmem>>, vector<1x16xf32>,
        %swap3A_152 = vector.shape_cast %swap3A_151 : vector<1x16xf32> to vector<16xf32>
        %swap3A_153 = vector.shape_cast %mul3A_148 : vector<16xf32> to vector<1x16xf32>
        tpu.vector_store %arg12[%swap3A_149, %swap3A_150], %swap3A_153 {strides = array<i32>} : memref<125x64xf32, #tpu.memory_space<vmem>>, vector<1x16xf32>,
        %get3A_154 = arith.index_cast %scan3A_131 : i32 to index
        %get3A_155 = arith.constant 32 : index
        %get3A_156 = tpu.vector_load %arg12[%get3A_154, %get3A_155] {strides = array<i32>} : memref<125x64xf32, #tpu.memory_space<vmem>>, vector<1x16xf32>,
        %get3A_157 = vector.shape_cast %get3A_156 : vector<1x16xf32> to vector<16xf32>
        %mul3A_158 = arith.mulf %get3A_157, %get3A_134 : vector<16xf32>
        %swap3A_159 = arith.index_cast %scan3A_131 : i32 to index
        %swap3A_160 = arith.constant 32 : index
        %swap3A_161 = tpu.vector_load %arg12[%swap3A_159, %swap3A_160] {strides = array<i32>} : memref<125x64xf32, #tpu.memory_space<vmem>>, vector<1x16xf32>,
        %swap3A_162 = vector.shape_cast %swap3A_161 : vector<1x16xf32> to vector<16xf32>
        %swap3A_163 = vector.shape_cast %mul3A_158 : vector<16xf32> to vector<1x16xf32>
        tpu.vector_store %arg12[%swap3A_159, %swap3A_160], %swap3A_163 {strides = array<i32>} : memref<125x64xf32, #tpu.memory_space<vmem>>, vector<1x16xf32>,
        %get3A_164 = arith.index_cast %scan3A_131 : i32 to index
        %get3A_165 = arith.constant 48 : index
        %get3A_166 = tpu.vector_load %arg12[%get3A_164, %get3A_165] {strides = array<i32>} : memref<125x64xf32, #tpu.memory_space<vmem>>, vector<1x16xf32>,
        %get3A_167 = vector.shape_cast %get3A_166 : vector<1x16xf32> to vector<16xf32>
        %mul3A_168 = arith.mulf %get3A_167, %get3A_134 : vector<16xf32>
        %swap3A_169 = arith.index_cast %scan3A_131 : i32 to index
        %swap3A_170 = arith.constant 48 : index
        %swap3A_171 = tpu.vector_load %arg12[%swap3A_169, %swap3A_170] {strides = array<i32>} : memref<125x64xf32, #tpu.memory_space<vmem>>, vector<1x16xf32>,
        %swap3A_172 = vector.shape_cast %swap3A_171 : vector<1x16xf32> to vector<16xf32>
        %swap3A_173 = vector.shape_cast %mul3A_168 : vector<16xf32> to vector<1x16xf32>
        tpu.vector_store %arg12[%swap3A_169, %swap3A_170], %swap3A_173 {strides = array<i32>} : memref<125x64xf32, #tpu.memory_space<vmem>>, vector<1x16xf32>,
        %scan3A_174 = arith.constant 1 : i32
        %scan3A_175 = arith.addi %scan3A_131, %scan3A_174 : i32
        %get3A_176 = arith.index_cast %scan3A_175 : i32 to index
        %get3A_177 = arith.constant 0 : index
        %get3A_178 = tpu.vector_load %arg10[%get3A_176, %get3A_177] {strides = array<i32>} : memref<125x16xf32, #tpu.memory_space<vmem>>, vector<1x16xf32>,
        %get3A_179 = vector.shape_cast %get3A_178 : vector<1x16xf32> to vector<16xf32>
        %get3A_180 = arith.index_cast %scan3A_175 : i32 to index
        %get3A_181 = arith.constant 0 : index
        %get3A_182 = tpu.vector_load %arg12[%get3A_180, %get3A_181] {strides = array<i32>} : memref<125x64xf32, #tpu.memory_space<vmem>>, vector<1x16xf32>,
        %get3A_183 = vector.shape_cast %get3A_182 : vector<1x16xf32> to vector<16xf32>
        %mul3A_184 = arith.mulf %get3A_183, %get3A_179 : vector<16xf32>
        %swap3A_185 = arith.index_cast %scan3A_175 : i32 to index
        %swap3A_186 = arith.constant 0 : index
        %swap3A_187 = tpu.vector_load %arg12[%swap3A_185, %swap3A_186] {strides = array<i32>} : memref<125x64xf32, #tpu.memory_space<vmem>>, vector<1x16xf32>,
        %swap3A_188 = vector.shape_cast %swap3A_187 : vector<1x16xf32> to vector<16xf32>
        %swap3A_189 = vector.shape_cast %mul3A_184 : vector<16xf32> to vector<1x16xf32>
        tpu.vector_store %arg12[%swap3A_185, %swap3A_186], %swap3A_189 {strides = array<i32>} : memref<125x64xf32, #tpu.memory_space<vmem>>, vector<1x16xf32>,
        %get3A_190 = arith.index_cast %scan3A_175 : i32 to index
        %get3A_191 = arith.constant 16 : index
        %get3A_192 = tpu.vector_load %arg12[%get3A_190, %get3A_191] {strides = array<i32>} : memref<125x64xf32, #tpu.memory_space<vmem>>, vector<1x16xf32>,
        %get3A_193 = vector.shape_cast %get3A_192 : vector<1x16xf32> to vector<16xf32>
        %mul3A_194 = arith.mulf %get3A_193, %get3A_179 : vector<16xf32>
        %swap3A_195 = arith.index_cast %scan3A_175 : i32 to index
        %swap3A_196 = arith.constant 16 : index
        %swap3A_197 = tpu.vector_load %arg12[%swap3A_195, %swap3A_196] {strides = array<i32>} : memref<125x64xf32, #tpu.memory_space<vmem>>, vector<1x16xf32>,
        %swap3A_198 = vector.shape_cast %swap3A_197 : vector<1x16xf32> to vector<16xf32>
        %swap3A_199 = vector.shape_cast %mul3A_194 : vector<16xf32> to vector<1x16xf32>
        tpu.vector_store %arg12[%swap3A_195, %swap3A_196], %swap3A_199 {strides = array<i32>} : memref<125x64xf32, #tpu.memory_space<vmem>>, vector<1x16xf32>,
        %get3A_200 = arith.index_cast %scan3A_175 : i32 to index
        %get3A_201 = arith.constant 32 : index
        %get3A_202 = tpu.vector_load %arg12[%get3A_200, %get3A_201] {strides = array<i32>} : memref<125x64xf32, #tpu.memory_space<vmem>>, vector<1x16xf32>,
        %get3A_203 = vector.shape_cast %get3A_202 : vector<1x16xf32> to vector<16xf32>
        %mul3A_204 = arith.mulf %get3A_203, %get3A_179 : vector<16xf32>
        %swap3A_205 = arith.index_cast %scan3A_175 : i32 to index
        %swap3A_206 = arith.constant 32 : index
        %swap3A_207 = tpu.vector_load %arg12[%swap3A_205, %swap3A_206] {strides = array<i32>} : memref<125x64xf32, #tpu.memory_space<vmem>>, vector<1x16xf32>,
        %swap3A_208 = vector.shape_cast %swap3A_207 : vector<1x16xf32> to vector<16xf32>
        %swap3A_209 = vector.shape_cast %mul3A_204 : vector<16xf32> to vector<1x16xf32>
        tpu.vector_store %arg12[%swap3A_205, %swap3A_206], %swap3A_209 {strides = array<i32>} : memref<125x64xf32, #tpu.memory_space<vmem>>, vector<1x16xf32>,
        %get3A_210 = arith.index_cast %scan3A_175 : i32 to index
        %get3A_211 = arith.constant 48 : index
        %get3A_212 = tpu.vector_load %arg12[%get3A_210, %get3A_211] {strides = array<i32>} : memref<125x64xf32, #tpu.memory_space<vmem>>, vector<1x16xf32>,
        %get3A_213 = vector.shape_cast %get3A_212 : vector<1x16xf32> to vector<16xf32>
        %mul3A_214 = arith.mulf %get3A_213, %get3A_179 : vector<16xf32>
        %swap3A_215 = arith.index_cast %scan3A_175 : i32 to index
        %swap3A_216 = arith.constant 48 : index
        %swap3A_217 = tpu.vector_load %arg12[%swap3A_215, %swap3A_216] {strides = array<i32>} : memref<125x64xf32, #tpu.memory_space<vmem>>, vector<1x16xf32>,
        %swap3A_218 = vector.shape_cast %swap3A_217 : vector<1x16xf32> to vector<16xf32>
        %swap3A_219 = vector.shape_cast %mul3A_214 : vector<16xf32> to vector<1x16xf32>
        tpu.vector_store %arg12[%swap3A_215, %swap3A_216], %swap3A_219 {strides = array<i32>} : memref<125x64xf32, #tpu.memory_space<vmem>>, vector<1x16xf32>,
        %scan3A_220 = arith.constant 2 : i32
        %scan3A_221 = arith.addi %scan3A_131, %scan3A_220 : i32
        %get3A_222 = arith.index_cast %scan3A_221 : i32 to index
        %get3A_223 = arith.constant 0 : index
        %get3A_224 = tpu.vector_load %arg10[%get3A_222, %get3A_223] {strides = array<i32>} : memref<125x16xf32, #tpu.memory_space<vmem>>, vector<1x16xf32>,
        %get3A_225 = vector.shape_cast %get3A_224 : vector<1x16xf32> to vector<16xf32>
        %get3A_226 = arith.index_cast %scan3A_221 : i32 to index
        %get3A_227 = arith.constant 0 : index
        %get3A_228 = tpu.vector_load %arg12[%get3A_226, %get3A_227] {strides = array<i32>} : memref<125x64xf32, #tpu.memory_space<vmem>>, vector<1x16xf32>,
        %get3A_229 = vector.shape_cast %get3A_228 : vector<1x16xf32> to vector<16xf32>
        %mul3A_230 = arith.mulf %get3A_229, %get3A_225 : vector<16xf32>
        %swap3A_231 = arith.index_cast %scan3A_221 : i32 to index
        %swap3A_232 = arith.constant 0 : index
        %swap3A_233 = tpu.vector_load %arg12[%swap3A_231, %swap3A_232] {strides = array<i32>} : memref<125x64xf32, #tpu.memory_space<vmem>>, vector<1x16xf32>,
        %swap3A_234 = vector.shape_cast %swap3A_233 : vector<1x16xf32> to vector<16xf32>
        %swap3A_235 = vector.shape_cast %mul3A_230 : vector<16xf32> to vector<1x16xf32>
        tpu.vector_store %arg12[%swap3A_231, %swap3A_232], %swap3A_235 {strides = array<i32>} : memref<125x64xf32, #tpu.memory_space<vmem>>, vector<1x16xf32>,
        %get3A_236 = arith.index_cast %scan3A_221 : i32 to index
        %get3A_237 = arith.constant 16 : index
        %get3A_238 = tpu.vector_load %arg12[%get3A_236, %get3A_237] {strides = array<i32>} : memref<125x64xf32, #tpu.memory_space<vmem>>, vector<1x16xf32>,
        %get3A_239 = vector.shape_cast %get3A_238 : vector<1x16xf32> to vector<16xf32>
        %mul3A_240 = arith.mulf %get3A_239, %get3A_225 : vector<16xf32>
        %swap3A_241 = arith.index_cast %scan3A_221 : i32 to index
        %swap3A_242 = arith.constant 16 : index
        %swap3A_243 = tpu.vector_load %arg12[%swap3A_241, %swap3A_242] {strides = array<i32>} : memref<125x64xf32, #tpu.memory_space<vmem>>, vector<1x16xf32>,
        %swap3A_244 = vector.shape_cast %swap3A_243 : vector<1x16xf32> to vector<16xf32>
        %swap3A_245 = vector.shape_cast %mul3A_240 : vector<16xf32> to vector<1x16xf32>
        tpu.vector_store %arg12[%swap3A_241, %swap3A_242], %swap3A_245 {strides = array<i32>} : memref<125x64xf32, #tpu.memory_space<vmem>>, vector<1x16xf32>,
        %get3A_246 = arith.index_cast %scan3A_221 : i32 to index
        %get3A_247 = arith.constant 32 : index
        %get3A_248 = tpu.vector_load %arg12[%get3A_246, %get3A_247] {strides = array<i32>} : memref<125x64xf32, #tpu.memory_space<vmem>>, vector<1x16xf32>,
        %get3A_249 = vector.shape_cast %get3A_248 : vector<1x16xf32> to vector<16xf32>
        %mul3A_250 = arith.mulf %get3A_249, %get3A_225 : vector<16xf32>
        %swap3A_251 = arith.index_cast %scan3A_221 : i32 to index
        %swap3A_252 = arith.constant 32 : index
        %swap3A_253 = tpu.vector_load %arg12[%swap3A_251, %swap3A_252] {strides = array<i32>} : memref<125x64xf32, #tpu.memory_space<vmem>>, vector<1x16xf32>,
        %swap3A_254 = vector.shape_cast %swap3A_253 : vector<1x16xf32> to vector<16xf32>
        %swap3A_255 = vector.shape_cast %mul3A_250 : vector<16xf32> to vector<1x16xf32>
        tpu.vector_store %arg12[%swap3A_251, %swap3A_252], %swap3A_255 {strides = array<i32>} : memref<125x64xf32, #tpu.memory_space<vmem>>, vector<1x16xf32>,
        %get3A_256 = arith.index_cast %scan3A_221 : i32 to index
        %get3A_257 = arith.constant 48 : index
        %get3A_258 = tpu.vector_load %arg12[%get3A_256, %get3A_257] {strides = array<i32>} : memref<125x64xf32, #tpu.memory_space<vmem>>, vector<1x16xf32>,
        %get3A_259 = vector.shape_cast %get3A_258 : vector<1x16xf32> to vector<16xf32>
        %mul3A_260 = arith.mulf %get3A_259, %get3A_225 : vector<16xf32>
        %swap3A_261 = arith.index_cast %scan3A_221 : i32 to index
        %swap3A_262 = arith.constant 48 : index
        %swap3A_263 = tpu.vector_load %arg12[%swap3A_261, %swap3A_262] {strides = array<i32>} : memref<125x64xf32, #tpu.memory_space<vmem>>, vector<1x16xf32>,
        %swap3A_264 = vector.shape_cast %swap3A_263 : vector<1x16xf32> to vector<16xf32>
        %swap3A_265 = vector.shape_cast %mul3A_260 : vector<16xf32> to vector<1x16xf32>
        tpu.vector_store %arg12[%swap3A_261, %swap3A_262], %swap3A_265 {strides = array<i32>} : memref<125x64xf32, #tpu.memory_space<vmem>>, vector<1x16xf32>,
        %scan3A_266 = arith.constant 3 : i32
        %scan3A_267 = arith.addi %scan3A_131, %scan3A_266 : i32
        %get3A_268 = arith.index_cast %scan3A_267 : i32 to index
        %get3A_269 = arith.constant 0 : index
        %get3A_270 = tpu.vector_load %arg10[%get3A_268, %get3A_269] {strides = array<i32>} : memref<125x16xf32, #tpu.memory_space<vmem>>, vector<1x16xf32>,
        %get3A_271 = vector.shape_cast %get3A_270 : vector<1x16xf32> to vector<16xf32>
        %get3A_272 = arith.index_cast %scan3A_267 : i32 to index
        %get3A_273 = arith.constant 0 : index
        %get3A_274 = tpu.vector_load %arg12[%get3A_272, %get3A_273] {strides = array<i32>} : memref<125x64xf32, #tpu.memory_space<vmem>>, vector<1x16xf32>,
        %get3A_275 = vector.shape_cast %get3A_274 : vector<1x16xf32> to vector<16xf32>
        %mul3A_276 = arith.mulf %get3A_275, %get3A_271 : vector<16xf32>
        %swap3A_277 = arith.index_cast %scan3A_267 : i32 to index
        %swap3A_278 = arith.constant 0 : index
        %swap3A_279 = tpu.vector_load %arg12[%swap3A_277, %swap3A_278] {strides = array<i32>} : memref<125x64xf32, #tpu.memory_space<vmem>>, vector<1x16xf32>,
        %swap3A_280 = vector.shape_cast %swap3A_279 : vector<1x16xf32> to vector<16xf32>
        %swap3A_281 = vector.shape_cast %mul3A_276 : vector<16xf32> to vector<1x16xf32>
        tpu.vector_store %arg12[%swap3A_277, %swap3A_278], %swap3A_281 {strides = array<i32>} : memref<125x64xf32, #tpu.memory_space<vmem>>, vector<1x16xf32>,
        %get3A_282 = arith.index_cast %scan3A_267 : i32 to index
        %get3A_283 = arith.constant 16 : index
        %get3A_284 = tpu.vector_load %arg12[%get3A_282, %get3A_283] {strides = array<i32>} : memref<125x64xf32, #tpu.memory_space<vmem>>, vector<1x16xf32>,
        %get3A_285 = vector.shape_cast %get3A_284 : vector<1x16xf32> to vector<16xf32>
        %mul3A_286 = arith.mulf %get3A_285, %get3A_271 : vector<16xf32>
        %swap3A_287 = arith.index_cast %scan3A_267 : i32 to index
        %swap3A_288 = arith.constant 16 : index
        %swap3A_289 = tpu.vector_load %arg12[%swap3A_287, %swap3A_288] {strides = array<i32>} : memref<125x64xf32, #tpu.memory_space<vmem>>, vector<1x16xf32>,
        %swap3A_290 = vector.shape_cast %swap3A_289 : vector<1x16xf32> to vector<16xf32>
        %swap3A_291 = vector.shape_cast %mul3A_286 : vector<16xf32> to vector<1x16xf32>
        tpu.vector_store %arg12[%swap3A_287, %swap3A_288], %swap3A_291 {strides = array<i32>} : memref<125x64xf32, #tpu.memory_space<vmem>>, vector<1x16xf32>,
        %get3A_292 = arith.index_cast %scan3A_267 : i32 to index
        %get3A_293 = arith.constant 32 : index
        %get3A_294 = tpu.vector_load %arg12[%get3A_292, %get3A_293] {strides = array<i32>} : memref<125x64xf32, #tpu.memory_space<vmem>>, vector<1x16xf32>,
        %get3A_295 = vector.shape_cast %get3A_294 : vector<1x16xf32> to vector<16xf32>
        %mul3A_296 = arith.mulf %get3A_295, %get3A_271 : vector<16xf32>
        %swap3A_297 = arith.index_cast %scan3A_267 : i32 to index
        %swap3A_298 = arith.constant 32 : index
        %swap3A_299 = tpu.vector_load %arg12[%swap3A_297, %swap3A_298] {strides = array<i32>} : memref<125x64xf32, #tpu.memory_space<vmem>>, vector<1x16xf32>,
        %swap3A_300 = vector.shape_cast %swap3A_299 : vector<1x16xf32> to vector<16xf32>
        %swap3A_301 = vector.shape_cast %mul3A_296 : vector<16xf32> to vector<1x16xf32>
        tpu.vector_store %arg12[%swap3A_297, %swap3A_298], %swap3A_301 {strides = array<i32>} : memref<125x64xf32, #tpu.memory_space<vmem>>, vector<1x16xf32>,
        %get3A_302 = arith.index_cast %scan3A_267 : i32 to index
        %get3A_303 = arith.constant 48 : index
        %get3A_304 = tpu.vector_load %arg12[%get3A_302, %get3A_303] {strides = array<i32>} : memref<125x64xf32, #tpu.memory_space<vmem>>, vector<1x16xf32>,
        %get3A_305 = vector.shape_cast %get3A_304 : vector<1x16xf32> to vector<16xf32>
        %mul3A_306 = arith.mulf %get3A_305, %get3A_271 : vector<16xf32>
        %swap3A_307 = arith.index_cast %scan3A_267 : i32 to index
        %swap3A_308 = arith.constant 48 : index
        %swap3A_309 = tpu.vector_load %arg12[%swap3A_307, %swap3A_308] {strides = array<i32>} : memref<125x64xf32, #tpu.memory_space<vmem>>, vector<1x16xf32>,
        %swap3A_310 = vector.shape_cast %swap3A_309 : vector<1x16xf32> to vector<16xf32>
        %swap3A_311 = vector.shape_cast %mul3A_306 : vector<16xf32> to vector<1x16xf32>
        tpu.vector_store %arg12[%swap3A_307, %swap3A_308], %swap3A_311 {strides = array<i32>} : memref<125x64xf32, #tpu.memory_space<vmem>>, vector<1x16xf32>,
        %scan3A_312 = arith.constant 4 : i32
        %scan3A_313 = arith.addi %scan3A_131, %scan3A_312 : i32
        %get3A_314 = arith.index_cast %scan3A_313 : i32 to index
        %get3A_315 = arith.constant 0 : index
        %get3A_316 = tpu.vector_load %arg10[%get3A_314, %get3A_315] {strides = array<i32>} : memref<125x16xf32, #tpu.memory_space<vmem>>, vector<1x16xf32>,
        %get3A_317 = vector.shape_cast %get3A_316 : vector<1x16xf32> to vector<16xf32>
        %get3A_318 = arith.index_cast %scan3A_313 : i32 to index
        %get3A_319 = arith.constant 0 : index
        %get3A_320 = tpu.vector_load %arg12[%get3A_318, %get3A_319] {strides = array<i32>} : memref<125x64xf32, #tpu.memory_space<vmem>>, vector<1x16xf32>,
        %get3A_321 = vector.shape_cast %get3A_320 : vector<1x16xf32> to vector<16xf32>
        %mul3A_322 = arith.mulf %get3A_321, %get3A_317 : vector<16xf32>
        %swap3A_323 = arith.index_cast %scan3A_313 : i32 to index
        %swap3A_324 = arith.constant 0 : index
        %swap3A_325 = tpu.vector_load %arg12[%swap3A_323, %swap3A_324] {strides = array<i32>} : memref<125x64xf32, #tpu.memory_space<vmem>>, vector<1x16xf32>,
        %swap3A_326 = vector.shape_cast %swap3A_325 : vector<1x16xf32> to vector<16xf32>
        %swap3A_327 = vector.shape_cast %mul3A_322 : vector<16xf32> to vector<1x16xf32>
        tpu.vector_store %arg12[%swap3A_323, %swap3A_324], %swap3A_327 {strides = array<i32>} : memref<125x64xf32, #tpu.memory_space<vmem>>, vector<1x16xf32>,
        %get3A_328 = arith.index_cast %scan3A_313 : i32 to index
        %get3A_329 = arith.constant 16 : index
        %get3A_330 = tpu.vector_load %arg12[%get3A_328, %get3A_329] {strides = array<i32>} : memref<125x64xf32, #tpu.memory_space<vmem>>, vector<1x16xf32>,
        %get3A_331 = vector.shape_cast %get3A_330 : vector<1x16xf32> to vector<16xf32>
        %mul3A_332 = arith.mulf %get3A_331, %get3A_317 : vector<16xf32>
        %swap3A_333 = arith.index_cast %scan3A_313 : i32 to index
        %swap3A_334 = arith.constant 16 : index
        %swap3A_335 = tpu.vector_load %arg12[%swap3A_333, %swap3A_334] {strides = array<i32>} : memref<125x64xf32, #tpu.memory_space<vmem>>, vector<1x16xf32>,
        %swap3A_336 = vector.shape_cast %swap3A_335 : vector<1x16xf32> to vector<16xf32>
        %swap3A_337 = vector.shape_cast %mul3A_332 : vector<16xf32> to vector<1x16xf32>
        tpu.vector_store %arg12[%swap3A_333, %swap3A_334], %swap3A_337 {strides = array<i32>} : memref<125x64xf32, #tpu.memory_space<vmem>>, vector<1x16xf32>,
        %get3A_338 = arith.index_cast %scan3A_313 : i32 to index
        %get3A_339 = arith.constant 32 : index
        %get3A_340 = tpu.vector_load %arg12[%get3A_338, %get3A_339] {strides = array<i32>} : memref<125x64xf32, #tpu.memory_space<vmem>>, vector<1x16xf32>,
        %get3A_341 = vector.shape_cast %get3A_340 : vector<1x16xf32> to vector<16xf32>
        %mul3A_342 = arith.mulf %get3A_341, %get3A_317 : vector<16xf32>
        %swap3A_343 = arith.index_cast %scan3A_313 : i32 to index
        %swap3A_344 = arith.constant 32 : index
        %swap3A_345 = tpu.vector_load %arg12[%swap3A_343, %swap3A_344] {strides = array<i32>} : memref<125x64xf32, #tpu.memory_space<vmem>>, vector<1x16xf32>,
        %swap3A_346 = vector.shape_cast %swap3A_345 : vector<1x16xf32> to vector<16xf32>
        %swap3A_347 = vector.shape_cast %mul3A_342 : vector<16xf32> to vector<1x16xf32>
        tpu.vector_store %arg12[%swap3A_343, %swap3A_344], %swap3A_347 {strides = array<i32>} : memref<125x64xf32, #tpu.memory_space<vmem>>, vector<1x16xf32>,
        %get3A_348 = arith.index_cast %scan3A_313 : i32 to index
        %get3A_349 = arith.constant 48 : index
        %get3A_350 = tpu.vector_load %arg12[%get3A_348, %get3A_349] {strides = array<i32>} : memref<125x64xf32, #tpu.memory_space<vmem>>, vector<1x16xf32>,
        %get3A_351 = vector.shape_cast %get3A_350 : vector<1x16xf32> to vector<16xf32>
        %mul3A_352 = arith.mulf %get3A_351, %get3A_317 : vector<16xf32>
        %swap3A_353 = arith.index_cast %scan3A_313 : i32 to index
        %swap3A_354 = arith.constant 48 : index
        %swap3A_355 = tpu.vector_load %arg12[%swap3A_353, %swap3A_354] {strides = array<i32>} : memref<125x64xf32, #tpu.memory_space<vmem>>, vector<1x16xf32>,
        %swap3A_356 = vector.shape_cast %swap3A_355 : vector<1x16xf32> to vector<16xf32>
        %swap3A_357 = vector.shape_cast %mul3A_352 : vector<16xf32> to vector<1x16xf32>
        tpu.vector_store %arg12[%swap3A_353, %swap3A_354], %swap3A_357 {strides = array<i32>} : memref<125x64xf32, #tpu.memory_space<vmem>>, vector<1x16xf32>,
      }
      %scan3A_84 = arith.constant 125 : i32
      %dma_start3A_85 = arith.constant 0 : i32
      %dma_start3A_86 = tpu.memref_slice %arg9[%mul3A_44, %dma_start3A_85] : memref<80x125xi32, #tpu.memory_space<vmem>> -> memref<1x125xi32, #tpu.memory_space<vmem>>
      %dma_start3A_87 = tpu.memref_squeeze %dma_start3A_86 : memref<1x125xi32, #tpu.memory_space<vmem>> -> memref<125xi32, #tpu.memory_space<vmem>>
      %dma_start3A_88 = arith.constant 0 : i32
      %dma_start3A_89 = arith.constant 0 : i32
      %dma_start3A_90 = tpu.memref_slice %arg14[%dma_start3A_88, %dma_start3A_89] : memref<10000x64xf32, #tpu.memory_space<vmem_shared>> -> memref<10000x64xf32, #tpu.memory_space<vmem_shared>>
      tpu.enqueue_indirect_dma source(%arg12 : memref<125x64xf32, #tpu.memory_space<vmem>>) target(%dma_start3A_90 : memref<10000x64xf32, #tpu.memory_space<vmem_shared>>) offsets(%dma_start3A_87 : memref<125xi32, #tpu.memory_space<vmem>>) semaphore(%arg19 : memref<!tpu.dma_semaphore, #tpu.memory_space<semaphore_mem>>) {add = true}
      %add3A_91 = arith.constant 1 : i32
      %add3A_92 = arith.addi %mul3A_44, %add3A_91 : i32
      %dma_wait3A_93 = arith.constant 0 : i32
      %dma_wait3A_94 = tpu.memref_slice %arg8[%add3A_92, %dma_wait3A_93] : memref<80x125xi32, #tpu.memory_space<vmem>> -> memref<1x125xi32, #tpu.memory_space<vmem>>
      %dma_wait3A_95 = tpu.memref_squeeze %dma_wait3A_94 : memref<1x125xi32, #tpu.memory_space<vmem>> -> memref<125xi32, #tpu.memory_space<vmem>>
      %dma_wait3A_96 = arith.constant 0 : i32
      %dma_wait3A_97 = arith.constant 0 : i32
      %dma_wait3A_98 = tpu.memref_slice %arg2[%dma_wait3A_96, %dma_wait3A_97] : memref<10000x64xf32, #tpu.memory_space<hbm>> -> memref<10000x64xf32, #tpu.memory_space<hbm>>
      tpu.wait_indirect_dma semaphore(%arg16 : memref<!tpu.dma_semaphore, #tpu.memory_space<semaphore_mem>>) src(%dma_wait3A_98 : memref<10000x64xf32, #tpu.memory_space<hbm>>) dst(%arg13 : memref<125x64xf32, #tpu.memory_space<vmem>>)
      %dma_wait3A_99 = arith.constant 0 : i32
      %dma_wait3A_100 = arith.constant 0 : i32
      %dma_wait3A_101 = tpu.memref_slice %arg5[%add3A, %add3A_92, %dma_wait3A_99, %dma_wait3A_100] : memref<32x80x125x16xf32, #tpu.memory_space<hbm>> -> memref<1x1x125x16xf32, #tpu.memory_space<hbm>>
      %dma_wait3A_102 = tpu.memref_squeeze %dma_wait3A_101 : memref<1x1x125x16xf32, #tpu.memory_space<hbm>> -> memref<125x16xf32, #tpu.memory_space<hbm>>
      %dma_wait3A_103 = arith.constant 0 : i32
      %dma_wait3A_104 = arith.constant 0 : i32
      %dma_wait3A_105 = tpu.memref_slice %arg5[%add3A, %add3A_92, %dma_wait3A_103, %dma_wait3A_104] : memref<32x80x125x16xf32, #tpu.memory_space<hbm>> -> memref<1x1x125x16xf32, #tpu.memory_space<hbm>>
      %dma_wait3A_106 = tpu.memref_squeeze %dma_wait3A_105 : memref<1x1x125x16xf32, #tpu.memory_space<hbm>> -> memref<125x16xf32, #tpu.memory_space<hbm>>
      tpu.wait_dma2 semaphore(%arg18 : memref<!tpu.dma_semaphore, #tpu.memory_space<semaphore_mem>>) src(%dma_wait3A_106 : memref<125x16xf32, #tpu.memory_space<hbm>>) dst(%arg11 : memref<125x16xf32, #tpu.memory_space<vmem>>)
      %dma_wait3A_107 = arith.constant 0 : i32
      %dma_wait3A_108 = arith.constant 0 : i32
      %dma_wait3A_109 = tpu.memref_slice %arg14[%dma_wait3A_107, %dma_wait3A_108] : memref<10000x64xf32, #tpu.memory_space<vmem_shared>> -> memref<125x64xf32, #tpu.memory_space<vmem_shared>>
      %dma_wait3A_110 = arith.constant 0 : i32
      %dma_wait3A_111 = arith.constant 0 : i32
      %dma_wait3A_112 = tpu.memref_slice %arg14[%dma_wait3A_110, %dma_wait3A_111] : memref<10000x64xf32, #tpu.memory_space<vmem_shared>> -> memref<125x64xf32, #tpu.memory_space<vmem_shared>>
      tpu.wait_dma2 semaphore(%arg19 : memref<!tpu.dma_semaphore, #tpu.memory_space<semaphore_mem>>) src(%arg12 : memref<125x64xf32, #tpu.memory_space<vmem>>) dst(%dma_wait3A_112 : memref<125x64xf32, #tpu.memory_space<vmem_shared>>)
      %add3A_113 = arith.constant 1 : i32
      %add3A_114 = arith.addi %add3A_92, %add3A_113 : i32
      %lt3A = arith.constant 80 : i32
      %lt3A_115 = arith.cmpi slt, %add3A_114, %lt3A : i32
      %convert_element_type3A_116 = arith.extui %lt3A_115 : i1 to i32
      %cond3A_117 = arith.constant 0 : i32
      %cond3A_118 = arith.cmpi ne, %convert_element_type3A_116, %cond3A_117 : i32
      scf.if %cond3A_118 {
        %add3A_131 = arith.constant 1 : i32
        %add3A_132 = arith.addi %add3A_92, %add3A_131 : i32
        %dma_start3A_133 = arith.constant 0 : i32
        %dma_start3A_134 = tpu.memref_slice %arg8[%add3A_132, %dma_start3A_133] : memref<80x125xi32, #tpu.memory_space<vmem>> -> memref<1x125xi32, #tpu.memory_space<vmem>>
        %dma_start3A_135 = tpu.memref_squeeze %dma_start3A_134 : memref<1x125xi32, #tpu.memory_space<vmem>> -> memref<125xi32, #tpu.memory_space<vmem>>
        %dma_start3A_136 = arith.constant 0 : i32
        %dma_start3A_137 = arith.constant 0 : i32
        %dma_start3A_138 = tpu.memref_slice %arg2[%dma_start3A_136, %dma_start3A_137] : memref<10000x64xf32, #tpu.memory_space<hbm>> -> memref<10000x64xf32, #tpu.memory_space<hbm>>
        tpu.enqueue_indirect_dma source(%dma_start3A_138 : memref<10000x64xf32, #tpu.memory_space<hbm>>) target(%arg12 : memref<125x64xf32, #tpu.memory_space<vmem>>) offsets(%dma_start3A_135 : memref<125xi32, #tpu.memory_space<vmem>>) semaphore(%arg15 : memref<!tpu.dma_semaphore, #tpu.memory_space<semaphore_mem>>)
        %dma_start3A_139 = arith.constant 0 : i32
        %dma_start3A_140 = arith.constant 0 : i32
        %dma_start3A_141 = tpu.memref_slice %arg5[%add3A, %add3A_132, %dma_start3A_139, %dma_start3A_140] : memref<32x80x125x16xf32, #tpu.memory_space<hbm>> -> memref<1x1x125x16xf32, #tpu.memory_space<hbm>>
        %dma_start3A_142 = tpu.memref_squeeze %dma_start3A_141 : memref<1x1x125x16xf32, #tpu.memory_space<hbm>> -> memref<125x16xf32, #tpu.memory_space<hbm>>
        %dma_start3A_143 = arith.constant 0 : i32
        %dma_start3A_144 = arith.constant 0 : i32
        %dma_start3A_145 = tpu.memref_slice %arg5[%add3A, %add3A_132, %dma_start3A_143, %dma_start3A_144] : memref<32x80x125x16xf32, #tpu.memory_space<hbm>> -> memref<1x1x125x16xf32, #tpu.memory_space<hbm>>
        %dma_start3A_146 = tpu.memref_squeeze %dma_start3A_145 : memref<1x1x125x16xf32, #tpu.memory_space<hbm>> -> memref<125x16xf32, #tpu.memory_space<hbm>>
        tpu.enqueue_dma source(%dma_start3A_146 : memref<125x16xf32, #tpu.memory_space<hbm>>) target(%arg10 : memref<125x16xf32, #tpu.memory_space<vmem>>) target_semaphore(%arg17 : memref<!tpu.dma_semaphore, #tpu.memory_space<semaphore_mem>>)
      } else {
      }
      %scan3A_119 = arith.constant 0 : i32
      %scan3A_120 = arith.constant 0 : i32
      %scan3A_121 = arith.constant 125 : i32
      %scan3A_122 = arith.addi %scan3A_120, %scan3A_121 : i32
      %scan3A_123 = arith.constant 5 : i32
      scf.for %scan3A_131 = %scan3A_120 to %scan3A_122 step %scan3A_123  : i32 {
        %get3A = arith.index_cast %scan3A_131 : i32 to index
        %get3A_132 = arith.constant 0 : index
        %get3A_133 = tpu.vector_load %arg11[%get3A, %get3A_132] {strides = array<i32>} : memref<125x16xf32, #tpu.memory_space<vmem>>, vector<1x16xf32>,
        %get3A_134 = vector.shape_cast %get3A_133 : vector<1x16xf32> to vector<16xf32>
        %get3A_135 = arith.index_cast %scan3A_131 : i32 to index
        %get3A_136 = arith.constant 0 : index
        %get3A_137 = tpu.vector_load %arg13[%get3A_135, %get3A_136] {strides = array<i32>} : memref<125x64xf32, #tpu.memory_space<vmem>>, vector<1x16xf32>,
        %get3A_138 = vector.shape_cast %get3A_137 : vector<1x16xf32> to vector<16xf32>
        %mul3A_139 = arith.mulf %get3A_138, %get3A_134 : vector<16xf32>
        %swap3A = arith.index_cast %scan3A_131 : i32 to index
        %swap3A_140 = arith.constant 0 : index
        %swap3A_141 = tpu.vector_load %arg13[%swap3A, %swap3A_140] {strides = array<i32>} : memref<125x64xf32, #tpu.memory_space<vmem>>, vector<1x16xf32>,
        %swap3A_142 = vector.shape_cast %swap3A_141 : vector<1x16xf32> to vector<16xf32>
        %swap3A_143 = vector.shape_cast %mul3A_139 : vector<16xf32> to vector<1x16xf32>
        tpu.vector_store %arg13[%swap3A, %swap3A_140], %swap3A_143 {strides = array<i32>} : memref<125x64xf32, #tpu.memory_space<vmem>>, vector<1x16xf32>,
        %get3A_144 = arith.index_cast %scan3A_131 : i32 to index
        %get3A_145 = arith.constant 16 : index
        %get3A_146 = tpu.vector_load %arg13[%get3A_144, %get3A_145] {strides = array<i32>} : memref<125x64xf32, #tpu.memory_space<vmem>>, vector<1x16xf32>,
        %get3A_147 = vector.shape_cast %get3A_146 : vector<1x16xf32> to vector<16xf32>
        %mul3A_148 = arith.mulf %get3A_147, %get3A_134 : vector<16xf32>
        %swap3A_149 = arith.index_cast %scan3A_131 : i32 to index
        %swap3A_150 = arith.constant 16 : index
        %swap3A_151 = tpu.vector_load %arg13[%swap3A_149, %swap3A_150] {strides = array<i32>} : memref<125x64xf32, #tpu.memory_space<vmem>>, vector<1x16xf32>,
        %swap3A_152 = vector.shape_cast %swap3A_151 : vector<1x16xf32> to vector<16xf32>
        %swap3A_153 = vector.shape_cast %mul3A_148 : vector<16xf32> to vector<1x16xf32>
        tpu.vector_store %arg13[%swap3A_149, %swap3A_150], %swap3A_153 {strides = array<i32>} : memref<125x64xf32, #tpu.memory_space<vmem>>, vector<1x16xf32>,
        %get3A_154 = arith.index_cast %scan3A_131 : i32 to index
        %get3A_155 = arith.constant 32 : index
        %get3A_156 = tpu.vector_load %arg13[%get3A_154, %get3A_155] {strides = array<i32>} : memref<125x64xf32, #tpu.memory_space<vmem>>, vector<1x16xf32>,
        %get3A_157 = vector.shape_cast %get3A_156 : vector<1x16xf32> to vector<16xf32>
        %mul3A_158 = arith.mulf %get3A_157, %get3A_134 : vector<16xf32>
        %swap3A_159 = arith.index_cast %scan3A_131 : i32 to index
        %swap3A_160 = arith.constant 32 : index
        %swap3A_161 = tpu.vector_load %arg13[%swap3A_159, %swap3A_160] {strides = array<i32>} : memref<125x64xf32, #tpu.memory_space<vmem>>, vector<1x16xf32>,
        %swap3A_162 = vector.shape_cast %swap3A_161 : vector<1x16xf32> to vector<16xf32>
        %swap3A_163 = vector.shape_cast %mul3A_158 : vector<16xf32> to vector<1x16xf32>
        tpu.vector_store %arg13[%swap3A_159, %swap3A_160], %swap3A_163 {strides = array<i32>} : memref<125x64xf32, #tpu.memory_space<vmem>>, vector<1x16xf32>,
        %get3A_164 = arith.index_cast %scan3A_131 : i32 to index
        %get3A_165 = arith.constant 48 : index
        %get3A_166 = tpu.vector_load %arg13[%get3A_164, %get3A_165] {strides = array<i32>} : memref<125x64xf32, #tpu.memory_space<vmem>>, vector<1x16xf32>,
        %get3A_167 = vector.shape_cast %get3A_166 : vector<1x16xf32> to vector<16xf32>
        %mul3A_168 = arith.mulf %get3A_167, %get3A_134 : vector<16xf32>
        %swap3A_169 = arith.index_cast %scan3A_131 : i32 to index
        %swap3A_170 = arith.constant 48 : index
        %swap3A_171 = tpu.vector_load %arg13[%swap3A_169, %swap3A_170] {strides = array<i32>} : memref<125x64xf32, #tpu.memory_space<vmem>>, vector<1x16xf32>,
        %swap3A_172 = vector.shape_cast %swap3A_171 : vector<1x16xf32> to vector<16xf32>
        %swap3A_173 = vector.shape_cast %mul3A_168 : vector<16xf32> to vector<1x16xf32>
        tpu.vector_store %arg13[%swap3A_169, %swap3A_170], %swap3A_173 {strides = array<i32>} : memref<125x64xf32, #tpu.memory_space<vmem>>, vector<1x16xf32>,
        %scan3A_174 = arith.constant 1 : i32
        %scan3A_175 = arith.addi %scan3A_131, %scan3A_174 : i32
        %get3A_176 = arith.index_cast %scan3A_175 : i32 to index
        %get3A_177 = arith.constant 0 : index
        %get3A_178 = tpu.vector_load %arg11[%get3A_176, %get3A_177] {strides = array<i32>} : memref<125x16xf32, #tpu.memory_space<vmem>>, vector<1x16xf32>,
        %get3A_179 = vector.shape_cast %get3A_178 : vector<1x16xf32> to vector<16xf32>
        %get3A_180 = arith.index_cast %scan3A_175 : i32 to index
        %get3A_181 = arith.constant 0 : index
        %get3A_182 = tpu.vector_load %arg13[%get3A_180, %get3A_181] {strides = array<i32>} : memref<125x64xf32, #tpu.memory_space<vmem>>, vector<1x16xf32>,
        %get3A_183 = vector.shape_cast %get3A_182 : vector<1x16xf32> to vector<16xf32>
        %mul3A_184 = arith.mulf %get3A_183, %get3A_179 : vector<16xf32>
        %swap3A_185 = arith.index_cast %scan3A_175 : i32 to index
        %swap3A_186 = arith.constant 0 : index
        %swap3A_187 = tpu.vector_load %arg13[%swap3A_185, %swap3A_186] {strides = array<i32>} : memref<125x64xf32, #tpu.memory_space<vmem>>, vector<1x16xf32>,
        %swap3A_188 = vector.shape_cast %swap3A_187 : vector<1x16xf32> to vector<16xf32>
        %swap3A_189 = vector.shape_cast %mul3A_184 : vector<16xf32> to vector<1x16xf32>
        tpu.vector_store %arg13[%swap3A_185, %swap3A_186], %swap3A_189 {strides = array<i32>} : memref<125x64xf32, #tpu.memory_space<vmem>>, vector<1x16xf32>,
        %get3A_190 = arith.index_cast %scan3A_175 : i32 to index
        %get3A_191 = arith.constant 16 : index
        %get3A_192 = tpu.vector_load %arg13[%get3A_190, %get3A_191] {strides = array<i32>} : memref<125x64xf32, #tpu.memory_space<vmem>>, vector<1x16xf32>,
        %get3A_193 = vector.shape_cast %get3A_192 : vector<1x16xf32> to vector<16xf32>
        %mul3A_194 = arith.mulf %get3A_193, %get3A_179 : vector<16xf32>
        %swap3A_195 = arith.index_cast %scan3A_175 : i32 to index
        %swap3A_196 = arith.constant 16 : index
        %swap3A_197 = tpu.vector_load %arg13[%swap3A_195, %swap3A_196] {strides = array<i32>} : memref<125x64xf32, #tpu.memory_space<vmem>>, vector<1x16xf32>,
        %swap3A_198 = vector.shape_cast %swap3A_197 : vector<1x16xf32> to vector<16xf32>
        %swap3A_199 = vector.shape_cast %mul3A_194 : vector<16xf32> to vector<1x16xf32>
        tpu.vector_store %arg13[%swap3A_195, %swap3A_196], %swap3A_199 {strides = array<i32>} : memref<125x64xf32, #tpu.memory_space<vmem>>, vector<1x16xf32>,
        %get3A_200 = arith.index_cast %scan3A_175 : i32 to index
        %get3A_201 = arith.constant 32 : index
        %get3A_202 = tpu.vector_load %arg13[%get3A_200, %get3A_201] {strides = array<i32>} : memref<125x64xf32, #tpu.memory_space<vmem>>, vector<1x16xf32>,
        %get3A_203 = vector.shape_cast %get3A_202 : vector<1x16xf32> to vector<16xf32>
        %mul3A_204 = arith.mulf %get3A_203, %get3A_179 : vector<16xf32>
        %swap3A_205 = arith.index_cast %scan3A_175 : i32 to index
        %swap3A_206 = arith.constant 32 : index
        %swap3A_207 = tpu.vector_load %arg13[%swap3A_205, %swap3A_206] {strides = array<i32>} : memref<125x64xf32, #tpu.memory_space<vmem>>, vector<1x16xf32>,
        %swap3A_208 = vector.shape_cast %swap3A_207 : vector<1x16xf32> to vector<16xf32>
        %swap3A_209 = vector.shape_cast %mul3A_204 : vector<16xf32> to vector<1x16xf32>
        tpu.vector_store %arg13[%swap3A_205, %swap3A_206], %swap3A_209 {strides = array<i32>} : memref<125x64xf32, #tpu.memory_space<vmem>>, vector<1x16xf32>,
        %get3A_210 = arith.index_cast %scan3A_175 : i32 to index
        %get3A_211 = arith.constant 48 : index
        %get3A_212 = tpu.vector_load %arg13[%get3A_210, %get3A_211] {strides = array<i32>} : memref<125x64xf32, #tpu.memory_space<vmem>>, vector<1x16xf32>,
        %get3A_213 = vector.shape_cast %get3A_212 : vector<1x16xf32> to vector<16xf32>
        %mul3A_214 = arith.mulf %get3A_213, %get3A_179 : vector<16xf32>
        %swap3A_215 = arith.index_cast %scan3A_175 : i32 to index
        %swap3A_216 = arith.constant 48 : index
        %swap3A_217 = tpu.vector_load %arg13[%swap3A_215, %swap3A_216] {strides = array<i32>} : memref<125x64xf32, #tpu.memory_space<vmem>>, vector<1x16xf32>,
        %swap3A_218 = vector.shape_cast %swap3A_217 : vector<1x16xf32> to vector<16xf32>
        %swap3A_219 = vector.shape_cast %mul3A_214 : vector<16xf32> to vector<1x16xf32>
        tpu.vector_store %arg13[%swap3A_215, %swap3A_216], %swap3A_219 {strides = array<i32>} : memref<125x64xf32, #tpu.memory_space<vmem>>, vector<1x16xf32>,
        %scan3A_220 = arith.constant 2 : i32
        %scan3A_221 = arith.addi %scan3A_131, %scan3A_220 : i32
        %get3A_222 = arith.index_cast %scan3A_221 : i32 to index
        %get3A_223 = arith.constant 0 : index
        %get3A_224 = tpu.vector_load %arg11[%get3A_222, %get3A_223] {strides = array<i32>} : memref<125x16xf32, #tpu.memory_space<vmem>>, vector<1x16xf32>,
        %get3A_225 = vector.shape_cast %get3A_224 : vector<1x16xf32> to vector<16xf32>
        %get3A_226 = arith.index_cast %scan3A_221 : i32 to index
        %get3A_227 = arith.constant 0 : index
        %get3A_228 = tpu.vector_load %arg13[%get3A_226, %get3A_227] {strides = array<i32>} : memref<125x64xf32, #tpu.memory_space<vmem>>, vector<1x16xf32>,
        %get3A_229 = vector.shape_cast %get3A_228 : vector<1x16xf32> to vector<16xf32>
        %mul3A_230 = arith.mulf %get3A_229, %get3A_225 : vector<16xf32>
        %swap3A_231 = arith.index_cast %scan3A_221 : i32 to index
        %swap3A_232 = arith.constant 0 : index
        %swap3A_233 = tpu.vector_load %arg13[%swap3A_231, %swap3A_232] {strides = array<i32>} : memref<125x64xf32, #tpu.memory_space<vmem>>, vector<1x16xf32>,
        %swap3A_234 = vector.shape_cast %swap3A_233 : vector<1x16xf32> to vector<16xf32>
        %swap3A_235 = vector.shape_cast %mul3A_230 : vector<16xf32> to vector<1x16xf32>
        tpu.vector_store %arg13[%swap3A_231, %swap3A_232], %swap3A_235 {strides = array<i32>} : memref<125x64xf32, #tpu.memory_space<vmem>>, vector<1x16xf32>,
        %get3A_236 = arith.index_cast %scan3A_221 : i32 to index
        %get3A_237 = arith.constant 16 : index
        %get3A_238 = tpu.vector_load %arg13[%get3A_236, %get3A_237] {strides = array<i32>} : memref<125x64xf32, #tpu.memory_space<vmem>>, vector<1x16xf32>,
        %get3A_239 = vector.shape_cast %get3A_238 : vector<1x16xf32> to vector<16xf32>
        %mul3A_240 = arith.mulf %get3A_239, %get3A_225 : vector<16xf32>
        %swap3A_241 = arith.index_cast %scan3A_221 : i32 to index
        %swap3A_242 = arith.constant 16 : index
        %swap3A_243 = tpu.vector_load %arg13[%swap3A_241, %swap3A_242] {strides = array<i32>} : memref<125x64xf32, #tpu.memory_space<vmem>>, vector<1x16xf32>,
        %swap3A_244 = vector.shape_cast %swap3A_243 : vector<1x16xf32> to vector<16xf32>
        %swap3A_245 = vector.shape_cast %mul3A_240 : vector<16xf32> to vector<1x16xf32>
        tpu.vector_store %arg13[%swap3A_241, %swap3A_242], %swap3A_245 {strides = array<i32>} : memref<125x64xf32, #tpu.memory_space<vmem>>, vector<1x16xf32>,
        %get3A_246 = arith.index_cast %scan3A_221 : i32 to index
        %get3A_247 = arith.constant 32 : index
        %get3A_248 = tpu.vector_load %arg13[%get3A_246, %get3A_247] {strides = array<i32>} : memref<125x64xf32, #tpu.memory_space<vmem>>, vector<1x16xf32>,
        %get3A_249 = vector.shape_cast %get3A_248 : vector<1x16xf32> to vector<16xf32>
        %mul3A_250 = arith.mulf %get3A_249, %get3A_225 : vector<16xf32>
        %swap3A_251 = arith.index_cast %scan3A_221 : i32 to index
        %swap3A_252 = arith.constant 32 : index
        %swap3A_253 = tpu.vector_load %arg13[%swap3A_251, %swap3A_252] {strides = array<i32>} : memref<125x64xf32, #tpu.memory_space<vmem>>, vector<1x16xf32>,
        %swap3A_254 = vector.shape_cast %swap3A_253 : vector<1x16xf32> to vector<16xf32>
        %swap3A_255 = vector.shape_cast %mul3A_250 : vector<16xf32> to vector<1x16xf32>
        tpu.vector_store %arg13[%swap3A_251, %swap3A_252], %swap3A_255 {strides = array<i32>} : memref<125x64xf32, #tpu.memory_space<vmem>>, vector<1x16xf32>,
        %get3A_256 = arith.index_cast %scan3A_221 : i32 to index
        %get3A_257 = arith.constant 48 : index
        %get3A_258 = tpu.vector_load %arg13[%get3A_256, %get3A_257] {strides = array<i32>} : memref<125x64xf32, #tpu.memory_space<vmem>>, vector<1x16xf32>,
        %get3A_259 = vector.shape_cast %get3A_258 : vector<1x16xf32> to vector<16xf32>
        %mul3A_260 = arith.mulf %get3A_259, %get3A_225 : vector<16xf32>
        %swap3A_261 = arith.index_cast %scan3A_221 : i32 to index
        %swap3A_262 = arith.constant 48 : index
        %swap3A_263 = tpu.vector_load %arg13[%swap3A_261, %swap3A_262] {strides = array<i32>} : memref<125x64xf32, #tpu.memory_space<vmem>>, vector<1x16xf32>,
        %swap3A_264 = vector.shape_cast %swap3A_263 : vector<1x16xf32> to vector<16xf32>
        %swap3A_265 = vector.shape_cast %mul3A_260 : vector<16xf32> to vector<1x16xf32>
        tpu.vector_store %arg13[%swap3A_261, %swap3A_262], %swap3A_265 {strides = array<i32>} : memref<125x64xf32, #tpu.memory_space<vmem>>, vector<1x16xf32>,
        %scan3A_266 = arith.constant 3 : i32
        %scan3A_267 = arith.addi %scan3A_131, %scan3A_266 : i32
        %get3A_268 = arith.index_cast %scan3A_267 : i32 to index
        %get3A_269 = arith.constant 0 : index
        %get3A_270 = tpu.vector_load %arg11[%get3A_268, %get3A_269] {strides = array<i32>} : memref<125x16xf32, #tpu.memory_space<vmem>>, vector<1x16xf32>,
        %get3A_271 = vector.shape_cast %get3A_270 : vector<1x16xf32> to vector<16xf32>
        %get3A_272 = arith.index_cast %scan3A_267 : i32 to index
        %get3A_273 = arith.constant 0 : index
        %get3A_274 = tpu.vector_load %arg13[%get3A_272, %get3A_273] {strides = array<i32>} : memref<125x64xf32, #tpu.memory_space<vmem>>, vector<1x16xf32>,
        %get3A_275 = vector.shape_cast %get3A_274 : vector<1x16xf32> to vector<16xf32>
        %mul3A_276 = arith.mulf %get3A_275, %get3A_271 : vector<16xf32>
        %swap3A_277 = arith.index_cast %scan3A_267 : i32 to index
        %swap3A_278 = arith.constant 0 : index
        %swap3A_279 = tpu.vector_load %arg13[%swap3A_277, %swap3A_278] {strides = array<i32>} : memref<125x64xf32, #tpu.memory_space<vmem>>, vector<1x16xf32>,
        %swap3A_280 = vector.shape_cast %swap3A_279 : vector<1x16xf32> to vector<16xf32>
        %swap3A_281 = vector.shape_cast %mul3A_276 : vector<16xf32> to vector<1x16xf32>
        tpu.vector_store %arg13[%swap3A_277, %swap3A_278], %swap3A_281 {strides = array<i32>} : memref<125x64xf32, #tpu.memory_space<vmem>>, vector<1x16xf32>,
        %get3A_282 = arith.index_cast %scan3A_267 : i32 to index
        %get3A_283 = arith.constant 16 : index
        %get3A_284 = tpu.vector_load %arg13[%get3A_282, %get3A_283] {strides = array<i32>} : memref<125x64xf32, #tpu.memory_space<vmem>>, vector<1x16xf32>,
        %get3A_285 = vector.shape_cast %get3A_284 : vector<1x16xf32> to vector<16xf32>
        %mul3A_286 = arith.mulf %get3A_285, %get3A_271 : vector<16xf32>
        %swap3A_287 = arith.index_cast %scan3A_267 : i32 to index
        %swap3A_288 = arith.constant 16 : index
        %swap3A_289 = tpu.vector_load %arg13[%swap3A_287, %swap3A_288] {strides = array<i32>} : memref<125x64xf32, #tpu.memory_space<vmem>>, vector<1x16xf32>,
        %swap3A_290 = vector.shape_cast %swap3A_289 : vector<1x16xf32> to vector<16xf32>
        %swap3A_291 = vector.shape_cast %mul3A_286 : vector<16xf32> to vector<1x16xf32>
        tpu.vector_store %arg13[%swap3A_287, %swap3A_288], %swap3A_291 {strides = array<i32>} : memref<125x64xf32, #tpu.memory_space<vmem>>, vector<1x16xf32>,
        %get3A_292 = arith.index_cast %scan3A_267 : i32 to index
        %get3A_293 = arith.constant 32 : index
        %get3A_294 = tpu.vector_load %arg13[%get3A_292, %get3A_293] {strides = array<i32>} : memref<125x64xf32, #tpu.memory_space<vmem>>, vector<1x16xf32>,
        %get3A_295 = vector.shape_cast %get3A_294 : vector<1x16xf32> to vector<16xf32>
        %mul3A_296 = arith.mulf %get3A_295, %get3A_271 : vector<16xf32>
        %swap3A_297 = arith.index_cast %scan3A_267 : i32 to index
        %swap3A_298 = arith.constant 32 : index
        %swap3A_299 = tpu.vector_load %arg13[%swap3A_297, %swap3A_298] {strides = array<i32>} : memref<125x64xf32, #tpu.memory_space<vmem>>, vector<1x16xf32>,
        %swap3A_300 = vector.shape_cast %swap3A_299 : vector<1x16xf32> to vector<16xf32>
        %swap3A_301 = vector.shape_cast %mul3A_296 : vector<16xf32> to vector<1x16xf32>
        tpu.vector_store %arg13[%swap3A_297, %swap3A_298], %swap3A_301 {strides = array<i32>} : memref<125x64xf32, #tpu.memory_space<vmem>>, vector<1x16xf32>,
        %get3A_302 = arith.index_cast %scan3A_267 : i32 to index
        %get3A_303 = arith.constant 48 : index
        %get3A_304 = tpu.vector_load %arg13[%get3A_302, %get3A_303] {strides = array<i32>} : memref<125x64xf32, #tpu.memory_space<vmem>>, vector<1x16xf32>,
        %get3A_305 = vector.shape_cast %get3A_304 : vector<1x16xf32> to vector<16xf32>
        %mul3A_306 = arith.mulf %get3A_305, %get3A_271 : vector<16xf32>
        %swap3A_307 = arith.index_cast %scan3A_267 : i32 to index
        %swap3A_308 = arith.constant 48 : index
        %swap3A_309 = tpu.vector_load %arg13[%swap3A_307, %swap3A_308] {strides = array<i32>} : memref<125x64xf32, #tpu.memory_space<vmem>>, vector<1x16xf32>,
        %swap3A_310 = vector.shape_cast %swap3A_309 : vector<1x16xf32> to vector<16xf32>
        %swap3A_311 = vector.shape_cast %mul3A_306 : vector<16xf32> to vector<1x16xf32>
        tpu.vector_store %arg13[%swap3A_307, %swap3A_308], %swap3A_311 {strides = array<i32>} : memref<125x64xf32, #tpu.memory_space<vmem>>, vector<1x16xf32>,
        %scan3A_312 = arith.constant 4 : i32
        %scan3A_313 = arith.addi %scan3A_131, %scan3A_312 : i32
        %get3A_314 = arith.index_cast %scan3A_313 : i32 to index
        %get3A_315 = arith.constant 0 : index
        %get3A_316 = tpu.vector_load %arg11[%get3A_314, %get3A_315] {strides = array<i32>} : memref<125x16xf32, #tpu.memory_space<vmem>>, vector<1x16xf32>,
        %get3A_317 = vector.shape_cast %get3A_316 : vector<1x16xf32> to vector<16xf32>
        %get3A_318 = arith.index_cast %scan3A_313 : i32 to index
        %get3A_319 = arith.constant 0 : index
        %get3A_320 = tpu.vector_load %arg13[%get3A_318, %get3A_319] {strides = array<i32>} : memref<125x64xf32, #tpu.memory_space<vmem>>, vector<1x16xf32>,
        %get3A_321 = vector.shape_cast %get3A_320 : vector<1x16xf32> to vector<16xf32>
        %mul3A_322 = arith.mulf %get3A_321, %get3A_317 : vector<16xf32>
        %swap3A_323 = arith.index_cast %scan3A_313 : i32 to index
        %swap3A_324 = arith.constant 0 : index
        %swap3A_325 = tpu.vector_load %arg13[%swap3A_323, %swap3A_324] {strides = array<i32>} : memref<125x64xf32, #tpu.memory_space<vmem>>, vector<1x16xf32>,
        %swap3A_326 = vector.shape_cast %swap3A_325 : vector<1x16xf32> to vector<16xf32>
        %swap3A_327 = vector.shape_cast %mul3A_322 : vector<16xf32> to vector<1x16xf32>
        tpu.vector_store %arg13[%swap3A_323, %swap3A_324], %swap3A_327 {strides = array<i32>} : memref<125x64xf32, #tpu.memory_space<vmem>>, vector<1x16xf32>,
        %get3A_328 = arith.index_cast %scan3A_313 : i32 to index
        %get3A_329 = arith.constant 16 : index
        %get3A_330 = tpu.vector_load %arg13[%get3A_328, %get3A_329] {strides = array<i32>} : memref<125x64xf32, #tpu.memory_space<vmem>>, vector<1x16xf32>,
        %get3A_331 = vector.shape_cast %get3A_330 : vector<1x16xf32> to vector<16xf32>
        %mul3A_332 = arith.mulf %get3A_331, %get3A_317 : vector<16xf32>
        %swap3A_333 = arith.index_cast %scan3A_313 : i32 to index
        %swap3A_334 = arith.constant 16 : index
        %swap3A_335 = tpu.vector_load %arg13[%swap3A_333, %swap3A_334] {strides = array<i32>} : memref<125x64xf32, #tpu.memory_space<vmem>>, vector<1x16xf32>,
        %swap3A_336 = vector.shape_cast %swap3A_335 : vector<1x16xf32> to vector<16xf32>
        %swap3A_337 = vector.shape_cast %mul3A_332 : vector<16xf32> to vector<1x16xf32>
        tpu.vector_store %arg13[%swap3A_333, %swap3A_334], %swap3A_337 {strides = array<i32>} : memref<125x64xf32, #tpu.memory_space<vmem>>, vector<1x16xf32>,
        %get3A_338 = arith.index_cast %scan3A_313 : i32 to index
        %get3A_339 = arith.constant 32 : index
        %get3A_340 = tpu.vector_load %arg13[%get3A_338, %get3A_339] {strides = array<i32>} : memref<125x64xf32, #tpu.memory_space<vmem>>, vector<1x16xf32>,
        %get3A_341 = vector.shape_cast %get3A_340 : vector<1x16xf32> to vector<16xf32>
        %mul3A_342 = arith.mulf %get3A_341, %get3A_317 : vector<16xf32>
        %swap3A_343 = arith.index_cast %scan3A_313 : i32 to index
        %swap3A_344 = arith.constant 32 : index
        %swap3A_345 = tpu.vector_load %arg13[%swap3A_343, %swap3A_344] {strides = array<i32>} : memref<125x64xf32, #tpu.memory_space<vmem>>, vector<1x16xf32>,
        %swap3A_346 = vector.shape_cast %swap3A_345 : vector<1x16xf32> to vector<16xf32>
        %swap3A_347 = vector.shape_cast %mul3A_342 : vector<16xf32> to vector<1x16xf32>
        tpu.vector_store %arg13[%swap3A_343, %swap3A_344], %swap3A_347 {strides = array<i32>} : memref<125x64xf32, #tpu.memory_space<vmem>>, vector<1x16xf32>,
        %get3A_348 = arith.index_cast %scan3A_313 : i32 to index
        %get3A_349 = arith.constant 48 : index
        %get3A_350 = tpu.vector_load %arg13[%get3A_348, %get3A_349] {strides = array<i32>} : memref<125x64xf32, #tpu.memory_space<vmem>>, vector<1x16xf32>,
        %get3A_351 = vector.shape_cast %get3A_350 : vector<1x16xf32> to vector<16xf32>
        %mul3A_352 = arith.mulf %get3A_351, %get3A_317 : vector<16xf32>
        %swap3A_353 = arith.index_cast %scan3A_313 : i32 to index
        %swap3A_354 = arith.constant 48 : index
        %swap3A_355 = tpu.vector_load %arg13[%swap3A_353, %swap3A_354] {strides = array<i32>} : memref<125x64xf32, #tpu.memory_space<vmem>>, vector<1x16xf32>,
        %swap3A_356 = vector.shape_cast %swap3A_355 : vector<1x16xf32> to vector<16xf32>
        %swap3A_357 = vector.shape_cast %mul3A_352 : vector<16xf32> to vector<1x16xf32>
        tpu.vector_store %arg13[%swap3A_353, %swap3A_354], %swap3A_357 {strides = array<i32>} : memref<125x64xf32, #tpu.memory_space<vmem>>, vector<1x16xf32>,
      }
      %scan3A_124 = arith.constant 125 : i32
      %dma_start3A_125 = arith.constant 0 : i32
      %dma_start3A_126 = tpu.memref_slice %arg9[%add3A_92, %dma_start3A_125] : memref<80x125xi32, #tpu.memory_space<vmem>> -> memref<1x125xi32, #tpu.memory_space<vmem>>
      %dma_start3A_127 = tpu.memref_squeeze %dma_start3A_126 : memref<1x125xi32, #tpu.memory_space<vmem>> -> memref<125xi32, #tpu.memory_space<vmem>>
      %dma_start3A_128 = arith.constant 0 : i32
      %dma_start3A_129 = arith.constant 0 : i32
      %dma_start3A_130 = tpu.memref_slice %arg14[%dma_start3A_128, %dma_start3A_129] : memref<10000x64xf32, #tpu.memory_space<vmem_shared>> -> memref<10000x64xf32, #tpu.memory_space<vmem_shared>>
      tpu.enqueue_indirect_dma source(%arg13 : memref<125x64xf32, #tpu.memory_space<vmem>>) target(%dma_start3A_130 : memref<10000x64xf32, #tpu.memory_space<vmem_shared>>) offsets(%dma_start3A_127 : memref<125xi32, #tpu.memory_space<vmem>>) semaphore(%arg20 : memref<!tpu.dma_semaphore, #tpu.memory_space<semaphore_mem>>) {add = true}
    }
    %scan3A_26 = arith.constant 40 : i32
    %dma_wait3A = arith.constant 0 : i32
    %dma_wait3A_27 = arith.constant 0 : i32
    %dma_wait3A_28 = tpu.memref_slice %arg14[%dma_wait3A, %dma_wait3A_27] : memref<10000x64xf32, #tpu.memory_space<vmem_shared>> -> memref<125x64xf32, #tpu.memory_space<vmem_shared>>
    %dma_wait3A_29 = arith.constant 0 : i32
    %dma_wait3A_30 = arith.constant 0 : i32
    %dma_wait3A_31 = tpu.memref_slice %arg14[%dma_wait3A_29, %dma_wait3A_30] : memref<10000x64xf32, #tpu.memory_space<vmem_shared>> -> memref<125x64xf32, #tpu.memory_space<vmem_shared>>
    tpu.wait_dma2 semaphore(%arg20 : memref<!tpu.dma_semaphore, #tpu.memory_space<semaphore_mem>>) src(%arg13 : memref<125x64xf32, #tpu.memory_space<vmem>>) dst(%dma_wait3A_31 : memref<125x64xf32, #tpu.memory_space<vmem_shared>>)
    %barrier3A_32 = arith.constant 0 : index
    tpu.barrier barrier_id(%barrier3A_32)
    %mul3A_33 = arith.constant 624 : i32
    %mul3A_34 = arith.muli %arg1, %mul3A_33 : i32
    %mul3A_35 = arith.constant 624 : i32
    %mul3A_36 = arith.muli %arg1, %mul3A_35 : i32
    "tpu.region"() ({
      %run_scoped3A = tpu.sem_alloc : memref<!tpu.dma_semaphore, #tpu.memory_space<semaphore_mem>>
      %dma_start3A_42 = arith.constant 0 : i32
      %dma_start3A_43 = arith.constant 0 : i32
      %dma_start3A_44 = tpu.memref_slice %arg7[%arg0, %dma_start3A_42, %dma_start3A_43] : memref<2x10000x64xf32, #tpu.memory_space<hbm>> -> memref<1x10000x64xf32, #tpu.memory_space<hbm>>
      %dma_start3A_45 = tpu.memref_squeeze %dma_start3A_44 : memref<1x10000x64xf32, #tpu.memory_space<hbm>> -> memref<10000x64xf32, #tpu.memory_space<hbm>>
      %dma_start3A_46 = arith.constant 0 : i32
      %dma_start3A_47 = tpu.memref_slice %dma_start3A_45[%mul3A_36, %dma_start3A_46] : memref<10000x64xf32, #tpu.memory_space<hbm>> -> memref<624x64xf32, #tpu.memory_space<hbm>>
      %dma_start3A_48 = arith.constant 0 : i32
      %dma_start3A_49 = tpu.memref_slice %arg14[%mul3A_34, %dma_start3A_48] : memref<10000x64xf32, #tpu.memory_space<vmem_shared>> -> memref<624x64xf32, #tpu.memory_space<vmem_shared>>
      tpu.enqueue_dma source(%dma_start3A_49 : memref<624x64xf32, #tpu.memory_space<vmem_shared>>) target(%dma_start3A_47 : memref<624x64xf32, #tpu.memory_space<hbm>>) target_semaphore(%run_scoped3A : memref<!tpu.dma_semaphore, #tpu.memory_space<semaphore_mem>>)
      %dma_wait3A_50 = arith.constant 0 : i32
      %dma_wait3A_51 = arith.constant 0 : i32
      %dma_wait3A_52 = tpu.memref_slice %arg7[%arg0, %dma_wait3A_50, %dma_wait3A_51] : memref<2x10000x64xf32, #tpu.memory_space<hbm>> -> memref<1x10000x64xf32, #tpu.memory_space<hbm>>
      %dma_wait3A_53 = tpu.memref_squeeze %dma_wait3A_52 : memref<1x10000x64xf32, #tpu.memory_space<hbm>> -> memref<10000x64xf32, #tpu.memory_space<hbm>>
      %dma_wait3A_54 = arith.constant 0 : i32
      %dma_wait3A_55 = tpu.memref_slice %dma_wait3A_53[%mul3A_36, %dma_wait3A_54] : memref<10000x64xf32, #tpu.memory_space<hbm>> -> memref<624x64xf32, #tpu.memory_space<hbm>>
      %dma_wait3A_56 = arith.constant 0 : i32
      %dma_wait3A_57 = tpu.memref_slice %arg14[%mul3A_34, %dma_wait3A_56] : memref<10000x64xf32, #tpu.memory_space<vmem_shared>> -> memref<624x64xf32, #tpu.memory_space<vmem_shared>>
      tpu.wait_dma2 semaphore(%run_scoped3A : memref<!tpu.dma_semaphore, #tpu.memory_space<semaphore_mem>>) src(%dma_wait3A_57 : memref<624x64xf32, #tpu.memory_space<vmem_shared>>) dst(%dma_wait3A_55 : memref<624x64xf32, #tpu.memory_space<hbm>>)
      tpu.yield
    }) : () -> ()
    %eq3A_37 = arith.constant 15 : i32
    %eq3A_38 = arith.cmpi eq, %arg1, %eq3A_37 : i32
    %convert_element_type3A_39 = arith.extui %eq3A_38 : i1 to i32
    %cond3A_40 = arith.constant 0 : i32
    %cond3A_41 = arith.cmpi ne, %convert_element_type3A_39, %cond3A_40 : i32
    scf.if %cond3A_41 {
      "tpu.region"() ({
        %run_scoped3A = tpu.sem_alloc : memref<!tpu.dma_semaphore, #tpu.memory_space<semaphore_mem>>
        %dma_start3A_42 = arith.constant 0 : i32
        %dma_start3A_43 = arith.constant 0 : i32
        %dma_start3A_44 = tpu.memref_slice %arg7[%arg0, %dma_start3A_42, %dma_start3A_43] : memref<2x10000x64xf32, #tpu.memory_space<hbm>> -> memref<1x10000x64xf32, #tpu.memory_space<hbm>>
        %dma_start3A_45 = tpu.memref_squeeze %dma_start3A_44 : memref<1x10000x64xf32, #tpu.memory_space<hbm>> -> memref<10000x64xf32, #tpu.memory_space<hbm>>
        %dma_start3A_46 = arith.constant 9984 : i32
        %dma_start3A_47 = arith.constant 0 : i32
        %dma_start3A_48 = tpu.memref_slice %dma_start3A_45[%dma_start3A_46, %dma_start3A_47] : memref<10000x64xf32, #tpu.memory_space<hbm>> -> memref<16x64xf32, #tpu.memory_space<hbm>>
        %dma_start3A_49 = arith.constant 9984 : i32
        %dma_start3A_50 = arith.constant 0 : i32
        %dma_start3A_51 = tpu.memref_slice %arg14[%dma_start3A_49, %dma_start3A_50] : memref<10000x64xf32, #tpu.memory_space<vmem_shared>> -> memref<16x64xf32, #tpu.memory_space<vmem_shared>>
        tpu.enqueue_dma source(%dma_start3A_51 : memref<16x64xf32, #tpu.memory_space<vmem_shared>>) target(%dma_start3A_48 : memref<16x64xf32, #tpu.memory_space<hbm>>) target_semaphore(%run_scoped3A : memref<!tpu.dma_semaphore, #tpu.memory_space<semaphore_mem>>)
        %dma_wait3A_52 = arith.constant 0 : i32
        %dma_wait3A_53 = arith.constant 0 : i32
        %dma_wait3A_54 = tpu.memref_slice %arg7[%arg0, %dma_wait3A_52, %dma_wait3A_53] : memref<2x10000x64xf32, #tpu.memory_space<hbm>> -> memref<1x10000x64xf32, #tpu.memory_space<hbm>>
        %dma_wait3A_55 = tpu.memref_squeeze %dma_wait3A_54 : memref<1x10000x64xf32, #tpu.memory_space<hbm>> -> memref<10000x64xf32, #tpu.memory_space<hbm>>
        %dma_wait3A_56 = arith.constant 9984 : i32
        %dma_wait3A_57 = arith.constant 0 : i32
        %dma_wait3A_58 = tpu.memref_slice %dma_wait3A_55[%dma_wait3A_56, %dma_wait3A_57] : memref<10000x64xf32, #tpu.memory_space<hbm>> -> memref<16x64xf32, #tpu.memory_space<hbm>>
        %dma_wait3A_59 = arith.constant 9984 : i32
        %dma_wait3A_60 = arith.constant 0 : i32
        %dma_wait3A_61 = tpu.memref_slice %arg14[%dma_wait3A_59, %dma_wait3A_60] : memref<10000x64xf32, #tpu.memory_space<vmem_shared>> -> memref<16x64xf32, #tpu.memory_space<vmem_shared>>
        tpu.wait_dma2 semaphore(%run_scoped3A : memref<!tpu.dma_semaphore, #tpu.memory_space<semaphore_mem>>) src(%dma_wait3A_61 : memref<16x64xf32, #tpu.memory_space<vmem_shared>>) dst(%dma_wait3A_58 : memref<16x64xf32, #tpu.memory_space<hbm>>)
        tpu.yield
      }) : () -> ()
    } else {
    }
    return
  }
}

#map = affine_map<(d0, d1) -> (0, 0)>
#map1 = affine_map<(d0, d1) -> (0, 0, 0)>
#map2 = affine_map<(d0, d1) -> (0, 0, 0, 0)>
module attributes {stable_mosaic.version = 14 : i64} {
  func.func @mp(%arg0: i32, %arg1: i32, %arg2: memref<10000x64xf32, #tpu.memory_space<hbm>>, %arg3: memref<32x80x125xi32, #tpu.memory_space<hbm>>, %arg4: memref<32x80x125xi32, #tpu.memory_space<hbm>>, %arg5: memref<32x80x125x16xf32, #tpu.memory_space<hbm>>, %arg6: memref<10000x64xf32, #tpu.memory_space<hbm>>, %arg7: memref<2x10000x64xf32, #tpu.memory_space<hbm>>, %arg8: memref<80x125xi32, #tpu.memory_space<vmem>>, %arg9: memref<80x125xi32, #tpu.memory_space<vmem>>, %arg10: memref<125x16xf32, #tpu.memory_space<vmem>>, %arg11: memref<125x16xf32, #tpu.memory_space<vmem>>, %arg12: memref<125x64xf32, #tpu.memory_space<vmem>>, %arg13: memref<125x64xf32, #tpu.memory_space<vmem>>, %arg14: memref<10000x64xf32, #tpu.memory_space<vmem_shared>>, %arg15: memref<!tpu.dma_semaphore, #tpu.memory_space<semaphore_mem>>, %arg16: memref<!tpu.dma_semaphore, #tpu.memory_space<semaphore_mem>>, %arg17: memref<!tpu.dma_semaphore, #tpu.memory_space<semaphore_mem>>, %arg18: memref<!tpu.dma_semaphore, #tpu.memory_space<semaphore_mem>>, %arg19: memref<!tpu.dma_semaphore, #tpu.memory_space<semaphore_mem>>, %arg20: memref<!tpu.dma_semaphore, #tpu.memory_space<semaphore_mem>>) attributes {dimension_semantics = [#tpu.dimension_semantics<core_parallel>, #tpu.dimension_semantics<subcore_parallel>], iteration_bounds = array<i64: 2, 16>, scalar_prefetch = 0 : i64, scratch_operands = 13 : i64, tpu.core_type = #tpu.core_type<sc_vector_subcore>, window_params = [{transform_indices = #map}, {transform_indices = #map1}, {transform_indices = #map1}, {transform_indices = #map2}, {transform_indices = #map}, {transform_indices = #map1}]} {
    %mul3A = arith.constant 2 : i32
    %mul3A_0 = arith.muli %arg1, %mul3A : i32
    %add3A = arith.addi %mul3A_0, %arg0 : i32
    "tpu.region"() ({
      %run_scoped3A = tpu.sem_alloc : memref<!tpu.dma_semaphore, #tpu.memory_space<semaphore_mem>>
      %dma_start3A_42 = arith.constant 0 : i32
      %dma_start3A_43 = arith.constant 0 : i32
      %dma_start3A_44 = tpu.memref_slice %arg3[%add3A, %dma_start3A_42, %dma_start3A_43] : memref<32x80x125xi32, #tpu.memory_space<hbm>> -> memref<1x80x125xi32, #tpu.memory_space<hbm>>
      %dma_start3A_45 = tpu.memref_squeeze %dma_start3A_44 : memref<1x80x125xi32, #tpu.memory_space<hbm>> -> memref<80x125xi32, #tpu.memory_space<hbm>>
      %dma_start3A_46 = arith.constant 0 : i32
      %dma_start3A_47 = arith.constant 0 : i32
      %dma_start3A_48 = tpu.memref_slice %arg3[%add3A, %dma_start3A_46, %dma_start3A_47] : memref<32x80x125xi32, #tpu.memory_space<hbm>> -> memref<1x80x125xi32, #tpu.memory_space<hbm>>
      %dma_start3A_49 = tpu.memref_squeeze %dma_start3A_48 : memref<1x80x125xi32, #tpu.memory_space<hbm>> -> memref<80x125xi32, #tpu.memory_space<hbm>>
      tpu.enqueue_dma source(%dma_start3A_49 : memref<80x125xi32, #tpu.memory_space<hbm>>) target(%arg8 : memref<80x125xi32, #tpu.memory_space<vmem>>) target_semaphore(%run_scoped3A : memref<!tpu.dma_semaphore, #tpu.memory_space<semaphore_mem>>)
      %dma_wait3A_50 = arith.constant 0 : i32
      %dma_wait3A_51 = arith.constant 0 : i32
      %dma_wait3A_52 = tpu.memref_slice %arg3[%add3A, %dma_wait3A_50, %dma_wait3A_51] : memref<32x80x125xi32, #tpu.memory_space<hbm>> -> memref<1x80x125xi32, #tpu.memory_space<hbm>>
      %dma_wait3A_53 = tpu.memref_squeeze %dma_wait3A_52 : memref<1x80x125xi32, #tpu.memory_space<hbm>> -> memref<80x125xi32, #tpu.memory_space<hbm>>
      %dma_wait3A_54 = arith.constant 0 : i32
      %dma_wait3A_55 = arith.constant 0 : i32
      %dma_wait3A_56 = tpu.memref_slice %arg3[%add3A, %dma_wait3A_54, %dma_wait3A_55] : memref<32x80x125xi32, #tpu.memory_space<hbm>> -> memref<1x80x125xi32, #tpu.memory_space<hbm>>
      %dma_wait3A_57 = tpu.memref_squeeze %dma_wait3A_56 : memref<1x80x125xi32, #tpu.memory_space<hbm>> -> memref<80x125xi32, #tpu.memory_space<hbm>>
      tpu.wait_dma2 semaphore(%run_scoped3A : memref<!tpu.dma_semaphore, #tpu.memory_space<semaphore_mem>>) src(%dma_wait3A_57 : memref<80x125xi32, #tpu.memory_space<hbm>>) dst(%arg8 : memref<80x125xi32, #tpu.memory_space<vmem>>)
      tpu.yield
    }) : () -> ()
    "tpu.region"() ({
      %run_scoped3A = tpu.sem_alloc : memref<!tpu.dma_semaphore, #tpu.memory_space<semaphore_mem>>
      %dma_start3A_42 = arith.constant 0 : i32
      %dma_start3A_43 = arith.constant 0 : i32
      %dma_start3A_44 = tpu.memref_slice %arg4[%add3A, %dma_start3A_42, %dma_start3A_43] : memref<32x80x125xi32, #tpu.memory_space<hbm>> -> memref<1x80x125xi32, #tpu.memory_space<hbm>>
      %dma_start3A_45 = tpu.memref_squeeze %dma_start3A_44 : memref<1x80x125xi32, #tpu.memory_space<hbm>> -> memref<80x125xi32, #tpu.memory_space<hbm>>
      %dma_start3A_46 = arith.constant 0 : i32
      %dma_start3A_47 = arith.constant 0 : i32
      %dma_start3A_48 = tpu.memref_slice %arg4[%add3A, %dma_start3A_46, %dma_start3A_47] : memref<32x80x125xi32, #tpu.memory_space<hbm>> -> memref<1x80x125xi32, #tpu.memory_space<hbm>>
      %dma_start3A_49 = tpu.memref_squeeze %dma_start3A_48 : memref<1x80x125xi32, #tpu.memory_space<hbm>> -> memref<80x125xi32, #tpu.memory_space<hbm>>
      tpu.enqueue_dma source(%dma_start3A_49 : memref<80x125xi32, #tpu.memory_space<hbm>>) target(%arg9 : memref<80x125xi32, #tpu.memory_space<vmem>>) target_semaphore(%run_scoped3A : memref<!tpu.dma_semaphore, #tpu.memory_space<semaphore_mem>>)
      %dma_wait3A_50 = arith.constant 0 : i32
      %dma_wait3A_51 = arith.constant 0 : i32
      %dma_wait3A_52 = tpu.memref_slice %arg4[%add3A, %dma_wait3A_50, %dma_wait3A_51] : memref<32x80x125xi32, #tpu.memory_space<hbm>> -> memref<1x80x125xi32, #tpu.memory_space<hbm>>
      %dma_wait3A_53 = tpu.memref_squeeze %dma_wait3A_52 : memref<1x80x125xi32, #tpu.memory_space<hbm>> -> memref<80x125xi32, #tpu.memory_space<hbm>>
      %dma_wait3A_54 = arith.constant 0 : i32
      %dma_wait3A_55 = arith.constant 0 : i32
      %dma_wait3A_56 = tpu.memref_slice %arg4[%add3A, %dma_wait3A_54, %dma_wait3A_55] : memref<32x80x125xi32, #tpu.memory_space<hbm>> -> memref<1x80x125xi32, #tpu.memory_space<hbm>>
      %dma_wait3A_57 = tpu.memref_squeeze %dma_wait3A_56 : memref<1x80x125xi32, #tpu.memory_space<hbm>> -> memref<80x125xi32, #tpu.memory_space<hbm>>
      tpu.wait_dma2 semaphore(%run_scoped3A : memref<!tpu.dma_semaphore, #tpu.memory_space<semaphore_mem>>) src(%dma_wait3A_57 : memref<80x125xi32, #tpu.memory_space<hbm>>) dst(%arg9 : memref<80x125xi32, #tpu.memory_space<vmem>>)
      tpu.yield
    }) : () -> ()
    %mul3A_1 = arith.constant 624 : i32
    %mul3A_2 = arith.muli %arg1, %mul3A_1 : i32
    %mul3A_3 = arith.constant 624 : i32
    %mul3A_4 = arith.muli %arg1, %mul3A_3 : i32
    "tpu.region"() ({
      %run_scoped3A = tpu.sem_alloc : memref<!tpu.dma_semaphore, #tpu.memory_space<semaphore_mem>>
      %dma_start3A_42 = arith.constant 0 : i32
      %dma_start3A_43 = tpu.memref_slice %arg14[%mul3A_4, %dma_start3A_42] : memref<10000x64xf32, #tpu.memory_space<vmem_shared>> -> memref<624x64xf32, #tpu.memory_space<vmem_shared>>
      %dma_start3A_44 = arith.constant 0 : i32
      %dma_start3A_45 = tpu.memref_slice %arg6[%mul3A_2, %dma_start3A_44] : memref<10000x64xf32, #tpu.memory_space<hbm>> -> memref<624x64xf32, #tpu.memory_space<hbm>>
      tpu.enqueue_dma source(%dma_start3A_45 : memref<624x64xf32, #tpu.memory_space<hbm>>) target(%dma_start3A_43 : memref<624x64xf32, #tpu.memory_space<vmem_shared>>) target_semaphore(%run_scoped3A : memref<!tpu.dma_semaphore, #tpu.memory_space<semaphore_mem>>)
      %dma_wait3A_46 = arith.constant 0 : i32
      %dma_wait3A_47 = tpu.memref_slice %arg14[%mul3A_4, %dma_wait3A_46] : memref<10000x64xf32, #tpu.memory_space<vmem_shared>> -> memref<624x64xf32, #tpu.memory_space<vmem_shared>>
      %dma_wait3A_48 = arith.constant 0 : i32
      %dma_wait3A_49 = tpu.memref_slice %arg6[%mul3A_2, %dma_wait3A_48] : memref<10000x64xf32, #tpu.memory_space<hbm>> -> memref<624x64xf32, #tpu.memory_space<hbm>>
      tpu.wait_dma2 semaphore(%run_scoped3A : memref<!tpu.dma_semaphore, #tpu.memory_space<semaphore_mem>>) src(%dma_wait3A_49 : memref<624x64xf32, #tpu.memory_space<hbm>>) dst(%dma_wait3A_47 : memref<624x64xf32, #tpu.memory_space<vmem_shared>>)
      tpu.yield
    }) : () -> ()
    %eq3A = arith.constant 15 : i32
    %eq3A_5 = arith.cmpi eq, %arg1, %eq3A : i32
    %convert_element_type3A = arith.extui %eq3A_5 : i1 to i32
    %cond3A = arith.constant 0 : i32
    %cond3A_6 = arith.cmpi ne, %convert_element_type3A, %cond3A : i32
    scf.if %cond3A_6 {
      "tpu.region"() ({
        %run_scoped3A = tpu.sem_alloc : memref<!tpu.dma_semaphore, #tpu.memory_space<semaphore_mem>>
        %dma_start3A_42 = arith.constant 9984 : i32
        %dma_start3A_43 = arith.constant 0 : i32
        %dma_start3A_44 = tpu.memref_slice %arg14[%dma_start3A_42, %dma_start3A_43] : memref<10000x64xf32, #tpu.memory_space<vmem_shared>> -> memref<16x64xf32, #tpu.memory_space<vmem_shared>>
        %dma_start3A_45 = arith.constant 9984 : i32
        %dma_start3A_46 = arith.constant 0 : i32
        %dma_start3A_47 = tpu.memref_slice %arg6[%dma_start3A_45, %dma_start3A_46] : memref<10000x64xf32, #tpu.memory_space<hbm>> -> memref<16x64xf32, #tpu.memory_space<hbm>>
        tpu.enqueue_dma source(%dma_start3A_47 : memref<16x64xf32, #tpu.memory_space<hbm>>) target(%dma_start3A_44 : memref<16x64xf32, #tpu.memory_space<vmem_shared>>) target_semaphore(%run_scoped3A : memref<!tpu.dma_semaphore, #tpu.memory_space<semaphore_mem>>)
        %dma_wait3A_48 = arith.constant 9984 : i32
        %dma_wait3A_49 = arith.constant 0 : i32
        %dma_wait3A_50 = tpu.memref_slice %arg14[%dma_wait3A_48, %dma_wait3A_49] : memref<10000x64xf32, #tpu.memory_space<vmem_shared>> -> memref<16x64xf32, #tpu.memory_space<vmem_shared>>
        %dma_wait3A_51 = arith.constant 9984 : i32
        %dma_wait3A_52 = arith.constant 0 : i32
        %dma_wait3A_53 = tpu.memref_slice %arg6[%dma_wait3A_51, %dma_wait3A_52] : memref<10000x64xf32, #tpu.memory_space<hbm>> -> memref<16x64xf32, #tpu.memory_space<hbm>>
        tpu.wait_dma2 semaphore(%run_scoped3A : memref<!tpu.dma_semaphore, #tpu.memory_space<semaphore_mem>>) src(%dma_wait3A_53 : memref<16x64xf32, #tpu.memory_space<hbm>>) dst(%dma_wait3A_50 : memref<16x64xf32, #tpu.memory_space<vmem_shared>>)
        tpu.yield
      }) : () -> ()
    } else {
    }
    %barrier3A = arith.constant 0 : index
    tpu.barrier barrier_id(%barrier3A)
    %dma_start3A = arith.constant 0 : i32
    %dma_start3A_7 = arith.constant 0 : i32
    %dma_start3A_8 = tpu.memref_slice %arg8[%dma_start3A, %dma_start3A_7] : memref<80x125xi32, #tpu.memory_space<vmem>> -> memref<1x125xi32, #tpu.memory_space<vmem>>
    %dma_start3A_9 = tpu.memref_squeeze %dma_start3A_8 : memref<1x125xi32, #tpu.memory_space<vmem>> -> memref<125xi32, #tpu.memory_space<vmem>>
    %dma_start3A_10 = arith.constant 0 : i32
    %dma_start3A_11 = arith.constant 0 : i32
    %dma_start3A_12 = tpu.memref_slice %arg2[%dma_start3A_10, %dma_start3A_11] : memref<10000x64xf32, #tpu.memory_space<hbm>> -> memref<10000x64xf32, #tpu.memory_space<hbm>>
    tpu.enqueue_indirect_dma source(%dma_start3A_12 : memref<10000x64xf32, #tpu.memory_space<hbm>>) target(%arg12 : memref<125x64xf32, #tpu.memory_space<vmem>>) offsets(%dma_start3A_9 : memref<125xi32, #tpu.memory_space<vmem>>) semaphore(%arg15 : memref<!tpu.dma_semaphore, #tpu.memory_space<semaphore_mem>>)
    %dma_start3A_13 = arith.constant 0 : i32
    %dma_start3A_14 = arith.constant 0 : i32
    %dma_start3A_15 = arith.constant 0 : i32
    %dma_start3A_16 = tpu.memref_slice %arg5[%add3A, %dma_start3A_13, %dma_start3A_14, %dma_start3A_15] : memref<32x80x125x16xf32, #tpu.memory_space<hbm>> -> memref<1x1x125x16xf32, #tpu.memory_space<hbm>>
    %dma_start3A_17 = tpu.memref_squeeze %dma_start3A_16 : memref<1x1x125x16xf32, #tpu.memory_space<hbm>> -> memref<125x16xf32, #tpu.memory_space<hbm>>
    %dma_start3A_18 = arith.constant 0 : i32
    %dma_start3A_19 = arith.constant 0 : i32
    %dma_start3A_20 = tpu.memref_slice %arg5[%add3A, %dma_start3A_13, %dma_start3A_18, %dma_start3A_19] : memref<32x80x125x16xf32, #tpu.memory_space<hbm>> -> memref<1x1x125x16xf32, #tpu.memory_space<hbm>>
    %dma_start3A_21 = tpu.memref_squeeze %dma_start3A_20 : memref<1x1x125x16xf32, #tpu.memory_space<hbm>> -> memref<125x16xf32, #tpu.memory_space<hbm>>
    tpu.enqueue_dma source(%dma_start3A_21 : memref<125x16xf32, #tpu.memory_space<hbm>>) target(%arg10 : memref<125x16xf32, #tpu.memory_space<vmem>>) target_semaphore(%arg17 : memref<!tpu.dma_semaphore, #tpu.memory_space<semaphore_mem>>)
    %scan3A = arith.constant 0 : i32
    %scan3A_22 = arith.constant 0 : i32
    %scan3A_23 = arith.constant 40 : i32
    %scan3A_24 = arith.addi %scan3A_22, %scan3A_23 : i32
    %scan3A_25 = arith.constant 1 : i32
    scf.for %scan3A_42 = %scan3A_22 to %scan3A_24 step %scan3A_25  : i32 {
      %mul3A_43 = arith.constant 2 : i32
      %mul3A_44 = arith.muli %scan3A_42, %mul3A_43 : i32
      %dma_wait3A_45 = arith.constant 0 : i32
      %dma_wait3A_46 = tpu.memref_slice %arg8[%mul3A_44, %dma_wait3A_45] : memref<80x125xi32, #tpu.memory_space<vmem>> -> memref<1x125xi32, #tpu.memory_space<vmem>>
      %dma_wait3A_47 = tpu.memref_squeeze %dma_wait3A_46 : memref<1x125xi32, #tpu.memory_space<vmem>> -> memref<125xi32, #tpu.memory_space<vmem>>
      %dma_wait3A_48 = arith.constant 0 : i32
      %dma_wait3A_49 = arith.constant 0 : i32
      %dma_wait3A_50 = tpu.memref_slice %arg2[%dma_wait3A_48, %dma_wait3A_49] : memref<10000x64xf32, #tpu.memory_space<hbm>> -> memref<10000x64xf32, #tpu.memory_space<hbm>>
      tpu.wait_indirect_dma semaphore(%arg15 : memref<!tpu.dma_semaphore, #tpu.memory_space<semaphore_mem>>) src(%dma_wait3A_50 : memref<10000x64xf32, #tpu.memory_space<hbm>>) dst(%arg12 : memref<125x64xf32, #tpu.memory_space<vmem>>)
      %dma_wait3A_51 = arith.constant 0 : i32
      %dma_wait3A_52 = arith.constant 0 : i32
      %dma_wait3A_53 = tpu.memref_slice %arg5[%add3A, %mul3A_44, %dma_wait3A_51, %dma_wait3A_52] : memref<32x80x125x16xf32, #tpu.memory_space<hbm>> -> memref<1x1x125x16xf32, #tpu.memory_space<hbm>>
      %dma_wait3A_54 = tpu.memref_squeeze %dma_wait3A_53 : memref<1x1x125x16xf32, #tpu.memory_space<hbm>> -> memref<125x16xf32, #tpu.memory_space<hbm>>
      %dma_wait3A_55 = arith.constant 0 : i32
      %dma_wait3A_56 = arith.constant 0 : i32
      %dma_wait3A_57 = tpu.memref_slice %arg5[%add3A, %mul3A_44, %dma_wait3A_55, %dma_wait3A_56] : memref<32x80x125x16xf32, #tpu.memory_space<hbm>> -> memref<1x1x125x16xf32, #tpu.memory_space<hbm>>
      %dma_wait3A_58 = tpu.memref_squeeze %dma_wait3A_57 : memref<1x1x125x16xf32, #tpu.memory_space<hbm>> -> memref<125x16xf32, #tpu.memory_space<hbm>>
      tpu.wait_dma2 semaphore(%arg17 : memref<!tpu.dma_semaphore, #tpu.memory_space<semaphore_mem>>) src(%dma_wait3A_58 : memref<125x16xf32, #tpu.memory_space<hbm>>) dst(%arg10 : memref<125x16xf32, #tpu.memory_space<vmem>>)
      %gt3A = arith.constant 0 : i32
      %gt3A_59 = arith.cmpi sgt, %scan3A_42, %gt3A : i32
      %convert_element_type3A_60 = arith.extui %gt3A_59 : i1 to i32
      %cond3A_61 = arith.constant 0 : i32
      %cond3A_62 = arith.cmpi ne, %convert_element_type3A_60, %cond3A_61 : i32
      scf.if %cond3A_62 {
        %dma_wait3A_131 = arith.constant 0 : i32
        %dma_wait3A_132 = arith.constant 0 : i32
        %dma_wait3A_133 = tpu.memref_slice %arg14[%dma_wait3A_131, %dma_wait3A_132] : memref<10000x64xf32, #tpu.memory_space<vmem_shared>> -> memref<125x64xf32, #tpu.memory_space<vmem_shared>>
        %dma_wait3A_134 = arith.constant 0 : i32
        %dma_wait3A_135 = arith.constant 0 : i32
        %dma_wait3A_136 = tpu.memref_slice %arg14[%dma_wait3A_134, %dma_wait3A_135] : memref<10000x64xf32, #tpu.memory_space<vmem_shared>> -> memref<125x64xf32, #tpu.memory_space<vmem_shared>>
        tpu.wait_dma2 semaphore(%arg20 : memref<!tpu.dma_semaphore, #tpu.memory_space<semaphore_mem>>) src(%arg13 : memref<125x64xf32, #tpu.memory_space<vmem>>) dst(%dma_wait3A_136 : memref<125x64xf32, #tpu.memory_space<vmem_shared>>)
      } else {
      }
      %add3A_63 = arith.constant 1 : i32
      %add3A_64 = arith.addi %mul3A_44, %add3A_63 : i32
      %dma_start3A_65 = arith.constant 0 : i32
      %dma_start3A_66 = tpu.memref_slice %arg8[%add3A_64, %dma_start3A_65] : memref<80x125xi32, #tpu.memory_space<vmem>> -> memref<1x125xi32, #tpu.memory_space<vmem>>
      %dma_start3A_67 = tpu.memref_squeeze %dma_start3A_66 : memref<1x125xi32, #tpu.memory_space<vmem>> -> memref<125xi32, #tpu.memory_space<vmem>>
      %dma_start3A_68 = arith.constant 0 : i32
      %dma_start3A_69 = arith.constant 0 : i32
      %dma_start3A_70 = tpu.memref_slice %arg2[%dma_start3A_68, %dma_start3A_69] : memref<10000x64xf32, #tpu.memory_space<hbm>> -> memref<10000x64xf32, #tpu.memory_space<hbm>>
      tpu.enqueue_indirect_dma source(%dma_start3A_70 : memref<10000x64xf32, #tpu.memory_space<hbm>>) target(%arg13 : memref<125x64xf32, #tpu.memory_space<vmem>>) offsets(%dma_start3A_67 : memref<125xi32, #tpu.memory_space<vmem>>) semaphore(%arg16 : memref<!tpu.dma_semaphore, #tpu.memory_space<semaphore_mem>>)
      %dma_start3A_71 = arith.constant 0 : i32
      %dma_start3A_72 = arith.constant 0 : i32
      %dma_start3A_73 = tpu.memref_slice %arg5[%add3A, %add3A_64, %dma_start3A_71, %dma_start3A_72] : memref<32x80x125x16xf32, #tpu.memory_space<hbm>> -> memref<1x1x125x16xf32, #tpu.memory_space<hbm>>
      %dma_start3A_74 = tpu.memref_squeeze %dma_start3A_73 : memref<1x1x125x16xf32, #tpu.memory_space<hbm>> -> memref<125x16xf32, #tpu.memory_space<hbm>>
      %dma_start3A_75 = arith.constant 0 : i32
      %dma_start3A_76 = arith.constant 0 : i32
      %dma_start3A_77 = tpu.memref_slice %arg5[%add3A, %add3A_64, %dma_start3A_75, %dma_start3A_76] : memref<32x80x125x16xf32, #tpu.memory_space<hbm>> -> memref<1x1x125x16xf32, #tpu.memory_space<hbm>>
      %dma_start3A_78 = tpu.memref_squeeze %dma_start3A_77 : memref<1x1x125x16xf32, #tpu.memory_space<hbm>> -> memref<125x16xf32, #tpu.memory_space<hbm>>
      tpu.enqueue_dma source(%dma_start3A_78 : memref<125x16xf32, #tpu.memory_space<hbm>>) target(%arg11 : memref<125x16xf32, #tpu.memory_space<vmem>>) target_semaphore(%arg18 : memref<!tpu.dma_semaphore, #tpu.memory_space<semaphore_mem>>)
      %scan3A_79 = arith.constant 0 : i32
      %scan3A_80 = arith.constant 0 : i32
      %scan3A_81 = arith.constant 125 : i32
      %scan3A_82 = arith.addi %scan3A_80, %scan3A_81 : i32
      %scan3A_83 = arith.constant 5 : i32
      scf.for %scan3A_131 = %scan3A_80 to %scan3A_82 step %scan3A_83  : i32 {
        %get3A = arith.index_cast %scan3A_131 : i32 to index
        %get3A_132 = arith.constant 0 : index
        %get3A_133 = tpu.vector_load %arg10[%get3A, %get3A_132] {strides = array<i32>} : memref<125x16xf32, #tpu.memory_space<vmem>>, vector<1x16xf32>,
        %get3A_134 = vector.shape_cast %get3A_133 : vector<1x16xf32> to vector<16xf32>
        %get3A_135 = arith.index_cast %scan3A_131 : i32 to index
        %get3A_136 = arith.constant 0 : index
        %get3A_137 = tpu.vector_load %arg12[%get3A_135, %get3A_136] {strides = array<i32>} : memref<125x64xf32, #tpu.memory_space<vmem>>, vector<1x16xf32>,
        %get3A_138 = vector.shape_cast %get3A_137 : vector<1x16xf32> to vector<16xf32>
        %mul3A_139 = arith.mulf %get3A_138, %get3A_134 : vector<16xf32>
        %swap3A = arith.index_cast %scan3A_131 : i32 to index
        %swap3A_140 = arith.constant 0 : index
        %swap3A_141 = tpu.vector_load %arg12[%swap3A, %swap3A_140] {strides = array<i32>} : memref<125x64xf32, #tpu.memory_space<vmem>>, vector<1x16xf32>,
        %swap3A_142 = vector.shape_cast %swap3A_141 : vector<1x16xf32> to vector<16xf32>
        %swap3A_143 = vector.shape_cast %mul3A_139 : vector<16xf32> to vector<1x16xf32>
        tpu.vector_store %arg12[%swap3A, %swap3A_140], %swap3A_143 {strides = array<i32>} : memref<125x64xf32, #tpu.memory_space<vmem>>, vector<1x16xf32>,
        %get3A_144 = arith.index_cast %scan3A_131 : i32 to index
        %get3A_145 = arith.constant 16 : index
        %get3A_146 = tpu.vector_load %arg12[%get3A_144, %get3A_145] {strides = array<i32>} : memref<125x64xf32, #tpu.memory_space<vmem>>, vector<1x16xf32>,
        %get3A_147 = vector.shape_cast %get3A_146 : vector<1x16xf32> to vector<16xf32>
        %mul3A_148 = arith.mulf %get3A_147, %get3A_134 : vector<16xf32>
        %swap3A_149 = arith.index_cast %scan3A_131 : i32 to index
        %swap3A_150 = arith.constant 16 : index
        %swap3A_151 = tpu.vector_load %arg12[%swap3A_149, %swap3A_150] {strides = array<i32>} : memref<125x64xf32, #tpu.memory_space<vmem>>, vector<1x16xf32>,
        %swap3A_152 = vector.shape_cast %swap3A_151 : vector<1x16xf32> to vector<16xf32>
        %swap3A_153 = vector.shape_cast %mul3A_148 : vector<16xf32> to vector<1x16xf32>
        tpu.vector_store %arg12[%swap3A_149, %swap3A_150], %swap3A_153 {strides = array<i32>} : memref<125x64xf32, #tpu.memory_space<vmem>>, vector<1x16xf32>,
        %get3A_154 = arith.index_cast %scan3A_131 : i32 to index
        %get3A_155 = arith.constant 32 : index
        %get3A_156 = tpu.vector_load %arg12[%get3A_154, %get3A_155] {strides = array<i32>} : memref<125x64xf32, #tpu.memory_space<vmem>>, vector<1x16xf32>,
        %get3A_157 = vector.shape_cast %get3A_156 : vector<1x16xf32> to vector<16xf32>
        %mul3A_158 = arith.mulf %get3A_157, %get3A_134 : vector<16xf32>
        %swap3A_159 = arith.index_cast %scan3A_131 : i32 to index
        %swap3A_160 = arith.constant 32 : index
        %swap3A_161 = tpu.vector_load %arg12[%swap3A_159, %swap3A_160] {strides = array<i32>} : memref<125x64xf32, #tpu.memory_space<vmem>>, vector<1x16xf32>,
        %swap3A_162 = vector.shape_cast %swap3A_161 : vector<1x16xf32> to vector<16xf32>
        %swap3A_163 = vector.shape_cast %mul3A_158 : vector<16xf32> to vector<1x16xf32>
        tpu.vector_store %arg12[%swap3A_159, %swap3A_160], %swap3A_163 {strides = array<i32>} : memref<125x64xf32, #tpu.memory_space<vmem>>, vector<1x16xf32>,
        %get3A_164 = arith.index_cast %scan3A_131 : i32 to index
        %get3A_165 = arith.constant 48 : index
        %get3A_166 = tpu.vector_load %arg12[%get3A_164, %get3A_165] {strides = array<i32>} : memref<125x64xf32, #tpu.memory_space<vmem>>, vector<1x16xf32>,
        %get3A_167 = vector.shape_cast %get3A_166 : vector<1x16xf32> to vector<16xf32>
        %mul3A_168 = arith.mulf %get3A_167, %get3A_134 : vector<16xf32>
        %swap3A_169 = arith.index_cast %scan3A_131 : i32 to index
        %swap3A_170 = arith.constant 48 : index
        %swap3A_171 = tpu.vector_load %arg12[%swap3A_169, %swap3A_170] {strides = array<i32>} : memref<125x64xf32, #tpu.memory_space<vmem>>, vector<1x16xf32>,
        %swap3A_172 = vector.shape_cast %swap3A_171 : vector<1x16xf32> to vector<16xf32>
        %swap3A_173 = vector.shape_cast %mul3A_168 : vector<16xf32> to vector<1x16xf32>
        tpu.vector_store %arg12[%swap3A_169, %swap3A_170], %swap3A_173 {strides = array<i32>} : memref<125x64xf32, #tpu.memory_space<vmem>>, vector<1x16xf32>,
        %scan3A_174 = arith.constant 1 : i32
        %scan3A_175 = arith.addi %scan3A_131, %scan3A_174 : i32
        %get3A_176 = arith.index_cast %scan3A_175 : i32 to index
        %get3A_177 = arith.constant 0 : index
        %get3A_178 = tpu.vector_load %arg10[%get3A_176, %get3A_177] {strides = array<i32>} : memref<125x16xf32, #tpu.memory_space<vmem>>, vector<1x16xf32>,
        %get3A_179 = vector.shape_cast %get3A_178 : vector<1x16xf32> to vector<16xf32>
        %get3A_180 = arith.index_cast %scan3A_175 : i32 to index
        %get3A_181 = arith.constant 0 : index
        %get3A_182 = tpu.vector_load %arg12[%get3A_180, %get3A_181] {strides = array<i32>} : memref<125x64xf32, #tpu.memory_space<vmem>>, vector<1x16xf32>,
        %get3A_183 = vector.shape_cast %get3A_182 : vector<1x16xf32> to vector<16xf32>
        %mul3A_184 = arith.mulf %get3A_183, %get3A_179 : vector<16xf32>
        %swap3A_185 = arith.index_cast %scan3A_175 : i32 to index
        %swap3A_186 = arith.constant 0 : index
        %swap3A_187 = tpu.vector_load %arg12[%swap3A_185, %swap3A_186] {strides = array<i32>} : memref<125x64xf32, #tpu.memory_space<vmem>>, vector<1x16xf32>,
        %swap3A_188 = vector.shape_cast %swap3A_187 : vector<1x16xf32> to vector<16xf32>
        %swap3A_189 = vector.shape_cast %mul3A_184 : vector<16xf32> to vector<1x16xf32>
        tpu.vector_store %arg12[%swap3A_185, %swap3A_186], %swap3A_189 {strides = array<i32>} : memref<125x64xf32, #tpu.memory_space<vmem>>, vector<1x16xf32>,
        %get3A_190 = arith.index_cast %scan3A_175 : i32 to index
        %get3A_191 = arith.constant 16 : index
        %get3A_192 = tpu.vector_load %arg12[%get3A_190, %get3A_191] {strides = array<i32>} : memref<125x64xf32, #tpu.memory_space<vmem>>, vector<1x16xf32>,
        %get3A_193 = vector.shape_cast %get3A_192 : vector<1x16xf32> to vector<16xf32>
        %mul3A_194 = arith.mulf %get3A_193, %get3A_179 : vector<16xf32>
        %swap3A_195 = arith.index_cast %scan3A_175 : i32 to index
        %swap3A_196 = arith.constant 16 : index
        %swap3A_197 = tpu.vector_load %arg12[%swap3A_195, %swap3A_196] {strides = array<i32>} : memref<125x64xf32, #tpu.memory_space<vmem>>, vector<1x16xf32>,
        %swap3A_198 = vector.shape_cast %swap3A_197 : vector<1x16xf32> to vector<16xf32>
        %swap3A_199 = vector.shape_cast %mul3A_194 : vector<16xf32> to vector<1x16xf32>
        tpu.vector_store %arg12[%swap3A_195, %swap3A_196], %swap3A_199 {strides = array<i32>} : memref<125x64xf32, #tpu.memory_space<vmem>>, vector<1x16xf32>,
        %get3A_200 = arith.index_cast %scan3A_175 : i32 to index
        %get3A_201 = arith.constant 32 : index
        %get3A_202 = tpu.vector_load %arg12[%get3A_200, %get3A_201] {strides = array<i32>} : memref<125x64xf32, #tpu.memory_space<vmem>>, vector<1x16xf32>,
        %get3A_203 = vector.shape_cast %get3A_202 : vector<1x16xf32> to vector<16xf32>
        %mul3A_204 = arith.mulf %get3A_203, %get3A_179 : vector<16xf32>
        %swap3A_205 = arith.index_cast %scan3A_175 : i32 to index
        %swap3A_206 = arith.constant 32 : index
        %swap3A_207 = tpu.vector_load %arg12[%swap3A_205, %swap3A_206] {strides = array<i32>} : memref<125x64xf32, #tpu.memory_space<vmem>>, vector<1x16xf32>,
        %swap3A_208 = vector.shape_cast %swap3A_207 : vector<1x16xf32> to vector<16xf32>
        %swap3A_209 = vector.shape_cast %mul3A_204 : vector<16xf32> to vector<1x16xf32>
        tpu.vector_store %arg12[%swap3A_205, %swap3A_206], %swap3A_209 {strides = array<i32>} : memref<125x64xf32, #tpu.memory_space<vmem>>, vector<1x16xf32>,
        %get3A_210 = arith.index_cast %scan3A_175 : i32 to index
        %get3A_211 = arith.constant 48 : index
        %get3A_212 = tpu.vector_load %arg12[%get3A_210, %get3A_211] {strides = array<i32>} : memref<125x64xf32, #tpu.memory_space<vmem>>, vector<1x16xf32>,
        %get3A_213 = vector.shape_cast %get3A_212 : vector<1x16xf32> to vector<16xf32>
        %mul3A_214 = arith.mulf %get3A_213, %get3A_179 : vector<16xf32>
        %swap3A_215 = arith.index_cast %scan3A_175 : i32 to index
        %swap3A_216 = arith.constant 48 : index
        %swap3A_217 = tpu.vector_load %arg12[%swap3A_215, %swap3A_216] {strides = array<i32>} : memref<125x64xf32, #tpu.memory_space<vmem>>, vector<1x16xf32>,
        %swap3A_218 = vector.shape_cast %swap3A_217 : vector<1x16xf32> to vector<16xf32>
        %swap3A_219 = vector.shape_cast %mul3A_214 : vector<16xf32> to vector<1x16xf32>
        tpu.vector_store %arg12[%swap3A_215, %swap3A_216], %swap3A_219 {strides = array<i32>} : memref<125x64xf32, #tpu.memory_space<vmem>>, vector<1x16xf32>,
        %scan3A_220 = arith.constant 2 : i32
        %scan3A_221 = arith.addi %scan3A_131, %scan3A_220 : i32
        %get3A_222 = arith.index_cast %scan3A_221 : i32 to index
        %get3A_223 = arith.constant 0 : index
        %get3A_224 = tpu.vector_load %arg10[%get3A_222, %get3A_223] {strides = array<i32>} : memref<125x16xf32, #tpu.memory_space<vmem>>, vector<1x16xf32>,
        %get3A_225 = vector.shape_cast %get3A_224 : vector<1x16xf32> to vector<16xf32>
        %get3A_226 = arith.index_cast %scan3A_221 : i32 to index
        %get3A_227 = arith.constant 0 : index
        %get3A_228 = tpu.vector_load %arg12[%get3A_226, %get3A_227] {strides = array<i32>} : memref<125x64xf32, #tpu.memory_space<vmem>>, vector<1x16xf32>,
        %get3A_229 = vector.shape_cast %get3A_228 : vector<1x16xf32> to vector<16xf32>
        %mul3A_230 = arith.mulf %get3A_229, %get3A_225 : vector<16xf32>
        %swap3A_231 = arith.index_cast %scan3A_221 : i32 to index
        %swap3A_232 = arith.constant 0 : index
        %swap3A_233 = tpu.vector_load %arg12[%swap3A_231, %swap3A_232] {strides = array<i32>} : memref<125x64xf32, #tpu.memory_space<vmem>>, vector<1x16xf32>,
        %swap3A_234 = vector.shape_cast %swap3A_233 : vector<1x16xf32> to vector<16xf32>
        %swap3A_235 = vector.shape_cast %mul3A_230 : vector<16xf32> to vector<1x16xf32>
        tpu.vector_store %arg12[%swap3A_231, %swap3A_232], %swap3A_235 {strides = array<i32>} : memref<125x64xf32, #tpu.memory_space<vmem>>, vector<1x16xf32>,
        %get3A_236 = arith.index_cast %scan3A_221 : i32 to index
        %get3A_237 = arith.constant 16 : index
        %get3A_238 = tpu.vector_load %arg12[%get3A_236, %get3A_237] {strides = array<i32>} : memref<125x64xf32, #tpu.memory_space<vmem>>, vector<1x16xf32>,
        %get3A_239 = vector.shape_cast %get3A_238 : vector<1x16xf32> to vector<16xf32>
        %mul3A_240 = arith.mulf %get3A_239, %get3A_225 : vector<16xf32>
        %swap3A_241 = arith.index_cast %scan3A_221 : i32 to index
        %swap3A_242 = arith.constant 16 : index
        %swap3A_243 = tpu.vector_load %arg12[%swap3A_241, %swap3A_242] {strides = array<i32>} : memref<125x64xf32, #tpu.memory_space<vmem>>, vector<1x16xf32>,
        %swap3A_244 = vector.shape_cast %swap3A_243 : vector<1x16xf32> to vector<16xf32>
        %swap3A_245 = vector.shape_cast %mul3A_240 : vector<16xf32> to vector<1x16xf32>
        tpu.vector_store %arg12[%swap3A_241, %swap3A_242], %swap3A_245 {strides = array<i32>} : memref<125x64xf32, #tpu.memory_space<vmem>>, vector<1x16xf32>,
        %get3A_246 = arith.index_cast %scan3A_221 : i32 to index
        %get3A_247 = arith.constant 32 : index
        %get3A_248 = tpu.vector_load %arg12[%get3A_246, %get3A_247] {strides = array<i32>} : memref<125x64xf32, #tpu.memory_space<vmem>>, vector<1x16xf32>,
        %get3A_249 = vector.shape_cast %get3A_248 : vector<1x16xf32> to vector<16xf32>
        %mul3A_250 = arith.mulf %get3A_249, %get3A_225 : vector<16xf32>
        %swap3A_251 = arith.index_cast %scan3A_221 : i32 to index
        %swap3A_252 = arith.constant 32 : index
        %swap3A_253 = tpu.vector_load %arg12[%swap3A_251, %swap3A_252] {strides = array<i32>} : memref<125x64xf32, #tpu.memory_space<vmem>>, vector<1x16xf32>,
        %swap3A_254 = vector.shape_cast %swap3A_253 : vector<1x16xf32> to vector<16xf32>
        %swap3A_255 = vector.shape_cast %mul3A_250 : vector<16xf32> to vector<1x16xf32>
        tpu.vector_store %arg12[%swap3A_251, %swap3A_252], %swap3A_255 {strides = array<i32>} : memref<125x64xf32, #tpu.memory_space<vmem>>, vector<1x16xf32>,
        %get3A_256 = arith.index_cast %scan3A_221 : i32 to index
        %get3A_257 = arith.constant 48 : index
        %get3A_258 = tpu.vector_load %arg12[%get3A_256, %get3A_257] {strides = array<i32>} : memref<125x64xf32, #tpu.memory_space<vmem>>, vector<1x16xf32>,
        %get3A_259 = vector.shape_cast %get3A_258 : vector<1x16xf32> to vector<16xf32>
        %mul3A_260 = arith.mulf %get3A_259, %get3A_225 : vector<16xf32>
        %swap3A_261 = arith.index_cast %scan3A_221 : i32 to index
        %swap3A_262 = arith.constant 48 : index
        %swap3A_263 = tpu.vector_load %arg12[%swap3A_261, %swap3A_262] {strides = array<i32>} : memref<125x64xf32, #tpu.memory_space<vmem>>, vector<1x16xf32>,
        %swap3A_264 = vector.shape_cast %swap3A_263 : vector<1x16xf32> to vector<16xf32>
        %swap3A_265 = vector.shape_cast %mul3A_260 : vector<16xf32> to vector<1x16xf32>
        tpu.vector_store %arg12[%swap3A_261, %swap3A_262], %swap3A_265 {strides = array<i32>} : memref<125x64xf32, #tpu.memory_space<vmem>>, vector<1x16xf32>,
        %scan3A_266 = arith.constant 3 : i32
        %scan3A_267 = arith.addi %scan3A_131, %scan3A_266 : i32
        %get3A_268 = arith.index_cast %scan3A_267 : i32 to index
        %get3A_269 = arith.constant 0 : index
        %get3A_270 = tpu.vector_load %arg10[%get3A_268, %get3A_269] {strides = array<i32>} : memref<125x16xf32, #tpu.memory_space<vmem>>, vector<1x16xf32>,
        %get3A_271 = vector.shape_cast %get3A_270 : vector<1x16xf32> to vector<16xf32>
        %get3A_272 = arith.index_cast %scan3A_267 : i32 to index
        %get3A_273 = arith.constant 0 : index
        %get3A_274 = tpu.vector_load %arg12[%get3A_272, %get3A_273] {strides = array<i32>} : memref<125x64xf32, #tpu.memory_space<vmem>>, vector<1x16xf32>,
        %get3A_275 = vector.shape_cast %get3A_274 : vector<1x16xf32> to vector<16xf32>
        %mul3A_276 = arith.mulf %get3A_275, %get3A_271 : vector<16xf32>
        %swap3A_277 = arith.index_cast %scan3A_267 : i32 to index
        %swap3A_278 = arith.constant 0 : index
        %swap3A_279 = tpu.vector_load %arg12[%swap3A_277, %swap3A_278] {strides = array<i32>} : memref<125x64xf32, #tpu.memory_space<vmem>>, vector<1x16xf32>,
        %swap3A_280 = vector.shape_cast %swap3A_279 : vector<1x16xf32> to vector<16xf32>
        %swap3A_281 = vector.shape_cast %mul3A_276 : vector<16xf32> to vector<1x16xf32>
        tpu.vector_store %arg12[%swap3A_277, %swap3A_278], %swap3A_281 {strides = array<i32>} : memref<125x64xf32, #tpu.memory_space<vmem>>, vector<1x16xf32>,
        %get3A_282 = arith.index_cast %scan3A_267 : i32 to index
        %get3A_283 = arith.constant 16 : index
        %get3A_284 = tpu.vector_load %arg12[%get3A_282, %get3A_283] {strides = array<i32>} : memref<125x64xf32, #tpu.memory_space<vmem>>, vector<1x16xf32>,
        %get3A_285 = vector.shape_cast %get3A_284 : vector<1x16xf32> to vector<16xf32>
        %mul3A_286 = arith.mulf %get3A_285, %get3A_271 : vector<16xf32>
        %swap3A_287 = arith.index_cast %scan3A_267 : i32 to index
        %swap3A_288 = arith.constant 16 : index
        %swap3A_289 = tpu.vector_load %arg12[%swap3A_287, %swap3A_288] {strides = array<i32>} : memref<125x64xf32, #tpu.memory_space<vmem>>, vector<1x16xf32>,
        %swap3A_290 = vector.shape_cast %swap3A_289 : vector<1x16xf32> to vector<16xf32>
        %swap3A_291 = vector.shape_cast %mul3A_286 : vector<16xf32> to vector<1x16xf32>
        tpu.vector_store %arg12[%swap3A_287, %swap3A_288], %swap3A_291 {strides = array<i32>} : memref<125x64xf32, #tpu.memory_space<vmem>>, vector<1x16xf32>,
        %get3A_292 = arith.index_cast %scan3A_267 : i32 to index
        %get3A_293 = arith.constant 32 : index
        %get3A_294 = tpu.vector_load %arg12[%get3A_292, %get3A_293] {strides = array<i32>} : memref<125x64xf32, #tpu.memory_space<vmem>>, vector<1x16xf32>,
        %get3A_295 = vector.shape_cast %get3A_294 : vector<1x16xf32> to vector<16xf32>
        %mul3A_296 = arith.mulf %get3A_295, %get3A_271 : vector<16xf32>
        %swap3A_297 = arith.index_cast %scan3A_267 : i32 to index
        %swap3A_298 = arith.constant 32 : index
        %swap3A_299 = tpu.vector_load %arg12[%swap3A_297, %swap3A_298] {strides = array<i32>} : memref<125x64xf32, #tpu.memory_space<vmem>>, vector<1x16xf32>,
        %swap3A_300 = vector.shape_cast %swap3A_299 : vector<1x16xf32> to vector<16xf32>
        %swap3A_301 = vector.shape_cast %mul3A_296 : vector<16xf32> to vector<1x16xf32>
        tpu.vector_store %arg12[%swap3A_297, %swap3A_298], %swap3A_301 {strides = array<i32>} : memref<125x64xf32, #tpu.memory_space<vmem>>, vector<1x16xf32>,
        %get3A_302 = arith.index_cast %scan3A_267 : i32 to index
        %get3A_303 = arith.constant 48 : index
        %get3A_304 = tpu.vector_load %arg12[%get3A_302, %get3A_303] {strides = array<i32>} : memref<125x64xf32, #tpu.memory_space<vmem>>, vector<1x16xf32>,
        %get3A_305 = vector.shape_cast %get3A_304 : vector<1x16xf32> to vector<16xf32>
        %mul3A_306 = arith.mulf %get3A_305, %get3A_271 : vector<16xf32>
        %swap3A_307 = arith.index_cast %scan3A_267 : i32 to index
        %swap3A_308 = arith.constant 48 : index
        %swap3A_309 = tpu.vector_load %arg12[%swap3A_307, %swap3A_308] {strides = array<i32>} : memref<125x64xf32, #tpu.memory_space<vmem>>, vector<1x16xf32>,
        %swap3A_310 = vector.shape_cast %swap3A_309 : vector<1x16xf32> to vector<16xf32>
        %swap3A_311 = vector.shape_cast %mul3A_306 : vector<16xf32> to vector<1x16xf32>
        tpu.vector_store %arg12[%swap3A_307, %swap3A_308], %swap3A_311 {strides = array<i32>} : memref<125x64xf32, #tpu.memory_space<vmem>>, vector<1x16xf32>,
        %scan3A_312 = arith.constant 4 : i32
        %scan3A_313 = arith.addi %scan3A_131, %scan3A_312 : i32
        %get3A_314 = arith.index_cast %scan3A_313 : i32 to index
        %get3A_315 = arith.constant 0 : index
        %get3A_316 = tpu.vector_load %arg10[%get3A_314, %get3A_315] {strides = array<i32>} : memref<125x16xf32, #tpu.memory_space<vmem>>, vector<1x16xf32>,
        %get3A_317 = vector.shape_cast %get3A_316 : vector<1x16xf32> to vector<16xf32>
        %get3A_318 = arith.index_cast %scan3A_313 : i32 to index
        %get3A_319 = arith.constant 0 : index
        %get3A_320 = tpu.vector_load %arg12[%get3A_318, %get3A_319] {strides = array<i32>} : memref<125x64xf32, #tpu.memory_space<vmem>>, vector<1x16xf32>,
        %get3A_321 = vector.shape_cast %get3A_320 : vector<1x16xf32> to vector<16xf32>
        %mul3A_322 = arith.mulf %get3A_321, %get3A_317 : vector<16xf32>
        %swap3A_323 = arith.index_cast %scan3A_313 : i32 to index
        %swap3A_324 = arith.constant 0 : index
        %swap3A_325 = tpu.vector_load %arg12[%swap3A_323, %swap3A_324] {strides = array<i32>} : memref<125x64xf32, #tpu.memory_space<vmem>>, vector<1x16xf32>,
        %swap3A_326 = vector.shape_cast %swap3A_325 : vector<1x16xf32> to vector<16xf32>
        %swap3A_327 = vector.shape_cast %mul3A_322 : vector<16xf32> to vector<1x16xf32>
        tpu.vector_store %arg12[%swap3A_323, %swap3A_324], %swap3A_327 {strides = array<i32>} : memref<125x64xf32, #tpu.memory_space<vmem>>, vector<1x16xf32>,
        %get3A_328 = arith.index_cast %scan3A_313 : i32 to index
        %get3A_329 = arith.constant 16 : index
        %get3A_330 = tpu.vector_load %arg12[%get3A_328, %get3A_329] {strides = array<i32>} : memref<125x64xf32, #tpu.memory_space<vmem>>, vector<1x16xf32>,
        %get3A_331 = vector.shape_cast %get3A_330 : vector<1x16xf32> to vector<16xf32>
        %mul3A_332 = arith.mulf %get3A_331, %get3A_317 : vector<16xf32>
        %swap3A_333 = arith.index_cast %scan3A_313 : i32 to index
        %swap3A_334 = arith.constant 16 : index
        %swap3A_335 = tpu.vector_load %arg12[%swap3A_333, %swap3A_334] {strides = array<i32>} : memref<125x64xf32, #tpu.memory_space<vmem>>, vector<1x16xf32>,
        %swap3A_336 = vector.shape_cast %swap3A_335 : vector<1x16xf32> to vector<16xf32>
        %swap3A_337 = vector.shape_cast %mul3A_332 : vector<16xf32> to vector<1x16xf32>
        tpu.vector_store %arg12[%swap3A_333, %swap3A_334], %swap3A_337 {strides = array<i32>} : memref<125x64xf32, #tpu.memory_space<vmem>>, vector<1x16xf32>,
        %get3A_338 = arith.index_cast %scan3A_313 : i32 to index
        %get3A_339 = arith.constant 32 : index
        %get3A_340 = tpu.vector_load %arg12[%get3A_338, %get3A_339] {strides = array<i32>} : memref<125x64xf32, #tpu.memory_space<vmem>>, vector<1x16xf32>,
        %get3A_341 = vector.shape_cast %get3A_340 : vector<1x16xf32> to vector<16xf32>
        %mul3A_342 = arith.mulf %get3A_341, %get3A_317 : vector<16xf32>
        %swap3A_343 = arith.index_cast %scan3A_313 : i32 to index
        %swap3A_344 = arith.constant 32 : index
        %swap3A_345 = tpu.vector_load %arg12[%swap3A_343, %swap3A_344] {strides = array<i32>} : memref<125x64xf32, #tpu.memory_space<vmem>>, vector<1x16xf32>,
        %swap3A_346 = vector.shape_cast %swap3A_345 : vector<1x16xf32> to vector<16xf32>
        %swap3A_347 = vector.shape_cast %mul3A_342 : vector<16xf32> to vector<1x16xf32>
        tpu.vector_store %arg12[%swap3A_343, %swap3A_344], %swap3A_347 {strides = array<i32>} : memref<125x64xf32, #tpu.memory_space<vmem>>, vector<1x16xf32>,
        %get3A_348 = arith.index_cast %scan3A_313 : i32 to index
        %get3A_349 = arith.constant 48 : index
        %get3A_350 = tpu.vector_load %arg12[%get3A_348, %get3A_349] {strides = array<i32>} : memref<125x64xf32, #tpu.memory_space<vmem>>, vector<1x16xf32>,
        %get3A_351 = vector.shape_cast %get3A_350 : vector<1x16xf32> to vector<16xf32>
        %mul3A_352 = arith.mulf %get3A_351, %get3A_317 : vector<16xf32>
        %swap3A_353 = arith.index_cast %scan3A_313 : i32 to index
        %swap3A_354 = arith.constant 48 : index
        %swap3A_355 = tpu.vector_load %arg12[%swap3A_353, %swap3A_354] {strides = array<i32>} : memref<125x64xf32, #tpu.memory_space<vmem>>, vector<1x16xf32>,
        %swap3A_356 = vector.shape_cast %swap3A_355 : vector<1x16xf32> to vector<16xf32>
        %swap3A_357 = vector.shape_cast %mul3A_352 : vector<16xf32> to vector<1x16xf32>
        tpu.vector_store %arg12[%swap3A_353, %swap3A_354], %swap3A_357 {strides = array<i32>} : memref<125x64xf32, #tpu.memory_space<vmem>>, vector<1x16xf32>,
      }
      %scan3A_84 = arith.constant 125 : i32
      %dma_start3A_85 = arith.constant 0 : i32
      %dma_start3A_86 = tpu.memref_slice %arg9[%mul3A_44, %dma_start3A_85] : memref<80x125xi32, #tpu.memory_space<vmem>> -> memref<1x125xi32, #tpu.memory_space<vmem>>
      %dma_start3A_87 = tpu.memref_squeeze %dma_start3A_86 : memref<1x125xi32, #tpu.memory_space<vmem>> -> memref<125xi32, #tpu.memory_space<vmem>>
      %dma_start3A_88 = arith.constant 0 : i32
      %dma_start3A_89 = arith.constant 0 : i32
      %dma_start3A_90 = tpu.memref_slice %arg14[%dma_start3A_88, %dma_start3A_89] : memref<10000x64xf32, #tpu.memory_space<vmem_shared>> -> memref<10000x64xf32, #tpu.memory_space<vmem_shared>>
      tpu.enqueue_indirect_dma source(%arg12 : memref<125x64xf32, #tpu.memory_space<vmem>>) target(%dma_start3A_90 : memref<10000x64xf32, #tpu.memory_space<vmem_shared>>) offsets(%dma_start3A_87 : memref<125xi32, #tpu.memory_space<vmem>>) semaphore(%arg19 : memref<!tpu.dma_semaphore, #tpu.memory_space<semaphore_mem>>) {add = true}
      %add3A_91 = arith.constant 1 : i32
      %add3A_92 = arith.addi %mul3A_44, %add3A_91 : i32
      %dma_wait3A_93 = arith.constant 0 : i32
      %dma_wait3A_94 = tpu.memref_slice %arg8[%add3A_92, %dma_wait3A_93] : memref<80x125xi32, #tpu.memory_space<vmem>> -> memref<1x125xi32, #tpu.memory_space<vmem>>
      %dma_wait3A_95 = tpu.memref_squeeze %dma_wait3A_94 : memref<1x125xi32, #tpu.memory_space<vmem>> -> memref<125xi32, #tpu.memory_space<vmem>>
      %dma_wait3A_96 = arith.constant 0 : i32
      %dma_wait3A_97 = arith.constant 0 : i32
      %dma_wait3A_98 = tpu.memref_slice %arg2[%dma_wait3A_96, %dma_wait3A_97] : memref<10000x64xf32, #tpu.memory_space<hbm>> -> memref<10000x64xf32, #tpu.memory_space<hbm>>
      tpu.wait_indirect_dma semaphore(%arg16 : memref<!tpu.dma_semaphore, #tpu.memory_space<semaphore_mem>>) src(%dma_wait3A_98 : memref<10000x64xf32, #tpu.memory_space<hbm>>) dst(%arg13 : memref<125x64xf32, #tpu.memory_space<vmem>>)
      %dma_wait3A_99 = arith.constant 0 : i32
      %dma_wait3A_100 = arith.constant 0 : i32
      %dma_wait3A_101 = tpu.memref_slice %arg5[%add3A, %add3A_92, %dma_wait3A_99, %dma_wait3A_100] : memref<32x80x125x16xf32, #tpu.memory_space<hbm>> -> memref<1x1x125x16xf32, #tpu.memory_space<hbm>>
      %dma_wait3A_102 = tpu.memref_squeeze %dma_wait3A_101 : memref<1x1x125x16xf32, #tpu.memory_space<hbm>> -> memref<125x16xf32, #tpu.memory_space<hbm>>
      %dma_wait3A_103 = arith.constant 0 : i32
      %dma_wait3A_104 = arith.constant 0 : i32
      %dma_wait3A_105 = tpu.memref_slice %arg5[%add3A, %add3A_92, %dma_wait3A_103, %dma_wait3A_104] : memref<32x80x125x16xf32, #tpu.memory_space<hbm>> -> memref<1x1x125x16xf32, #tpu.memory_space<hbm>>
      %dma_wait3A_106 = tpu.memref_squeeze %dma_wait3A_105 : memref<1x1x125x16xf32, #tpu.memory_space<hbm>> -> memref<125x16xf32, #tpu.memory_space<hbm>>
      tpu.wait_dma2 semaphore(%arg18 : memref<!tpu.dma_semaphore, #tpu.memory_space<semaphore_mem>>) src(%dma_wait3A_106 : memref<125x16xf32, #tpu.memory_space<hbm>>) dst(%arg11 : memref<125x16xf32, #tpu.memory_space<vmem>>)
      %dma_wait3A_107 = arith.constant 0 : i32
      %dma_wait3A_108 = arith.constant 0 : i32
      %dma_wait3A_109 = tpu.memref_slice %arg14[%dma_wait3A_107, %dma_wait3A_108] : memref<10000x64xf32, #tpu.memory_space<vmem_shared>> -> memref<125x64xf32, #tpu.memory_space<vmem_shared>>
      %dma_wait3A_110 = arith.constant 0 : i32
      %dma_wait3A_111 = arith.constant 0 : i32
      %dma_wait3A_112 = tpu.memref_slice %arg14[%dma_wait3A_110, %dma_wait3A_111] : memref<10000x64xf32, #tpu.memory_space<vmem_shared>> -> memref<125x64xf32, #tpu.memory_space<vmem_shared>>
      tpu.wait_dma2 semaphore(%arg19 : memref<!tpu.dma_semaphore, #tpu.memory_space<semaphore_mem>>) src(%arg12 : memref<125x64xf32, #tpu.memory_space<vmem>>) dst(%dma_wait3A_112 : memref<125x64xf32, #tpu.memory_space<vmem_shared>>)
      %add3A_113 = arith.constant 1 : i32
      %add3A_114 = arith.addi %add3A_92, %add3A_113 : i32
      %lt3A = arith.constant 80 : i32
      %lt3A_115 = arith.cmpi slt, %add3A_114, %lt3A : i32
      %convert_element_type3A_116 = arith.extui %lt3A_115 : i1 to i32
      %cond3A_117 = arith.constant 0 : i32
      %cond3A_118 = arith.cmpi ne, %convert_element_type3A_116, %cond3A_117 : i32
      scf.if %cond3A_118 {
        %add3A_131 = arith.constant 1 : i32
        %add3A_132 = arith.addi %add3A_92, %add3A_131 : i32
        %dma_start3A_133 = arith.constant 0 : i32
        %dma_start3A_134 = tpu.memref_slice %arg8[%add3A_132, %dma_start3A_133] : memref<80x125xi32, #tpu.memory_space<vmem>> -> memref<1x125xi32, #tpu.memory_space<vmem>>
        %dma_start3A_135 = tpu.memref_squeeze %dma_start3A_134 : memref<1x125xi32, #tpu.memory_space<vmem>> -> memref<125xi32, #tpu.memory_space<vmem>>
        %dma_start3A_136 = arith.constant 0 : i32
        %dma_start3A_137 = arith.constant 0 : i32
        %dma_start3A_138 = tpu.memref_slice %arg2[%dma_start3A_136, %dma_start3A_137] : memref<10000x64xf32, #tpu.memory_space<hbm>> -> memref<10000x64xf32, #tpu.memory_space<hbm>>
        tpu.enqueue_indirect_dma source(%dma_start3A_138 : memref<10000x64xf32, #tpu.memory_space<hbm>>) target(%arg12 : memref<125x64xf32, #tpu.memory_space<vmem>>) offsets(%dma_start3A_135 : memref<125xi32, #tpu.memory_space<vmem>>) semaphore(%arg15 : memref<!tpu.dma_semaphore, #tpu.memory_space<semaphore_mem>>)
        %dma_start3A_139 = arith.constant 0 : i32
        %dma_start3A_140 = arith.constant 0 : i32
        %dma_start3A_141 = tpu.memref_slice %arg5[%add3A, %add3A_132, %dma_start3A_139, %dma_start3A_140] : memref<32x80x125x16xf32, #tpu.memory_space<hbm>> -> memref<1x1x125x16xf32, #tpu.memory_space<hbm>>
        %dma_start3A_142 = tpu.memref_squeeze %dma_start3A_141 : memref<1x1x125x16xf32, #tpu.memory_space<hbm>> -> memref<125x16xf32, #tpu.memory_space<hbm>>
        %dma_start3A_143 = arith.constant 0 : i32
        %dma_start3A_144 = arith.constant 0 : i32
        %dma_start3A_145 = tpu.memref_slice %arg5[%add3A, %add3A_132, %dma_start3A_143, %dma_start3A_144] : memref<32x80x125x16xf32, #tpu.memory_space<hbm>> -> memref<1x1x125x16xf32, #tpu.memory_space<hbm>>
        %dma_start3A_146 = tpu.memref_squeeze %dma_start3A_145 : memref<1x1x125x16xf32, #tpu.memory_space<hbm>> -> memref<125x16xf32, #tpu.memory_space<hbm>>
        tpu.enqueue_dma source(%dma_start3A_146 : memref<125x16xf32, #tpu.memory_space<hbm>>) target(%arg10 : memref<125x16xf32, #tpu.memory_space<vmem>>) target_semaphore(%arg17 : memref<!tpu.dma_semaphore, #tpu.memory_space<semaphore_mem>>)
      } else {
      }
      %scan3A_119 = arith.constant 0 : i32
      %scan3A_120 = arith.constant 0 : i32
      %scan3A_121 = arith.constant 125 : i32
      %scan3A_122 = arith.addi %scan3A_120, %scan3A_121 : i32
      %scan3A_123 = arith.constant 5 : i32
      scf.for %scan3A_131 = %scan3A_120 to %scan3A_122 step %scan3A_123  : i32 {
        %get3A = arith.index_cast %scan3A_131 : i32 to index
        %get3A_132 = arith.constant 0 : index
        %get3A_133 = tpu.vector_load %arg11[%get3A, %get3A_132] {strides = array<i32>} : memref<125x16xf32, #tpu.memory_space<vmem>>, vector<1x16xf32>,
        %get3A_134 = vector.shape_cast %get3A_133 : vector<1x16xf32> to vector<16xf32>
        %get3A_135 = arith.index_cast %scan3A_131 : i32 to index
        %get3A_136 = arith.constant 0 : index
        %get3A_137 = tpu.vector_load %arg13[%get3A_135, %get3A_136] {strides = array<i32>} : memref<125x64xf32, #tpu.memory_space<vmem>>, vector<1x16xf32>,
        %get3A_138 = vector.shape_cast %get3A_137 : vector<1x16xf32> to vector<16xf32>
        %mul3A_139 = arith.mulf %get3A_138, %get3A_134 : vector<16xf32>
        %swap3A = arith.index_cast %scan3A_131 : i32 to index
        %swap3A_140 = arith.constant 0 : index
        %swap3A_141 = tpu.vector_load %arg13[%swap3A, %swap3A_140] {strides = array<i32>} : memref<125x64xf32, #tpu.memory_space<vmem>>, vector<1x16xf32>,
        %swap3A_142 = vector.shape_cast %swap3A_141 : vector<1x16xf32> to vector<16xf32>
        %swap3A_143 = vector.shape_cast %mul3A_139 : vector<16xf32> to vector<1x16xf32>
        tpu.vector_store %arg13[%swap3A, %swap3A_140], %swap3A_143 {strides = array<i32>} : memref<125x64xf32, #tpu.memory_space<vmem>>, vector<1x16xf32>,
        %get3A_144 = arith.index_cast %scan3A_131 : i32 to index
        %get3A_145 = arith.constant 16 : index
        %get3A_146 = tpu.vector_load %arg13[%get3A_144, %get3A_145] {strides = array<i32>} : memref<125x64xf32, #tpu.memory_space<vmem>>, vector<1x16xf32>,
        %get3A_147 = vector.shape_cast %get3A_146 : vector<1x16xf32> to vector<16xf32>
        %mul3A_148 = arith.mulf %get3A_147, %get3A_134 : vector<16xf32>
        %swap3A_149 = arith.index_cast %scan3A_131 : i32 to index
        %swap3A_150 = arith.constant 16 : index
        %swap3A_151 = tpu.vector_load %arg13[%swap3A_149, %swap3A_150] {strides = array<i32>} : memref<125x64xf32, #tpu.memory_space<vmem>>, vector<1x16xf32>,
        %swap3A_152 = vector.shape_cast %swap3A_151 : vector<1x16xf32> to vector<16xf32>
        %swap3A_153 = vector.shape_cast %mul3A_148 : vector<16xf32> to vector<1x16xf32>
        tpu.vector_store %arg13[%swap3A_149, %swap3A_150], %swap3A_153 {strides = array<i32>} : memref<125x64xf32, #tpu.memory_space<vmem>>, vector<1x16xf32>,
        %get3A_154 = arith.index_cast %scan3A_131 : i32 to index
        %get3A_155 = arith.constant 32 : index
        %get3A_156 = tpu.vector_load %arg13[%get3A_154, %get3A_155] {strides = array<i32>} : memref<125x64xf32, #tpu.memory_space<vmem>>, vector<1x16xf32>,
        %get3A_157 = vector.shape_cast %get3A_156 : vector<1x16xf32> to vector<16xf32>
        %mul3A_158 = arith.mulf %get3A_157, %get3A_134 : vector<16xf32>
        %swap3A_159 = arith.index_cast %scan3A_131 : i32 to index
        %swap3A_160 = arith.constant 32 : index
        %swap3A_161 = tpu.vector_load %arg13[%swap3A_159, %swap3A_160] {strides = array<i32>} : memref<125x64xf32, #tpu.memory_space<vmem>>, vector<1x16xf32>,
        %swap3A_162 = vector.shape_cast %swap3A_161 : vector<1x16xf32> to vector<16xf32>
        %swap3A_163 = vector.shape_cast %mul3A_158 : vector<16xf32> to vector<1x16xf32>
        tpu.vector_store %arg13[%swap3A_159, %swap3A_160], %swap3A_163 {strides = array<i32>} : memref<125x64xf32, #tpu.memory_space<vmem>>, vector<1x16xf32>,
        %get3A_164 = arith.index_cast %scan3A_131 : i32 to index
        %get3A_165 = arith.constant 48 : index
        %get3A_166 = tpu.vector_load %arg13[%get3A_164, %get3A_165] {strides = array<i32>} : memref<125x64xf32, #tpu.memory_space<vmem>>, vector<1x16xf32>,
        %get3A_167 = vector.shape_cast %get3A_166 : vector<1x16xf32> to vector<16xf32>
        %mul3A_168 = arith.mulf %get3A_167, %get3A_134 : vector<16xf32>
        %swap3A_169 = arith.index_cast %scan3A_131 : i32 to index
        %swap3A_170 = arith.constant 48 : index
        %swap3A_171 = tpu.vector_load %arg13[%swap3A_169, %swap3A_170] {strides = array<i32>} : memref<125x64xf32, #tpu.memory_space<vmem>>, vector<1x16xf32>,
        %swap3A_172 = vector.shape_cast %swap3A_171 : vector<1x16xf32> to vector<16xf32>
        %swap3A_173 = vector.shape_cast %mul3A_168 : vector<16xf32> to vector<1x16xf32>
        tpu.vector_store %arg13[%swap3A_169, %swap3A_170], %swap3A_173 {strides = array<i32>} : memref<125x64xf32, #tpu.memory_space<vmem>>, vector<1x16xf32>,
        %scan3A_174 = arith.constant 1 : i32
        %scan3A_175 = arith.addi %scan3A_131, %scan3A_174 : i32
        %get3A_176 = arith.index_cast %scan3A_175 : i32 to index
        %get3A_177 = arith.constant 0 : index
        %get3A_178 = tpu.vector_load %arg11[%get3A_176, %get3A_177] {strides = array<i32>} : memref<125x16xf32, #tpu.memory_space<vmem>>, vector<1x16xf32>,
        %get3A_179 = vector.shape_cast %get3A_178 : vector<1x16xf32> to vector<16xf32>
        %get3A_180 = arith.index_cast %scan3A_175 : i32 to index
        %get3A_181 = arith.constant 0 : index
        %get3A_182 = tpu.vector_load %arg13[%get3A_180, %get3A_181] {strides = array<i32>} : memref<125x64xf32, #tpu.memory_space<vmem>>, vector<1x16xf32>,
        %get3A_183 = vector.shape_cast %get3A_182 : vector<1x16xf32> to vector<16xf32>
        %mul3A_184 = arith.mulf %get3A_183, %get3A_179 : vector<16xf32>
        %swap3A_185 = arith.index_cast %scan3A_175 : i32 to index
        %swap3A_186 = arith.constant 0 : index
        %swap3A_187 = tpu.vector_load %arg13[%swap3A_185, %swap3A_186] {strides = array<i32>} : memref<125x64xf32, #tpu.memory_space<vmem>>, vector<1x16xf32>,
        %swap3A_188 = vector.shape_cast %swap3A_187 : vector<1x16xf32> to vector<16xf32>
        %swap3A_189 = vector.shape_cast %mul3A_184 : vector<16xf32> to vector<1x16xf32>
        tpu.vector_store %arg13[%swap3A_185, %swap3A_186], %swap3A_189 {strides = array<i32>} : memref<125x64xf32, #tpu.memory_space<vmem>>, vector<1x16xf32>,
        %get3A_190 = arith.index_cast %scan3A_175 : i32 to index
        %get3A_191 = arith.constant 16 : index
        %get3A_192 = tpu.vector_load %arg13[%get3A_190, %get3A_191] {strides = array<i32>} : memref<125x64xf32, #tpu.memory_space<vmem>>, vector<1x16xf32>,
        %get3A_193 = vector.shape_cast %get3A_192 : vector<1x16xf32> to vector<16xf32>
        %mul3A_194 = arith.mulf %get3A_193, %get3A_179 : vector<16xf32>
        %swap3A_195 = arith.index_cast %scan3A_175 : i32 to index
        %swap3A_196 = arith.constant 16 : index
        %swap3A_197 = tpu.vector_load %arg13[%swap3A_195, %swap3A_196] {strides = array<i32>} : memref<125x64xf32, #tpu.memory_space<vmem>>, vector<1x16xf32>,
        %swap3A_198 = vector.shape_cast %swap3A_197 : vector<1x16xf32> to vector<16xf32>
        %swap3A_199 = vector.shape_cast %mul3A_194 : vector<16xf32> to vector<1x16xf32>
        tpu.vector_store %arg13[%swap3A_195, %swap3A_196], %swap3A_199 {strides = array<i32>} : memref<125x64xf32, #tpu.memory_space<vmem>>, vector<1x16xf32>,
        %get3A_200 = arith.index_cast %scan3A_175 : i32 to index
        %get3A_201 = arith.constant 32 : index
        %get3A_202 = tpu.vector_load %arg13[%get3A_200, %get3A_201] {strides = array<i32>} : memref<125x64xf32, #tpu.memory_space<vmem>>, vector<1x16xf32>,
        %get3A_203 = vector.shape_cast %get3A_202 : vector<1x16xf32> to vector<16xf32>
        %mul3A_204 = arith.mulf %get3A_203, %get3A_179 : vector<16xf32>
        %swap3A_205 = arith.index_cast %scan3A_175 : i32 to index
        %swap3A_206 = arith.constant 32 : index
        %swap3A_207 = tpu.vector_load %arg13[%swap3A_205, %swap3A_206] {strides = array<i32>} : memref<125x64xf32, #tpu.memory_space<vmem>>, vector<1x16xf32>,
        %swap3A_208 = vector.shape_cast %swap3A_207 : vector<1x16xf32> to vector<16xf32>
        %swap3A_209 = vector.shape_cast %mul3A_204 : vector<16xf32> to vector<1x16xf32>
        tpu.vector_store %arg13[%swap3A_205, %swap3A_206], %swap3A_209 {strides = array<i32>} : memref<125x64xf32, #tpu.memory_space<vmem>>, vector<1x16xf32>,
        %get3A_210 = arith.index_cast %scan3A_175 : i32 to index
        %get3A_211 = arith.constant 48 : index
        %get3A_212 = tpu.vector_load %arg13[%get3A_210, %get3A_211] {strides = array<i32>} : memref<125x64xf32, #tpu.memory_space<vmem>>, vector<1x16xf32>,
        %get3A_213 = vector.shape_cast %get3A_212 : vector<1x16xf32> to vector<16xf32>
        %mul3A_214 = arith.mulf %get3A_213, %get3A_179 : vector<16xf32>
        %swap3A_215 = arith.index_cast %scan3A_175 : i32 to index
        %swap3A_216 = arith.constant 48 : index
        %swap3A_217 = tpu.vector_load %arg13[%swap3A_215, %swap3A_216] {strides = array<i32>} : memref<125x64xf32, #tpu.memory_space<vmem>>, vector<1x16xf32>,
        %swap3A_218 = vector.shape_cast %swap3A_217 : vector<1x16xf32> to vector<16xf32>
        %swap3A_219 = vector.shape_cast %mul3A_214 : vector<16xf32> to vector<1x16xf32>
        tpu.vector_store %arg13[%swap3A_215, %swap3A_216], %swap3A_219 {strides = array<i32>} : memref<125x64xf32, #tpu.memory_space<vmem>>, vector<1x16xf32>,
        %scan3A_220 = arith.constant 2 : i32
        %scan3A_221 = arith.addi %scan3A_131, %scan3A_220 : i32
        %get3A_222 = arith.index_cast %scan3A_221 : i32 to index
        %get3A_223 = arith.constant 0 : index
        %get3A_224 = tpu.vector_load %arg11[%get3A_222, %get3A_223] {strides = array<i32>} : memref<125x16xf32, #tpu.memory_space<vmem>>, vector<1x16xf32>,
        %get3A_225 = vector.shape_cast %get3A_224 : vector<1x16xf32> to vector<16xf32>
        %get3A_226 = arith.index_cast %scan3A_221 : i32 to index
        %get3A_227 = arith.constant 0 : index
        %get3A_228 = tpu.vector_load %arg13[%get3A_226, %get3A_227] {strides = array<i32>} : memref<125x64xf32, #tpu.memory_space<vmem>>, vector<1x16xf32>,
        %get3A_229 = vector.shape_cast %get3A_228 : vector<1x16xf32> to vector<16xf32>
        %mul3A_230 = arith.mulf %get3A_229, %get3A_225 : vector<16xf32>
        %swap3A_231 = arith.index_cast %scan3A_221 : i32 to index
        %swap3A_232 = arith.constant 0 : index
        %swap3A_233 = tpu.vector_load %arg13[%swap3A_231, %swap3A_232] {strides = array<i32>} : memref<125x64xf32, #tpu.memory_space<vmem>>, vector<1x16xf32>,
        %swap3A_234 = vector.shape_cast %swap3A_233 : vector<1x16xf32> to vector<16xf32>
        %swap3A_235 = vector.shape_cast %mul3A_230 : vector<16xf32> to vector<1x16xf32>
        tpu.vector_store %arg13[%swap3A_231, %swap3A_232], %swap3A_235 {strides = array<i32>} : memref<125x64xf32, #tpu.memory_space<vmem>>, vector<1x16xf32>,
        %get3A_236 = arith.index_cast %scan3A_221 : i32 to index
        %get3A_237 = arith.constant 16 : index
        %get3A_238 = tpu.vector_load %arg13[%get3A_236, %get3A_237] {strides = array<i32>} : memref<125x64xf32, #tpu.memory_space<vmem>>, vector<1x16xf32>,
        %get3A_239 = vector.shape_cast %get3A_238 : vector<1x16xf32> to vector<16xf32>
        %mul3A_240 = arith.mulf %get3A_239, %get3A_225 : vector<16xf32>
        %swap3A_241 = arith.index_cast %scan3A_221 : i32 to index
        %swap3A_242 = arith.constant 16 : index
        %swap3A_243 = tpu.vector_load %arg13[%swap3A_241, %swap3A_242] {strides = array<i32>} : memref<125x64xf32, #tpu.memory_space<vmem>>, vector<1x16xf32>,
        %swap3A_244 = vector.shape_cast %swap3A_243 : vector<1x16xf32> to vector<16xf32>
        %swap3A_245 = vector.shape_cast %mul3A_240 : vector<16xf32> to vector<1x16xf32>
        tpu.vector_store %arg13[%swap3A_241, %swap3A_242], %swap3A_245 {strides = array<i32>} : memref<125x64xf32, #tpu.memory_space<vmem>>, vector<1x16xf32>,
        %get3A_246 = arith.index_cast %scan3A_221 : i32 to index
        %get3A_247 = arith.constant 32 : index
        %get3A_248 = tpu.vector_load %arg13[%get3A_246, %get3A_247] {strides = array<i32>} : memref<125x64xf32, #tpu.memory_space<vmem>>, vector<1x16xf32>,
        %get3A_249 = vector.shape_cast %get3A_248 : vector<1x16xf32> to vector<16xf32>
        %mul3A_250 = arith.mulf %get3A_249, %get3A_225 : vector<16xf32>
        %swap3A_251 = arith.index_cast %scan3A_221 : i32 to index
        %swap3A_252 = arith.constant 32 : index
        %swap3A_253 = tpu.vector_load %arg13[%swap3A_251, %swap3A_252] {strides = array<i32>} : memref<125x64xf32, #tpu.memory_space<vmem>>, vector<1x16xf32>,
        %swap3A_254 = vector.shape_cast %swap3A_253 : vector<1x16xf32> to vector<16xf32>
        %swap3A_255 = vector.shape_cast %mul3A_250 : vector<16xf32> to vector<1x16xf32>
        tpu.vector_store %arg13[%swap3A_251, %swap3A_252], %swap3A_255 {strides = array<i32>} : memref<125x64xf32, #tpu.memory_space<vmem>>, vector<1x16xf32>,
        %get3A_256 = arith.index_cast %scan3A_221 : i32 to index
        %get3A_257 = arith.constant 48 : index
        %get3A_258 = tpu.vector_load %arg13[%get3A_256, %get3A_257] {strides = array<i32>} : memref<125x64xf32, #tpu.memory_space<vmem>>, vector<1x16xf32>,
        %get3A_259 = vector.shape_cast %get3A_258 : vector<1x16xf32> to vector<16xf32>
        %mul3A_260 = arith.mulf %get3A_259, %get3A_225 : vector<16xf32>
        %swap3A_261 = arith.index_cast %scan3A_221 : i32 to index
        %swap3A_262 = arith.constant 48 : index
        %swap3A_263 = tpu.vector_load %arg13[%swap3A_261, %swap3A_262] {strides = array<i32>} : memref<125x64xf32, #tpu.memory_space<vmem>>, vector<1x16xf32>,
        %swap3A_264 = vector.shape_cast %swap3A_263 : vector<1x16xf32> to vector<16xf32>
        %swap3A_265 = vector.shape_cast %mul3A_260 : vector<16xf32> to vector<1x16xf32>
        tpu.vector_store %arg13[%swap3A_261, %swap3A_262], %swap3A_265 {strides = array<i32>} : memref<125x64xf32, #tpu.memory_space<vmem>>, vector<1x16xf32>,
        %scan3A_266 = arith.constant 3 : i32
        %scan3A_267 = arith.addi %scan3A_131, %scan3A_266 : i32
        %get3A_268 = arith.index_cast %scan3A_267 : i32 to index
        %get3A_269 = arith.constant 0 : index
        %get3A_270 = tpu.vector_load %arg11[%get3A_268, %get3A_269] {strides = array<i32>} : memref<125x16xf32, #tpu.memory_space<vmem>>, vector<1x16xf32>,
        %get3A_271 = vector.shape_cast %get3A_270 : vector<1x16xf32> to vector<16xf32>
        %get3A_272 = arith.index_cast %scan3A_267 : i32 to index
        %get3A_273 = arith.constant 0 : index
        %get3A_274 = tpu.vector_load %arg13[%get3A_272, %get3A_273] {strides = array<i32>} : memref<125x64xf32, #tpu.memory_space<vmem>>, vector<1x16xf32>,
        %get3A_275 = vector.shape_cast %get3A_274 : vector<1x16xf32> to vector<16xf32>
        %mul3A_276 = arith.mulf %get3A_275, %get3A_271 : vector<16xf32>
        %swap3A_277 = arith.index_cast %scan3A_267 : i32 to index
        %swap3A_278 = arith.constant 0 : index
        %swap3A_279 = tpu.vector_load %arg13[%swap3A_277, %swap3A_278] {strides = array<i32>} : memref<125x64xf32, #tpu.memory_space<vmem>>, vector<1x16xf32>,
        %swap3A_280 = vector.shape_cast %swap3A_279 : vector<1x16xf32> to vector<16xf32>
        %swap3A_281 = vector.shape_cast %mul3A_276 : vector<16xf32> to vector<1x16xf32>
        tpu.vector_store %arg13[%swap3A_277, %swap3A_278], %swap3A_281 {strides = array<i32>} : memref<125x64xf32, #tpu.memory_space<vmem>>, vector<1x16xf32>,
        %get3A_282 = arith.index_cast %scan3A_267 : i32 to index
        %get3A_283 = arith.constant 16 : index
        %get3A_284 = tpu.vector_load %arg13[%get3A_282, %get3A_283] {strides = array<i32>} : memref<125x64xf32, #tpu.memory_space<vmem>>, vector<1x16xf32>,
        %get3A_285 = vector.shape_cast %get3A_284 : vector<1x16xf32> to vector<16xf32>
        %mul3A_286 = arith.mulf %get3A_285, %get3A_271 : vector<16xf32>
        %swap3A_287 = arith.index_cast %scan3A_267 : i32 to index
        %swap3A_288 = arith.constant 16 : index
        %swap3A_289 = tpu.vector_load %arg13[%swap3A_287, %swap3A_288] {strides = array<i32>} : memref<125x64xf32, #tpu.memory_space<vmem>>, vector<1x16xf32>,
        %swap3A_290 = vector.shape_cast %swap3A_289 : vector<1x16xf32> to vector<16xf32>
        %swap3A_291 = vector.shape_cast %mul3A_286 : vector<16xf32> to vector<1x16xf32>
        tpu.vector_store %arg13[%swap3A_287, %swap3A_288], %swap3A_291 {strides = array<i32>} : memref<125x64xf32, #tpu.memory_space<vmem>>, vector<1x16xf32>,
        %get3A_292 = arith.index_cast %scan3A_267 : i32 to index
        %get3A_293 = arith.constant 32 : index
        %get3A_294 = tpu.vector_load %arg13[%get3A_292, %get3A_293] {strides = array<i32>} : memref<125x64xf32, #tpu.memory_space<vmem>>, vector<1x16xf32>,
        %get3A_295 = vector.shape_cast %get3A_294 : vector<1x16xf32> to vector<16xf32>
        %mul3A_296 = arith.mulf %get3A_295, %get3A_271 : vector<16xf32>
        %swap3A_297 = arith.index_cast %scan3A_267 : i32 to index
        %swap3A_298 = arith.constant 32 : index
        %swap3A_299 = tpu.vector_load %arg13[%swap3A_297, %swap3A_298] {strides = array<i32>} : memref<125x64xf32, #tpu.memory_space<vmem>>, vector<1x16xf32>,
        %swap3A_300 = vector.shape_cast %swap3A_299 : vector<1x16xf32> to vector<16xf32>
        %swap3A_301 = vector.shape_cast %mul3A_296 : vector<16xf32> to vector<1x16xf32>
        tpu.vector_store %arg13[%swap3A_297, %swap3A_298], %swap3A_301 {strides = array<i32>} : memref<125x64xf32, #tpu.memory_space<vmem>>, vector<1x16xf32>,
        %get3A_302 = arith.index_cast %scan3A_267 : i32 to index
        %get3A_303 = arith.constant 48 : index
        %get3A_304 = tpu.vector_load %arg13[%get3A_302, %get3A_303] {strides = array<i32>} : memref<125x64xf32, #tpu.memory_space<vmem>>, vector<1x16xf32>,
        %get3A_305 = vector.shape_cast %get3A_304 : vector<1x16xf32> to vector<16xf32>
        %mul3A_306 = arith.mulf %get3A_305, %get3A_271 : vector<16xf32>
        %swap3A_307 = arith.index_cast %scan3A_267 : i32 to index
        %swap3A_308 = arith.constant 48 : index
        %swap3A_309 = tpu.vector_load %arg13[%swap3A_307, %swap3A_308] {strides = array<i32>} : memref<125x64xf32, #tpu.memory_space<vmem>>, vector<1x16xf32>,
        %swap3A_310 = vector.shape_cast %swap3A_309 : vector<1x16xf32> to vector<16xf32>
        %swap3A_311 = vector.shape_cast %mul3A_306 : vector<16xf32> to vector<1x16xf32>
        tpu.vector_store %arg13[%swap3A_307, %swap3A_308], %swap3A_311 {strides = array<i32>} : memref<125x64xf32, #tpu.memory_space<vmem>>, vector<1x16xf32>,
        %scan3A_312 = arith.constant 4 : i32
        %scan3A_313 = arith.addi %scan3A_131, %scan3A_312 : i32
        %get3A_314 = arith.index_cast %scan3A_313 : i32 to index
        %get3A_315 = arith.constant 0 : index
        %get3A_316 = tpu.vector_load %arg11[%get3A_314, %get3A_315] {strides = array<i32>} : memref<125x16xf32, #tpu.memory_space<vmem>>, vector<1x16xf32>,
        %get3A_317 = vector.shape_cast %get3A_316 : vector<1x16xf32> to vector<16xf32>
        %get3A_318 = arith.index_cast %scan3A_313 : i32 to index
        %get3A_319 = arith.constant 0 : index
        %get3A_320 = tpu.vector_load %arg13[%get3A_318, %get3A_319] {strides = array<i32>} : memref<125x64xf32, #tpu.memory_space<vmem>>, vector<1x16xf32>,
        %get3A_321 = vector.shape_cast %get3A_320 : vector<1x16xf32> to vector<16xf32>
        %mul3A_322 = arith.mulf %get3A_321, %get3A_317 : vector<16xf32>
        %swap3A_323 = arith.index_cast %scan3A_313 : i32 to index
        %swap3A_324 = arith.constant 0 : index
        %swap3A_325 = tpu.vector_load %arg13[%swap3A_323, %swap3A_324] {strides = array<i32>} : memref<125x64xf32, #tpu.memory_space<vmem>>, vector<1x16xf32>,
        %swap3A_326 = vector.shape_cast %swap3A_325 : vector<1x16xf32> to vector<16xf32>
        %swap3A_327 = vector.shape_cast %mul3A_322 : vector<16xf32> to vector<1x16xf32>
        tpu.vector_store %arg13[%swap3A_323, %swap3A_324], %swap3A_327 {strides = array<i32>} : memref<125x64xf32, #tpu.memory_space<vmem>>, vector<1x16xf32>,
        %get3A_328 = arith.index_cast %scan3A_313 : i32 to index
        %get3A_329 = arith.constant 16 : index
        %get3A_330 = tpu.vector_load %arg13[%get3A_328, %get3A_329] {strides = array<i32>} : memref<125x64xf32, #tpu.memory_space<vmem>>, vector<1x16xf32>,
        %get3A_331 = vector.shape_cast %get3A_330 : vector<1x16xf32> to vector<16xf32>
        %mul3A_332 = arith.mulf %get3A_331, %get3A_317 : vector<16xf32>
        %swap3A_333 = arith.index_cast %scan3A_313 : i32 to index
        %swap3A_334 = arith.constant 16 : index
        %swap3A_335 = tpu.vector_load %arg13[%swap3A_333, %swap3A_334] {strides = array<i32>} : memref<125x64xf32, #tpu.memory_space<vmem>>, vector<1x16xf32>,
        %swap3A_336 = vector.shape_cast %swap3A_335 : vector<1x16xf32> to vector<16xf32>
        %swap3A_337 = vector.shape_cast %mul3A_332 : vector<16xf32> to vector<1x16xf32>
        tpu.vector_store %arg13[%swap3A_333, %swap3A_334], %swap3A_337 {strides = array<i32>} : memref<125x64xf32, #tpu.memory_space<vmem>>, vector<1x16xf32>,
        %get3A_338 = arith.index_cast %scan3A_313 : i32 to index
        %get3A_339 = arith.constant 32 : index
        %get3A_340 = tpu.vector_load %arg13[%get3A_338, %get3A_339] {strides = array<i32>} : memref<125x64xf32, #tpu.memory_space<vmem>>, vector<1x16xf32>,
        %get3A_341 = vector.shape_cast %get3A_340 : vector<1x16xf32> to vector<16xf32>
        %mul3A_342 = arith.mulf %get3A_341, %get3A_317 : vector<16xf32>
        %swap3A_343 = arith.index_cast %scan3A_313 : i32 to index
        %swap3A_344 = arith.constant 32 : index
        %swap3A_345 = tpu.vector_load %arg13[%swap3A_343, %swap3A_344] {strides = array<i32>} : memref<125x64xf32, #tpu.memory_space<vmem>>, vector<1x16xf32>,
        %swap3A_346 = vector.shape_cast %swap3A_345 : vector<1x16xf32> to vector<16xf32>
        %swap3A_347 = vector.shape_cast %mul3A_342 : vector<16xf32> to vector<1x16xf32>
        tpu.vector_store %arg13[%swap3A_343, %swap3A_344], %swap3A_347 {strides = array<i32>} : memref<125x64xf32, #tpu.memory_space<vmem>>, vector<1x16xf32>,
        %get3A_348 = arith.index_cast %scan3A_313 : i32 to index
        %get3A_349 = arith.constant 48 : index
        %get3A_350 = tpu.vector_load %arg13[%get3A_348, %get3A_349] {strides = array<i32>} : memref<125x64xf32, #tpu.memory_space<vmem>>, vector<1x16xf32>,
        %get3A_351 = vector.shape_cast %get3A_350 : vector<1x16xf32> to vector<16xf32>
        %mul3A_352 = arith.mulf %get3A_351, %get3A_317 : vector<16xf32>
        %swap3A_353 = arith.index_cast %scan3A_313 : i32 to index
        %swap3A_354 = arith.constant 48 : index
        %swap3A_355 = tpu.vector_load %arg13[%swap3A_353, %swap3A_354] {strides = array<i32>} : memref<125x64xf32, #tpu.memory_space<vmem>>, vector<1x16xf32>,
        %swap3A_356 = vector.shape_cast %swap3A_355 : vector<1x16xf32> to vector<16xf32>
        %swap3A_357 = vector.shape_cast %mul3A_352 : vector<16xf32> to vector<1x16xf32>
        tpu.vector_store %arg13[%swap3A_353, %swap3A_354], %swap3A_357 {strides = array<i32>} : memref<125x64xf32, #tpu.memory_space<vmem>>, vector<1x16xf32>,
      }
      %scan3A_124 = arith.constant 125 : i32
      %dma_start3A_125 = arith.constant 0 : i32
      %dma_start3A_126 = tpu.memref_slice %arg9[%add3A_92, %dma_start3A_125] : memref<80x125xi32, #tpu.memory_space<vmem>> -> memref<1x125xi32, #tpu.memory_space<vmem>>
      %dma_start3A_127 = tpu.memref_squeeze %dma_start3A_126 : memref<1x125xi32, #tpu.memory_space<vmem>> -> memref<125xi32, #tpu.memory_space<vmem>>
      %dma_start3A_128 = arith.constant 0 : i32
      %dma_start3A_129 = arith.constant 0 : i32
      %dma_start3A_130 = tpu.memref_slice %arg14[%dma_start3A_128, %dma_start3A_129] : memref<10000x64xf32, #tpu.memory_space<vmem_shared>> -> memref<10000x64xf32, #tpu.memory_space<vmem_shared>>
      tpu.enqueue_indirect_dma source(%arg13 : memref<125x64xf32, #tpu.memory_space<vmem>>) target(%dma_start3A_130 : memref<10000x64xf32, #tpu.memory_space<vmem_shared>>) offsets(%dma_start3A_127 : memref<125xi32, #tpu.memory_space<vmem>>) semaphore(%arg20 : memref<!tpu.dma_semaphore, #tpu.memory_space<semaphore_mem>>) {add = true}
    }
    %scan3A_26 = arith.constant 40 : i32
    %dma_wait3A = arith.constant 0 : i32
    %dma_wait3A_27 = arith.constant 0 : i32
    %dma_wait3A_28 = tpu.memref_slice %arg14[%dma_wait3A, %dma_wait3A_27] : memref<10000x64xf32, #tpu.memory_space<vmem_shared>> -> memref<125x64xf32, #tpu.memory_space<vmem_shared>>
    %dma_wait3A_29 = arith.constant 0 : i32
    %dma_wait3A_30 = arith.constant 0 : i32
    %dma_wait3A_31 = tpu.memref_slice %arg14[%dma_wait3A_29, %dma_wait3A_30] : memref<10000x64xf32, #tpu.memory_space<vmem_shared>> -> memref<125x64xf32, #tpu.memory_space<vmem_shared>>
    tpu.wait_dma2 semaphore(%arg20 : memref<!tpu.dma_semaphore, #tpu.memory_space<semaphore_mem>>) src(%arg13 : memref<125x64xf32, #tpu.memory_space<vmem>>) dst(%dma_wait3A_31 : memref<125x64xf32, #tpu.memory_space<vmem_shared>>)
    %barrier3A_32 = arith.constant 0 : index
    tpu.barrier barrier_id(%barrier3A_32)
    %mul3A_33 = arith.constant 624 : i32
    %mul3A_34 = arith.muli %arg1, %mul3A_33 : i32
    %mul3A_35 = arith.constant 624 : i32
    %mul3A_36 = arith.muli %arg1, %mul3A_35 : i32
    "tpu.region"() ({
      %run_scoped3A = tpu.sem_alloc : memref<!tpu.dma_semaphore, #tpu.memory_space<semaphore_mem>>
      %dma_start3A_42 = arith.constant 0 : i32
      %dma_start3A_43 = arith.constant 0 : i32
      %dma_start3A_44 = tpu.memref_slice %arg7[%arg0, %dma_start3A_42, %dma_start3A_43] : memref<2x10000x64xf32, #tpu.memory_space<hbm>> -> memref<1x10000x64xf32, #tpu.memory_space<hbm>>
      %dma_start3A_45 = tpu.memref_squeeze %dma_start3A_44 : memref<1x10000x64xf32, #tpu.memory_space<hbm>> -> memref<10000x64xf32, #tpu.memory_space<hbm>>
      %dma_start3A_46 = arith.constant 0 : i32
      %dma_start3A_47 = tpu.memref_slice %dma_start3A_45[%mul3A_36, %dma_start3A_46] : memref<10000x64xf32, #tpu.memory_space<hbm>> -> memref<624x64xf32, #tpu.memory_space<hbm>>
      %dma_start3A_48 = arith.constant 0 : i32
      %dma_start3A_49 = tpu.memref_slice %arg14[%mul3A_34, %dma_start3A_48] : memref<10000x64xf32, #tpu.memory_space<vmem_shared>> -> memref<624x64xf32, #tpu.memory_space<vmem_shared>>
      tpu.enqueue_dma source(%dma_start3A_49 : memref<624x64xf32, #tpu.memory_space<vmem_shared>>) target(%dma_start3A_47 : memref<624x64xf32, #tpu.memory_space<hbm>>) target_semaphore(%run_scoped3A : memref<!tpu.dma_semaphore, #tpu.memory_space<semaphore_mem>>)
      %dma_wait3A_50 = arith.constant 0 : i32
      %dma_wait3A_51 = arith.constant 0 : i32
      %dma_wait3A_52 = tpu.memref_slice %arg7[%arg0, %dma_wait3A_50, %dma_wait3A_51] : memref<2x10000x64xf32, #tpu.memory_space<hbm>> -> memref<1x10000x64xf32, #tpu.memory_space<hbm>>
      %dma_wait3A_53 = tpu.memref_squeeze %dma_wait3A_52 : memref<1x10000x64xf32, #tpu.memory_space<hbm>> -> memref<10000x64xf32, #tpu.memory_space<hbm>>
      %dma_wait3A_54 = arith.constant 0 : i32
      %dma_wait3A_55 = tpu.memref_slice %dma_wait3A_53[%mul3A_36, %dma_wait3A_54] : memref<10000x64xf32, #tpu.memory_space<hbm>> -> memref<624x64xf32, #tpu.memory_space<hbm>>
      %dma_wait3A_56 = arith.constant 0 : i32
      %dma_wait3A_57 = tpu.memref_slice %arg14[%mul3A_34, %dma_wait3A_56] : memref<10000x64xf32, #tpu.memory_space<vmem_shared>> -> memref<624x64xf32, #tpu.memory_space<vmem_shared>>
      tpu.wait_dma2 semaphore(%run_scoped3A : memref<!tpu.dma_semaphore, #tpu.memory_space<semaphore_mem>>) src(%dma_wait3A_57 : memref<624x64xf32, #tpu.memory_space<vmem_shared>>) dst(%dma_wait3A_55 : memref<624x64xf32, #tpu.memory_space<hbm>>)
      tpu.yield
    }) : () -> ()
    %eq3A_37 = arith.constant 15 : i32
    %eq3A_38 = arith.cmpi eq, %arg1, %eq3A_37 : i32
    %convert_element_type3A_39 = arith.extui %eq3A_38 : i1 to i32
    %cond3A_40 = arith.constant 0 : i32
    %cond3A_41 = arith.cmpi ne, %convert_element_type3A_39, %cond3A_40 : i32
    scf.if %cond3A_41 {
      "tpu.region"() ({
        %run_scoped3A = tpu.sem_alloc : memref<!tpu.dma_semaphore, #tpu.memory_space<semaphore_mem>>
        %dma_start3A_42 = arith.constant 0 : i32
        %dma_start3A_43 = arith.constant 0 : i32
        %dma_start3A_44 = tpu.memref_slice %arg7[%arg0, %dma_start3A_42, %dma_start3A_43] : memref<2x10000x64xf32, #tpu.memory_space<hbm>> -> memref<1x10000x64xf32, #tpu.memory_space<hbm>>
        %dma_start3A_45 = tpu.memref_squeeze %dma_start3A_44 : memref<1x10000x64xf32, #tpu.memory_space<hbm>> -> memref<10000x64xf32, #tpu.memory_space<hbm>>
        %dma_start3A_46 = arith.constant 9984 : i32
        %dma_start3A_47 = arith.constant 0 : i32
        %dma_start3A_48 = tpu.memref_slice %dma_start3A_45[%dma_start3A_46, %dma_start3A_47] : memref<10000x64xf32, #tpu.memory_space<hbm>> -> memref<16x64xf32, #tpu.memory_space<hbm>>
        %dma_start3A_49 = arith.constant 9984 : i32
        %dma_start3A_50 = arith.constant 0 : i32
        %dma_start3A_51 = tpu.memref_slice %arg14[%dma_start3A_49, %dma_start3A_50] : memref<10000x64xf32, #tpu.memory_space<vmem_shared>> -> memref<16x64xf32, #tpu.memory_space<vmem_shared>>
        tpu.enqueue_dma source(%dma_start3A_51 : memref<16x64xf32, #tpu.memory_space<vmem_shared>>) target(%dma_start3A_48 : memref<16x64xf32, #tpu.memory_space<hbm>>) target_semaphore(%run_scoped3A : memref<!tpu.dma_semaphore, #tpu.memory_space<semaphore_mem>>)
        %dma_wait3A_52 = arith.constant 0 : i32
        %dma_wait3A_53 = arith.constant 0 : i32
        %dma_wait3A_54 = tpu.memref_slice %arg7[%arg0, %dma_wait3A_52, %dma_wait3A_53] : memref<2x10000x64xf32, #tpu.memory_space<hbm>> -> memref<1x10000x64xf32, #tpu.memory_space<hbm>>
        %dma_wait3A_55 = tpu.memref_squeeze %dma_wait3A_54 : memref<1x10000x64xf32, #tpu.memory_space<hbm>> -> memref<10000x64xf32, #tpu.memory_space<hbm>>
        %dma_wait3A_56 = arith.constant 9984 : i32
        %dma_wait3A_57 = arith.constant 0 : i32
        %dma_wait3A_58 = tpu.memref_slice %dma_wait3A_55[%dma_wait3A_56, %dma_wait3A_57] : memref<10000x64xf32, #tpu.memory_space<hbm>> -> memref<16x64xf32, #tpu.memory_space<hbm>>
        %dma_wait3A_59 = arith.constant 9984 : i32
        %dma_wait3A_60 = arith.constant 0 : i32
        %dma_wait3A_61 = tpu.memref_slice %arg14[%dma_wait3A_59, %dma_wait3A_60] : memref<10000x64xf32, #tpu.memory_space<vmem_shared>> -> memref<16x64xf32, #tpu.memory_space<vmem_shared>>
        tpu.wait_dma2 semaphore(%run_scoped3A : memref<!tpu.dma_semaphore, #tpu.memory_space<semaphore_mem>>) src(%dma_wait3A_61 : memref<16x64xf32, #tpu.memory_space<vmem_shared>>) dst(%dma_wait3A_58 : memref<16x64xf32, #tpu.memory_space<hbm>>)
        tpu.yield
      }) : () -> ()
    } else {
    }
    return
  }
}

module attributes {stable_mosaic.version = 14 : i64} {
  func.func @_tc1_body(%arg0: i32, %arg1: memref<2x1000x16xf32, #tpu.memory_space<vmem>>, %arg2: memref<1000x128xf32, #tpu.memory_space<vmem>>, %arg3: memref<128x128xf32, #tpu.memory_space<vmem>>, %arg4: memref<1000x1xf32, #tpu.memory_space<vmem>>, %arg5: memref<1000x128xf32, #tpu.memory_space<vmem>>) attributes {dimension_semantics = [#tpu.dimension_semantics<arbitrary>], iteration_bounds = array<i64: 10>, scalar_prefetch = 0 : i64, scratch_operands = 0 : i64, tpu.core_type = #tpu.core_type<tc>, window_params = [{transform_indices = @transform_0, window_bounds = array<i64: 2, 1000, 16>}, {transform_indices = @transform_1, window_bounds = array<i64: 1000, 128>}, {pipeline_mode = #tpu.pipeline_mode<synchronous>, transform_indices = @transform_2, window_bounds = array<i64: 128, 128>}, {transform_indices = @transform_3, window_bounds = array<i64: 1000, 1>}, {transform_indices = @transform_4, window_bounds = array<i64: 1000, 128>}]} {
    %get3A = arith.constant 0 : index
    %get3A_0 = arith.constant 0 : index
    %get3A_1 = arith.constant 0 : index
    %get3A_2 = vector.load %arg1[%get3A, %get3A_0, %get3A_1] : memref<2x1000x16xf32, #tpu.memory_space<vmem>>, vector<1x1000x1xf32>
    %get3A_3 = vector.shape_cast %get3A_2 : vector<1x1000x1xf32> to vector<1000x1xf32>
    %get3A_4 = arith.constant 1 : index
    %get3A_5 = arith.constant 0 : index
    %get3A_6 = arith.constant 0 : index
    %get3A_7 = vector.load %arg1[%get3A_4, %get3A_5, %get3A_6] : memref<2x1000x16xf32, #tpu.memory_space<vmem>>, vector<1x1000x1xf32>
    %get3A_8 = vector.shape_cast %get3A_7 : vector<1x1000x1xf32> to vector<1000x1xf32>
    %add3A = arith.addf %get3A_3, %get3A_8 : vector<1000x1xf32>
    %add3A_9 = arith.constant 1.000000e+00 : f32
    %add3A_10 = vector.broadcast %add3A_9 : f32 to vector<1000x1xf32>
    %add3A_11 = arith.addf %add3A, %add3A_10 : vector<1000x1xf32>
    %gt3A = arith.constant 0.000000e+00 : f32
    %gt3A_12 = vector.broadcast %gt3A : f32 to vector<1000x1xf32>
    %gt3A_13 = arith.cmpf ogt, %add3A_11, %gt3A_12 : vector<1000x1xf32>
    %rsqrt3A = math.rsqrt %add3A_11 : vector<1000x1xf32>
    %jit3A = arith.constant 0.000000e+00 : f32
    %broadcast_in_dim3A = vector.broadcast %jit3A : f32 to vector<1000x1xf32>
    %select_n3A = arith.select %gt3A_13, %rsqrt3A, %broadcast_in_dim3A : vector<1000x1xi1>, vector<1000x1xf32>
    %swap3A = arith.constant 0 : index
    %swap3A_14 = arith.constant 0 : index
    %swap3A_15 = vector.load %arg4[%swap3A, %swap3A_14] : memref<1000x1xf32, #tpu.memory_space<vmem>>, vector<1000x1xf32>
    tpu.vector_store %arg4[%swap3A, %swap3A_14], %select_n3A {strides = array<i32>} : memref<1000x1xf32, #tpu.memory_space<vmem>>, vector<1000x1xf32>,
    %get3A_16 = arith.constant 0 : index
    %get3A_17 = arith.constant 0 : index
    %get3A_18 = vector.load %arg2[%get3A_16, %get3A_17] : memref<1000x128xf32, #tpu.memory_space<vmem>>, vector<1000x128xf32>
    %get3A_19 = arith.constant 0 : index
    %get3A_20 = arith.constant 0 : index
    %get3A_21 = vector.load %arg3[%get3A_19, %get3A_20] : memref<128x128xf32, #tpu.memory_space<vmem>>, vector<128x128xf32>
    %dot_general3A = arith.constant dense<0.000000e+00> : vector<1000x128xf32>
    %dot_general3A_22 = tpu.matmul %get3A_18, %get3A_21, %dot_general3A {dimension_numbers = #tpu.dot_dimension_numbers<[1], [0], [0], [1], [0, 0, 1, 1], [], []>, transpose_lhs_hint = false} : vector<1000x128xf32>, vector<128x128xf32>, vector<1000x128xf32> -> vector<1000x128xf32>
    %mul3A = vector.broadcast %select_n3A : vector<1000x1xf32> to vector<1000x128xf32>
    %mul3A_23 = arith.mulf %dot_general3A_22, %mul3A : vector<1000x128xf32>
    %swap3A_24 = arith.constant 0 : index
    %swap3A_25 = arith.constant 0 : index
    %swap3A_26 = vector.load %arg5[%swap3A_24, %swap3A_25] : memref<1000x128xf32, #tpu.memory_space<vmem>>, vector<1000x128xf32>
    tpu.vector_store %arg5[%swap3A_24, %swap3A_25], %mul3A_23 {strides = array<i32>} : memref<1000x128xf32, #tpu.memory_space<vmem>>, vector<1000x128xf32>,
    return
  }
  func.func @transform_0(%arg0: i32) -> (i32, i32, i32) {
    %c0_i32 = arith.constant 0 : i32
    %c0_i32_0 = arith.constant 0 : i32
    %c0_i32_1 = arith.constant 0 : i32
    return %c0_i32, %arg0, %c0_i32_0 : i32, i32, i32
  }
  func.func @transform_1(%arg0: i32) -> (i32, i32) {
    %c0_i32 = arith.constant 0 : i32
    %c0_i32_0 = arith.constant 0 : i32
    return %arg0, %c0_i32 : i32, i32
  }
  func.func @transform_2(%arg0: i32) -> (i32, i32) {
    %c0_i32 = arith.constant 0 : i32
    %c0_i32_0 = arith.constant 0 : i32
    %c0_i32_1 = arith.constant 0 : i32
    return %c0_i32, %c0_i32_0 : i32, i32
  }
  func.func @transform_3(%arg0: i32) -> (i32, i32) {
    %c0_i32 = arith.constant 0 : i32
    %c0_i32_0 = arith.constant 0 : i32
    return %arg0, %c0_i32 : i32, i32
  }
  func.func @transform_4(%arg0: i32) -> (i32, i32) {
    %c0_i32 = arith.constant 0 : i32
    %c0_i32_0 = arith.constant 0 : i32
    return %arg0, %c0_i32 : i32, i32
  }
}

module attributes {stable_mosaic.version = 14 : i64} {
  func.func @_tc2_body(%arg0: i32, %arg1: memref<2x1000x64xf32, #tpu.memory_space<vmem>>, %arg2: memref<2x1000x64xf32, #tpu.memory_space<vmem>>, %arg3: memref<1000x128xf32, #tpu.memory_space<vmem>>, %arg4: memref<1000x1xf32, #tpu.memory_space<vmem>>, %arg5: memref<1x128xf32, #tpu.memory_space<vmem>>, %arg6: memref<128x64xf32, #tpu.memory_space<vmem>>, %arg7: memref<1000x64xf32, #tpu.memory_space<vmem>>) attributes {dimension_semantics = [#tpu.dimension_semantics<arbitrary>], iteration_bounds = array<i64: 10>, scalar_prefetch = 0 : i64, scratch_operands = 0 : i64, tpu.core_type = #tpu.core_type<tc>, window_params = [{transform_indices = @transform_0, window_bounds = array<i64: 2, 1000, 64>}, {transform_indices = @transform_1, window_bounds = array<i64: 2, 1000, 64>}, {transform_indices = @transform_2, window_bounds = array<i64: 1000, 128>}, {transform_indices = @transform_3, window_bounds = array<i64: 1000, 1>}, {pipeline_mode = #tpu.pipeline_mode<synchronous>, transform_indices = @transform_4, window_bounds = array<i64: 1, 128>}, {pipeline_mode = #tpu.pipeline_mode<synchronous>, transform_indices = @transform_5, window_bounds = array<i64: 128, 64>}, {transform_indices = @transform_6, window_bounds = array<i64: 1000, 64>}]} {
    %get3A = arith.constant 0 : index
    %get3A_0 = arith.constant 0 : index
    %get3A_1 = vector.load %arg4[%get3A, %get3A_0] : memref<1000x1xf32, #tpu.memory_space<vmem>>, vector<1000x1xf32>
    %get3A_2 = arith.constant 0 : index
    %get3A_3 = arith.constant 0 : index
    %get3A_4 = vector.load %arg3[%get3A_2, %get3A_3] : memref<1000x128xf32, #tpu.memory_space<vmem>>, vector<1000x128xf32>
    %get3A_5 = arith.constant 0 : index
    %get3A_6 = arith.constant 0 : index
    %get3A_7 = vector.load %arg5[%get3A_5, %get3A_6] : memref<1x128xf32, #tpu.memory_space<vmem>>, vector<1x128xf32>
    %get3A_8 = arith.constant 0 : index
    %get3A_9 = arith.constant 0 : index
    %get3A_10 = arith.constant 0 : index
    %get3A_11 = vector.load %arg1[%get3A_8, %get3A_9, %get3A_10] : memref<2x1000x64xf32, #tpu.memory_space<vmem>>, vector<1x1000x64xf32>
    %get3A_12 = vector.shape_cast %get3A_11 : vector<1x1000x64xf32> to vector<1000x64xf32>
    %get3A_13 = arith.constant 1 : index
    %get3A_14 = arith.constant 0 : index
    %get3A_15 = arith.constant 0 : index
    %get3A_16 = vector.load %arg1[%get3A_13, %get3A_14, %get3A_15] : memref<2x1000x64xf32, #tpu.memory_space<vmem>>, vector<1x1000x64xf32>
    %get3A_17 = vector.shape_cast %get3A_16 : vector<1x1000x64xf32> to vector<1000x64xf32>
    %add3A = arith.addf %get3A_12, %get3A_17 : vector<1000x64xf32>
    %get3A_18 = arith.constant 0 : index
    %get3A_19 = arith.constant 0 : index
    %get3A_20 = arith.constant 0 : index
    %get3A_21 = vector.load %arg2[%get3A_18, %get3A_19, %get3A_20] : memref<2x1000x64xf32, #tpu.memory_space<vmem>>, vector<1x1000x64xf32>
    %get3A_22 = vector.shape_cast %get3A_21 : vector<1x1000x64xf32> to vector<1000x64xf32>
    %get3A_23 = arith.constant 1 : index
    %get3A_24 = arith.constant 0 : index
    %get3A_25 = arith.constant 0 : index
    %get3A_26 = vector.load %arg2[%get3A_23, %get3A_24, %get3A_25] : memref<2x1000x64xf32, #tpu.memory_space<vmem>>, vector<1x1000x64xf32>
    %get3A_27 = vector.shape_cast %get3A_26 : vector<1x1000x64xf32> to vector<1000x64xf32>
    %add3A_28 = arith.addf %get3A_22, %get3A_27 : vector<1000x64xf32>
    %concatenate3A = tpu.concatenate %add3A, %add3A_28 in 1 : vector<1000x64xf32>, vector<1000x64xf32> -> vector<1000x128xf32>
    %add3A_29 = arith.addf %concatenate3A, %get3A_4 : vector<1000x128xf32>
    %mul3A = vector.broadcast %get3A_1 : vector<1000x1xf32> to vector<1000x128xf32>
    %mul3A_30 = arith.mulf %add3A_29, %mul3A : vector<1000x128xf32>
    %add3A_31 = vector.broadcast %get3A_7 : vector<1x128xf32> to vector<1000x128xf32>
    %add3A_32 = arith.addf %mul3A_30, %add3A_31 : vector<1000x128xf32>
    %max3A = arith.constant 0.000000e+00 : f32
    %max3A_33 = vector.broadcast %max3A : f32 to vector<1000x128xf32>
    %max3A_34 = arith.maximumf %add3A_32, %max3A_33 : vector<1000x128xf32>
    %get3A_35 = arith.constant 0 : index
    %get3A_36 = arith.constant 0 : index
    %get3A_37 = vector.load %arg6[%get3A_35, %get3A_36] : memref<128x64xf32, #tpu.memory_space<vmem>>, vector<128x64xf32>
    %dot_general3A = arith.constant dense<0.000000e+00> : vector<1000x64xf32>
    %dot_general3A_38 = tpu.matmul %max3A_34, %get3A_37, %dot_general3A {dimension_numbers = #tpu.dot_dimension_numbers<[1], [0], [0], [1], [0, 0, 1, 1], [], []>, transpose_lhs_hint = false} : vector<1000x128xf32>, vector<128x64xf32>, vector<1000x64xf32> -> vector<1000x64xf32>
    %mul3A_39 = vector.broadcast %get3A_1 : vector<1000x1xf32> to vector<1000x64xf32>
    %mul3A_40 = arith.mulf %dot_general3A_38, %mul3A_39 : vector<1000x64xf32>
    %swap3A = arith.constant 0 : index
    %swap3A_41 = arith.constant 0 : index
    %swap3A_42 = vector.load %arg7[%swap3A, %swap3A_41] : memref<1000x64xf32, #tpu.memory_space<vmem>>, vector<1000x64xf32>
    tpu.vector_store %arg7[%swap3A, %swap3A_41], %mul3A_40 {strides = array<i32>} : memref<1000x64xf32, #tpu.memory_space<vmem>>, vector<1000x64xf32>,
    return
  }
  func.func @transform_0(%arg0: i32) -> (i32, i32, i32) {
    %c0_i32 = arith.constant 0 : i32
    %c0_i32_0 = arith.constant 0 : i32
    %c0_i32_1 = arith.constant 0 : i32
    return %c0_i32, %arg0, %c0_i32_0 : i32, i32, i32
  }
  func.func @transform_1(%arg0: i32) -> (i32, i32, i32) {
    %c0_i32 = arith.constant 0 : i32
    %c0_i32_0 = arith.constant 0 : i32
    %c0_i32_1 = arith.constant 0 : i32
    return %c0_i32, %arg0, %c0_i32_0 : i32, i32, i32
  }
  func.func @transform_2(%arg0: i32) -> (i32, i32) {
    %c0_i32 = arith.constant 0 : i32
    %c0_i32_0 = arith.constant 0 : i32
    return %arg0, %c0_i32 : i32, i32
  }
  func.func @transform_3(%arg0: i32) -> (i32, i32) {
    %c0_i32 = arith.constant 0 : i32
    %c0_i32_0 = arith.constant 0 : i32
    return %arg0, %c0_i32 : i32, i32
  }
  func.func @transform_4(%arg0: i32) -> (i32, i32) {
    %c0_i32 = arith.constant 0 : i32
    %c0_i32_0 = arith.constant 0 : i32
    %c0_i32_1 = arith.constant 0 : i32
    return %c0_i32, %c0_i32_0 : i32, i32
  }
  func.func @transform_5(%arg0: i32) -> (i32, i32) {
    %c0_i32 = arith.constant 0 : i32
    %c0_i32_0 = arith.constant 0 : i32
    %c0_i32_1 = arith.constant 0 : i32
    return %c0_i32, %c0_i32_0 : i32, i32
  }
  func.func @transform_6(%arg0: i32) -> (i32, i32) {
    %c0_i32 = arith.constant 0 : i32
    %c0_i32_0 = arith.constant 0 : i32
    return %arg0, %c0_i32 : i32, i32
  }
}

module attributes {stable_mosaic.version = 14 : i64} {
  func.func @_tc3_body(%arg0: i32, %arg1: memref<2x1000x64xf32, #tpu.memory_space<vmem>>, %arg2: memref<1000x64xf32, #tpu.memory_space<vmem>>, %arg3: memref<1000x1xf32, #tpu.memory_space<vmem>>, %arg4: memref<1x64xf32, #tpu.memory_space<vmem>>, %arg5: memref<1000x64xf32, #tpu.memory_space<vmem>>) attributes {dimension_semantics = [#tpu.dimension_semantics<arbitrary>], iteration_bounds = array<i64: 10>, scalar_prefetch = 0 : i64, scratch_operands = 0 : i64, tpu.core_type = #tpu.core_type<tc>, window_params = [{transform_indices = @transform_0, window_bounds = array<i64: 2, 1000, 64>}, {transform_indices = @transform_1, window_bounds = array<i64: 1000, 64>}, {transform_indices = @transform_2, window_bounds = array<i64: 1000, 1>}, {pipeline_mode = #tpu.pipeline_mode<synchronous>, transform_indices = @transform_3, window_bounds = array<i64: 1, 64>}, {transform_indices = @transform_4, window_bounds = array<i64: 1000, 64>}]} {
    %get3A = arith.constant 0 : index
    %get3A_0 = arith.constant 0 : index
    %get3A_1 = arith.constant 0 : index
    %get3A_2 = vector.load %arg1[%get3A, %get3A_0, %get3A_1] : memref<2x1000x64xf32, #tpu.memory_space<vmem>>, vector<1x1000x64xf32>
    %get3A_3 = vector.shape_cast %get3A_2 : vector<1x1000x64xf32> to vector<1000x64xf32>
    %get3A_4 = arith.constant 1 : index
    %get3A_5 = arith.constant 0 : index
    %get3A_6 = arith.constant 0 : index
    %get3A_7 = vector.load %arg1[%get3A_4, %get3A_5, %get3A_6] : memref<2x1000x64xf32, #tpu.memory_space<vmem>>, vector<1x1000x64xf32>
    %get3A_8 = vector.shape_cast %get3A_7 : vector<1x1000x64xf32> to vector<1000x64xf32>
    %add3A = arith.addf %get3A_3, %get3A_8 : vector<1000x64xf32>
    %get3A_9 = arith.constant 0 : index
    %get3A_10 = arith.constant 0 : index
    %get3A_11 = vector.load %arg2[%get3A_9, %get3A_10] : memref<1000x64xf32, #tpu.memory_space<vmem>>, vector<1000x64xf32>
    %add3A_12 = arith.addf %add3A, %get3A_11 : vector<1000x64xf32>
    %get3A_13 = arith.constant 0 : index
    %get3A_14 = arith.constant 0 : index
    %get3A_15 = vector.load %arg3[%get3A_13, %get3A_14] : memref<1000x1xf32, #tpu.memory_space<vmem>>, vector<1000x1xf32>
    %mul3A = vector.broadcast %get3A_15 : vector<1000x1xf32> to vector<1000x64xf32>
    %mul3A_16 = arith.mulf %add3A_12, %mul3A : vector<1000x64xf32>
    %get3A_17 = arith.constant 0 : index
    %get3A_18 = arith.constant 0 : index
    %get3A_19 = vector.load %arg4[%get3A_17, %get3A_18] : memref<1x64xf32, #tpu.memory_space<vmem>>, vector<1x64xf32>
    %add3A_20 = vector.broadcast %get3A_19 : vector<1x64xf32> to vector<1000x64xf32>
    %add3A_21 = arith.addf %mul3A_16, %add3A_20 : vector<1000x64xf32>
    %swap3A = arith.constant 0 : index
    %swap3A_22 = arith.constant 0 : index
    %swap3A_23 = vector.load %arg5[%swap3A, %swap3A_22] : memref<1000x64xf32, #tpu.memory_space<vmem>>, vector<1000x64xf32>
    tpu.vector_store %arg5[%swap3A, %swap3A_22], %add3A_21 {strides = array<i32>} : memref<1000x64xf32, #tpu.memory_space<vmem>>, vector<1000x64xf32>,
    return
  }
  func.func @transform_0(%arg0: i32) -> (i32, i32, i32) {
    %c0_i32 = arith.constant 0 : i32
    %c0_i32_0 = arith.constant 0 : i32
    %c0_i32_1 = arith.constant 0 : i32
    return %c0_i32, %arg0, %c0_i32_0 : i32, i32, i32
  }
  func.func @transform_1(%arg0: i32) -> (i32, i32) {
    %c0_i32 = arith.constant 0 : i32
    %c0_i32_0 = arith.constant 0 : i32
    return %arg0, %c0_i32 : i32, i32
  }
  func.func @transform_2(%arg0: i32) -> (i32, i32) {
    %c0_i32 = arith.constant 0 : i32
    %c0_i32_0 = arith.constant 0 : i32
    return %arg0, %c0_i32 : i32, i32
  }
  func.func @transform_3(%arg0: i32) -> (i32, i32) {
    %c0_i32 = arith.constant 0 : i32
    %c0_i32_0 = arith.constant 0 : i32
    %c0_i32_1 = arith.constant 0 : i32
    return %c0_i32, %c0_i32_0 : i32, i32
  }
  func.func @transform_4(%arg0: i32) -> (i32, i32) {
    %c0_i32 = arith.constant 0 : i32
    %c0_i32_0 = arith.constant 0 : i32
    return %arg0, %c0_i32 : i32, i32
  }
}

</mosaic_0001>

<sc_bundles>
// kernel: kernel.12.cloned.1.call-start
scs
__scs_entry_jumppad:
0x0: {  	(pc) =	sbr.rel $0x88, $3  }
0x1: {  	(tag) =	ssettag $0x0;
	lr =	simm.s32 $0x1  }
0x2: {  	[smem:$0x3F9A] =	sst lr;
	_ =	strace $0xD0000000  }
0x3: {  	_ = 	snop  }
0x4: {  	_ = 	snop  }
0x5: {  	_ = 	snop  }
0x6: {  	_ = 	snop  }
0x7: {  	_ = 	snop  }
__scs_overlays_trampoline_lowered:
0x8: {  	[smem:$0x3FA9] =	sst s0  }
0x9: {  	[smem:$0x3FAA] =	sst s1  }
0xa: {  	[smem:$0x3FAB] =	sst s2  }
0xb: {  	[smem:$0x3FAC] =	sst s3  }
0xc: {  	[smem:$0x3FAD] =	sst s4  }
0xd: {  	[smem:$0x3FAE] =	sst s5  }
0xe: {  	[smem:$0x3FAF] =	sst s6  }
0xf: {  	[smem:$0x3FB0] =	sst s7  }
0x10: {  	[smem:$0x3FB1] =	sst s8  }
0x11: {  	[smem:$0x3FB2] =	sst s9;
	s0 =	simm.s32 @!p0 $0x0  }
0x12: {  	s1 =	sld [smem:$0x3F98];
	s0 =	simm.s32 @p0 $0x1  }
0x13: {  	[smem:$0x3FB3] =	sst s0;
	s0 =	simm.s32 @!p1 $0x0  }
0x14: {  	s2 =	sld [smem:$0x3F97];
	s0 =	simm.s32 @p1 $0x1  }
0x15: {  	[smem:$0x3FB4] =	sst s0;
	s0 =	simm.s32 @!p2 $0x0  }
0x16: {  	s3 =	sld [smem:$0x3FDB];
	s0 =	simm.s32 @p2 $0x1  }
0x17: {  	s4 =	simm.s32 $0x1BF5;
	[smem:$0x3FB6] =	sst s0  }
0x18: {  	s0 =	sld [smem:$0x3F99];
	_ =	swait.ge [sflag:s4], $0x0  }
0x19: {  	s7 =	sld [smem:$0x3F9A]  }
0x1a: {  	s8 =	sadd.s32 $0xFFFFE003, lr  }
0x1b: {  	s9 =	sadd.s32 $0xFFFFFEF7, lr;
	s5 =	simm.s32 $0xFFFFFFFF;
	p2 =	slt.u32 s8, $0xFFFFF086  }
0x1c: {  	p1 =	slt.u32 s9, $0xF7A;
	s5 =	simm.s32 @!p2 $0x0  }
0x1d: {  	s5 =	simm.s32 @p1 $0x1;
	p0 =	seq.s32 s7, s2  }
0x1e: {  	s7 =	smul.u32 @!p0 $0xF7A, s2;
	p2 =	seq.s32 @!p0 s5, $0x0  }
0x1f: {  	s9 =	smul.u32 $0xF7A, s1;
	s8 =	simm.s32 @!p0 $0x1BF5;
	p2 =	por !p2, p0  }
0x20: {  	[sflag:s8] =	ssyncset.s32 @!p0 $0xFFFFF086;
	s6 =	sadd.s32 @!p0 s3, s7;
	s7 =	simm.s32 @!p0 $0x108  }
0x21: {  	s3 =	sadd.s32 s3, s9;
	s6 =	sadd.s32 @!p0 $0x88, s6;
	s7 =	simm.s32 @p2 $0x1082  }
0x22: {  	[simem:s7], [sflag:s8] =	dma.local @!p0 [hbm:s6], $0xF7A  }
0x23: {  	s9 =	sor.u32 $0xD0000000, s2;
	s6 =	simm.s32 $0x108;
	_ =	swait.ge @!p0 [sflag:s8], $0x0  }
0x24: {  	s3 =	sadd.s32 $0x88, s3;
	s6 =	simm.s32 @!p1 $0x1082;
	[sflag:s4] =	ssyncset.s32 $0xFFFFF086  }
0x25: {  	[simem:s6], [sflag:s4] =	dma.local [hbm:s3], $0xF7A  }
0x26: {  	[smem:$0x3F9A] =	sst s1;
	(tag) =	ssettag s2;
	_ =	strace s9  }
0x27: {  	s1 =	sld [smem:$0x3FAA]  }
0x28: {  	s2 =	sld [smem:$0x3FAB]  }
0x29: {  	s4 =	sld [smem:$0x3FAD]  }
0x2a: {  	p0 =	seq.s32 s5, $0x0;
	s5 =	sld [smem:$0x3FAE]  }
0x2b: {  	s6 =	sld [smem:$0x3FAF]  }
0x2c: {  	s7 =	sld [smem:$0x3FB0]  }
0x2d: {  	s3 =	simm.s32 $0x108;
	s8 =	sld [smem:$0x3FB1]  }
0x2e: {  	s3 =	simm.s32 @!p0 $0x1082;
	s9 =	sld [smem:$0x3FB2]  }
0x2f: {  	lr =	sadd.s32 s0, s3;
	s0 =	sld [smem:$0x3FA9]  }
0x30: {  	s3 =	sld [smem:$0x3FAC]  }
0x31: {  	[smem:$0x3FB5] =	sst s10  }
0x32: {  	s10 =	sld [smem:$0x3FB3];
	_ =	sdelay $0x3  }
0x33: {  	p0 =	seq.s32 s10, $0x1;
	s10 =	sld [smem:$0x3FB5];
	_ =	sdelay $0x3  }
0x34: {  	[smem:$0x3FB5] =	sst s10  }
0x35: {  	s10 =	sld [smem:$0x3FB4];
	_ =	sdelay $0x3  }
0x36: {  	p1 =	seq.s32 s10, $0x1;
	s10 =	sld [smem:$0x3FB5];
	_ =	sdelay $0x3  }
0x37: {  	[smem:$0x3FB5] =	sst s10  }
0x38: {  	s10 =	sld [smem:$0x3FB6]  }
0x39: {  	_ = 	snop;
	(pc) =	sbr.ind lr, $3  }
0x3a: {  	_ = 	snop  }
0x3b: {  	_ = 	snop  }
0x3c: {  	p2 =	seq.s32 s10, $0x1;
	s10 =	sld [smem:$0x3FB5]  }
0x3d: {  	_ =	shalt  }
0x3e: {  	_ =	shalt  }
0x3f: {  	_ =	shalt  }
0x40: {  	_ =	shalt  }
0x41: {  	_ =	shalt  }
0x42: {  	_ =	shalt  }
0x43: {  	_ =	shalt  }
0x44: {  	_ =	shalt  }
0x45: {  	_ =	shalt  }
0x46: {  	_ =	shalt  }
0x47: {  	_ =	shalt  }
0x48: {  	_ =	shalt  }
0x49: {  	_ =	shalt  }
0x4a: {  	_ =	shalt  }
0x4b: {  	_ =	shalt  }
0x4c: {  	_ =	shalt  }
0x4d: {  	_ =	shalt  }
0x4e: {  	_ =	shalt  }
0x4f: {  	_ =	shalt  }
0x50: {  	_ =	shalt  }
0x51: {  	_ =	shalt  }
0x52: {  	_ =	shalt  }
0x53: {  	_ =	shalt  }
0x54: {  	_ =	shalt  }
0x55: {  	_ =	shalt  }
0x56: {  	_ =	shalt  }
0x57: {  	_ =	shalt  }
0x58: {  	_ =	shalt  }
0x59: {  	_ =	shalt  }
0x5a: {  	_ =	shalt  }
0x5b: {  	_ =	shalt  }
0x5c: {  	_ =	shalt  }
0x5d: {  	_ =	shalt  }
0x5e: {  	_ =	shalt  }
0x5f: {  	_ =	shalt  }
0x60: {  	_ =	shalt  }
0x61: {  	_ =	shalt  }
0x62: {  	_ =	shalt  }
0x63: {  	_ =	shalt  }
0x64: {  	_ =	shalt  }
0x65: {  	_ =	shalt  }
0x66: {  	_ =	shalt  }
0x67: {  	_ =	shalt  }
0x68: {  	_ =	shalt  }
0x69: {  	_ =	shalt  }
0x6a: {  	_ =	shalt  }
0x6b: {  	_ =	shalt  }
0x6c: {  	_ =	shalt  }
0x6d: {  	_ =	shalt  }
0x6e: {  	_ =	shalt  }
0x6f: {  	_ =	shalt  }
0x70: {  	_ =	shalt  }
0x71: {  	_ =	shalt  }
0x72: {  	_ =	shalt  }
0x73: {  	_ =	shalt  }
0x74: {  	_ =	shalt  }
0x75: {  	_ =	shalt  }
0x76: {  	_ =	shalt  }
0x77: {  	_ =	shalt  }
0x78: {  	_ =	shalt  }
0x79: {  	_ =	shalt  }
0x7a: {  	_ =	shalt  }
0x7b: {  	_ =	shalt  }
0x7c: {  	_ =	shalt  }
0x7d: {  	_ =	shalt  }
0x7e: {  	_ =	shalt  }
0x7f: {  	_ =	shalt  }
0x80: {  	_ =	shalt  }
0x81: {  	_ =	shalt  }
0x82: {  	_ =	shalt  }
0x83: {  	_ =	shalt  }
0x84: {  	_ =	shalt  }
0x85: {  	_ =	shalt  }
0x86: {  	_ =	shalt  }
0x87: {  	_ =	shalt  }
.Lfunc_end0:
.L_simem_size_0:
called_computation.1_lowered:
.L_overlay_start_0:
0x88: {  	s2 =	sld [smem:$0x3FD9]  }
0x89: {  	s3 =	sld [smem:$0x3FFE];
	_ =	sdelay $0x1  }
0x8a: {  	s1 =	srdreg.scid  }
0x8b: {  	s0 =	sand.u32 $0x1, s1  }
0x8c: {  	s17 =	sshll.u32 s0, $0xA;
	s2 =	sadd.s32 s3, s2  }
0x8d: {  	s2 =	sadd.s32 s2, s17  }
0x8e: {  	[smem:$0x3FC1] =	sst s2  }
0x8f: {  	_ = 	snop  }
0x90: {  	s18 =	sld [smem:$0x3FD0];
	(tm) =	ssettm $0x1  }
0x91: {  	s19 =	sld [smem:$0x3FFB];
	_ =	sdelay $0x3  }
0x92: {  	_ =	strace s19  }
0x93: {  	s2 =	sld [smem:$0x3FFC];
	_ =	sdelay $0x3  }
0x94: {  	_ =	strace s2  }
0x95: {  	s2 =	sld [smem:$0x3FFD];
	_ =	sdelay $0x3  }
0x96: {  	_ =	strace s2  }
0x97: {  	_ =	strace $0x8FFFFFFF  }
0x98: {  	s20 =	sld [smem:$0x3FDB];
	_ =	sdelay $0x1  }
0x99: {  	s4 =	simm.s32 $_scs_section_size  }
0x9a: {  	s5 =	simm.s32 $_size__tile_overlayer_lowered;
	s6 =	simm.s32 $_tile_overlayer_lowered  }
0x9b: {  	s7 =	simm.s32 $0x1BFF;
	s21 =	sshll.u32 s6, $0x1;
	s4 =	sadd.s32 s4, s20  }
0x9c: {  	s22 =	simm.s32 $0x0;
	s5 =	sshll.u32 s5, $0x1;
	s6 =	sadd.s32 s21, s4  }
0x9d: {  	[timem:s22], [sflag:s7] =	dma.local [hbm:s6], s5  }
0x9e: {  	_ =	swait.ge [sflag:s7], s5  }
0x9f: {  	s5 =	ssub.s32 $0x0, s5;
	[sflag:s7] =	ssyncset.done $0x0  }
0xa0: {  	[sflag:s7] =	ssyncadd.s32 s5;
	_ =	sdelay $0x1  }
0xa1: {  	s23 =	simm.s32 $0x1B8B  }
0xa2: {  	_ =	swait.ge [sflag:s23], $0x1  }
0xa3: {  	[sflag:s23] =	ssyncset.done $0x0  }
0xa4: {  	[sflag:s23] =	ssyncadd.s32 $0xFFFFFFFF  }
0xa5: {  	s5 =	sld [smem:$0x0]  }
0xa6: {  	s6 =	sand.u32 $0xFFFFFFFE, s1  }
0xa7: {  	p0 =	sne.s32 s1, s6  }
0xa8: {  	s6 =	sshll.u32 @p0 s6, $0xE  }
0xa9: {  	s6 =	sadd.s32 @p0 $0x11B8D, s6;
	s7 =	sshll.u32 @p0 s5, $0x11  }
0xaa: {  	s6 =	sor.u32 @p0 s7, s6  }
0xab: {  	[sflag:s6] =	ssyncadd.remote.s32 @p0 $0x1;
	_ =	sdelay $0x1  }
0xac: {  	s6 =	simm.s32 @p0 $0x1B8D  }
0xad: {  	_ =	swait.eq @p0 [sflag:s6], $0x1  }
0xae: {  	[sflag:s6] =	ssyncadd.s32 @p0 $0xFFFFFFFF  }
0xaf: {  	s7 =	sshll.u32 @!p0 s1, $0xE  }
0xb0: {  	s7 =	sor.u32 @!p0 $0x4000, s7;
	s6 =	simm.s32 @!p0 $0x1B8D  }
0xb1: {  	s5 =	sshll.u32 @!p0 s5, $0x11;
	s7 =	sadd.s32 @!p0 $0x11B8D, s7;
	_ =	swait.eq @!p0 [sflag:s6], $0x1  }
0xb2: {  	s5 =	sor.u32 @!p0 s5, s7;
	[sflag:s6] =	ssyncadd.s32 @!p0 $0xFFFFFFFF  }
0xb3: {  	s25 =	simm.s32 $0x1B8E;
	s24 =	sld [smem:$0x3FFE];
	[sflag:s5] =	ssyncadd.remote.s32 @!p0 $0x1  }
0xb4: {  	s26 =	simm.s32 $execute0_lowered;
	[smem:$0x3FD2] =	sst s25  }
0xb5: {  	s6 =	sshll.u32 s26, $0x1;
	_ =	strace $0x8000004C;
	[dreg:$0x1] =	wrdreg $0xFFFFFFFF  }
0xb6: {  	s28 =	simm.s32 $_size_execute0_lowered;
	s4 =	sadd.s32 s4, s6;
	[dreg:$0x0] =	wrdreg $0x0  }
0xb7: {  	s6 =	sshll.u32 s28, $0x1;
	[dreg:$0x2] =	wrdreg s4  }
0xb8: {  	[dreg:$0x3] =	wrdreg s6  }
0xb9: {  	[dreg:$0x4] =	wrdreg $0xC0  }
0xba: {  	_ =	task [dreg:s22], $0x5FFFF  }
0xbb: {  	[dreg:$0x1] =	wrdreg $0xFFFFFFFF  }
0xbc: {  	[dreg:$0x0] =	wrdreg $0x60  }
0xbd: {  	[dreg:$0x2] =	wrdreg s18  }
0xbe: {  	[dreg:$0x3] =	wrdreg s24  }
0xbf: {  	[dreg:$0x4] =	wrdreg $0x9E200  }
0xc0: {  	[dreg:$0x5] =	wrdreg $0x9  }
0xc1: {  	_ =	task.clear_ibuf [dreg:s22], $0x6FFFF;
	_ =	strace $0x9000004C  }
0xc2: {  	s29 =	simm.s32 $0x9;
	_ =	strace $0x8000004E  }
0xc3: {  	_ =	swait.ge [sflag:s29], $0x1  }
0xc4: {  	[sflag:s29] =	ssyncadd.s32 $0xFFFFFFFF  }
0xc5: {  	_ =	strace $0x9000004E  }
0xc6: {  	_ =	sfence  }
0xc7: {  	s30 =	sld [smem:$0x0];
	_ =	sdelay $0x2  }
0xc8: {  	s31 =	sshll.u32 s1, $0xD;
	s1 =	sshrl.u32 s1, $0x2  }
0xc9: {  	s4 =	sand.u32 $0x4000, s31;
	s1 =	sadd.s32 s1, s30  }
0xca: {  	s0 =	sor.u32 s4, s0;
	s1 =	sshll.u32 s1, $0x11  }
0xcb: {  	s0 =	sor.u32 s1, s0  }
0xcc: {  	s0 =	sadd.s32 $0x8F2B, s0  }
0xcd: {  	[sflag:s0] =	ssyncadd.remote.s32 $0x1  }
0xce: {  	_ =	sfence.sel $0xFFFF  }
0xcf: {  	[dreg:$0x0] =	wrdreg $0xFFFFFFFF;
	(pc) =	sbr.abs _section_cstart, $3  }
0xd0: {  	[dreg:$0x1] =	wrdreg $0xFFFFFFFF  }
0xd1: {  	_ =	task.clear_ibuf [dreg:s22], $0x2FFFF;
	_ =	strace $0x9FFFFFFF  }
0xd2: {  	(tm) =	ssettm $0x7FFFFFFF  }
0xd3: {  	_ =	shalt  }
tec
execute0_lowered:
.L_overlay_start_1:
0x0: {  	(tag) =	ssettag $0x1  }
0x1: {  	s1 =	rddreg [dreg:$0x0];
	s0 =	srdreg.scid  }
0x2: {  	s16 =	stileid.u32;
	s2 =	rddreg [dreg:$0x1]  }
0x3: {  	s3 =	rddreg [dreg:$0x2];
	s15 =	simm.s32 $0x7;
	s20 =	simm.s32 $0x7D  }
0x4: {  	s21 =	simm.s32 $0x5FA0;
	s28 =	simm.s32 $0x2;
	s29 =	simm.s32 $0x4  }
0x5: {  	s30 =	simm.s32 $0x5;
	s31 =	simm.s32 $0x6;
	s0 =	sand.u32 $0x1, s0  }
0x6: {  	s4 =	sshll.u32 s16, $0x1;
	s8 =	smul.u32 $0x9C00, s16;
	s6 =	sadd.s32 $0x501E00, s2  }
0x7: {  	p0 =	sne.s32 s16, $0xF;
	s26 =	sshll.u32 s16, $0x6;
	s7 =	sor.u32 s0, s4  }
0x8: {  	s4 =	simm.s32 $0x0;
	s10 =	smul.u32 $0x13880, s0;
	s0 =	ssub.s32 $0x2, s0  }
0x9: {  	s17 =	sor.u32 $0x1C07, s26;
	s26 =	simm.s32 $0x57D0;
	s5 =	smul.u32 $0x500, s7  }
0xa: {  	[smem:$0x7FF] =	sst s4;
	s12 =	sshrl.u32 s0, $0x1;
	s7 =	smul.u32 $0x27100, s7  }
0xb: {  	_ =	strace $0x8000004D;
	s10 =	sadd.s32 s10, s2;
	s0 =	ssub.s32 s0, s12  }
0xc: {  	s9 =	sadd.s32 s5, s2;
	s5 =	sshrl.u32 s8, $0x3;
	s8 =	sadd.s32 s8, s3  }
0xd: {  	s24 =	sshrl.u32 s7, $0x3;
	s13 =	sadd.s32 $0x69400, s10;
	s14 =	smax.u32 s0, $0x1  }
0xe: {  	s11 =	sadd.s32 s5, s2;
	s22 =	sadd.s32 $0x10E00, s9;
	s9 =	sadd.s32 $0x1E00, s9  }
0xf: {  	s2 =	sadd.s32 $0x42000, s2;
	s25 =	sadd.s32 s6, s24;
	[dreg:$0x4] =	wrdreg s22  }
0x10: {  	s18 =	sshrl.u32 s8, $0x3;
	s24 =	simm.s32 $0x3;
	[dreg:$0x5] =	wrdreg s9  }
0x11: {  	s23 =	sadd.s32 $0x2E800, s11;
	s11 =	sadd.s32 $0x9C000, s3;
	[dreg:$0x7] =	wrdreg s2  }
0x12: {  	[dreg:$0x8] =	wrdreg s25;
	s25 =	simm.s32 $0x7EE0;
	s2 =	simm.s32 $0x0  }
0x13: {  	[dreg:$0x6] =	wrdreg s23;
	s19 =	sshrl.u32 @!p0 s11, $0x3;
	s23 =	simm.s32 $0x1  }
.LBB2_1:
0x14: {  	s0 =	rddreg [dreg:$0x4]  }
0x15: {  	[tilespmem:s4], [sflag:$0x7] =	stream.linear.gather [hbm4b:s0+s4], $0x2800, $0x38;
	[tilespmem:$0x13A60] =	vst v63  }
0x16: {  	_ =	swait.ge [sflag:s15], $0x2800  }
0x17: {  	[sflag:s15] =	ssyncset.done $0x0  }
0x18: {  	s8 =	simm.s32 $0x2800;
	s11 =	rddreg [dreg:$0x5];
	[sflag:s15] =	ssyncadd.s32 $0xFFFFD800  }
0x19: {  	[tilespmem:s8], [sflag:$0x7] =	stream.linear.gather [hbm4b:s11+s4], $0x2800, $0x38;
	[tilespmem:$0x13A60] =	vst v63  }
0x1a: {  	_ =	swait.ge [sflag:s15], $0x2800  }
0x1b: {  	[sflag:s15] =	ssyncset.done $0x0  }
0x1c: {  	s12 =	rddreg [dreg:$0x6];
	[sflag:s15] =	ssyncadd.s32 $0xFFFFD800  }
0x1d: {  	[spmem:s18], [sflag:s17] =	dma.local [hbm:s12], $0x1380  }
0x1e: {  	_ =	swait.ge [sflag:s15], $0x1380  }
0x1f: {  	[sflag:s15] =	ssyncset.done $0x0  }
0x20: {  	s0 =	rddreg [dreg:$0x7];
	[sflag:s15] =	ssyncadd.s32 $0xFFFFEC80  }
0x21: {  	[spmem:s19], [sflag:s17] =	dma.local @!p0 [hbm:s0], $0x80  }
0x22: {  	s0 =	simm.s32 @!p0 $0x7  }
0x23: {  	_ =	swait.ge @!p0 [sflag:s0], $0x80  }
0x24: {  	[sflag:s0] =	ssyncset.done @!p0 $0x0  }
0x25: {  	[sflag:s0] =	ssyncadd.s32 @!p0 $0xFFFFFF80  }
0x26: {  	[bflag:$0x0] =	sbarrier.arrive $0xFFFF  }
0x27: {  	[tilespmem:s21], [sflag:$0x1] =	stream.indirect.gather [hbm4b:s1+s20], $0x40, s4, s20, $0xb8;
	[tilespmem:$0x13A60] =	vst v63  }
0x28: {  	s22 =	simm.s32 $0x5000;
	s0 =	simm.s32 $0x0;
	s16 =	rddreg [dreg:$0x8]  }
0x29: {  	[tilespmem:s22], [sflag:$0x3] =	stream.linear.gather [hbm4b:s16+s4], $0x7D0, $0x38;
	[tilespmem:$0x13A60] =	vst v63  }
.LBB2_2:
0x2a: {  	_ =	swait.ge [sflag:s23], $0x1F40  }
0x2b: {  	[sflag:s23] =	ssyncset.done $0x0  }
0x2c: {  	[sflag:s23] =	ssyncadd.s32 $0xFFFFE0C0  }
0x2d: {  	_ =	swait.ge [sflag:s24], $0x7D0  }
0x2e: {  	p1 =	seq.s32 s0, $0x0;
	s22 =	sshll.u32 s0, $0x1;
	[sflag:s24] =	ssyncset.done $0x0  }
0x2f: {  	s8 =	simm.s32 @!p1 $0x6;
	s9 =	sor.u32 $0x1, s22;
	[sflag:s24] =	ssyncadd.s32 $0xFFFFF830  }
0x30: {  	s12 =	smul.u32 $0x7D0, s9;
	_ =	swait.ge @!p1 [sflag:s8], $0x1F40  }
0x31: {  	[sflag:s8] =	ssyncset.done @!p1 $0x0  }
0x32: {  	s16 =	sshll.u32 s9, $0x7;
	[sflag:s8] =	ssyncadd.s32 @!p1 $0xFFFFE0C0;
	s8 =	sadd.s32 s7, s12  }
0x33: {  	[tilespmem:s25], [sflag:$0x2] =	stream.indirect.gather [hbm4b:s1+s20], $0x40, s16, s20, $0xb8;
	[tilespmem:$0x13A60] =	vst v63  }
0x34: {  	s8 =	sshrl.u32 s8, $0x3  }
0x35: {  	s8 =	sadd.s32 s6, s8  }
0x36: {  	[tilespmem:s26], [sflag:$0x4] =	stream.linear.gather [hbm4b:s8+s4], $0x7D0, $0x38;
	[tilespmem:$0x13A60] =	vst v63  }
0x37: {  	s8 =	simm.s32 $0x6040  }
0x38: {  	s9 =	simm.s32 $0x5020;
	v0 =	vld [tilespmem:s8+$0xFFFFFF70]  }
0x39: {  	v1 =	vld [tilespmem:s9+$0xFFFFFFE0]  }
0x3a: {  	v2 =	vld [tilespmem:s8+$0xFFFFFF80]  }
0x3b: {  	v3 =	vld [tilespmem:s8+$0xFFFFFF60]  }
0x3c: {  	v4 =	vld [tilespmem:s8+$0xFFFFFF90];
	_ =	sdelay $0x1  }
0x3d: {  	v0 =	vmul.f32 v0, v1  }
0x3e: {  	v2 =	vmul.f32 v2, v1  }
0x3f: {  	v3 =	vmul.f32 v3, v1;
	[tilespmem:s8+$0xFFFFFF70] =	vst v0  }
0x40: {  	v0 =	vmul.f32 v4, v1;
	[tilespmem:s8+$0xFFFFFF80] =	vst v2  }
0x41: {  	[tilespmem:s8+$0xFFFFFF60] =	vst v3  }
0x42: {  	v1 =	vld [tilespmem:s8+$0xFFFFFFB0];
	[tilespmem:s8+$0xFFFFFF90] =	vst v0  }
0x43: {  	v0 =	vld [tilespmem:s9+$0xFFFFFFF0]  }
0x44: {  	v2 =	vld [tilespmem:s8+$0xFFFFFFC0]  }
0x45: {  	v3 =	vld [tilespmem:s8+$0xFFFFFFA0]  }
0x46: {  	v4 =	vld [tilespmem:s8+$0xFFFFFFD0];
	_ =	sdelay $0x1  }
0x47: {  	v1 =	vmul.f32 v1, v0  }
0x48: {  	v2 =	vmul.f32 v2, v0  }
0x49: {  	v3 =	vmul.f32 v3, v0;
	[tilespmem:s8+$0xFFFFFFB0] =	vst v1  }
0x4a: {  	v0 =	vmul.f32 v4, v0;
	[tilespmem:s8+$0xFFFFFFC0] =	vst v2  }
0x4b: {  	[tilespmem:s8+$0xFFFFFFA0] =	vst v3  }
0x4c: {  	v1 =	vld [tilespmem:s8+$0xFFFFFFF0];
	[tilespmem:s8+$0xFFFFFFD0] =	vst v0  }
0x4d: {  	v0 =	vld [tilespmem:s9+$0x0]  }
0x4e: {  	v2 =	vld [tilespmem:s8+$0x0]  }
0x4f: {  	v3 =	vld [tilespmem:s8+$0xFFFFFFE0]  }
0x50: {  	v4 =	vld [tilespmem:s8+$0x10];
	_ =	sdelay $0x1  }
0x51: {  	v1 =	vmul.f32 v1, v0  }
0x52: {  	v2 =	vmul.f32 v2, v0  }
0x53: {  	v3 =	vmul.f32 v3, v0;
	[tilespmem:s8+$0xFFFFFFF0] =	vst v1  }
0x54: {  	v5 =	vld [tilespmem:s8+$0x40];
	v0 =	vmul.f32 v4, v0;
	[tilespmem:s8+$0x0] =	vst v2  }
0x55: {  	[tilespmem:s8+$0xFFFFFFE0] =	vst v3;
	v1 =	vld [tilespmem:s8+$0x20]  }
0x56: {  	[tilespmem:s8+$0x10] =	vst v0;
	v0 =	vld [tilespmem:s8+$0x30]  }
0x57: {  	v4 =	vld [tilespmem:s9+$0x10]  }
0x58: {  	v3 =	vld [tilespmem:s8+$0x50];
	_ =	sdelay $0x3  }
0x59: {  	v2 =	vmul.f32 v1, v4;
	v0 =	vmul.f32 v0, v4  }
0x5a: {  	s11 =	simm.s32 $0x0;
	s10 =	simm.s32 $0x5020;
	s12 =	simm.s32 $0x6040;
	v1 =	vmul.f32 v5, v4;
	v3 =	vmul.f32 v3, v4  }
.LBB2_3:
0x5b: {  	s11 =	sadd.s32 $0x5, s11;
	[tilespmem:s8+$0x20] =	vst v2;
	s9 =	sadd.s32 $0x50, s9;
	s12 =	sadd.s32 $0x140, s12  }
0x5c: {  	p1 =	slt.u32 s11, $0x78;
	[tilespmem:s8+$0x50] =	vst v3;
	v2 =	vld [tilespmem:s8+$0x60]  }
0x5d: {  	[tilespmem:s8+$0x40] =	vst v1;
	v1 =	vld [tilespmem:s8+$0x90]  }
0x5e: {  	[tilespmem:s8+$0x30] =	vst v0;
	v0 =	vld [tilespmem:s8+$0x70]  }
0x5f: {  	v3 =	vld [tilespmem:s10+$0x20];
	s10 =	smov.u32 s9  }
0x60: {  	v4 =	vld [tilespmem:s8+$0x80];
	_ =	sdelay $0x3  }
0x61: {  	v2 =	vmul.f32 v2, v3;
	v0 =	vmul.f32 v0, v3  }
0x62: {  	v1 =	vmul.f32 v1, v3;
	v4 =	vmul.f32 v4, v3  }
0x63: {  	[tilespmem:s8+$0x60] =	vst v2  }
0x64: {  	v2 =	vld [tilespmem:s12+$0xFFFFFF90];
	[tilespmem:s8+$0x70] =	vst v0  }
0x65: {  	v0 =	vld [tilespmem:s12+$0xFFFFFF80];
	[tilespmem:s8+$0x90] =	vst v1  }
0x66: {  	v1 =	vld [tilespmem:s12+$0xFFFFFF70];
	[tilespmem:s8+$0x80] =	vst v4;
	s8 =	smov.u32 s12  }
0x67: {  	v3 =	vld [tilespmem:s9+$0xFFFFFFE0]  }
0x68: {  	v4 =	vld [tilespmem:s12+$0xFFFFFF60];
	_ =	sdelay $0x3  }
0x69: {  	v1 =	vmul.f32 v1, v3;
	v0 =	vmul.f32 v0, v3  }
0x6a: {  	v2 =	vmul.f32 v2, v3;
	v4 =	vmul.f32 v4, v3  }
0x6b: {  	[tilespmem:s12+$0xFFFFFF70] =	vst v1  }
0x6c: {  	[tilespmem:s12+$0xFFFFFF80] =	vst v0;
	v0 =	vld [tilespmem:s12+$0xFFFFFFD0]  }
0x6d: {  	[tilespmem:s12+$0xFFFFFF60] =	vst v4;
	v1 =	vld [tilespmem:s12+$0xFFFFFFB0]  }
0x6e: {  	[tilespmem:s12+$0xFFFFFF90] =	vst v2;
	v2 =	vld [tilespmem:s12+$0xFFFFFFA0]  }
0x6f: {  	v3 =	vld [tilespmem:s9+$0xFFFFFFF0]  }
0x70: {  	v4 =	vld [tilespmem:s12+$0xFFFFFFC0];
	_ =	sdelay $0x3  }
0x71: {  	v2 =	vmul.f32 v2, v3;
	v1 =	vmul.f32 v1, v3  }
0x72: {  	v0 =	vmul.f32 v0, v3;
	v4 =	vmul.f32 v4, v3  }
0x73: {  	[tilespmem:s12+$0xFFFFFFB0] =	vst v1  }
0x74: {  	[tilespmem:s12+$0xFFFFFFC0] =	vst v4;
	v1 =	vld [tilespmem:s12+$0x10]  }
0x75: {  	[tilespmem:s12+$0xFFFFFFA0] =	vst v2;
	v2 =	vld [tilespmem:s12+$0xFFFFFFF0]  }
0x76: {  	[tilespmem:s12+$0xFFFFFFD0] =	vst v0;
	v0 =	vld [tilespmem:s12+$0xFFFFFFE0]  }
0x77: {  	v3 =	vld [tilespmem:s9+$0x0]  }
0x78: {  	v4 =	vld [tilespmem:s12+$0x0];
	_ =	sdelay $0x3  }
0x79: {  	v0 =	vmul.f32 v0, v3;
	v2 =	vmul.f32 v2, v3  }
0x7a: {  	v1 =	vmul.f32 v1, v3;
	v4 =	vmul.f32 v4, v3  }
0x7b: {  	[tilespmem:s12+$0xFFFFFFF0] =	vst v2  }
0x7c: {  	[tilespmem:s12+$0x0] =	vst v4;
	v3 =	vld [tilespmem:s12+$0x50]  }
0x7d: {  	[tilespmem:s12+$0xFFFFFFE0] =	vst v0;
	v0 =	vld [tilespmem:s12+$0x20]  }
0x7e: {  	[tilespmem:s12+$0x10] =	vst v1;
	v1 =	vld [tilespmem:s12+$0x30]  }
0x7f: {  	v4 =	vld [tilespmem:s9+$0x10]  }
0x80: {  	v5 =	vld [tilespmem:s12+$0x40]  }
.Ltmp0:
0x81: {  	(pc) =	sbr.rel @p1 .LBB2_3-.Ltmp0, $3  }
0x82: {  	_ =	sdelay $0x1  }
0x83: {  	v2 =	vmul.f32 v0, v4;
	v0 =	vmul.f32 v1, v4  }
0x84: {  	v3 =	vmul.f32 v3, v4;
	v1 =	vmul.f32 v5, v4  }
0x85: {  	[tilespmem:s8+$0x20] =	vst v2  }
0x86: {  	[tilespmem:s8+$0x30] =	vst v0  }
0x87: {  	[tilespmem:s8+$0x50] =	vst v3  }
0x88: {  	v2 =	vld [tilespmem:s8+$0x60];
	[tilespmem:s8+$0x40] =	vst v1  }
0x89: {  	v0 =	vld [tilespmem:s10+$0x20]  }
0x8a: {  	v1 =	vld [tilespmem:s8+$0x70]  }
0x8b: {  	v3 =	vld [tilespmem:s8+$0x90]  }
0x8c: {  	v4 =	vld [tilespmem:s8+$0x80];
	_ =	sdelay $0x1  }
0x8d: {  	v2 =	vmul.f32 v2, v0  }
0x8e: {  	v1 =	vmul.f32 v1, v0  }
0x8f: {  	v3 =	vmul.f32 v3, v0;
	[tilespmem:s8+$0x60] =	vst v2  }
0x90: {  	s9 =	sshll.u32 s0, $0x8;
	v0 =	vmul.f32 v4, v0;
	[tilespmem:s8+$0x70] =	vst v1  }
0x91: {  	s9 =	sand.u32 $0x3FFFFF00, s9;
	[tilespmem:s8+$0x90] =	vst v3  }
0x92: {  	s12 =	sadd.s32 $0x2800, s9;
	[tilespmem:s8+$0x80] =	vst v0  }
0x93: {  	[spmem:s3] =	stream.indirect.scatter.add.f32 [tilespmem:s21], [sflag:$0x5], $0x40, s12, s20, $0xb8;
	[tilespmem:$0x13A60] =	vst v63  }
0x94: {  	_ =	swait.ge [sflag:s28], $0x1F40  }
0x95: {  	[sflag:s28] =	ssyncset.done $0x0  }
0x96: {  	[sflag:s28] =	ssyncadd.s32 $0xFFFFE0C0  }
0x97: {  	p1 =	seq.s32 s0, $0x27;
	_ =	swait.ge [sflag:s29], $0x7D0  }
0x98: {  	s8 =	sadd.s32 @!p1 $0x2, s22;
	[sflag:s29] =	ssyncset.done $0x0  }
0x99: {  	s9 =	sshll.u32 @!p1 s8, $0x7;
	s8 =	smul.u32 @!p1 $0x7D0, s8;
	[sflag:s29] =	ssyncadd.s32 $0xFFFFF830  }
0x9a: {  	s11 =	simm.s32 @!p1 $0x5FA0;
	_ =	swait.ge [sflag:s30], $0x1F40  }
0x9b: {  	s10 =	simm.s32 @!p1 $0x7D;
	s8 =	sadd.s32 @!p1 s7, s8;
	[sflag:s30] =	ssyncset.done $0x0  }
0x9c: {  	s9 =	sand.u32 @!p1 $0x3FFFFF80, s9;
	s8 =	sshrl.u32 @!p1 s8, $0x3;
	[sflag:s30] =	ssyncadd.s32 $0xFFFFE0C0  }
0x9d: {  	[tilespmem:s11], [sflag:$0x1] =	stream.indirect.gather @!p1 [hbm4b:s1+s10], $0x40, s9, s10, $0xb8;
	[tilespmem:$0x13A60] =	vst v63  }
0x9e: {  	s8 =	sadd.s32 @!p1 s6, s8;
	s9 =	simm.s32 @!p1 $0x0;
	s10 =	simm.s32 @!p1 $0x5000  }
0x9f: {  	[tilespmem:s10], [sflag:$0x3] =	stream.linear.gather @!p1 [hbm4b:s8+s9], $0x7D0, $0x38;
	[tilespmem:$0x13A60] =	vst v63  }
0xa0: {  	s8 =	simm.s32 $0x7F80  }
0xa1: {  	s9 =	simm.s32 $0x57F0;
	v0 =	vld [tilespmem:s8+$0xFFFFFF70]  }
0xa2: {  	v1 =	vld [tilespmem:s9+$0xFFFFFFE0]  }
0xa3: {  	v2 =	vld [tilespmem:s8+$0xFFFFFF80]  }
0xa4: {  	v3 =	vld [tilespmem:s8+$0xFFFFFF60]  }
0xa5: {  	v4 =	vld [tilespmem:s8+$0xFFFFFF90];
	_ =	sdelay $0x1  }
0xa6: {  	v0 =	vmul.f32 v0, v1  }
0xa7: {  	v2 =	vmul.f32 v2, v1  }
0xa8: {  	v3 =	vmul.f32 v3, v1;
	[tilespmem:s8+$0xFFFFFF70] =	vst v0  }
0xa9: {  	v0 =	vmul.f32 v4, v1;
	[tilespmem:s8+$0xFFFFFF80] =	vst v2  }
0xaa: {  	[tilespmem:s8+$0xFFFFFF60] =	vst v3  }
0xab: {  	v1 =	vld [tilespmem:s8+$0xFFFFFFB0];
	[tilespmem:s8+$0xFFFFFF90] =	vst v0  }
0xac: {  	v0 =	vld [tilespmem:s9+$0xFFFFFFF0]  }
0xad: {  	v2 =	vld [tilespmem:s8+$0xFFFFFFC0]  }
0xae: {  	v3 =	vld [tilespmem:s8+$0xFFFFFFA0]  }
0xaf: {  	v4 =	vld [tilespmem:s8+$0xFFFFFFD0];
	_ =	sdelay $0x1  }
0xb0: {  	v1 =	vmul.f32 v1, v0  }
0xb1: {  	v2 =	vmul.f32 v2, v0  }
0xb2: {  	v3 =	vmul.f32 v3, v0;
	[tilespmem:s8+$0xFFFFFFB0] =	vst v1  }
0xb3: {  	v0 =	vmul.f32 v4, v0;
	[tilespmem:s8+$0xFFFFFFC0] =	vst v2  }
0xb4: {  	[tilespmem:s8+$0xFFFFFFA0] =	vst v3  }
0xb5: {  	v1 =	vld [tilespmem:s8+$0xFFFFFFF0];
	[tilespmem:s8+$0xFFFFFFD0] =	vst v0  }
0xb6: {  	v0 =	vld [tilespmem:s9+$0x0]  }
0xb7: {  	v2 =	vld [tilespmem:s8+$0x0]  }
0xb8: {  	v3 =	vld [tilespmem:s8+$0xFFFFFFE0]  }
0xb9: {  	v4 =	vld [tilespmem:s8+$0x10];
	_ =	sdelay $0x1  }
0xba: {  	v1 =	vmul.f32 v1, v0  }
0xbb: {  	v2 =	vmul.f32 v2, v0  }
0xbc: {  	v3 =	vmul.f32 v3, v0;
	[tilespmem:s8+$0xFFFFFFF0] =	vst v1  }
0xbd: {  	v5 =	vld [tilespmem:s8+$0x40];
	v0 =	vmul.f32 v4, v0;
	[tilespmem:s8+$0x0] =	vst v2  }
0xbe: {  	[tilespmem:s8+$0xFFFFFFE0] =	vst v3;
	v1 =	vld [tilespmem:s8+$0x20]  }
0xbf: {  	[tilespmem:s8+$0x10] =	vst v0;
	v0 =	vld [tilespmem:s8+$0x30]  }
0xc0: {  	v4 =	vld [tilespmem:s9+$0x10]  }
0xc1: {  	v3 =	vld [tilespmem:s8+$0x50];
	_ =	sdelay $0x3  }
0xc2: {  	v2 =	vmul.f32 v1, v4;
	v0 =	vmul.f32 v0, v4  }
0xc3: {  	s12 =	simm.s32 $0x7F80;
	s11 =	simm.s32 $0x0;
	s10 =	simm.s32 $0x57F0;
	v1 =	vmul.f32 v5, v4;
	v3 =	vmul.f32 v3, v4  }
.LBB2_5:
0xc4: {  	s11 =	sadd.s32 $0x5, s11;
	[tilespmem:s8+$0x20] =	vst v2;
	s9 =	sadd.s32 $0x50, s9;
	s12 =	sadd.s32 $0x140, s12  }
0xc5: {  	p1 =	slt.u32 s11, $0x78;
	[tilespmem:s8+$0x50] =	vst v3;
	v2 =	vld [tilespmem:s8+$0x60]  }
0xc6: {  	[tilespmem:s8+$0x40] =	vst v1;
	v1 =	vld [tilespmem:s8+$0x90]  }
0xc7: {  	[tilespmem:s8+$0x30] =	vst v0;
	v0 =	vld [tilespmem:s8+$0x70]  }
0xc8: {  	v3 =	vld [tilespmem:s10+$0x20];
	s10 =	smov.u32 s9  }
0xc9: {  	v4 =	vld [tilespmem:s8+$0x80];
	_ =	sdelay $0x3  }
0xca: {  	v2 =	vmul.f32 v2, v3;
	v0 =	vmul.f32 v0, v3  }
0xcb: {  	v1 =	vmul.f32 v1, v3;
	v4 =	vmul.f32 v4, v3  }
0xcc: {  	[tilespmem:s8+$0x60] =	vst v2  }
0xcd: {  	v2 =	vld [tilespmem:s12+$0xFFFFFF90];
	[tilespmem:s8+$0x70] =	vst v0  }
0xce: {  	v0 =	vld [tilespmem:s12+$0xFFFFFF80];
	[tilespmem:s8+$0x90] =	vst v1  }
0xcf: {  	v1 =	vld [tilespmem:s12+$0xFFFFFF70];
	[tilespmem:s8+$0x80] =	vst v4;
	s8 =	smov.u32 s12  }
0xd0: {  	v3 =	vld [tilespmem:s9+$0xFFFFFFE0]  }
0xd1: {  	v4 =	vld [tilespmem:s12+$0xFFFFFF60];
	_ =	sdelay $0x3  }
0xd2: {  	v1 =	vmul.f32 v1, v3;
	v0 =	vmul.f32 v0, v3  }
0xd3: {  	v2 =	vmul.f32 v2, v3;
	v4 =	vmul.f32 v4, v3  }
0xd4: {  	[tilespmem:s12+$0xFFFFFF70] =	vst v1  }
0xd5: {  	[tilespmem:s12+$0xFFFFFF80] =	vst v0;
	v0 =	vld [tilespmem:s12+$0xFFFFFFD0]  }
0xd6: {  	[tilespmem:s12+$0xFFFFFF60] =	vst v4;
	v1 =	vld [tilespmem:s12+$0xFFFFFFB0]  }
0xd7: {  	[tilespmem:s12+$0xFFFFFF90] =	vst v2;
	v2 =	vld [tilespmem:s12+$0xFFFFFFA0]  }
0xd8: {  	v3 =	vld [tilespmem:s9+$0xFFFFFFF0]  }
0xd9: {  	v4 =	vld [tilespmem:s12+$0xFFFFFFC0];
	_ =	sdelay $0x3  }
0xda: {  	v2 =	vmul.f32 v2, v3;
	v1 =	vmul.f32 v1, v3  }
0xdb: {  	v0 =	vmul.f32 v0, v3;
	v4 =	vmul.f32 v4, v3  }
0xdc: {  	[tilespmem:s12+$0xFFFFFFB0] =	vst v1  }
0xdd: {  	[tilespmem:s12+$0xFFFFFFC0] =	vst v4;
	v1 =	vld [tilespmem:s12+$0x10]  }
0xde: {  	[tilespmem:s12+$0xFFFFFFA0] =	vst v2;
	v2 =	vld [tilespmem:s12+$0xFFFFFFF0]  }
0xdf: {  	[tilespmem:s12+$0xFFFFFFD0] =	vst v0;
	v0 =	vld [tilespmem:s12+$0xFFFFFFE0]  }
0xe0: {  	v3 =	vld [tilespmem:s9+$0x0]  }
0xe1: {  	v4 =	vld [tilespmem:s12+$0x0];
	_ =	sdelay $0x3  }
0xe2: {  	v0 =	vmul.f32 v0, v3;
	v2 =	vmul.f32 v2, v3  }
0xe3: {  	v1 =	vmul.f32 v1, v3;
	v4 =	vmul.f32 v4, v3  }
0xe4: {  	[tilespmem:s12+$0xFFFFFFF0] =	vst v2  }
0xe5: {  	[tilespmem:s12+$0x0] =	vst v4;
	v3 =	vld [tilespmem:s12+$0x50]  }
0xe6: {  	[tilespmem:s12+$0xFFFFFFE0] =	vst v0;
	v0 =	vld [tilespmem:s12+$0x20]  }
0xe7: {  	[tilespmem:s12+$0x10] =	vst v1;
	v1 =	vld [tilespmem:s12+$0x30]  }
0xe8: {  	v4 =	vld [tilespmem:s9+$0x10]  }
0xe9: {  	v5 =	vld [tilespmem:s12+$0x40]  }
.Ltmp1:
0xea: {  	(pc) =	sbr.rel @p1 .LBB2_5-.Ltmp1, $3  }
0xeb: {  	_ =	sdelay $0x1  }
0xec: {  	v2 =	vmul.f32 v0, v4;
	v0 =	vmul.f32 v1, v4  }
0xed: {  	v3 =	vmul.f32 v3, v4;
	v1 =	vmul.f32 v5, v4  }
0xee: {  	[tilespmem:s8+$0x20] =	vst v2  }
0xef: {  	[tilespmem:s8+$0x30] =	vst v0  }
0xf0: {  	[tilespmem:s8+$0x50] =	vst v3  }
0xf1: {  	v61 =	vld [tilespmem:s8+$0x60];
	[tilespmem:s8+$0x40] =	vst v1  }
0xf2: {  	v0 =	vld [tilespmem:s10+$0x20]  }
0xf3: {  	v62 =	vld [tilespmem:s8+$0x70]  }
0xf4: {  	v63 =	vld [tilespmem:s8+$0x90]  }
0xf5: {  	v4 =	vld [tilespmem:s8+$0x80];
	_ =	sdelay $0x1  }
0xf6: {  	s0 =	sadd.s32 $0x1, s0;
	v2 =	vmul.f32 v61, v0  }
0xf7: {  	p1 =	sne.s32 s0, $0x28;
	v1 =	vmul.f32 v62, v0  }
.Ltmp2:
0xf8: {  	v3 =	vmul.f32 v63, v0;
	[tilespmem:s8+$0x60] =	vst v2;
	(pc) =	sbr.rel @p1 .LBB2_2-.Ltmp2, $4  }
0xf9: {  	v0 =	vmul.f32 v4, v0;
	[tilespmem:s8+$0x70] =	vst v1  }
0xfa: {  	[tilespmem:s8+$0x90] =	vst v3  }
0xfb: {  	s22 =	sadd.s32 $0x2800, s16;
	[tilespmem:s8+$0x80] =	vst v0  }
0xfc: {  	[spmem:s3] =	stream.indirect.scatter.add.f32 [tilespmem:s25], [sflag:$0x6], $0x40, s22, s20, $0xb8;
	[tilespmem:$0x13A60] =	vst v63  }
0xfd: {  	_ =	swait.ge [sflag:s31], $0x1F40  }
0xfe: {  	[sflag:s31] =	ssyncset.done $0x0  }
0xff: {  	[sflag:s31] =	ssyncadd.s32 $0xFFFFE0C0  }
0x100: {  	s0 =	sadd.s32 s5, s13;
	[bflag:$0x0] =	sbarrier.arrive $0xFFFF  }
0x101: {  	[hbm:s0], [sflag:s17] =	dma.local [spmem:s18], $0x1380  }
0x102: {  	_ =	swait.ge [sflag:s15], $0x1380  }
0x103: {  	s2 =	sadd.s32 $0x1, s2;
	[sflag:s15] =	ssyncset.done $0x0  }
0x104: {  	p1 =	sne.s32 s2, s14;
	s0 =	sadd.s32 @!p0 $0x13800, s13;
	[sflag:s15] =	ssyncadd.s32 $0xFFFFEC80  }
0x105: {  	[hbm:s0], [sflag:s17] =	dma.local @!p0 [spmem:s19], $0x80  }
.Ltmp3:
0x106: {  	_ = 	snop;
	(pc) =	sbr.rel @p1 .LBB2_1-.Ltmp3, $4  }
0x107: {  	s0 =	simm.s32 @!p0 $0x7  }
0x108: {  	_ =	swait.ge @!p0 [sflag:s0], $0x80  }
0x109: {  	[sflag:s0] =	ssyncset.done @!p0 $0x0  }
0x10a: {  	[sflag:s0] =	ssyncadd.s32 @!p0 $0xFFFFFF80  }
0x10b: {  	_ =	sfence.sel $0x180000  }
0x10c: {  	[bflag:$0x0] =	sbarrier.arrive $0xFFFF  }
0x10d: {  	_ =	strace $0x9000004D  }
0x10e: {  	s0 =	stileid.u32;
	[bflag:$0x2] =	sbarrier.arrive $0xFFFF  }
0x10f: {  	p0 =	sne.s32 s0, $0x0;
	s0 =	rddreg [dreg:$0x3]  }
0x110: {  	s0 =	sadd.s32 @!p0 $0x100000, s0  }
0x111: {  	[sflag:s0] =	ssyncadd.tile.s32 @!p0 $0x1;
	_ =	shalt  }
.Lfunc_end2:
_tile_overlayer_lowered:
.L_overlay_start_2:
0x112: {  	(tag) =	ssettag $0x2  }
0x113: {  	s0 =	rddreg [dreg:$0x0];
	s2 =	stileid.u32  }
0x114: {  	s1 =	rddreg [dreg:$0x1];
	p0 =	sne.s32 s2, $0x0  }
0x115: {  	s3 =	rddreg [dreg:$0x2];
	[bflag:$0x3] =	sbarrier.arrive $0xFFFF;
	s2 =	simm.s32 @!p0 $0x1C07  }
0x116: {  	[timem:s3], [sflag:s2] =	dma.local @!p0 [hbm:s0], s1  }
0x117: {  	s0 =	simm.s32 @!p0 $0x7  }
0x118: {  	_ =	swait.ge @!p0 [sflag:s0], s1  }
0x119: {  	s1 =	ssub.s32 @!p0 $0x0, s1;
	[sflag:s0] =	ssyncset.done @!p0 $0x0  }
0x11a: {  	[sflag:s0] =	ssyncadd.s32 @!p0 s1  }
0x11b: {  	[bflag:$0x3] =	sbarrier.arrive $0xFFFF  }
0x11c: {  	_ =	shalt  }

// kernel: kernel.15.cloned.1.call-start
scs
__scs_entry_jumppad:
0x0: {  	(pc) =	sbr.rel $0x88, $3  }
0x1: {  	(tag) =	ssettag $0x0;
	lr =	simm.s32 $0x1  }
0x2: {  	[smem:$0x3F9A] =	sst lr;
	_ =	strace $0xD0000000  }
0x3: {  	_ = 	snop  }
0x4: {  	_ = 	snop  }
0x5: {  	_ = 	snop  }
0x6: {  	_ = 	snop  }
0x7: {  	_ = 	snop  }
__scs_overlays_trampoline_lowered:
0x8: {  	[smem:$0x3FA9] =	sst s0  }
0x9: {  	[smem:$0x3FAA] =	sst s1  }
0xa: {  	[smem:$0x3FAB] =	sst s2  }
0xb: {  	[smem:$0x3FAC] =	sst s3  }
0xc: {  	[smem:$0x3FAD] =	sst s4  }
0xd: {  	[smem:$0x3FAE] =	sst s5  }
0xe: {  	[smem:$0x3FAF] =	sst s6  }
0xf: {  	[smem:$0x3FB0] =	sst s7  }
0x10: {  	[smem:$0x3FB1] =	sst s8  }
0x11: {  	[smem:$0x3FB2] =	sst s9;
	s0 =	simm.s32 @!p0 $0x0  }
0x12: {  	s1 =	sld [smem:$0x3F98];
	s0 =	simm.s32 @p0 $0x1  }
0x13: {  	[smem:$0x3FB3] =	sst s0;
	s0 =	simm.s32 @!p1 $0x0  }
0x14: {  	s2 =	sld [smem:$0x3F97];
	s0 =	simm.s32 @p1 $0x1  }
0x15: {  	[smem:$0x3FB4] =	sst s0;
	s0 =	simm.s32 @!p2 $0x0  }
0x16: {  	s3 =	sld [smem:$0x3FDB];
	s0 =	simm.s32 @p2 $0x1  }
0x17: {  	s4 =	simm.s32 $0x1BF5;
	[smem:$0x3FB6] =	sst s0  }
0x18: {  	s0 =	sld [smem:$0x3F99];
	_ =	swait.ge [sflag:s4], $0x0  }
0x19: {  	s7 =	sld [smem:$0x3F9A]  }
0x1a: {  	s8 =	sadd.s32 $0xFFFFE003, lr  }
0x1b: {  	s9 =	sadd.s32 $0xFFFFFEF7, lr;
	s5 =	simm.s32 $0xFFFFFFFF;
	p2 =	slt.u32 s8, $0xFFFFF086  }
0x1c: {  	p1 =	slt.u32 s9, $0xF7A;
	s5 =	simm.s32 @!p2 $0x0  }
0x1d: {  	s5 =	simm.s32 @p1 $0x1;
	p0 =	seq.s32 s7, s2  }
0x1e: {  	s7 =	smul.u32 @!p0 $0xF7A, s2;
	p2 =	seq.s32 @!p0 s5, $0x0  }
0x1f: {  	s9 =	smul.u32 $0xF7A, s1;
	s8 =	simm.s32 @!p0 $0x1BF5;
	p2 =	por !p2, p0  }
0x20: {  	[sflag:s8] =	ssyncset.s32 @!p0 $0xFFFFF086;
	s6 =	sadd.s32 @!p0 s3, s7;
	s7 =	simm.s32 @!p0 $0x108  }
0x21: {  	s3 =	sadd.s32 s3, s9;
	s6 =	sadd.s32 @!p0 $0x88, s6;
	s7 =	simm.s32 @p2 $0x1082  }
0x22: {  	[simem:s7], [sflag:s8] =	dma.local @!p0 [hbm:s6], $0xF7A  }
0x23: {  	s9 =	sor.u32 $0xD0000000, s2;
	s6 =	simm.s32 $0x108;
	_ =	swait.ge @!p0 [sflag:s8], $0x0  }
0x24: {  	s3 =	sadd.s32 $0x88, s3;
	s6 =	simm.s32 @!p1 $0x1082;
	[sflag:s4] =	ssyncset.s32 $0xFFFFF086  }
0x25: {  	[simem:s6], [sflag:s4] =	dma.local [hbm:s3], $0xF7A  }
0x26: {  	[smem:$0x3F9A] =	sst s1;
	(tag) =	ssettag s2;
	_ =	strace s9  }
0x27: {  	s1 =	sld [smem:$0x3FAA]  }
0x28: {  	s2 =	sld [smem:$0x3FAB]  }
0x29: {  	s4 =	sld [smem:$0x3FAD]  }
0x2a: {  	p0 =	seq.s32 s5, $0x0;
	s5 =	sld [smem:$0x3FAE]  }
0x2b: {  	s6 =	sld [smem:$0x3FAF]  }
0x2c: {  	s7 =	sld [smem:$0x3FB0]  }
0x2d: {  	s3 =	simm.s32 $0x108;
	s8 =	sld [smem:$0x3FB1]  }
0x2e: {  	s3 =	simm.s32 @!p0 $0x1082;
	s9 =	sld [smem:$0x3FB2]  }
0x2f: {  	lr =	sadd.s32 s0, s3;
	s0 =	sld [smem:$0x3FA9]  }
0x30: {  	s3 =	sld [smem:$0x3FAC]  }
0x31: {  	[smem:$0x3FB5] =	sst s10  }
0x32: {  	s10 =	sld [smem:$0x3FB3];
	_ =	sdelay $0x3  }
0x33: {  	p0 =	seq.s32 s10, $0x1;
	s10 =	sld [smem:$0x3FB5];
	_ =	sdelay $0x3  }
0x34: {  	[smem:$0x3FB5] =	sst s10  }
0x35: {  	s10 =	sld [smem:$0x3FB4];
	_ =	sdelay $0x3  }
0x36: {  	p1 =	seq.s32 s10, $0x1;
	s10 =	sld [smem:$0x3FB5];
	_ =	sdelay $0x3  }
0x37: {  	[smem:$0x3FB5] =	sst s10  }
0x38: {  	s10 =	sld [smem:$0x3FB6]  }
0x39: {  	_ = 	snop;
	(pc) =	sbr.ind lr, $3  }
0x3a: {  	_ = 	snop  }
0x3b: {  	_ = 	snop  }
0x3c: {  	p2 =	seq.s32 s10, $0x1;
	s10 =	sld [smem:$0x3FB5]  }
0x3d: {  	_ =	shalt  }
0x3e: {  	_ =	shalt  }
0x3f: {  	_ =	shalt  }
0x40: {  	_ =	shalt  }
0x41: {  	_ =	shalt  }
0x42: {  	_ =	shalt  }
0x43: {  	_ =	shalt  }
0x44: {  	_ =	shalt  }
0x45: {  	_ =	shalt  }
0x46: {  	_ =	shalt  }
0x47: {  	_ =	shalt  }
0x48: {  	_ =	shalt  }
0x49: {  	_ =	shalt  }
0x4a: {  	_ =	shalt  }
0x4b: {  	_ =	shalt  }
0x4c: {  	_ =	shalt  }
0x4d: {  	_ =	shalt  }
0x4e: {  	_ =	shalt  }
0x4f: {  	_ =	shalt  }
0x50: {  	_ =	shalt  }
0x51: {  	_ =	shalt  }
0x52: {  	_ =	shalt  }
0x53: {  	_ =	shalt  }
0x54: {  	_ =	shalt  }
0x55: {  	_ =	shalt  }
0x56: {  	_ =	shalt  }
0x57: {  	_ =	shalt  }
0x58: {  	_ =	shalt  }
0x59: {  	_ =	shalt  }
0x5a: {  	_ =	shalt  }
0x5b: {  	_ =	shalt  }
0x5c: {  	_ =	shalt  }
0x5d: {  	_ =	shalt  }
0x5e: {  	_ =	shalt  }
0x5f: {  	_ =	shalt  }
0x60: {  	_ =	shalt  }
0x61: {  	_ =	shalt  }
0x62: {  	_ =	shalt  }
0x63: {  	_ =	shalt  }
0x64: {  	_ =	shalt  }
0x65: {  	_ =	shalt  }
0x66: {  	_ =	shalt  }
0x67: {  	_ =	shalt  }
0x68: {  	_ =	shalt  }
0x69: {  	_ =	shalt  }
0x6a: {  	_ =	shalt  }
0x6b: {  	_ =	shalt  }
0x6c: {  	_ =	shalt  }
0x6d: {  	_ =	shalt  }
0x6e: {  	_ =	shalt  }
0x6f: {  	_ =	shalt  }
0x70: {  	_ =	shalt  }
0x71: {  	_ =	shalt  }
0x72: {  	_ =	shalt  }
0x73: {  	_ =	shalt  }
0x74: {  	_ =	shalt  }
0x75: {  	_ =	shalt  }
0x76: {  	_ =	shalt  }
0x77: {  	_ =	shalt  }
0x78: {  	_ =	shalt  }
0x79: {  	_ =	shalt  }
0x7a: {  	_ =	shalt  }
0x7b: {  	_ =	shalt  }
0x7c: {  	_ =	shalt  }
0x7d: {  	_ =	shalt  }
0x7e: {  	_ =	shalt  }
0x7f: {  	_ =	shalt  }
0x80: {  	_ =	shalt  }
0x81: {  	_ =	shalt  }
0x82: {  	_ =	shalt  }
0x83: {  	_ =	shalt  }
0x84: {  	_ =	shalt  }
0x85: {  	_ =	shalt  }
0x86: {  	_ =	shalt  }
0x87: {  	_ =	shalt  }
.Lfunc_end0:
.L_simem_size_0:
called_computation.2_lowered:
.L_overlay_start_0:
0x88: {  	s2 =	sld [smem:$0x3FD9]  }
0x89: {  	s3 =	sld [smem:$0x3FFE];
	_ =	sdelay $0x1  }
0x8a: {  	s1 =	srdreg.scid  }
0x8b: {  	s0 =	sand.u32 $0x1, s1  }
0x8c: {  	s16 =	sshll.u32 s0, $0xA;
	s2 =	sadd.s32 s3, s2  }
0x8d: {  	s2 =	sadd.s32 s2, s16  }
0x8e: {  	[smem:$0x3FC1] =	sst s2  }
0x8f: {  	_ = 	snop  }
0x90: {  	(tm) =	ssettm $0x1  }
0x91: {  	s17 =	sld [smem:$0x3FFB];
	_ =	sdelay $0x3  }
0x92: {  	_ =	strace s17  }
0x93: {  	s2 =	sld [smem:$0x3FFC];
	_ =	sdelay $0x3  }
0x94: {  	_ =	strace s2  }
0x95: {  	s2 =	sld [smem:$0x3FFD];
	_ =	sdelay $0x3  }
0x96: {  	_ =	strace s2  }
0x97: {  	_ =	strace $0x8FFFFFFF  }
0x98: {  	s18 =	sld [smem:$0x3FDB];
	_ =	sdelay $0x1  }
0x99: {  	s19 =	simm.s32 $_scs_section_size  }
0x9a: {  	s4 =	simm.s32 $_size__tile_overlayer_lowered;
	s5 =	simm.s32 $_tile_overlayer_lowered  }
0x9b: {  	s22 =	simm.s32 $0x1BFF;
	s21 =	sshll.u32 s5, $0x1;
	s2 =	sadd.s32 s19, s18  }
0x9c: {  	s6 =	simm.s32 $0x0;
	s20 =	sshll.u32 s4, $0x1;
	s4 =	sadd.s32 s21, s2  }
0x9d: {  	[timem:s6], [sflag:s22] =	dma.local [hbm:s4], s20  }
0x9e: {  	_ =	swait.ge [sflag:s22], s20  }
0x9f: {  	s3 =	ssub.s32 $0x0, s20;
	[sflag:s22] =	ssyncset.done $0x0  }
0xa0: {  	[sflag:s22] =	ssyncadd.s32 s3;
	_ =	sdelay $0x1  }
0xa1: {  	s23 =	simm.s32 $0x1B8B  }
0xa2: {  	_ =	swait.ge [sflag:s23], $0x1  }
0xa3: {  	[sflag:s23] =	ssyncset.done $0x0  }
0xa4: {  	s25 =	simm.s32 $0x1B8E;
	s24 =	sld [smem:$0x3FFE];
	[sflag:s23] =	ssyncadd.s32 $0xFFFFFFFF  }
0xa5: {  	s26 =	simm.s32 $execute0_lowered;
	[smem:$0x3FD2] =	sst s25  }
0xa6: {  	s4 =	sshll.u32 s26, $0x1;
	_ =	strace $0x80000049;
	[dreg:$0x1] =	wrdreg $0xFFFFFFFF  }
0xa7: {  	s28 =	simm.s32 $_size_execute0_lowered;
	s2 =	sadd.s32 s2, s4;
	[dreg:$0x0] =	wrdreg $0x0  }
0xa8: {  	s4 =	sshll.u32 s28, $0x1;
	[dreg:$0x2] =	wrdreg s2  }
0xa9: {  	[dreg:$0x3] =	wrdreg s4  }
0xaa: {  	[dreg:$0x4] =	wrdreg $0xC0  }
0xab: {  	_ =	task [dreg:s6], $0x5FFFF  }
0xac: {  	[dreg:$0x1] =	wrdreg $0xFFFFFFFF  }
0xad: {  	[dreg:$0x0] =	wrdreg $0x60  }
0xae: {  	[dreg:$0x2] =	wrdreg s24  }
0xaf: {  	[dreg:$0x3] =	wrdreg $0x9E200  }
0xb0: {  	[dreg:$0x4] =	wrdreg $0xA  }
0xb1: {  	_ =	task.clear_ibuf [dreg:s6], $0x5FFFF;
	_ =	strace $0x90000049  }
0xb2: {  	s29 =	simm.s32 $0xA;
	_ =	strace $0x8000004B  }
0xb3: {  	_ =	swait.ge [sflag:s29], $0x1  }
0xb4: {  	[sflag:s29] =	ssyncadd.s32 $0xFFFFFFFF  }
0xb5: {  	_ =	strace $0x9000004B  }
0xb6: {  	_ =	sfence  }
0xb7: {  	s30 =	sld [smem:$0x0];
	_ =	sdelay $0x2  }
0xb8: {  	s31 =	sshll.u32 s1, $0xD;
	s1 =	sshrl.u32 s1, $0x2  }
0xb9: {  	s3 =	sand.u32 $0x4000, s31;
	s1 =	sadd.s32 s1, s30  }
0xba: {  	s0 =	sor.u32 s3, s0;
	s1 =	sshll.u32 s1, $0x11  }
0xbb: {  	s0 =	sor.u32 s1, s0  }
0xbc: {  	s0 =	sadd.s32 $0x8F2B, s0  }
0xbd: {  	[sflag:s0] =	ssyncadd.remote.s32 $0x1  }
0xbe: {  	_ =	sfence.sel $0xFFFF  }
0xbf: {  	[dreg:$0x0] =	wrdreg $0xFFFFFFFF;
	(pc) =	sbr.abs _section_cstart, $3  }
0xc0: {  	[dreg:$0x1] =	wrdreg $0xFFFFFFFF  }
0xc1: {  	_ =	task.clear_ibuf [dreg:s6], $0x2FFFF;
	_ =	strace $0x9FFFFFFF  }
0xc2: {  	(tm) =	ssettm $0x7FFFFFFF  }
0xc3: {  	_ =	shalt  }
tec
execute0_lowered:
.L_overlay_start_1:
0x0: {  	(tag) =	ssettag $0x1  }
0x1: {  	s0 =	srdreg.scid;
	s1 =	rddreg [dreg:$0x0]  }
0x2: {  	s16 =	stileid.u32;
	s2 =	rddreg [dreg:$0x1]  }
0x3: {  	s15 =	simm.s32 $0x7;
	s20 =	simm.s32 $0x7D;
	s21 =	simm.s32 $0x5FA0  }
0x4: {  	s28 =	simm.s32 $0x2;
	s29 =	simm.s32 $0x4;
	s30 =	simm.s32 $0x5  }
0x5: {  	s31 =	simm.s32 $0x6;
	s0 =	sand.u32 $0x1, s0;
	s3 =	sshll.u32 s16, $0x1  }
0x6: {  	s8 =	smul.u32 $0x9C00, s16;
	s4 =	sadd.s32 $0x1AE00, s1;
	s6 =	sadd.s32 $0x501E00, s1  }
0x7: {  	p0 =	sne.s32 s16, $0xF;
	s26 =	sshll.u32 s16, $0x6;
	s7 =	sor.u32 s0, s3  }
0x8: {  	s3 =	simm.s32 $0x0;
	s10 =	smul.u32 $0x13880, s0;
	s0 =	ssub.s32 $0x2, s0  }
0x9: {  	s17 =	sor.u32 $0x1C07, s26;
	s26 =	simm.s32 $0x57D0;
	s5 =	smul.u32 $0x500, s7  }
0xa: {  	[smem:$0x7FF] =	sst s3;
	s12 =	sshrl.u32 s0, $0x1;
	s7 =	smul.u32 $0x27100, s7  }
0xb: {  	_ =	strace $0x8000004A;
	s10 =	sadd.s32 s10, s1;
	s0 =	ssub.s32 s0, s12  }
0xc: {  	s9 =	sadd.s32 s5, s1;
	s5 =	sshrl.u32 s8, $0x3;
	s8 =	sadd.s32 s8, s2  }
0xd: {  	s24 =	sshrl.u32 s7, $0x3;
	s13 =	sadd.s32 $0x42200, s10;
	s14 =	smax.u32 s0, $0x1  }
0xe: {  	s11 =	sadd.s32 s5, s1;
	s22 =	sadd.s32 $0x10E00, s9;
	s9 =	sadd.s32 $0x1E00, s9  }
0xf: {  	s1 =	sadd.s32 $0x42000, s1;
	s25 =	sadd.s32 s6, s24;
	[dreg:$0x3] =	wrdreg s22  }
0x10: {  	s18 =	sshrl.u32 s8, $0x3;
	s24 =	simm.s32 $0x3;
	[dreg:$0x4] =	wrdreg s9  }
0x11: {  	s23 =	sadd.s32 $0x2E800, s11;
	s11 =	sadd.s32 $0x9C000, s2;
	[dreg:$0x6] =	wrdreg s1  }
0x12: {  	[dreg:$0x7] =	wrdreg s25;
	s25 =	simm.s32 $0x7EE0;
	s1 =	simm.s32 $0x0  }
0x13: {  	[dreg:$0x5] =	wrdreg s23;
	s19 =	sshrl.u32 @!p0 s11, $0x3;
	s23 =	simm.s32 $0x1  }
.LBB2_1:
0x14: {  	s0 =	rddreg [dreg:$0x3]  }
0x15: {  	[tilespmem:s3], [sflag:$0x7] =	stream.linear.gather [hbm4b:s0+s3], $0x2800, $0x38;
	[tilespmem:$0x13A60] =	vst v63  }
0x16: {  	_ =	swait.ge [sflag:s15], $0x2800  }
0x17: {  	[sflag:s15] =	ssyncset.done $0x0  }
0x18: {  	s8 =	simm.s32 $0x2800;
	s11 =	rddreg [dreg:$0x4];
	[sflag:s15] =	ssyncadd.s32 $0xFFFFD800  }
0x19: {  	[tilespmem:s8], [sflag:$0x7] =	stream.linear.gather [hbm4b:s11+s3], $0x2800, $0x38;
	[tilespmem:$0x13A60] =	vst v63  }
0x1a: {  	_ =	swait.ge [sflag:s15], $0x2800  }
0x1b: {  	[sflag:s15] =	ssyncset.done $0x0  }
0x1c: {  	s12 =	rddreg [dreg:$0x5];
	[sflag:s15] =	ssyncadd.s32 $0xFFFFD800  }
0x1d: {  	[spmem:s18], [sflag:s17] =	dma.local [hbm:s12], $0x1380  }
0x1e: {  	_ =	swait.ge [sflag:s15], $0x1380  }
0x1f: {  	[sflag:s15] =	ssyncset.done $0x0  }
0x20: {  	s0 =	rddreg [dreg:$0x6];
	[sflag:s15] =	ssyncadd.s32 $0xFFFFEC80  }
0x21: {  	[spmem:s19], [sflag:s17] =	dma.local @!p0 [hbm:s0], $0x80  }
0x22: {  	s0 =	simm.s32 @!p0 $0x7  }
0x23: {  	_ =	swait.ge @!p0 [sflag:s0], $0x80  }
0x24: {  	[sflag:s0] =	ssyncset.done @!p0 $0x0  }
0x25: {  	[sflag:s0] =	ssyncadd.s32 @!p0 $0xFFFFFF80  }
0x26: {  	[bflag:$0x0] =	sbarrier.arrive $0xFFFF  }
0x27: {  	[tilespmem:s21], [sflag:$0x1] =	stream.indirect.gather [hbm4b:s4+s20], $0x40, s3, s20, $0xb8;
	[tilespmem:$0x13A60] =	vst v63  }
0x28: {  	s22 =	simm.s32 $0x5000;
	s0 =	simm.s32 $0x0;
	s16 =	rddreg [dreg:$0x7]  }
0x29: {  	[tilespmem:s22], [sflag:$0x3] =	stream.linear.gather [hbm4b:s16+s3], $0x7D0, $0x38;
	[tilespmem:$0x13A60] =	vst v63  }
.LBB2_2:
0x2a: {  	_ =	swait.ge [sflag:s23], $0x1F40  }
0x2b: {  	[sflag:s23] =	ssyncset.done $0x0  }
0x2c: {  	[sflag:s23] =	ssyncadd.s32 $0xFFFFE0C0  }
0x2d: {  	_ =	swait.ge [sflag:s24], $0x7D0  }
0x2e: {  	p1 =	seq.s32 s0, $0x0;
	s22 =	sshll.u32 s0, $0x1;
	[sflag:s24] =	ssyncset.done $0x0  }
0x2f: {  	s8 =	simm.s32 @!p1 $0x6;
	s9 =	sor.u32 $0x1, s22;
	[sflag:s24] =	ssyncadd.s32 $0xFFFFF830  }
0x30: {  	s12 =	smul.u32 $0x7D0, s9;
	_ =	swait.ge @!p1 [sflag:s8], $0x1F40  }
0x31: {  	[sflag:s8] =	ssyncset.done @!p1 $0x0  }
0x32: {  	s16 =	sshll.u32 s9, $0x7;
	[sflag:s8] =	ssyncadd.s32 @!p1 $0xFFFFE0C0;
	s8 =	sadd.s32 s7, s12  }
0x33: {  	[tilespmem:s25], [sflag:$0x2] =	stream.indirect.gather [hbm4b:s4+s20], $0x40, s16, s20, $0xb8;
	[tilespmem:$0x13A60] =	vst v63  }
0x34: {  	s8 =	sshrl.u32 s8, $0x3  }
0x35: {  	s8 =	sadd.s32 s6, s8  }
0x36: {  	[tilespmem:s26], [sflag:$0x4] =	stream.linear.gather [hbm4b:s8+s3], $0x7D0, $0x38;
	[tilespmem:$0x13A60] =	vst v63  }
0x37: {  	s8 =	simm.s32 $0x6040  }
0x38: {  	s9 =	simm.s32 $0x5020;
	v0 =	vld [tilespmem:s8+$0xFFFFFF70]  }
0x39: {  	v1 =	vld [tilespmem:s9+$0xFFFFFFE0]  }
0x3a: {  	v2 =	vld [tilespmem:s8+$0xFFFFFF80]  }
0x3b: {  	v3 =	vld [tilespmem:s8+$0xFFFFFF60]  }
0x3c: {  	v4 =	vld [tilespmem:s8+$0xFFFFFF90];
	_ =	sdelay $0x1  }
0x3d: {  	v0 =	vmul.f32 v0, v1  }
0x3e: {  	v2 =	vmul.f32 v2, v1  }
0x3f: {  	v3 =	vmul.f32 v3, v1;
	[tilespmem:s8+$0xFFFFFF70] =	vst v0  }
0x40: {  	v0 =	vmul.f32 v4, v1;
	[tilespmem:s8+$0xFFFFFF80] =	vst v2  }
0x41: {  	[tilespmem:s8+$0xFFFFFF60] =	vst v3  }
0x42: {  	v1 =	vld [tilespmem:s8+$0xFFFFFFB0];
	[tilespmem:s8+$0xFFFFFF90] =	vst v0  }
0x43: {  	v0 =	vld [tilespmem:s9+$0xFFFFFFF0]  }
0x44: {  	v2 =	vld [tilespmem:s8+$0xFFFFFFC0]  }
0x45: {  	v3 =	vld [tilespmem:s8+$0xFFFFFFA0]  }
0x46: {  	v4 =	vld [tilespmem:s8+$0xFFFFFFD0];
	_ =	sdelay $0x1  }
0x47: {  	v1 =	vmul.f32 v1, v0  }
0x48: {  	v2 =	vmul.f32 v2, v0  }
0x49: {  	v3 =	vmul.f32 v3, v0;
	[tilespmem:s8+$0xFFFFFFB0] =	vst v1  }
0x4a: {  	v0 =	vmul.f32 v4, v0;
	[tilespmem:s8+$0xFFFFFFC0] =	vst v2  }
0x4b: {  	[tilespmem:s8+$0xFFFFFFA0] =	vst v3  }
0x4c: {  	v1 =	vld [tilespmem:s8+$0xFFFFFFF0];
	[tilespmem:s8+$0xFFFFFFD0] =	vst v0  }
0x4d: {  	v0 =	vld [tilespmem:s9+$0x0]  }
0x4e: {  	v2 =	vld [tilespmem:s8+$0x0]  }
0x4f: {  	v3 =	vld [tilespmem:s8+$0xFFFFFFE0]  }
0x50: {  	v4 =	vld [tilespmem:s8+$0x10];
	_ =	sdelay $0x1  }
0x51: {  	v1 =	vmul.f32 v1, v0  }
0x52: {  	v2 =	vmul.f32 v2, v0  }
0x53: {  	v3 =	vmul.f32 v3, v0;
	[tilespmem:s8+$0xFFFFFFF0] =	vst v1  }
0x54: {  	v5 =	vld [tilespmem:s8+$0x40];
	v0 =	vmul.f32 v4, v0;
	[tilespmem:s8+$0x0] =	vst v2  }
0x55: {  	[tilespmem:s8+$0xFFFFFFE0] =	vst v3;
	v1 =	vld [tilespmem:s8+$0x20]  }
0x56: {  	[tilespmem:s8+$0x10] =	vst v0;
	v0 =	vld [tilespmem:s8+$0x30]  }
0x57: {  	v4 =	vld [tilespmem:s9+$0x10]  }
0x58: {  	v3 =	vld [tilespmem:s8+$0x50];
	_ =	sdelay $0x3  }
0x59: {  	v2 =	vmul.f32 v1, v4;
	v0 =	vmul.f32 v0, v4  }
0x5a: {  	s11 =	simm.s32 $0x0;
	s10 =	simm.s32 $0x5020;
	s12 =	simm.s32 $0x6040;
	v1 =	vmul.f32 v5, v4;
	v3 =	vmul.f32 v3, v4  }
.LBB2_3:
0x5b: {  	s11 =	sadd.s32 $0x5, s11;
	[tilespmem:s8+$0x20] =	vst v2;
	s9 =	sadd.s32 $0x50, s9;
	s12 =	sadd.s32 $0x140, s12  }
0x5c: {  	p1 =	slt.u32 s11, $0x78;
	[tilespmem:s8+$0x50] =	vst v3;
	v2 =	vld [tilespmem:s8+$0x60]  }
0x5d: {  	[tilespmem:s8+$0x40] =	vst v1;
	v1 =	vld [tilespmem:s8+$0x90]  }
0x5e: {  	[tilespmem:s8+$0x30] =	vst v0;
	v0 =	vld [tilespmem:s8+$0x70]  }
0x5f: {  	v3 =	vld [tilespmem:s10+$0x20];
	s10 =	smov.u32 s9  }
0x60: {  	v4 =	vld [tilespmem:s8+$0x80];
	_ =	sdelay $0x3  }
0x61: {  	v2 =	vmul.f32 v2, v3;
	v0 =	vmul.f32 v0, v3  }
0x62: {  	v1 =	vmul.f32 v1, v3;
	v4 =	vmul.f32 v4, v3  }
0x63: {  	[tilespmem:s8+$0x60] =	vst v2  }
0x64: {  	v2 =	vld [tilespmem:s12+$0xFFFFFF90];
	[tilespmem:s8+$0x70] =	vst v0  }
0x65: {  	v0 =	vld [tilespmem:s12+$0xFFFFFF80];
	[tilespmem:s8+$0x90] =	vst v1  }
0x66: {  	v1 =	vld [tilespmem:s12+$0xFFFFFF70];
	[tilespmem:s8+$0x80] =	vst v4;
	s8 =	smov.u32 s12  }
0x67: {  	v3 =	vld [tilespmem:s9+$0xFFFFFFE0]  }
0x68: {  	v4 =	vld [tilespmem:s12+$0xFFFFFF60];
	_ =	sdelay $0x3  }
0x69: {  	v1 =	vmul.f32 v1, v3;
	v0 =	vmul.f32 v0, v3  }
0x6a: {  	v2 =	vmul.f32 v2, v3;
	v4 =	vmul.f32 v4, v3  }
0x6b: {  	[tilespmem:s12+$0xFFFFFF70] =	vst v1  }
0x6c: {  	[tilespmem:s12+$0xFFFFFF80] =	vst v0;
	v0 =	vld [tilespmem:s12+$0xFFFFFFD0]  }
0x6d: {  	[tilespmem:s12+$0xFFFFFF60] =	vst v4;
	v1 =	vld [tilespmem:s12+$0xFFFFFFB0]  }
0x6e: {  	[tilespmem:s12+$0xFFFFFF90] =	vst v2;
	v2 =	vld [tilespmem:s12+$0xFFFFFFA0]  }
0x6f: {  	v3 =	vld [tilespmem:s9+$0xFFFFFFF0]  }
0x70: {  	v4 =	vld [tilespmem:s12+$0xFFFFFFC0];
	_ =	sdelay $0x3  }
0x71: {  	v2 =	vmul.f32 v2, v3;
	v1 =	vmul.f32 v1, v3  }
0x72: {  	v0 =	vmul.f32 v0, v3;
	v4 =	vmul.f32 v4, v3  }
0x73: {  	[tilespmem:s12+$0xFFFFFFB0] =	vst v1  }
0x74: {  	[tilespmem:s12+$0xFFFFFFC0] =	vst v4;
	v1 =	vld [tilespmem:s12+$0x10]  }
0x75: {  	[tilespmem:s12+$0xFFFFFFA0] =	vst v2;
	v2 =	vld [tilespmem:s12+$0xFFFFFFF0]  }
0x76: {  	[tilespmem:s12+$0xFFFFFFD0] =	vst v0;
	v0 =	vld [tilespmem:s12+$0xFFFFFFE0]  }
0x77: {  	v3 =	vld [tilespmem:s9+$0x0]  }
0x78: {  	v4 =	vld [tilespmem:s12+$0x0];
	_ =	sdelay $0x3  }
0x79: {  	v0 =	vmul.f32 v0, v3;
	v2 =	vmul.f32 v2, v3  }
0x7a: {  	v1 =	vmul.f32 v1, v3;
	v4 =	vmul.f32 v4, v3  }
0x7b: {  	[tilespmem:s12+$0xFFFFFFF0] =	vst v2  }
0x7c: {  	[tilespmem:s12+$0x0] =	vst v4;
	v3 =	vld [tilespmem:s12+$0x50]  }
0x7d: {  	[tilespmem:s12+$0xFFFFFFE0] =	vst v0;
	v0 =	vld [tilespmem:s12+$0x20]  }
0x7e: {  	[tilespmem:s12+$0x10] =	vst v1;
	v1 =	vld [tilespmem:s12+$0x30]  }
0x7f: {  	v4 =	vld [tilespmem:s9+$0x10]  }
0x80: {  	v5 =	vld [tilespmem:s12+$0x40]  }
.Ltmp0:
0x81: {  	(pc) =	sbr.rel @p1 .LBB2_3-.Ltmp0, $3  }
0x82: {  	_ =	sdelay $0x1  }
0x83: {  	v2 =	vmul.f32 v0, v4;
	v0 =	vmul.f32 v1, v4  }
0x84: {  	v3 =	vmul.f32 v3, v4;
	v1 =	vmul.f32 v5, v4  }
0x85: {  	[tilespmem:s8+$0x20] =	vst v2  }
0x86: {  	[tilespmem:s8+$0x30] =	vst v0  }
0x87: {  	[tilespmem:s8+$0x50] =	vst v3  }
0x88: {  	v2 =	vld [tilespmem:s8+$0x60];
	[tilespmem:s8+$0x40] =	vst v1  }
0x89: {  	v0 =	vld [tilespmem:s10+$0x20]  }
0x8a: {  	v1 =	vld [tilespmem:s8+$0x70]  }
0x8b: {  	v3 =	vld [tilespmem:s8+$0x90]  }
0x8c: {  	v4 =	vld [tilespmem:s8+$0x80];
	_ =	sdelay $0x1  }
0x8d: {  	v2 =	vmul.f32 v2, v0  }
0x8e: {  	v1 =	vmul.f32 v1, v0  }
0x8f: {  	v3 =	vmul.f32 v3, v0;
	[tilespmem:s8+$0x60] =	vst v2  }
0x90: {  	s9 =	sshll.u32 s0, $0x8;
	v0 =	vmul.f32 v4, v0;
	[tilespmem:s8+$0x70] =	vst v1  }
0x91: {  	s9 =	sand.u32 $0x3FFFFF00, s9;
	[tilespmem:s8+$0x90] =	vst v3  }
0x92: {  	s12 =	sadd.s32 $0x2800, s9;
	[tilespmem:s8+$0x80] =	vst v0  }
0x93: {  	[spmem:s2] =	stream.indirect.scatter.add.f32 [tilespmem:s21], [sflag:$0x5], $0x40, s12, s20, $0xb8;
	[tilespmem:$0x13A60] =	vst v63  }
0x94: {  	_ =	swait.ge [sflag:s28], $0x1F40  }
0x95: {  	[sflag:s28] =	ssyncset.done $0x0  }
0x96: {  	[sflag:s28] =	ssyncadd.s32 $0xFFFFE0C0  }
0x97: {  	p1 =	seq.s32 s0, $0x27;
	_ =	swait.ge [sflag:s29], $0x7D0  }
0x98: {  	s8 =	sadd.s32 @!p1 $0x2, s22;
	[sflag:s29] =	ssyncset.done $0x0  }
0x99: {  	s9 =	sshll.u32 @!p1 s8, $0x7;
	s8 =	smul.u32 @!p1 $0x7D0, s8;
	[sflag:s29] =	ssyncadd.s32 $0xFFFFF830  }
0x9a: {  	s11 =	simm.s32 @!p1 $0x5FA0;
	_ =	swait.ge [sflag:s30], $0x1F40  }
0x9b: {  	s10 =	simm.s32 @!p1 $0x7D;
	s8 =	sadd.s32 @!p1 s7, s8;
	[sflag:s30] =	ssyncset.done $0x0  }
0x9c: {  	s9 =	sand.u32 @!p1 $0x3FFFFF80, s9;
	s8 =	sshrl.u32 @!p1 s8, $0x3;
	[sflag:s30] =	ssyncadd.s32 $0xFFFFE0C0  }
0x9d: {  	[tilespmem:s11], [sflag:$0x1] =	stream.indirect.gather @!p1 [hbm4b:s4+s10], $0x40, s9, s10, $0xb8;
	[tilespmem:$0x13A60] =	vst v63  }
0x9e: {  	s8 =	sadd.s32 @!p1 s6, s8;
	s9 =	simm.s32 @!p1 $0x0;
	s10 =	simm.s32 @!p1 $0x5000  }
0x9f: {  	[tilespmem:s10], [sflag:$0x3] =	stream.linear.gather @!p1 [hbm4b:s8+s9], $0x7D0, $0x38;
	[tilespmem:$0x13A60] =	vst v63  }
0xa0: {  	s8 =	simm.s32 $0x7F80  }
0xa1: {  	s9 =	simm.s32 $0x57F0;
	v0 =	vld [tilespmem:s8+$0xFFFFFF70]  }
0xa2: {  	v1 =	vld [tilespmem:s9+$0xFFFFFFE0]  }
0xa3: {  	v2 =	vld [tilespmem:s8+$0xFFFFFF80]  }
0xa4: {  	v3 =	vld [tilespmem:s8+$0xFFFFFF60]  }
0xa5: {  	v4 =	vld [tilespmem:s8+$0xFFFFFF90];
	_ =	sdelay $0x1  }
0xa6: {  	v0 =	vmul.f32 v0, v1  }
0xa7: {  	v2 =	vmul.f32 v2, v1  }
0xa8: {  	v3 =	vmul.f32 v3, v1;
	[tilespmem:s8+$0xFFFFFF70] =	vst v0  }
0xa9: {  	v0 =	vmul.f32 v4, v1;
	[tilespmem:s8+$0xFFFFFF80] =	vst v2  }
0xaa: {  	[tilespmem:s8+$0xFFFFFF60] =	vst v3  }
0xab: {  	v1 =	vld [tilespmem:s8+$0xFFFFFFB0];
	[tilespmem:s8+$0xFFFFFF90] =	vst v0  }
0xac: {  	v0 =	vld [tilespmem:s9+$0xFFFFFFF0]  }
0xad: {  	v2 =	vld [tilespmem:s8+$0xFFFFFFC0]  }
0xae: {  	v3 =	vld [tilespmem:s8+$0xFFFFFFA0]  }
0xaf: {  	v4 =	vld [tilespmem:s8+$0xFFFFFFD0];
	_ =	sdelay $0x1  }
0xb0: {  	v1 =	vmul.f32 v1, v0  }
0xb1: {  	v2 =	vmul.f32 v2, v0  }
0xb2: {  	v3 =	vmul.f32 v3, v0;
	[tilespmem:s8+$0xFFFFFFB0] =	vst v1  }
0xb3: {  	v0 =	vmul.f32 v4, v0;
	[tilespmem:s8+$0xFFFFFFC0] =	vst v2  }
0xb4: {  	[tilespmem:s8+$0xFFFFFFA0] =	vst v3  }
0xb5: {  	v1 =	vld [tilespmem:s8+$0xFFFFFFF0];
	[tilespmem:s8+$0xFFFFFFD0] =	vst v0  }
0xb6: {  	v0 =	vld [tilespmem:s9+$0x0]  }
0xb7: {  	v2 =	vld [tilespmem:s8+$0x0]  }
0xb8: {  	v3 =	vld [tilespmem:s8+$0xFFFFFFE0]  }
0xb9: {  	v4 =	vld [tilespmem:s8+$0x10];
	_ =	sdelay $0x1  }
0xba: {  	v1 =	vmul.f32 v1, v0  }
0xbb: {  	v2 =	vmul.f32 v2, v0  }
0xbc: {  	v3 =	vmul.f32 v3, v0;
	[tilespmem:s8+$0xFFFFFFF0] =	vst v1  }
0xbd: {  	v5 =	vld [tilespmem:s8+$0x40];
	v0 =	vmul.f32 v4, v0;
	[tilespmem:s8+$0x0] =	vst v2  }
0xbe: {  	[tilespmem:s8+$0xFFFFFFE0] =	vst v3;
	v1 =	vld [tilespmem:s8+$0x20]  }
0xbf: {  	[tilespmem:s8+$0x10] =	vst v0;
	v0 =	vld [tilespmem:s8+$0x30]  }
0xc0: {  	v4 =	vld [tilespmem:s9+$0x10]  }
0xc1: {  	v3 =	vld [tilespmem:s8+$0x50];
	_ =	sdelay $0x3  }
0xc2: {  	v2 =	vmul.f32 v1, v4;
	v0 =	vmul.f32 v0, v4  }
0xc3: {  	s12 =	simm.s32 $0x7F80;
	s11 =	simm.s32 $0x0;
	s10 =	simm.s32 $0x57F0;
	v1 =	vmul.f32 v5, v4;
	v3 =	vmul.f32 v3, v4  }
.LBB2_5:
0xc4: {  	s11 =	sadd.s32 $0x5, s11;
	[tilespmem:s8+$0x20] =	vst v2;
	s9 =	sadd.s32 $0x50, s9;
	s12 =	sadd.s32 $0x140, s12  }
0xc5: {  	p1 =	slt.u32 s11, $0x78;
	[tilespmem:s8+$0x50] =	vst v3;
	v2 =	vld [tilespmem:s8+$0x60]  }
0xc6: {  	[tilespmem:s8+$0x40] =	vst v1;
	v1 =	vld [tilespmem:s8+$0x90]  }
0xc7: {  	[tilespmem:s8+$0x30] =	vst v0;
	v0 =	vld [tilespmem:s8+$0x70]  }
0xc8: {  	v3 =	vld [tilespmem:s10+$0x20];
	s10 =	smov.u32 s9  }
0xc9: {  	v4 =	vld [tilespmem:s8+$0x80];
	_ =	sdelay $0x3  }
0xca: {  	v2 =	vmul.f32 v2, v3;
	v0 =	vmul.f32 v0, v3  }
0xcb: {  	v1 =	vmul.f32 v1, v3;
	v4 =	vmul.f32 v4, v3  }
0xcc: {  	[tilespmem:s8+$0x60] =	vst v2  }
0xcd: {  	v2 =	vld [tilespmem:s12+$0xFFFFFF90];
	[tilespmem:s8+$0x70] =	vst v0  }
0xce: {  	v0 =	vld [tilespmem:s12+$0xFFFFFF80];
	[tilespmem:s8+$0x90] =	vst v1  }
0xcf: {  	v1 =	vld [tilespmem:s12+$0xFFFFFF70];
	[tilespmem:s8+$0x80] =	vst v4;
	s8 =	smov.u32 s12  }
0xd0: {  	v3 =	vld [tilespmem:s9+$0xFFFFFFE0]  }
0xd1: {  	v4 =	vld [tilespmem:s12+$0xFFFFFF60];
	_ =	sdelay $0x3  }
0xd2: {  	v1 =	vmul.f32 v1, v3;
	v0 =	vmul.f32 v0, v3  }
0xd3: {  	v2 =	vmul.f32 v2, v3;
	v4 =	vmul.f32 v4, v3  }
0xd4: {  	[tilespmem:s12+$0xFFFFFF70] =	vst v1  }
0xd5: {  	[tilespmem:s12+$0xFFFFFF80] =	vst v0;
	v0 =	vld [tilespmem:s12+$0xFFFFFFD0]  }
0xd6: {  	[tilespmem:s12+$0xFFFFFF60] =	vst v4;
	v1 =	vld [tilespmem:s12+$0xFFFFFFB0]  }
0xd7: {  	[tilespmem:s12+$0xFFFFFF90] =	vst v2;
	v2 =	vld [tilespmem:s12+$0xFFFFFFA0]  }
0xd8: {  	v3 =	vld [tilespmem:s9+$0xFFFFFFF0]  }
0xd9: {  	v4 =	vld [tilespmem:s12+$0xFFFFFFC0];
	_ =	sdelay $0x3  }
0xda: {  	v2 =	vmul.f32 v2, v3;
	v1 =	vmul.f32 v1, v3  }
0xdb: {  	v0 =	vmul.f32 v0, v3;
	v4 =	vmul.f32 v4, v3  }
0xdc: {  	[tilespmem:s12+$0xFFFFFFB0] =	vst v1  }
0xdd: {  	[tilespmem:s12+$0xFFFFFFC0] =	vst v4;
	v1 =	vld [tilespmem:s12+$0x10]  }
0xde: {  	[tilespmem:s12+$0xFFFFFFA0] =	vst v2;
	v2 =	vld [tilespmem:s12+$0xFFFFFFF0]  }
0xdf: {  	[tilespmem:s12+$0xFFFFFFD0] =	vst v0;
	v0 =	vld [tilespmem:s12+$0xFFFFFFE0]  }
0xe0: {  	v3 =	vld [tilespmem:s9+$0x0]  }
0xe1: {  	v4 =	vld [tilespmem:s12+$0x0];
	_ =	sdelay $0x3  }
0xe2: {  	v0 =	vmul.f32 v0, v3;
	v2 =	vmul.f32 v2, v3  }
0xe3: {  	v1 =	vmul.f32 v1, v3;
	v4 =	vmul.f32 v4, v3  }
0xe4: {  	[tilespmem:s12+$0xFFFFFFF0] =	vst v2  }
0xe5: {  	[tilespmem:s12+$0x0] =	vst v4;
	v3 =	vld [tilespmem:s12+$0x50]  }
0xe6: {  	[tilespmem:s12+$0xFFFFFFE0] =	vst v0;
	v0 =	vld [tilespmem:s12+$0x20]  }
0xe7: {  	[tilespmem:s12+$0x10] =	vst v1;
	v1 =	vld [tilespmem:s12+$0x30]  }
0xe8: {  	v4 =	vld [tilespmem:s9+$0x10]  }
0xe9: {  	v5 =	vld [tilespmem:s12+$0x40]  }
.Ltmp1:
0xea: {  	(pc) =	sbr.rel @p1 .LBB2_5-.Ltmp1, $3  }
0xeb: {  	_ =	sdelay $0x1  }
0xec: {  	v2 =	vmul.f32 v0, v4;
	v0 =	vmul.f32 v1, v4  }
0xed: {  	v3 =	vmul.f32 v3, v4;
	v1 =	vmul.f32 v5, v4  }
0xee: {  	[tilespmem:s8+$0x20] =	vst v2  }
0xef: {  	[tilespmem:s8+$0x30] =	vst v0  }
0xf0: {  	[tilespmem:s8+$0x50] =	vst v3  }
0xf1: {  	v61 =	vld [tilespmem:s8+$0x60];
	[tilespmem:s8+$0x40] =	vst v1  }
0xf2: {  	v0 =	vld [tilespmem:s10+$0x20]  }
0xf3: {  	v62 =	vld [tilespmem:s8+$0x70]  }
0xf4: {  	v63 =	vld [tilespmem:s8+$0x90]  }
0xf5: {  	v4 =	vld [tilespmem:s8+$0x80];
	_ =	sdelay $0x1  }
0xf6: {  	s0 =	sadd.s32 $0x1, s0;
	v2 =	vmul.f32 v61, v0  }
0xf7: {  	p1 =	sne.s32 s0, $0x28;
	v1 =	vmul.f32 v62, v0  }
.Ltmp2:
0xf8: {  	v3 =	vmul.f32 v63, v0;
	[tilespmem:s8+$0x60] =	vst v2;
	(pc) =	sbr.rel @p1 .LBB2_2-.Ltmp2, $4  }
0xf9: {  	v0 =	vmul.f32 v4, v0;
	[tilespmem:s8+$0x70] =	vst v1  }
0xfa: {  	[tilespmem:s8+$0x90] =	vst v3  }
0xfb: {  	s22 =	sadd.s32 $0x2800, s16;
	[tilespmem:s8+$0x80] =	vst v0  }
0xfc: {  	[spmem:s2] =	stream.indirect.scatter.add.f32 [tilespmem:s25], [sflag:$0x6], $0x40, s22, s20, $0xb8;
	[tilespmem:$0x13A60] =	vst v63  }
0xfd: {  	_ =	swait.ge [sflag:s31], $0x1F40  }
0xfe: {  	[sflag:s31] =	ssyncset.done $0x0  }
0xff: {  	[sflag:s31] =	ssyncadd.s32 $0xFFFFE0C0  }
0x100: {  	s0 =	sadd.s32 s5, s13;
	[bflag:$0x0] =	sbarrier.arrive $0xFFFF  }
0x101: {  	[hbm:s0], [sflag:s17] =	dma.local [spmem:s18], $0x1380  }
0x102: {  	_ =	swait.ge [sflag:s15], $0x1380  }
0x103: {  	s1 =	sadd.s32 $0x1, s1;
	[sflag:s15] =	ssyncset.done $0x0  }
0x104: {  	p1 =	sne.s32 s1, s14;
	s0 =	sadd.s32 @!p0 $0x13800, s13;
	[sflag:s15] =	ssyncadd.s32 $0xFFFFEC80  }
0x105: {  	[hbm:s0], [sflag:s17] =	dma.local @!p0 [spmem:s19], $0x80  }
.Ltmp3:
0x106: {  	_ = 	snop;
	(pc) =	sbr.rel @p1 .LBB2_1-.Ltmp3, $4  }
0x107: {  	s0 =	simm.s32 @!p0 $0x7  }
0x108: {  	_ =	swait.ge @!p0 [sflag:s0], $0x80  }
0x109: {  	[sflag:s0] =	ssyncset.done @!p0 $0x0  }
0x10a: {  	[sflag:s0] =	ssyncadd.s32 @!p0 $0xFFFFFF80  }
0x10b: {  	_ =	sfence.sel $0x180000  }
0x10c: {  	[bflag:$0x0] =	sbarrier.arrive $0xFFFF  }
0x10d: {  	_ =	strace $0x9000004A  }
0x10e: {  	s0 =	stileid.u32;
	[bflag:$0x2] =	sbarrier.arrive $0xFFFF  }
0x10f: {  	p0 =	sne.s32 s0, $0x0;
	s0 =	rddreg [dreg:$0x2]  }
0x110: {  	s0 =	sadd.s32 @!p0 $0x100000, s0  }
0x111: {  	[sflag:s0] =	ssyncadd.tile.s32 @!p0 $0x1;
	_ =	shalt  }
.Lfunc_end2:
_tile_overlayer_lowered:
.L_overlay_start_2:
0x112: {  	(tag) =	ssettag $0x2  }
0x113: {  	s0 =	rddreg [dreg:$0x0];
	s2 =	stileid.u32  }
0x114: {  	s1 =	rddreg [dreg:$0x1];
	p0 =	sne.s32 s2, $0x0  }
0x115: {  	s3 =	rddreg [dreg:$0x2];
	[bflag:$0x3] =	sbarrier.arrive $0xFFFF;
	s2 =	simm.s32 @!p0 $0x1C07  }
0x116: {  	[timem:s3], [sflag:s2] =	dma.local @!p0 [hbm:s0], s1  }
0x117: {  	s0 =	simm.s32 @!p0 $0x7  }
0x118: {  	_ =	swait.ge @!p0 [sflag:s0], s1  }
0x119: {  	s1 =	ssub.s32 @!p0 $0x0, s1;
	[sflag:s0] =	ssyncset.done @!p0 $0x0  }
0x11a: {  	[sflag:s0] =	ssyncadd.s32 @!p0 s1  }
0x11b: {  	[bflag:$0x3] =	sbarrier.arrive $0xFFFF  }
0x11c: {  	_ =	shalt  }

// kernel: kernel.18.cloned.1.call-start
scs
__scs_entry_jumppad:
0x0: {  	(pc) =	sbr.rel $0x88, $3  }
0x1: {  	(tag) =	ssettag $0x0;
	lr =	simm.s32 $0x1  }
0x2: {  	[smem:$0x3F9A] =	sst lr;
	_ =	strace $0xD0000000  }
0x3: {  	_ = 	snop  }
0x4: {  	_ = 	snop  }
0x5: {  	_ = 	snop  }
0x6: {  	_ = 	snop  }
0x7: {  	_ = 	snop  }
__scs_overlays_trampoline_lowered:
0x8: {  	[smem:$0x3FA9] =	sst s0  }
0x9: {  	[smem:$0x3FAA] =	sst s1  }
0xa: {  	[smem:$0x3FAB] =	sst s2  }
0xb: {  	[smem:$0x3FAC] =	sst s3  }
0xc: {  	[smem:$0x3FAD] =	sst s4  }
0xd: {  	[smem:$0x3FAE] =	sst s5  }
0xe: {  	[smem:$0x3FAF] =	sst s6  }
0xf: {  	[smem:$0x3FB0] =	sst s7  }
0x10: {  	[smem:$0x3FB1] =	sst s8  }
0x11: {  	[smem:$0x3FB2] =	sst s9;
	s0 =	simm.s32 @!p0 $0x0  }
0x12: {  	s1 =	sld [smem:$0x3F98];
	s0 =	simm.s32 @p0 $0x1  }
0x13: {  	[smem:$0x3FB3] =	sst s0;
	s0 =	simm.s32 @!p1 $0x0  }
0x14: {  	s2 =	sld [smem:$0x3F97];
	s0 =	simm.s32 @p1 $0x1  }
0x15: {  	[smem:$0x3FB4] =	sst s0;
	s0 =	simm.s32 @!p2 $0x0  }
0x16: {  	s3 =	sld [smem:$0x3FDB];
	s0 =	simm.s32 @p2 $0x1  }
0x17: {  	s4 =	simm.s32 $0x1BF5;
	[smem:$0x3FB6] =	sst s0  }
0x18: {  	s0 =	sld [smem:$0x3F99];
	_ =	swait.ge [sflag:s4], $0x0  }
0x19: {  	s7 =	sld [smem:$0x3F9A]  }
0x1a: {  	s8 =	sadd.s32 $0xFFFFE003, lr  }
0x1b: {  	s9 =	sadd.s32 $0xFFFFFEF7, lr;
	s5 =	simm.s32 $0xFFFFFFFF;
	p2 =	slt.u32 s8, $0xFFFFF086  }
0x1c: {  	p1 =	slt.u32 s9, $0xF7A;
	s5 =	simm.s32 @!p2 $0x0  }
0x1d: {  	s5 =	simm.s32 @p1 $0x1;
	p0 =	seq.s32 s7, s2  }
0x1e: {  	s7 =	smul.u32 @!p0 $0xF7A, s2;
	p2 =	seq.s32 @!p0 s5, $0x0  }
0x1f: {  	s9 =	smul.u32 $0xF7A, s1;
	s8 =	simm.s32 @!p0 $0x1BF5;
	p2 =	por !p2, p0  }
0x20: {  	[sflag:s8] =	ssyncset.s32 @!p0 $0xFFFFF086;
	s6 =	sadd.s32 @!p0 s3, s7;
	s7 =	simm.s32 @!p0 $0x108  }
0x21: {  	s3 =	sadd.s32 s3, s9;
	s6 =	sadd.s32 @!p0 $0x88, s6;
	s7 =	simm.s32 @p2 $0x1082  }
0x22: {  	[simem:s7], [sflag:s8] =	dma.local @!p0 [hbm:s6], $0xF7A  }
0x23: {  	s9 =	sor.u32 $0xD0000000, s2;
	s6 =	simm.s32 $0x108;
	_ =	swait.ge @!p0 [sflag:s8], $0x0  }
0x24: {  	s3 =	sadd.s32 $0x88, s3;
	s6 =	simm.s32 @!p1 $0x1082;
	[sflag:s4] =	ssyncset.s32 $0xFFFFF086  }
0x25: {  	[simem:s6], [sflag:s4] =	dma.local [hbm:s3], $0xF7A  }
0x26: {  	[smem:$0x3F9A] =	sst s1;
	(tag) =	ssettag s2;
	_ =	strace s9  }
0x27: {  	s1 =	sld [smem:$0x3FAA]  }
0x28: {  	s2 =	sld [smem:$0x3FAB]  }
0x29: {  	s4 =	sld [smem:$0x3FAD]  }
0x2a: {  	p0 =	seq.s32 s5, $0x0;
	s5 =	sld [smem:$0x3FAE]  }
0x2b: {  	s6 =	sld [smem:$0x3FAF]  }
0x2c: {  	s7 =	sld [smem:$0x3FB0]  }
0x2d: {  	s3 =	simm.s32 $0x108;
	s8 =	sld [smem:$0x3FB1]  }
0x2e: {  	s3 =	simm.s32 @!p0 $0x1082;
	s9 =	sld [smem:$0x3FB2]  }
0x2f: {  	lr =	sadd.s32 s0, s3;
	s0 =	sld [smem:$0x3FA9]  }
0x30: {  	s3 =	sld [smem:$0x3FAC]  }
0x31: {  	[smem:$0x3FB5] =	sst s10  }
0x32: {  	s10 =	sld [smem:$0x3FB3];
	_ =	sdelay $0x3  }
0x33: {  	p0 =	seq.s32 s10, $0x1;
	s10 =	sld [smem:$0x3FB5];
	_ =	sdelay $0x3  }
0x34: {  	[smem:$0x3FB5] =	sst s10  }
0x35: {  	s10 =	sld [smem:$0x3FB4];
	_ =	sdelay $0x3  }
0x36: {  	p1 =	seq.s32 s10, $0x1;
	s10 =	sld [smem:$0x3FB5];
	_ =	sdelay $0x3  }
0x37: {  	[smem:$0x3FB5] =	sst s10  }
0x38: {  	s10 =	sld [smem:$0x3FB6]  }
0x39: {  	_ = 	snop;
	(pc) =	sbr.ind lr, $3  }
0x3a: {  	_ = 	snop  }
0x3b: {  	_ = 	snop  }
0x3c: {  	p2 =	seq.s32 s10, $0x1;
	s10 =	sld [smem:$0x3FB5]  }
0x3d: {  	_ =	shalt  }
0x3e: {  	_ =	shalt  }
0x3f: {  	_ =	shalt  }
0x40: {  	_ =	shalt  }
0x41: {  	_ =	shalt  }
0x42: {  	_ =	shalt  }
0x43: {  	_ =	shalt  }
0x44: {  	_ =	shalt  }
0x45: {  	_ =	shalt  }
0x46: {  	_ =	shalt  }
0x47: {  	_ =	shalt  }
0x48: {  	_ =	shalt  }
0x49: {  	_ =	shalt  }
0x4a: {  	_ =	shalt  }
0x4b: {  	_ =	shalt  }
0x4c: {  	_ =	shalt  }
0x4d: {  	_ =	shalt  }
0x4e: {  	_ =	shalt  }
0x4f: {  	_ =	shalt  }
0x50: {  	_ =	shalt  }
0x51: {  	_ =	shalt  }
0x52: {  	_ =	shalt  }
0x53: {  	_ =	shalt  }
0x54: {  	_ =	shalt  }
0x55: {  	_ =	shalt  }
0x56: {  	_ =	shalt  }
0x57: {  	_ =	shalt  }
0x58: {  	_ =	shalt  }
0x59: {  	_ =	shalt  }
0x5a: {  	_ =	shalt  }
0x5b: {  	_ =	shalt  }
0x5c: {  	_ =	shalt  }
0x5d: {  	_ =	shalt  }
0x5e: {  	_ =	shalt  }
0x5f: {  	_ =	shalt  }
0x60: {  	_ =	shalt  }
0x61: {  	_ =	shalt  }
0x62: {  	_ =	shalt  }
0x63: {  	_ =	shalt  }
0x64: {  	_ =	shalt  }
0x65: {  	_ =	shalt  }
0x66: {  	_ =	shalt  }
0x67: {  	_ =	shalt  }
0x68: {  	_ =	shalt  }
0x69: {  	_ =	shalt  }
0x6a: {  	_ =	shalt  }
0x6b: {  	_ =	shalt  }
0x6c: {  	_ =	shalt  }
0x6d: {  	_ =	shalt  }
0x6e: {  	_ =	shalt  }
0x6f: {  	_ =	shalt  }
0x70: {  	_ =	shalt  }
0x71: {  	_ =	shalt  }
0x72: {  	_ =	shalt  }
0x73: {  	_ =	shalt  }
0x74: {  	_ =	shalt  }
0x75: {  	_ =	shalt  }
0x76: {  	_ =	shalt  }
0x77: {  	_ =	shalt  }
0x78: {  	_ =	shalt  }
0x79: {  	_ =	shalt  }
0x7a: {  	_ =	shalt  }
0x7b: {  	_ =	shalt  }
0x7c: {  	_ =	shalt  }
0x7d: {  	_ =	shalt  }
0x7e: {  	_ =	shalt  }
0x7f: {  	_ =	shalt  }
0x80: {  	_ =	shalt  }
0x81: {  	_ =	shalt  }
0x82: {  	_ =	shalt  }
0x83: {  	_ =	shalt  }
0x84: {  	_ =	shalt  }
0x85: {  	_ =	shalt  }
0x86: {  	_ =	shalt  }
0x87: {  	_ =	shalt  }
.Lfunc_end0:
.L_simem_size_0:
called_computation.3_lowered:
.L_overlay_start_0:
0x88: {  	s2 =	sld [smem:$0x3FD9]  }
0x89: {  	s3 =	sld [smem:$0x3FFE];
	_ =	sdelay $0x1  }
0x8a: {  	s1 =	srdreg.scid  }
0x8b: {  	s0 =	sand.u32 $0x1, s1  }
0x8c: {  	s17 =	sshll.u32 s0, $0xA;
	s2 =	sadd.s32 s3, s2  }
0x8d: {  	s2 =	sadd.s32 s2, s17  }
0x8e: {  	[smem:$0x3FC1] =	sst s2  }
0x8f: {  	_ = 	snop  }
0x90: {  	s2 =	sld [smem:$0x3FD0];
	(tm) =	ssettm $0x1  }
0x91: {  	s18 =	sld [smem:$0x3FFB];
	_ =	sdelay $0x3  }
0x92: {  	_ =	strace s18  }
0x93: {  	s3 =	sld [smem:$0x3FFC];
	_ =	sdelay $0x3  }
0x94: {  	_ =	strace s3  }
0x95: {  	s3 =	sld [smem:$0x3FFD];
	_ =	sdelay $0x3  }
0x96: {  	_ =	strace s3  }
0x97: {  	_ =	strace $0x8FFFFFFF  }
0x98: {  	s19 =	sld [smem:$0x3FDB];
	_ =	sdelay $0x1  }
0x99: {  	s4 =	simm.s32 $_scs_section_size  }
0x9a: {  	s5 =	simm.s32 $_size__tile_overlayer_lowered;
	s6 =	simm.s32 $_tile_overlayer_lowered  }
0x9b: {  	s22 =	simm.s32 $0x1BFF;
	s21 =	sshll.u32 s6, $0x1;
	s3 =	sadd.s32 s4, s19  }
0x9c: {  	s7 =	simm.s32 $0x0;
	s20 =	sshll.u32 s5, $0x1;
	s5 =	sadd.s32 s21, s3  }
0x9d: {  	[timem:s7], [sflag:s22] =	dma.local [hbm:s5], s20  }
0x9e: {  	_ =	swait.ge [sflag:s22], s20  }
0x9f: {  	s4 =	ssub.s32 $0x0, s20;
	[sflag:s22] =	ssyncset.done $0x0  }
0xa0: {  	[sflag:s22] =	ssyncadd.s32 s4;
	_ =	sdelay $0x1  }
0xa1: {  	s23 =	simm.s32 $0x1B8B  }
0xa2: {  	_ =	swait.ge [sflag:s23], $0x1  }
0xa3: {  	[sflag:s23] =	ssyncset.done $0x0  }
0xa4: {  	s25 =	simm.s32 $0x1B8E;
	s24 =	sld [smem:$0x3FFE];
	[sflag:s23] =	ssyncadd.s32 $0xFFFFFFFF  }
0xa5: {  	s26 =	simm.s32 $execute0_lowered;
	[smem:$0x3FD2] =	sst s25  }
0xa6: {  	s5 =	sshll.u32 s26, $0x1;
	_ =	strace $0x8000004F;
	[dreg:$0x1] =	wrdreg $0xFFFFFFFF  }
0xa7: {  	s28 =	simm.s32 $_size_execute0_lowered;
	s3 =	sadd.s32 s3, s5;
	[dreg:$0x0] =	wrdreg $0x0  }
0xa8: {  	s5 =	sshll.u32 s28, $0x1;
	[dreg:$0x2] =	wrdreg s3  }
0xa9: {  	[dreg:$0x3] =	wrdreg s5  }
0xaa: {  	[dreg:$0x4] =	wrdreg $0xC0  }
0xab: {  	_ =	task [dreg:s7], $0x5FFFF  }
0xac: {  	[dreg:$0x1] =	wrdreg $0xFFFFFFFF  }
0xad: {  	[dreg:$0x0] =	wrdreg $0x60  }
0xae: {  	[dreg:$0x2] =	wrdreg s2  }
0xaf: {  	[dreg:$0x3] =	wrdreg s24  }
0xb0: {  	[dreg:$0x4] =	wrdreg $0x9E200  }
0xb1: {  	[dreg:$0x5] =	wrdreg $0x9  }
0xb2: {  	_ =	task.clear_ibuf [dreg:s7], $0x6FFFF;
	_ =	strace $0x9000004F  }
0xb3: {  	s29 =	simm.s32 $0x9;
	_ =	strace $0x80000051  }
0xb4: {  	_ =	swait.ge [sflag:s29], $0x1  }
0xb5: {  	[sflag:s29] =	ssyncadd.s32 $0xFFFFFFFF  }
0xb6: {  	_ =	strace $0x90000051  }
0xb7: {  	_ =	sfence  }
0xb8: {  	s30 =	sld [smem:$0x0];
	_ =	sdelay $0x2  }
0xb9: {  	s31 =	sshll.u32 s1, $0xD;
	s1 =	sshrl.u32 s1, $0x2  }
0xba: {  	s3 =	sand.u32 $0x4000, s31;
	s1 =	sadd.s32 s1, s30  }
0xbb: {  	s0 =	sor.u32 s3, s0;
	s1 =	sshll.u32 s1, $0x11  }
0xbc: {  	s0 =	sor.u32 s1, s0  }
0xbd: {  	s0 =	sadd.s32 $0x8F2B, s0  }
0xbe: {  	[sflag:s0] =	ssyncadd.remote.s32 $0x1  }
0xbf: {  	_ =	sfence.sel $0xFFFF  }
0xc0: {  	[dreg:$0x0] =	wrdreg $0xFFFFFFFF;
	(pc) =	sbr.abs _section_cstart, $3  }
0xc1: {  	[dreg:$0x1] =	wrdreg $0xFFFFFFFF  }
0xc2: {  	_ =	task.clear_ibuf [dreg:s7], $0x2FFFF;
	_ =	strace $0x9FFFFFFF  }
0xc3: {  	(tm) =	ssettm $0x7FFFFFFF  }
tec
execute0_lowered:
.L_overlay_start_1:
0x0: {  	(tag) =	ssettag $0x1  }
0x1: {  	s1 =	rddreg [dreg:$0x0];
	s0 =	srdreg.scid  }
0x2: {  	s16 =	stileid.u32;
	s2 =	rddreg [dreg:$0x1]  }
0x3: {  	s3 =	rddreg [dreg:$0x2];
	s15 =	simm.s32 $0x7;
	s20 =	simm.s32 $0x7D  }
0x4: {  	s21 =	simm.s32 $0x5FA0;
	s28 =	simm.s32 $0x2;
	s29 =	simm.s32 $0x4  }
0x5: {  	s30 =	simm.s32 $0x5;
	s31 =	simm.s32 $0x6;
	s0 =	sand.u32 $0x1, s0  }
0x6: {  	s4 =	sshll.u32 s16, $0x1;
	s8 =	smul.u32 $0x9C00, s16;
	s6 =	sadd.s32 $0x501E00, s2  }
0x7: {  	p0 =	sne.s32 s16, $0xF;
	s26 =	sshll.u32 s16, $0x6;
	s7 =	sor.u32 s0, s4  }
0x8: {  	s4 =	simm.s32 $0x0;
	s10 =	smul.u32 $0x13880, s0;
	s0 =	ssub.s32 $0x2, s0  }
0x9: {  	s17 =	sor.u32 $0x1C07, s26;
	s26 =	simm.s32 $0x57D0;
	s5 =	smul.u32 $0x500, s7  }
0xa: {  	[smem:$0x7FF] =	sst s4;
	s12 =	sshrl.u32 s0, $0x1;
	s7 =	smul.u32 $0x27100, s7  }
0xb: {  	_ =	strace $0x80000050;
	s10 =	sadd.s32 s10, s2;
	s0 =	ssub.s32 s0, s12  }
0xc: {  	s9 =	sadd.s32 s5, s2;
	s5 =	sshrl.u32 s8, $0x3;
	s8 =	sadd.s32 s8, s3  }
0xd: {  	s24 =	sshrl.u32 s7, $0x3;
	s13 =	sadd.s32 $0x42200, s10;
	s14 =	smax.u32 s0, $0x1  }
0xe: {  	s11 =	sadd.s32 s5, s2;
	s22 =	sadd.s32 $0x10E00, s9;
	s9 =	sadd.s32 $0x1E00, s9  }
0xf: {  	s2 =	sadd.s32 $0x42000, s2;
	s25 =	sadd.s32 s6, s24;
	[dreg:$0x4] =	wrdreg s22  }
0x10: {  	s18 =	sshrl.u32 s8, $0x3;
	s24 =	simm.s32 $0x3;
	[dreg:$0x5] =	wrdreg s9  }
0x11: {  	s23 =	sadd.s32 $0x2E800, s11;
	s11 =	sadd.s32 $0x9C000, s3;
	[dreg:$0x7] =	wrdreg s2  }
0x12: {  	[dreg:$0x8] =	wrdreg s25;
	s25 =	simm.s32 $0x7EE0;
	s2 =	simm.s32 $0x0  }
0x13: {  	[dreg:$0x6] =	wrdreg s23;
	s19 =	sshrl.u32 @!p0 s11, $0x3;
	s23 =	simm.s32 $0x1  }
.LBB2_1:
0x14: {  	s0 =	rddreg [dreg:$0x4]  }
0x15: {  	[tilespmem:s4], [sflag:$0x7] =	stream.linear.gather [hbm4b:s0+s4], $0x2800, $0x38;
	[tilespmem:$0x13A60] =	vst v63  }
0x16: {  	_ =	swait.ge [sflag:s15], $0x2800  }
0x17: {  	[sflag:s15] =	ssyncset.done $0x0  }
0x18: {  	s8 =	simm.s32 $0x2800;
	s11 =	rddreg [dreg:$0x5];
	[sflag:s15] =	ssyncadd.s32 $0xFFFFD800  }
0x19: {  	[tilespmem:s8], [sflag:$0x7] =	stream.linear.gather [hbm4b:s11+s4], $0x2800, $0x38;
	[tilespmem:$0x13A60] =	vst v63  }
0x1a: {  	_ =	swait.ge [sflag:s15], $0x2800  }
0x1b: {  	[sflag:s15] =	ssyncset.done $0x0  }
0x1c: {  	s12 =	rddreg [dreg:$0x6];
	[sflag:s15] =	ssyncadd.s32 $0xFFFFD800  }
0x1d: {  	[spmem:s18], [sflag:s17] =	dma.local [hbm:s12], $0x1380  }
0x1e: {  	_ =	swait.ge [sflag:s15], $0x1380  }
0x1f: {  	[sflag:s15] =	ssyncset.done $0x0  }
0x20: {  	s0 =	rddreg [dreg:$0x7];
	[sflag:s15] =	ssyncadd.s32 $0xFFFFEC80  }
0x21: {  	[spmem:s19], [sflag:s17] =	dma.local @!p0 [hbm:s0], $0x80  }
0x22: {  	s0 =	simm.s32 @!p0 $0x7  }
0x23: {  	_ =	swait.ge @!p0 [sflag:s0], $0x80  }
0x24: {  	[sflag:s0] =	ssyncset.done @!p0 $0x0  }
0x25: {  	[sflag:s0] =	ssyncadd.s32 @!p0 $0xFFFFFF80  }
0x26: {  	[bflag:$0x0] =	sbarrier.arrive $0xFFFF  }
0x27: {  	[tilespmem:s21], [sflag:$0x1] =	stream.indirect.gather [hbm4b:s1+s20], $0x40, s4, s20, $0xb8;
	[tilespmem:$0x13A60] =	vst v63  }
0x28: {  	s22 =	simm.s32 $0x5000;
	s0 =	simm.s32 $0x0;
	s16 =	rddreg [dreg:$0x8]  }
0x29: {  	[tilespmem:s22], [sflag:$0x3] =	stream.linear.gather [hbm4b:s16+s4], $0x7D0, $0x38;
	[tilespmem:$0x13A60] =	vst v63  }
.LBB2_2:
0x2a: {  	_ =	swait.ge [sflag:s23], $0x1F40  }
0x2b: {  	[sflag:s23] =	ssyncset.done $0x0  }
0x2c: {  	[sflag:s23] =	ssyncadd.s32 $0xFFFFE0C0  }
0x2d: {  	_ =	swait.ge [sflag:s24], $0x7D0  }
0x2e: {  	p1 =	seq.s32 s0, $0x0;
	s22 =	sshll.u32 s0, $0x1;
	[sflag:s24] =	ssyncset.done $0x0  }
0x2f: {  	s8 =	simm.s32 @!p1 $0x6;
	s9 =	sor.u32 $0x1, s22;
	[sflag:s24] =	ssyncadd.s32 $0xFFFFF830  }
0x30: {  	s12 =	smul.u32 $0x7D0, s9;
	_ =	swait.ge @!p1 [sflag:s8], $0x1F40  }
0x31: {  	[sflag:s8] =	ssyncset.done @!p1 $0x0  }
0x32: {  	s16 =	sshll.u32 s9, $0x7;
	[sflag:s8] =	ssyncadd.s32 @!p1 $0xFFFFE0C0;
	s8 =	sadd.s32 s7, s12  }
0x33: {  	[tilespmem:s25], [sflag:$0x2] =	stream.indirect.gather [hbm4b:s1+s20], $0x40, s16, s20, $0xb8;
	[tilespmem:$0x13A60] =	vst v63  }
0x34: {  	s8 =	sshrl.u32 s8, $0x3  }
0x35: {  	s8 =	sadd.s32 s6, s8  }
0x36: {  	[tilespmem:s26], [sflag:$0x4] =	stream.linear.gather [hbm4b:s8+s4], $0x7D0, $0x38;
	[tilespmem:$0x13A60] =	vst v63  }
0x37: {  	s8 =	simm.s32 $0x6040  }
0x38: {  	s9 =	simm.s32 $0x5020;
	v0 =	vld [tilespmem:s8+$0xFFFFFF70]  }
0x39: {  	v1 =	vld [tilespmem:s9+$0xFFFFFFE0]  }
0x3a: {  	v2 =	vld [tilespmem:s8+$0xFFFFFF80]  }
0x3b: {  	v3 =	vld [tilespmem:s8+$0xFFFFFF60]  }
0x3c: {  	v4 =	vld [tilespmem:s8+$0xFFFFFF90];
	_ =	sdelay $0x1  }
0x3d: {  	v0 =	vmul.f32 v0, v1  }
0x3e: {  	v2 =	vmul.f32 v2, v1  }
0x3f: {  	v3 =	vmul.f32 v3, v1;
	[tilespmem:s8+$0xFFFFFF70] =	vst v0  }
0x40: {  	v0 =	vmul.f32 v4, v1;
	[tilespmem:s8+$0xFFFFFF80] =	vst v2  }
0x41: {  	[tilespmem:s8+$0xFFFFFF60] =	vst v3  }
0x42: {  	v1 =	vld [tilespmem:s8+$0xFFFFFFB0];
	[tilespmem:s8+$0xFFFFFF90] =	vst v0  }
0x43: {  	v0 =	vld [tilespmem:s9+$0xFFFFFFF0]  }
0x44: {  	v2 =	vld [tilespmem:s8+$0xFFFFFFC0]  }
0x45: {  	v3 =	vld [tilespmem:s8+$0xFFFFFFA0]  }
0x46: {  	v4 =	vld [tilespmem:s8+$0xFFFFFFD0];
	_ =	sdelay $0x1  }
0x47: {  	v1 =	vmul.f32 v1, v0  }
0x48: {  	v2 =	vmul.f32 v2, v0  }
0x49: {  	v3 =	vmul.f32 v3, v0;
	[tilespmem:s8+$0xFFFFFFB0] =	vst v1  }
0x4a: {  	v0 =	vmul.f32 v4, v0;
	[tilespmem:s8+$0xFFFFFFC0] =	vst v2  }
0x4b: {  	[tilespmem:s8+$0xFFFFFFA0] =	vst v3  }
0x4c: {  	v1 =	vld [tilespmem:s8+$0xFFFFFFF0];
	[tilespmem:s8+$0xFFFFFFD0] =	vst v0  }
0x4d: {  	v0 =	vld [tilespmem:s9+$0x0]  }
0x4e: {  	v2 =	vld [tilespmem:s8+$0x0]  }
0x4f: {  	v3 =	vld [tilespmem:s8+$0xFFFFFFE0]  }
0x50: {  	v4 =	vld [tilespmem:s8+$0x10];
	_ =	sdelay $0x1  }
0x51: {  	v1 =	vmul.f32 v1, v0  }
0x52: {  	v2 =	vmul.f32 v2, v0  }
0x53: {  	v3 =	vmul.f32 v3, v0;
	[tilespmem:s8+$0xFFFFFFF0] =	vst v1  }
0x54: {  	v5 =	vld [tilespmem:s8+$0x40];
	v0 =	vmul.f32 v4, v0;
	[tilespmem:s8+$0x0] =	vst v2  }
0x55: {  	[tilespmem:s8+$0xFFFFFFE0] =	vst v3;
	v1 =	vld [tilespmem:s8+$0x20]  }
0x56: {  	[tilespmem:s8+$0x10] =	vst v0;
	v0 =	vld [tilespmem:s8+$0x30]  }
0x57: {  	v4 =	vld [tilespmem:s9+$0x10]  }
0x58: {  	v3 =	vld [tilespmem:s8+$0x50];
	_ =	sdelay $0x3  }
0x59: {  	v2 =	vmul.f32 v1, v4;
	v0 =	vmul.f32 v0, v4  }
0x5a: {  	s11 =	simm.s32 $0x0;
	s10 =	simm.s32 $0x5020;
	s12 =	simm.s32 $0x6040;
	v1 =	vmul.f32 v5, v4;
	v3 =	vmul.f32 v3, v4  }
.LBB2_3:
0x5b: {  	s11 =	sadd.s32 $0x5, s11;
	[tilespmem:s8+$0x20] =	vst v2;
	s9 =	sadd.s32 $0x50, s9;
	s12 =	sadd.s32 $0x140, s12  }
0x5c: {  	p1 =	slt.u32 s11, $0x78;
	[tilespmem:s8+$0x50] =	vst v3;
	v2 =	vld [tilespmem:s8+$0x60]  }
0x5d: {  	[tilespmem:s8+$0x40] =	vst v1;
	v1 =	vld [tilespmem:s8+$0x90]  }
0x5e: {  	[tilespmem:s8+$0x30] =	vst v0;
	v0 =	vld [tilespmem:s8+$0x70]  }
0x5f: {  	v3 =	vld [tilespmem:s10+$0x20];
	s10 =	smov.u32 s9  }
0x60: {  	v4 =	vld [tilespmem:s8+$0x80];
	_ =	sdelay $0x3  }
0x61: {  	v2 =	vmul.f32 v2, v3;
	v0 =	vmul.f32 v0, v3  }
0x62: {  	v1 =	vmul.f32 v1, v3;
	v4 =	vmul.f32 v4, v3  }
0x63: {  	[tilespmem:s8+$0x60] =	vst v2  }
0x64: {  	v2 =	vld [tilespmem:s12+$0xFFFFFF90];
	[tilespmem:s8+$0x70] =	vst v0  }
0x65: {  	v0 =	vld [tilespmem:s12+$0xFFFFFF80];
	[tilespmem:s8+$0x90] =	vst v1  }
0x66: {  	v1 =	vld [tilespmem:s12+$0xFFFFFF70];
	[tilespmem:s8+$0x80] =	vst v4;
	s8 =	smov.u32 s12  }
0x67: {  	v3 =	vld [tilespmem:s9+$0xFFFFFFE0]  }
0x68: {  	v4 =	vld [tilespmem:s12+$0xFFFFFF60];
	_ =	sdelay $0x3  }
0x69: {  	v1 =	vmul.f32 v1, v3;
	v0 =	vmul.f32 v0, v3  }
0x6a: {  	v2 =	vmul.f32 v2, v3;
	v4 =	vmul.f32 v4, v3  }
0x6b: {  	[tilespmem:s12+$0xFFFFFF70] =	vst v1  }
0x6c: {  	[tilespmem:s12+$0xFFFFFF80] =	vst v0;
	v0 =	vld [tilespmem:s12+$0xFFFFFFD0]  }
0x6d: {  	[tilespmem:s12+$0xFFFFFF60] =	vst v4;
	v1 =	vld [tilespmem:s12+$0xFFFFFFB0]  }
0x6e: {  	[tilespmem:s12+$0xFFFFFF90] =	vst v2;
	v2 =	vld [tilespmem:s12+$0xFFFFFFA0]  }
0x6f: {  	v3 =	vld [tilespmem:s9+$0xFFFFFFF0]  }
0x70: {  	v4 =	vld [tilespmem:s12+$0xFFFFFFC0];
	_ =	sdelay $0x3  }
0x71: {  	v2 =	vmul.f32 v2, v3;
	v1 =	vmul.f32 v1, v3  }
0x72: {  	v0 =	vmul.f32 v0, v3;
	v4 =	vmul.f32 v4, v3  }
0x73: {  	[tilespmem:s12+$0xFFFFFFB0] =	vst v1  }
0x74: {  	[tilespmem:s12+$0xFFFFFFC0] =	vst v4;
	v1 =	vld [tilespmem:s12+$0x10]  }
0x75: {  	[tilespmem:s12+$0xFFFFFFA0] =	vst v2;
	v2 =	vld [tilespmem:s12+$0xFFFFFFF0]  }
0x76: {  	[tilespmem:s12+$0xFFFFFFD0] =	vst v0;
	v0 =	vld [tilespmem:s12+$0xFFFFFFE0]  }
0x77: {  	v3 =	vld [tilespmem:s9+$0x0]  }
0x78: {  	v4 =	vld [tilespmem:s12+$0x0];
	_ =	sdelay $0x3  }
0x79: {  	v0 =	vmul.f32 v0, v3;
	v2 =	vmul.f32 v2, v3  }
0x7a: {  	v1 =	vmul.f32 v1, v3;
	v4 =	vmul.f32 v4, v3  }
0x7b: {  	[tilespmem:s12+$0xFFFFFFF0] =	vst v2  }
0x7c: {  	[tilespmem:s12+$0x0] =	vst v4;
	v3 =	vld [tilespmem:s12+$0x50]  }
0x7d: {  	[tilespmem:s12+$0xFFFFFFE0] =	vst v0;
	v0 =	vld [tilespmem:s12+$0x20]  }
0x7e: {  	[tilespmem:s12+$0x10] =	vst v1;
	v1 =	vld [tilespmem:s12+$0x30]  }
0x7f: {  	v4 =	vld [tilespmem:s9+$0x10]  }
0x80: {  	v5 =	vld [tilespmem:s12+$0x40]  }
.Ltmp0:
0x81: {  	(pc) =	sbr.rel @p1 .LBB2_3-.Ltmp0, $3  }
0x82: {  	_ =	sdelay $0x1  }
0x83: {  	v2 =	vmul.f32 v0, v4;
	v0 =	vmul.f32 v1, v4  }
0x84: {  	v3 =	vmul.f32 v3, v4;
	v1 =	vmul.f32 v5, v4  }
0x85: {  	[tilespmem:s8+$0x20] =	vst v2  }
0x86: {  	[tilespmem:s8+$0x30] =	vst v0  }
0x87: {  	[tilespmem:s8+$0x50] =	vst v3  }
0x88: {  	v2 =	vld [tilespmem:s8+$0x60];
	[tilespmem:s8+$0x40] =	vst v1  }
0x89: {  	v0 =	vld [tilespmem:s10+$0x20]  }
0x8a: {  	v1 =	vld [tilespmem:s8+$0x70]  }
0x8b: {  	v3 =	vld [tilespmem:s8+$0x90]  }
0x8c: {  	v4 =	vld [tilespmem:s8+$0x80];
	_ =	sdelay $0x1  }
0x8d: {  	v2 =	vmul.f32 v2, v0  }
0x8e: {  	v1 =	vmul.f32 v1, v0  }
0x8f: {  	v3 =	vmul.f32 v3, v0;
	[tilespmem:s8+$0x60] =	vst v2  }
0x90: {  	s9 =	sshll.u32 s0, $0x8;
	v0 =	vmul.f32 v4, v0;
	[tilespmem:s8+$0x70] =	vst v1  }
0x91: {  	s9 =	sand.u32 $0x3FFFFF00, s9;
	[tilespmem:s8+$0x90] =	vst v3  }
0x92: {  	s12 =	sadd.s32 $0x2800, s9;
	[tilespmem:s8+$0x80] =	vst v0  }
0x93: {  	[spmem:s3] =	stream.indirect.scatter.add.f32 [tilespmem:s21], [sflag:$0x5], $0x40, s12, s20, $0xb8;
	[tilespmem:$0x13A60] =	vst v63  }
0x94: {  	_ =	swait.ge [sflag:s28], $0x1F40  }
0x95: {  	[sflag:s28] =	ssyncset.done $0x0  }
0x96: {  	[sflag:s28] =	ssyncadd.s32 $0xFFFFE0C0  }
0x97: {  	p1 =	seq.s32 s0, $0x27;
	_ =	swait.ge [sflag:s29], $0x7D0  }
0x98: {  	s8 =	sadd.s32 @!p1 $0x2, s22;
	[sflag:s29] =	ssyncset.done $0x0  }
0x99: {  	s9 =	sshll.u32 @!p1 s8, $0x7;
	s8 =	smul.u32 @!p1 $0x7D0, s8;
	[sflag:s29] =	ssyncadd.s32 $0xFFFFF830  }
0x9a: {  	s11 =	simm.s32 @!p1 $0x5FA0;
	_ =	swait.ge [sflag:s30], $0x1F40  }
0x9b: {  	s10 =	simm.s32 @!p1 $0x7D;
	s8 =	sadd.s32 @!p1 s7, s8;
	[sflag:s30] =	ssyncset.done $0x0  }
0x9c: {  	s9 =	sand.u32 @!p1 $0x3FFFFF80, s9;
	s8 =	sshrl.u32 @!p1 s8, $0x3;
	[sflag:s30] =	ssyncadd.s32 $0xFFFFE0C0  }
0x9d: {  	[tilespmem:s11], [sflag:$0x1] =	stream.indirect.gather @!p1 [hbm4b:s1+s10], $0x40, s9, s10, $0xb8;
	[tilespmem:$0x13A60] =	vst v63  }
0x9e: {  	s8 =	sadd.s32 @!p1 s6, s8;
	s9 =	simm.s32 @!p1 $0x0;
	s10 =	simm.s32 @!p1 $0x5000  }
0x9f: {  	[tilespmem:s10], [sflag:$0x3] =	stream.linear.gather @!p1 [hbm4b:s8+s9], $0x7D0, $0x38;
	[tilespmem:$0x13A60] =	vst v63  }
0xa0: {  	s8 =	simm.s32 $0x7F80  }
0xa1: {  	s9 =	simm.s32 $0x57F0;
	v0 =	vld [tilespmem:s8+$0xFFFFFF70]  }
0xa2: {  	v1 =	vld [tilespmem:s9+$0xFFFFFFE0]  }
0xa3: {  	v2 =	vld [tilespmem:s8+$0xFFFFFF80]  }
0xa4: {  	v3 =	vld [tilespmem:s8+$0xFFFFFF60]  }
0xa5: {  	v4 =	vld [tilespmem:s8+$0xFFFFFF90];
	_ =	sdelay $0x1  }
0xa6: {  	v0 =	vmul.f32 v0, v1  }
0xa7: {  	v2 =	vmul.f32 v2, v1  }
0xa8: {  	v3 =	vmul.f32 v3, v1;
	[tilespmem:s8+$0xFFFFFF70] =	vst v0  }
0xa9: {  	v0 =	vmul.f32 v4, v1;
	[tilespmem:s8+$0xFFFFFF80] =	vst v2  }
0xaa: {  	[tilespmem:s8+$0xFFFFFF60] =	vst v3  }
0xab: {  	v1 =	vld [tilespmem:s8+$0xFFFFFFB0];
	[tilespmem:s8+$0xFFFFFF90] =	vst v0  }
0xac: {  	v0 =	vld [tilespmem:s9+$0xFFFFFFF0]  }
0xad: {  	v2 =	vld [tilespmem:s8+$0xFFFFFFC0]  }
0xae: {  	v3 =	vld [tilespmem:s8+$0xFFFFFFA0]  }
0xaf: {  	v4 =	vld [tilespmem:s8+$0xFFFFFFD0];
	_ =	sdelay $0x1  }
0xb0: {  	v1 =	vmul.f32 v1, v0  }
0xb1: {  	v2 =	vmul.f32 v2, v0  }
0xb2: {  	v3 =	vmul.f32 v3, v0;
	[tilespmem:s8+$0xFFFFFFB0] =	vst v1  }
0xb3: {  	v0 =	vmul.f32 v4, v0;
	[tilespmem:s8+$0xFFFFFFC0] =	vst v2  }
0xb4: {  	[tilespmem:s8+$0xFFFFFFA0] =	vst v3  }
0xb5: {  	v1 =	vld [tilespmem:s8+$0xFFFFFFF0];
	[tilespmem:s8+$0xFFFFFFD0] =	vst v0  }
0xb6: {  	v0 =	vld [tilespmem:s9+$0x0]  }
0xb7: {  	v2 =	vld [tilespmem:s8+$0x0]  }
0xb8: {  	v3 =	vld [tilespmem:s8+$0xFFFFFFE0]  }
0xb9: {  	v4 =	vld [tilespmem:s8+$0x10];
	_ =	sdelay $0x1  }
0xba: {  	v1 =	vmul.f32 v1, v0  }
0xbb: {  	v2 =	vmul.f32 v2, v0  }
0xbc: {  	v3 =	vmul.f32 v3, v0;
	[tilespmem:s8+$0xFFFFFFF0] =	vst v1  }
0xbd: {  	v5 =	vld [tilespmem:s8+$0x40];
	v0 =	vmul.f32 v4, v0;
	[tilespmem:s8+$0x0] =	vst v2  }
0xbe: {  	[tilespmem:s8+$0xFFFFFFE0] =	vst v3;
	v1 =	vld [tilespmem:s8+$0x20]  }
0xbf: {  	[tilespmem:s8+$0x10] =	vst v0;
	v0 =	vld [tilespmem:s8+$0x30]  }
0xc0: {  	v4 =	vld [tilespmem:s9+$0x10]  }
0xc1: {  	v3 =	vld [tilespmem:s8+$0x50];
	_ =	sdelay $0x3  }
0xc2: {  	v2 =	vmul.f32 v1, v4;
	v0 =	vmul.f32 v0, v4  }
0xc3: {  	s12 =	simm.s32 $0x7F80;
	s11 =	simm.s32 $0x0;
	s10 =	simm.s32 $0x57F0;
	v1 =	vmul.f32 v5, v4;
	v3 =	vmul.f32 v3, v4  }
.LBB2_5:
0xc4: {  	s11 =	sadd.s32 $0x5, s11;
	[tilespmem:s8+$0x20] =	vst v2;
	s9 =	sadd.s32 $0x50, s9;
	s12 =	sadd.s32 $0x140, s12  }
0xc5: {  	p1 =	slt.u32 s11, $0x78;
	[tilespmem:s8+$0x50] =	vst v3;
	v2 =	vld [tilespmem:s8+$0x60]  }
0xc6: {  	[tilespmem:s8+$0x40] =	vst v1;
	v1 =	vld [tilespmem:s8+$0x90]  }
0xc7: {  	[tilespmem:s8+$0x30] =	vst v0;
	v0 =	vld [tilespmem:s8+$0x70]  }
0xc8: {  	v3 =	vld [tilespmem:s10+$0x20];
	s10 =	smov.u32 s9  }
0xc9: {  	v4 =	vld [tilespmem:s8+$0x80];
	_ =	sdelay $0x3  }
0xca: {  	v2 =	vmul.f32 v2, v3;
	v0 =	vmul.f32 v0, v3  }
0xcb: {  	v1 =	vmul.f32 v1, v3;
	v4 =	vmul.f32 v4, v3  }
0xcc: {  	[tilespmem:s8+$0x60] =	vst v2  }
0xcd: {  	v2 =	vld [tilespmem:s12+$0xFFFFFF90];
	[tilespmem:s8+$0x70] =	vst v0  }
0xce: {  	v0 =	vld [tilespmem:s12+$0xFFFFFF80];
	[tilespmem:s8+$0x90] =	vst v1  }
0xcf: {  	v1 =	vld [tilespmem:s12+$0xFFFFFF70];
	[tilespmem:s8+$0x80] =	vst v4;
	s8 =	smov.u32 s12  }
0xd0: {  	v3 =	vld [tilespmem:s9+$0xFFFFFFE0]  }
0xd1: {  	v4 =	vld [tilespmem:s12+$0xFFFFFF60];
	_ =	sdelay $0x3  }
0xd2: {  	v1 =	vmul.f32 v1, v3;
	v0 =	vmul.f32 v0, v3  }
0xd3: {  	v2 =	vmul.f32 v2, v3;
	v4 =	vmul.f32 v4, v3  }
0xd4: {  	[tilespmem:s12+$0xFFFFFF70] =	vst v1  }
0xd5: {  	[tilespmem:s12+$0xFFFFFF80] =	vst v0;
	v0 =	vld [tilespmem:s12+$0xFFFFFFD0]  }
0xd6: {  	[tilespmem:s12+$0xFFFFFF60] =	vst v4;
	v1 =	vld [tilespmem:s12+$0xFFFFFFB0]  }
0xd7: {  	[tilespmem:s12+$0xFFFFFF90] =	vst v2;
	v2 =	vld [tilespmem:s12+$0xFFFFFFA0]  }
0xd8: {  	v3 =	vld [tilespmem:s9+$0xFFFFFFF0]  }
0xd9: {  	v4 =	vld [tilespmem:s12+$0xFFFFFFC0];
	_ =	sdelay $0x3  }
0xda: {  	v2 =	vmul.f32 v2, v3;
	v1 =	vmul.f32 v1, v3  }
0xdb: {  	v0 =	vmul.f32 v0, v3;
	v4 =	vmul.f32 v4, v3  }
0xdc: {  	[tilespmem:s12+$0xFFFFFFB0] =	vst v1  }
0xdd: {  	[tilespmem:s12+$0xFFFFFFC0] =	vst v4;
	v1 =	vld [tilespmem:s12+$0x10]  }
0xde: {  	[tilespmem:s12+$0xFFFFFFA0] =	vst v2;
	v2 =	vld [tilespmem:s12+$0xFFFFFFF0]  }
0xdf: {  	[tilespmem:s12+$0xFFFFFFD0] =	vst v0;
	v0 =	vld [tilespmem:s12+$0xFFFFFFE0]  }
0xe0: {  	v3 =	vld [tilespmem:s9+$0x0]  }
0xe1: {  	v4 =	vld [tilespmem:s12+$0x0];
	_ =	sdelay $0x3  }
0xe2: {  	v0 =	vmul.f32 v0, v3;
	v2 =	vmul.f32 v2, v3  }
0xe3: {  	v1 =	vmul.f32 v1, v3;
	v4 =	vmul.f32 v4, v3  }
0xe4: {  	[tilespmem:s12+$0xFFFFFFF0] =	vst v2  }
0xe5: {  	[tilespmem:s12+$0x0] =	vst v4;
	v3 =	vld [tilespmem:s12+$0x50]  }
0xe6: {  	[tilespmem:s12+$0xFFFFFFE0] =	vst v0;
	v0 =	vld [tilespmem:s12+$0x20]  }
0xe7: {  	[tilespmem:s12+$0x10] =	vst v1;
	v1 =	vld [tilespmem:s12+$0x30]  }
0xe8: {  	v4 =	vld [tilespmem:s9+$0x10]  }
0xe9: {  	v5 =	vld [tilespmem:s12+$0x40]  }
.Ltmp1:
0xea: {  	(pc) =	sbr.rel @p1 .LBB2_5-.Ltmp1, $3  }
0xeb: {  	_ =	sdelay $0x1  }
0xec: {  	v2 =	vmul.f32 v0, v4;
	v0 =	vmul.f32 v1, v4  }
0xed: {  	v3 =	vmul.f32 v3, v4;
	v1 =	vmul.f32 v5, v4  }
0xee: {  	[tilespmem:s8+$0x20] =	vst v2  }
0xef: {  	[tilespmem:s8+$0x30] =	vst v0  }
0xf0: {  	[tilespmem:s8+$0x50] =	vst v3  }
0xf1: {  	v61 =	vld [tilespmem:s8+$0x60];
	[tilespmem:s8+$0x40] =	vst v1  }
0xf2: {  	v0 =	vld [tilespmem:s10+$0x20]  }
0xf3: {  	v62 =	vld [tilespmem:s8+$0x70]  }
0xf4: {  	v63 =	vld [tilespmem:s8+$0x90]  }
0xf5: {  	v4 =	vld [tilespmem:s8+$0x80];
	_ =	sdelay $0x1  }
0xf6: {  	s0 =	sadd.s32 $0x1, s0;
	v2 =	vmul.f32 v61, v0  }
0xf7: {  	p1 =	sne.s32 s0, $0x28;
	v1 =	vmul.f32 v62, v0  }
.Ltmp2:
0xf8: {  	v3 =	vmul.f32 v63, v0;
	[tilespmem:s8+$0x60] =	vst v2;
	(pc) =	sbr.rel @p1 .LBB2_2-.Ltmp2, $4  }
0xf9: {  	v0 =	vmul.f32 v4, v0;
	[tilespmem:s8+$0x70] =	vst v1  }
0xfa: {  	[tilespmem:s8+$0x90] =	vst v3  }
0xfb: {  	s22 =	sadd.s32 $0x2800, s16;
	[tilespmem:s8+$0x80] =	vst v0  }
0xfc: {  	[spmem:s3] =	stream.indirect.scatter.add.f32 [tilespmem:s25], [sflag:$0x6], $0x40, s22, s20, $0xb8;
	[tilespmem:$0x13A60] =	vst v63  }
0xfd: {  	_ =	swait.ge [sflag:s31], $0x1F40  }
0xfe: {  	[sflag:s31] =	ssyncset.done $0x0  }
0xff: {  	[sflag:s31] =	ssyncadd.s32 $0xFFFFE0C0  }
0x100: {  	s0 =	sadd.s32 s5, s13;
	[bflag:$0x0] =	sbarrier.arrive $0xFFFF  }
0x101: {  	[hbm:s0], [sflag:s17] =	dma.local [spmem:s18], $0x1380  }
0x102: {  	_ =	swait.ge [sflag:s15], $0x1380  }
0x103: {  	s2 =	sadd.s32 $0x1, s2;
	[sflag:s15] =	ssyncset.done $0x0  }
0x104: {  	p1 =	sne.s32 s2, s14;
	s0 =	sadd.s32 @!p0 $0x13800, s13;
	[sflag:s15] =	ssyncadd.s32 $0xFFFFEC80  }
0x105: {  	[hbm:s0], [sflag:s17] =	dma.local @!p0 [spmem:s19], $0x80  }
.Ltmp3:
0x106: {  	_ = 	snop;
	(pc) =	sbr.rel @p1 .LBB2_1-.Ltmp3, $4  }
0x107: {  	s0 =	simm.s32 @!p0 $0x7  }
0x108: {  	_ =	swait.ge @!p0 [sflag:s0], $0x80  }
0x109: {  	[sflag:s0] =	ssyncset.done @!p0 $0x0  }
0x10a: {  	[sflag:s0] =	ssyncadd.s32 @!p0 $0xFFFFFF80  }
0x10b: {  	_ =	sfence.sel $0x180000  }
0x10c: {  	[bflag:$0x0] =	sbarrier.arrive $0xFFFF  }
0x10d: {  	_ =	strace $0x90000050  }
0x10e: {  	s0 =	stileid.u32;
	[bflag:$0x2] =	sbarrier.arrive $0xFFFF  }
0x10f: {  	p0 =	sne.s32 s0, $0x0;
	s0 =	rddreg [dreg:$0x3]  }
0x110: {  	s0 =	sadd.s32 @!p0 $0x100000, s0  }
0x111: {  	[sflag:s0] =	ssyncadd.tile.s32 @!p0 $0x1;
	_ =	shalt  }
.Lfunc_end2:
_tile_overlayer_lowered:
.L_overlay_start_2:
0x112: {  	(tag) =	ssettag $0x2  }
0x113: {  	s0 =	rddreg [dreg:$0x0];
	s2 =	stileid.u32  }
0x114: {  	s1 =	rddreg [dreg:$0x1];
	p0 =	sne.s32 s2, $0x0  }
0x115: {  	s3 =	rddreg [dreg:$0x2];
	[bflag:$0x3] =	sbarrier.arrive $0xFFFF;
	s2 =	simm.s32 @!p0 $0x1C07  }
0x116: {  	[timem:s3], [sflag:s2] =	dma.local @!p0 [hbm:s0], s1  }
0x117: {  	s0 =	simm.s32 @!p0 $0x7  }
0x118: {  	_ =	swait.ge @!p0 [sflag:s0], s1  }
0x119: {  	s1 =	ssub.s32 @!p0 $0x0, s1;
	[sflag:s0] =	ssyncset.done @!p0 $0x0  }
0x11a: {  	[sflag:s0] =	ssyncadd.s32 @!p0 s1  }
0x11b: {  	[bflag:$0x3] =	sbarrier.arrive $0xFFFF  }
0x11c: {  	_ =	shalt  }

// kernel: kernel.9.cloned.1.call-start
scs
__scs_entry_jumppad:
0x0: {  	(pc) =	sbr.rel $0x88, $3  }
0x1: {  	(tag) =	ssettag $0x0;
	lr =	simm.s32 $0x1  }
0x2: {  	[smem:$0x3F9A] =	sst lr;
	_ =	strace $0xD0000000  }
0x3: {  	_ = 	snop  }
0x4: {  	_ = 	snop  }
0x5: {  	_ = 	snop  }
0x6: {  	_ = 	snop  }
0x7: {  	_ = 	snop  }
__scs_overlays_trampoline_lowered:
0x8: {  	[smem:$0x3FA9] =	sst s0  }
0x9: {  	[smem:$0x3FAA] =	sst s1  }
0xa: {  	[smem:$0x3FAB] =	sst s2  }
0xb: {  	[smem:$0x3FAC] =	sst s3  }
0xc: {  	[smem:$0x3FAD] =	sst s4  }
0xd: {  	[smem:$0x3FAE] =	sst s5  }
0xe: {  	[smem:$0x3FAF] =	sst s6  }
0xf: {  	[smem:$0x3FB0] =	sst s7  }
0x10: {  	[smem:$0x3FB1] =	sst s8  }
0x11: {  	[smem:$0x3FB2] =	sst s9;
	s0 =	simm.s32 @!p0 $0x0  }
0x12: {  	s1 =	sld [smem:$0x3F98];
	s0 =	simm.s32 @p0 $0x1  }
0x13: {  	[smem:$0x3FB3] =	sst s0;
	s0 =	simm.s32 @!p1 $0x0  }
0x14: {  	s2 =	sld [smem:$0x3F97];
	s0 =	simm.s32 @p1 $0x1  }
0x15: {  	[smem:$0x3FB4] =	sst s0;
	s0 =	simm.s32 @!p2 $0x0  }
0x16: {  	s3 =	sld [smem:$0x3FDB];
	s0 =	simm.s32 @p2 $0x1  }
0x17: {  	s4 =	simm.s32 $0x1BF5;
	[smem:$0x3FB6] =	sst s0  }
0x18: {  	s0 =	sld [smem:$0x3F99];
	_ =	swait.ge [sflag:s4], $0x0  }
0x19: {  	s7 =	sld [smem:$0x3F9A]  }
0x1a: {  	s8 =	sadd.s32 $0xFFFFE003, lr  }
0x1b: {  	s9 =	sadd.s32 $0xFFFFFEF7, lr;
	s5 =	simm.s32 $0xFFFFFFFF;
	p2 =	slt.u32 s8, $0xFFFFF086  }
0x1c: {  	p1 =	slt.u32 s9, $0xF7A;
	s5 =	simm.s32 @!p2 $0x0  }
0x1d: {  	s5 =	simm.s32 @p1 $0x1;
	p0 =	seq.s32 s7, s2  }
0x1e: {  	s7 =	smul.u32 @!p0 $0xF7A, s2;
	p2 =	seq.s32 @!p0 s5, $0x0  }
0x1f: {  	s9 =	smul.u32 $0xF7A, s1;
	s8 =	simm.s32 @!p0 $0x1BF5;
	p2 =	por !p2, p0  }
0x20: {  	[sflag:s8] =	ssyncset.s32 @!p0 $0xFFFFF086;
	s6 =	sadd.s32 @!p0 s3, s7;
	s7 =	simm.s32 @!p0 $0x108  }
0x21: {  	s3 =	sadd.s32 s3, s9;
	s6 =	sadd.s32 @!p0 $0x88, s6;
	s7 =	simm.s32 @p2 $0x1082  }
0x22: {  	[simem:s7], [sflag:s8] =	dma.local @!p0 [hbm:s6], $0xF7A  }
0x23: {  	s9 =	sor.u32 $0xD0000000, s2;
	s6 =	simm.s32 $0x108;
	_ =	swait.ge @!p0 [sflag:s8], $0x0  }
0x24: {  	s3 =	sadd.s32 $0x88, s3;
	s6 =	simm.s32 @!p1 $0x1082;
	[sflag:s4] =	ssyncset.s32 $0xFFFFF086  }
0x25: {  	[simem:s6], [sflag:s4] =	dma.local [hbm:s3], $0xF7A  }
0x26: {  	[smem:$0x3F9A] =	sst s1;
	(tag) =	ssettag s2;
	_ =	strace s9  }
0x27: {  	s1 =	sld [smem:$0x3FAA]  }
0x28: {  	s2 =	sld [smem:$0x3FAB]  }
0x29: {  	s4 =	sld [smem:$0x3FAD]  }
0x2a: {  	p0 =	seq.s32 s5, $0x0;
	s5 =	sld [smem:$0x3FAE]  }
0x2b: {  	s6 =	sld [smem:$0x3FAF]  }
0x2c: {  	s7 =	sld [smem:$0x3FB0]  }
0x2d: {  	s3 =	simm.s32 $0x108;
	s8 =	sld [smem:$0x3FB1]  }
0x2e: {  	s3 =	simm.s32 @!p0 $0x1082;
	s9 =	sld [smem:$0x3FB2]  }
0x2f: {  	lr =	sadd.s32 s0, s3;
	s0 =	sld [smem:$0x3FA9]  }
0x30: {  	s3 =	sld [smem:$0x3FAC]  }
0x31: {  	[smem:$0x3FB5] =	sst s10  }
0x32: {  	s10 =	sld [smem:$0x3FB3];
	_ =	sdelay $0x3  }
0x33: {  	p0 =	seq.s32 s10, $0x1;
	s10 =	sld [smem:$0x3FB5];
	_ =	sdelay $0x3  }
0x34: {  	[smem:$0x3FB5] =	sst s10  }
0x35: {  	s10 =	sld [smem:$0x3FB4];
	_ =	sdelay $0x3  }
0x36: {  	p1 =	seq.s32 s10, $0x1;
	s10 =	sld [smem:$0x3FB5];
	_ =	sdelay $0x3  }
0x37: {  	[smem:$0x3FB5] =	sst s10  }
0x38: {  	s10 =	sld [smem:$0x3FB6]  }
0x39: {  	_ = 	snop;
	(pc) =	sbr.ind lr, $3  }
0x3a: {  	_ = 	snop  }
0x3b: {  	_ = 	snop  }
0x3c: {  	p2 =	seq.s32 s10, $0x1;
	s10 =	sld [smem:$0x3FB5]  }
0x3d: {  	_ =	shalt  }
0x3e: {  	_ =	shalt  }
0x3f: {  	_ =	shalt  }
0x40: {  	_ =	shalt  }
0x41: {  	_ =	shalt  }
0x42: {  	_ =	shalt  }
0x43: {  	_ =	shalt  }
0x44: {  	_ =	shalt  }
0x45: {  	_ =	shalt  }
0x46: {  	_ =	shalt  }
0x47: {  	_ =	shalt  }
0x48: {  	_ =	shalt  }
0x49: {  	_ =	shalt  }
0x4a: {  	_ =	shalt  }
0x4b: {  	_ =	shalt  }
0x4c: {  	_ =	shalt  }
0x4d: {  	_ =	shalt  }
0x4e: {  	_ =	shalt  }
0x4f: {  	_ =	shalt  }
0x50: {  	_ =	shalt  }
0x51: {  	_ =	shalt  }
0x52: {  	_ =	shalt  }
0x53: {  	_ =	shalt  }
0x54: {  	_ =	shalt  }
0x55: {  	_ =	shalt  }
0x56: {  	_ =	shalt  }
0x57: {  	_ =	shalt  }
0x58: {  	_ =	shalt  }
0x59: {  	_ =	shalt  }
0x5a: {  	_ =	shalt  }
0x5b: {  	_ =	shalt  }
0x5c: {  	_ =	shalt  }
0x5d: {  	_ =	shalt  }
0x5e: {  	_ =	shalt  }
0x5f: {  	_ =	shalt  }
0x60: {  	_ =	shalt  }
0x61: {  	_ =	shalt  }
0x62: {  	_ =	shalt  }
0x63: {  	_ =	shalt  }
0x64: {  	_ =	shalt  }
0x65: {  	_ =	shalt  }
0x66: {  	_ =	shalt  }
0x67: {  	_ =	shalt  }
0x68: {  	_ =	shalt  }
0x69: {  	_ =	shalt  }
0x6a: {  	_ =	shalt  }
0x6b: {  	_ =	shalt  }
0x6c: {  	_ =	shalt  }
0x6d: {  	_ =	shalt  }
0x6e: {  	_ =	shalt  }
0x6f: {  	_ =	shalt  }
0x70: {  	_ =	shalt  }
0x71: {  	_ =	shalt  }
0x72: {  	_ =	shalt  }
0x73: {  	_ =	shalt  }
0x74: {  	_ =	shalt  }
0x75: {  	_ =	shalt  }
0x76: {  	_ =	shalt  }
0x77: {  	_ =	shalt  }
0x78: {  	_ =	shalt  }
0x79: {  	_ =	shalt  }
0x7a: {  	_ =	shalt  }
0x7b: {  	_ =	shalt  }
0x7c: {  	_ =	shalt  }
0x7d: {  	_ =	shalt  }
0x7e: {  	_ =	shalt  }
0x7f: {  	_ =	shalt  }
0x80: {  	_ =	shalt  }
0x81: {  	_ =	shalt  }
0x82: {  	_ =	shalt  }
0x83: {  	_ =	shalt  }
0x84: {  	_ =	shalt  }
0x85: {  	_ =	shalt  }
0x86: {  	_ =	shalt  }
0x87: {  	_ =	shalt  }
.Lfunc_end0:
.L_simem_size_0:
called_computation_lowered:
.L_overlay_start_0:
0x88: {  	s2 =	sld [smem:$0x3FD9]  }
0x89: {  	s3 =	sld [smem:$0x3FFE];
	_ =	sdelay $0x1  }
0x8a: {  	s1 =	srdreg.scid  }
0x8b: {  	s0 =	sand.u32 $0x1, s1  }
0x8c: {  	s17 =	sshll.u32 s0, $0xA;
	s2 =	sadd.s32 s3, s2  }
0x8d: {  	s2 =	sadd.s32 s2, s17  }
0x8e: {  	[smem:$0x3FC1] =	sst s2  }
0x8f: {  	_ = 	snop  }
0x90: {  	s2 =	sld [smem:$0x3FD0];
	(tm) =	ssettm $0x1  }
0x91: {  	s18 =	sld [smem:$0x3FFB];
	_ =	sdelay $0x3  }
0x92: {  	_ =	strace s18  }
0x93: {  	s3 =	sld [smem:$0x3FFC];
	_ =	sdelay $0x3  }
0x94: {  	_ =	strace s3  }
0x95: {  	s3 =	sld [smem:$0x3FFD];
	_ =	sdelay $0x3  }
0x96: {  	_ =	strace s3  }
0x97: {  	_ =	strace $0x8FFFFFFF  }
0x98: {  	s19 =	sld [smem:$0x3FDB];
	_ =	sdelay $0x1  }
0x99: {  	s4 =	simm.s32 $_scs_section_size  }
0x9a: {  	s5 =	simm.s32 $_size__tile_overlayer_lowered;
	s6 =	simm.s32 $_tile_overlayer_lowered  }
0x9b: {  	s22 =	simm.s32 $0x1BFF;
	s21 =	sshll.u32 s6, $0x1;
	s3 =	sadd.s32 s4, s19  }
0x9c: {  	s7 =	simm.s32 $0x0;
	s20 =	sshll.u32 s5, $0x1;
	s5 =	sadd.s32 s21, s3  }
0x9d: {  	[timem:s7], [sflag:s22] =	dma.local [hbm:s5], s20  }
0x9e: {  	_ =	swait.ge [sflag:s22], s20  }
0x9f: {  	s4 =	ssub.s32 $0x0, s20;
	[sflag:s22] =	ssyncset.done $0x0  }
0xa0: {  	[sflag:s22] =	ssyncadd.s32 s4;
	_ =	sdelay $0x1  }
0xa1: {  	s23 =	simm.s32 $0x1B8B  }
0xa2: {  	_ =	swait.ge [sflag:s23], $0x1  }
0xa3: {  	[sflag:s23] =	ssyncset.done $0x0  }
0xa4: {  	s25 =	simm.s32 $0x1B8E;
	s24 =	sld [smem:$0x3FFE];
	[sflag:s23] =	ssyncadd.s32 $0xFFFFFFFF  }
0xa5: {  	s26 =	simm.s32 $execute0_lowered;
	[smem:$0x3FD2] =	sst s25  }
0xa6: {  	s5 =	sshll.u32 s26, $0x1;
	_ =	strace $0x80000046;
	[dreg:$0x1] =	wrdreg $0xFFFFFFFF  }
0xa7: {  	s28 =	simm.s32 $_size_execute0_lowered;
	s3 =	sadd.s32 s3, s5;
	[dreg:$0x0] =	wrdreg $0x0  }
0xa8: {  	s5 =	sshll.u32 s28, $0x1;
	[dreg:$0x2] =	wrdreg s3  }
0xa9: {  	[dreg:$0x3] =	wrdreg s5  }
0xaa: {  	[dreg:$0x4] =	wrdreg $0xC0  }
0xab: {  	_ =	task [dreg:s7], $0x5FFFF  }
0xac: {  	[dreg:$0x1] =	wrdreg $0xFFFFFFFF  }
0xad: {  	[dreg:$0x0] =	wrdreg $0x60  }
0xae: {  	[dreg:$0x2] =	wrdreg s24  }
0xaf: {  	[dreg:$0x3] =	wrdreg s2  }
0xb0: {  	[dreg:$0x4] =	wrdreg $0x37A00  }
0xb1: {  	[dreg:$0x5] =	wrdreg $0x9  }
0xb2: {  	_ =	task.clear_ibuf [dreg:s7], $0x6FFFF;
	_ =	strace $0x90000046  }
0xb3: {  	s29 =	simm.s32 $0x9;
	_ =	strace $0x80000048  }
0xb4: {  	_ =	swait.ge [sflag:s29], $0x1  }
0xb5: {  	[sflag:s29] =	ssyncadd.s32 $0xFFFFFFFF  }
0xb6: {  	_ =	strace $0x90000048  }
0xb7: {  	_ =	sfence  }
0xb8: {  	s30 =	sld [smem:$0x0];
	_ =	sdelay $0x2  }
0xb9: {  	s31 =	sshll.u32 s1, $0xD;
	s1 =	sshrl.u32 s1, $0x2  }
0xba: {  	s3 =	sand.u32 $0x4000, s31;
	s1 =	sadd.s32 s1, s30  }
0xbb: {  	s0 =	sor.u32 s3, s0;
	s1 =	sshll.u32 s1, $0x11  }
0xbc: {  	s0 =	sor.u32 s1, s0  }
0xbd: {  	s0 =	sadd.s32 $0x8F2B, s0  }
0xbe: {  	[sflag:s0] =	ssyncadd.remote.s32 $0x1  }
0xbf: {  	_ =	sfence.sel $0xFFFF  }
0xc0: {  	[dreg:$0x0] =	wrdreg $0xFFFFFFFF;
	(pc) =	sbr.abs _section_cstart, $3  }
0xc1: {  	[dreg:$0x1] =	wrdreg $0xFFFFFFFF  }
0xc2: {  	_ =	task.clear_ibuf [dreg:s7], $0x2FFFF;
	_ =	strace $0x9FFFFFFF  }
0xc3: {  	(tm) =	ssettm $0x7FFFFFFF  }
tec
execute0_lowered:
.L_overlay_start_1:
0x0: {  	(tag) =	ssettag $0x1  }
0x1: {  	s7 =	rddreg [dreg:$0x0]  }
0x2: {  	s9 =	rddreg [dreg:$0x1];
	s1 =	srdreg.scid  }
0x3: {  	s0 =	stileid.u32;
	s2 =	rddreg [dreg:$0x2]  }
0x4: {  	s3 =	simm.s32 $0x0;
	s19 =	simm.s32 $0x2800;
	s20 =	simm.s32 $0x1  }
0x5: {  	s21 =	simm.s32 $0x2FD0;
	s22 =	simm.s32 $0x7D;
	s28 =	simm.s32 $0x2780  }
0x6: {  	s29 =	simm.s32 $0x0;
	s8 =	sand.u32 $0x1, s1;
	s4 =	sshll.u32 s0, $0x1  }
0x7: {  	[smem:$0x7FF] =	sst s3;
	s6 =	smul.u32 $0x2700, s0;
	s14 =	sadd.s32 $0x501E00, s7  }
0x8: {  	s16 =	smul.u32 $0x4E200, s0;
	s18 =	sadd.s32 $0x27000, s2;
	s31 =	sshll.u32 s0, $0x6  }
0x9: {  	p0 =	sne.s32 s0, $0xF;
	s5 =	sor.u32 s8, s4;
	s23 =	smul.u32 $0x4E20, s8  }
0xa: {  	_ =	strace $0x80000047;
	s11 =	ssub.s32 $0x2, s8;
	s25 =	smul.u32 $0x27100, s8  }
0xb: {  	s18 =	sshrl.u32 @!p0 s18, $0x3;
	s4 =	smul.u32 $0x500, s5;
	s12 =	sshrl.u32 s11, $0x1  }
0xc: {  	s13 =	smul.u32 $0x27100, s5;
	s17 =	sadd.s32 s6, s2;
	s11 =	ssub.s32 s11, s12  }
0xd: {  	s9 =	sadd.s32 s9, s23;
	s26 =	sadd.s32 s25, s16;
	s16 =	sor.u32 $0x1C05, s31  }
0xe: {  	s17 =	sshrl.u32 s17, $0x3;
	s23 =	simm.s32 $0x2;
	s25 =	simm.s32 $0x80  }
0xf: {  	s10 =	sadd.s32 s4, s7;
	s4 =	sshrl.u32 s6, $0x3;
	s24 =	sshrl.u32 s13, $0x3  }
0x10: {  	s13 =	sadd.s32 $0x1F40, s26;
	s30 =	sadd.s32 $0x1770, s26;
	s26 =	simm.s32 $0x4  }
.Ltmp0:
0x11: {  	s15 =	sadd.s32 s4, s7;
	s5 =	sadd.s32 $0x1E00, s10;
	(pc) =	sbr.rel .LBB2_1-.Ltmp0, $4  }
0x12: {  	s7 =	sadd.s32 $0x10C00, s7;
	s8 =	sadd.s32 s14, s24;
	s10 =	smax.u32 s11, $0x1  }
0x13: {  	s13 =	sshrl.u32 s13, $0x3;
	s24 =	simm.s32 $0x3;
	s6 =	sadd.s32 $0xBE00, s15  }
0x14: {  	s11 =	sadd.s32 $0xFA, s8;
	s12 =	sadd.s32 $0x1F4, s8;
	s15 =	sshrl.u32 s30, $0x3  }
0x15: {  	s13 =	sadd.s32 s13, s14;
	s14 =	sadd.s32 s15, s14;
	s15 =	simm.s32 $0x5  }
.LBB2_4:
0x16: {  	[spmem:s2] =	stream.indirect.scatter.add.f32 [tilespmem:s21], [sflag:$0x4], $0x10, s28, s22, $0xb8;
	[tilespmem:$0x5EB0] =	vst v63  }
0x17: {  	_ =	swait.ge [sflag:s26], $0x7D0  }
0x18: {  	[sflag:s26] =	ssyncset.done $0x0  }
0x19: {  	[sflag:s26] =	ssyncadd.s32 $0xFFFFF830  }
0x1a: {  	s1 =	sadd.s32 s4, s9;
	[bflag:$0x0] =	sbarrier.arrive $0xFFFF  }
0x1b: {  	[hbm:s1], [sflag:s16] =	dma.local [spmem:s17], $0x4E0  }
0x1c: {  	_ =	swait.ge [sflag:s15], $0x4E0  }
0x1d: {  	s29 =	sadd.s32 $0x1, s29;
	[sflag:s15] =	ssyncset.done $0x0  }
0x1e: {  	p1 =	sne.s32 s29, s10;
	s1 =	sadd.s32 @!p0 $0x4E00, s9;
	[sflag:s15] =	ssyncadd.s32 $0xFFFFFB20  }
0x1f: {  	[hbm:s1], [sflag:s16] =	dma.local @!p0 [spmem:s18], $0x20  }
.Ltmp1:
0x20: {  	_ = 	snop;
	(pc) =	sbr.rel @!p1 .LBB2_5-.Ltmp1, $4  }
0x21: {  	s1 =	simm.s32 @!p0 $0x5  }
0x22: {  	_ =	swait.ge @!p0 [sflag:s1], $0x20  }
0x23: {  	[sflag:s1] =	ssyncset.done @!p0 $0x0  }
0x24: {  	[sflag:s1] =	ssyncadd.s32 @!p0 $0xFFFFFFE0  }
.LBB2_1:
0x25: {  	[tilespmem:s3], [sflag:$0x5] =	stream.linear.gather [hbm4b:s5+s3], $0x2800, $0x38;
	[tilespmem:$0x5EB0] =	vst v63  }
0x26: {  	_ =	swait.ge [sflag:s15], $0x2800  }
0x27: {  	[sflag:s15] =	ssyncset.done $0x0  }
0x28: {  	[sflag:s15] =	ssyncadd.s32 $0xFFFFD800  }
0x29: {  	[spmem:s17], [sflag:s16] =	dma.local [hbm:s6], $0x4E0  }
0x2a: {  	_ =	swait.ge [sflag:s15], $0x4E0  }
0x2b: {  	[sflag:s15] =	ssyncset.done $0x0  }
0x2c: {  	s30 =	simm.s32 @!p0 $0x5;
	[sflag:s15] =	ssyncadd.s32 $0xFFFFFB20  }
0x2d: {  	[spmem:s18], [sflag:s16] =	dma.local @!p0 [hbm:s7], $0x20  }
0x2e: {  	_ =	swait.ge @!p0 [sflag:s30], $0x20  }
0x2f: {  	[sflag:s30] =	ssyncset.done @!p0 $0x0  }
0x30: {  	[sflag:s30] =	ssyncadd.s32 @!p0 $0xFFFFFFE0  }
0x31: {  	[bflag:$0x0] =	sbarrier.arrive $0xFFFF  }
0x32: {  	[tilespmem:s19], [sflag:$0x1] =	stream.linear.gather [hbm4b:s8+s3], $0x7D0, $0x38;
	[tilespmem:$0x5EB0] =	vst v63  }
0x33: {  	_ =	swait.ge [sflag:s20], $0x7D0  }
0x34: {  	[sflag:s20] =	ssyncset.done $0x0  }
0x35: {  	[sflag:s20] =	ssyncadd.s32 $0xFFFFF830  }
0x36: {  	[tilespmem:s21], [sflag:$0x2] =	stream.linear.gather [hbm4b:s11+s3], $0x7D0, $0x38;
	[tilespmem:$0x5EB0] =	vst v63  }
0x37: {  	_ = 	snop  }
0x38: {  	[spmem:s2] =	stream.indirect.scatter.add.f32 [tilespmem:s19], [sflag:$0x3], $0x10, s3, s22, $0xb8;
	[tilespmem:$0x5EB0] =	vst v63  }
0x39: {  	_ =	swait.ge [sflag:s23], $0x7D0  }
0x3a: {  	[sflag:s23] =	ssyncset.done $0x0  }
0x3b: {  	[sflag:s23] =	ssyncadd.s32 $0xFFFFF830  }
0x3c: {  	_ =	swait.ge [sflag:s24], $0x7D0  }
0x3d: {  	[sflag:s24] =	ssyncset.done $0x0  }
0x3e: {  	[sflag:s24] =	ssyncadd.s32 $0xFFFFF830  }
0x3f: {  	[tilespmem:s19], [sflag:$0x1] =	stream.linear.gather [hbm4b:s12+s3], $0x7D0, $0x38;
	[tilespmem:$0x5EB0] =	vst v63  }
0x40: {  	s31 =	simm.s32 $0x0;
	s30 =	simm.s32 $0x100  }
0x41: {  	[spmem:s2] =	stream.indirect.scatter.add.f32 [tilespmem:s21], [sflag:$0x4], $0x10, s25, s22, $0xb8;
	[tilespmem:$0x5EB0] =	vst v63  }
.LBB2_2:
0x42: {  	_ =	swait.ge [sflag:s20], $0x7D0  }
0x43: {  	[sflag:s20] =	ssyncset.done $0x0  }
0x44: {  	[sflag:s20] =	ssyncadd.s32 $0xFFFFF830  }
0x45: {  	_ =	swait.ge [sflag:s26], $0x7D0  }
0x46: {  	[sflag:s26] =	ssyncset.done $0x0  }
0x47: {  	s1 =	sadd.s32 s31, s14;
	[sflag:s26] =	ssyncadd.s32 $0xFFFFF830  }
0x48: {  	[tilespmem:s21], [sflag:$0x2] =	stream.linear.gather [hbm4b:s1+s3], $0x7D0, $0x38;
	[tilespmem:$0x5EB0] =	vst v63  }
0x49: {  	_ = 	snop  }
0x4a: {  	[spmem:s2] =	stream.indirect.scatter.add.f32 [tilespmem:s19], [sflag:$0x3], $0x10, s30, s22, $0xb8;
	[tilespmem:$0x5EB0] =	vst v63  }
0x4b: {  	p1 =	seq.s32 s31, $0x4A38;
	_ =	swait.ge [sflag:s23], $0x7D0  }
.Ltmp2:
0x4c: {  	[sflag:s23] =	ssyncset.done $0x0;
	(pc) =	sbr.rel @p1 .LBB2_4-.Ltmp2, $4  }
0x4d: {  	[sflag:s23] =	ssyncadd.s32 $0xFFFFF830  }
0x4e: {  	_ =	swait.ge [sflag:s24], $0x7D0  }
0x4f: {  	[sflag:s24] =	ssyncset.done $0x0  }
0x50: {  	[sflag:s24] =	ssyncadd.s32 $0xFFFFF830  }
.Ltmp3:
0x51: {  	(pc) =	sbr.rel .LBB2_2-.Ltmp3, $4  }
0x52: {  	s1 =	sadd.s32 s31, s13  }
0x53: {  	[tilespmem:s19], [sflag:$0x1] =	stream.linear.gather [hbm4b:s1+s3], $0x7D0, $0x38;
	[tilespmem:$0x5EB0] =	vst v63  }
0x54: {  	s31 =	sadd.s32 $0x1F4, s31;
	s1 =	sadd.s32 $0x80, s30;
	s30 =	sadd.s32 $0x100, s30  }
0x55: {  	[spmem:s2] =	stream.indirect.scatter.add.f32 [tilespmem:s21], [sflag:$0x4], $0x10, s1, s22, $0xb8;
	[tilespmem:$0x5EB0] =	vst v63  }
.LBB2_5:
0x56: {  	_ =	sfence.sel $0x180000  }
0x57: {  	[bflag:$0x0] =	sbarrier.arrive $0xFFFF  }
0x58: {  	_ =	strace $0x90000047  }
0x59: {  	[bflag:$0x2] =	sbarrier.arrive $0xFFFF  }
0x5a: {  	p0 =	sne.s32 s0, $0x0;
	s0 =	rddreg [dreg:$0x3]  }
0x5b: {  	s0 =	sadd.s32 @!p0 $0x100000, s0  }
0x5c: {  	[sflag:s0] =	ssyncadd.tile.s32 @!p0 $0x1;
	_ =	shalt  }
.Lfunc_end2:
_tile_overlayer_lowered:
.L_overlay_start_2:
0x5d: {  	(tag) =	ssettag $0x2  }
0x5e: {  	s0 =	rddreg [dreg:$0x0];
	s2 =	stileid.u32  }
0x5f: {  	s1 =	rddreg [dreg:$0x1];
	p0 =	sne.s32 s2, $0x0  }
0x60: {  	s3 =	rddreg [dreg:$0x2];
	[bflag:$0x3] =	sbarrier.arrive $0xFFFF;
	s2 =	simm.s32 @!p0 $0x1C05  }
0x61: {  	[timem:s3], [sflag:s2] =	dma.local @!p0 [hbm:s0], s1  }
0x62: {  	s0 =	simm.s32 @!p0 $0x5  }
0x63: {  	_ =	swait.ge @!p0 [sflag:s0], s1  }
0x64: {  	s1 =	ssub.s32 @!p0 $0x0, s1;
	[sflag:s0] =	ssyncset.done @!p0 $0x0  }
0x65: {  	[sflag:s0] =	ssyncadd.s32 @!p0 s1  }
0x66: {  	[bflag:$0x3] =	sbarrier.arrive $0xFFFF  }
0x67: {  	_ =	shalt  }

</sc_bundles>
